<compile_context>
chip_gen: v7x
topology: tpu7x:2x2x1
jax: 0.10.2.dev20260603
libtpu: 0.0.44.dev20260713+nightly
codegen_flags: <defaults>
</compile_context>

<pallas_src>
import functools

import jax
import jax.numpy as jnp
from jax import lax
from jax.experimental import pallas as pl
from jax.experimental.pallas import tpu as pltpu
from jax.experimental.pallas import tpu_sc as plsc

N = 10000
E = 320000
DN = 128
DE = 16
H1 = 256
NPAD = 10240
NC, NS = 2, 16
NW = NC * NS
NCH = 5
ECH = E // NCH
EWC = ECH // NW
EW = E // NW
CH = 80
RPT = NPAD // NS
WBC = 8


def _mesh():
    return plsc.VectorSubcoreMesh(core_axis_name="c", subcore_axis_name="s",
                                  num_cores=NC, num_subcores=NS)


@functools.cache
def _sc_counts_kernel():
    return pl.kernel(
        _sc_counts_body,
        out_type=jax.ShapeDtypeStruct((NC, NPAD, DN), jnp.float32),
        mesh=_mesh(),
        scratch_types=[
            pltpu.VMEM((CH,), jnp.int32),
            pltpu.VMEM((CH,), jnp.int32),
            pltpu.VMEM((CH, DN), jnp.float32),
            pltpu.VMEM((RPT // WBC, DN), jnp.float32),
            pltpu.VMEM_SHARED((NPAD, DN), jnp.float32),
            pltpu.SemaphoreType.DMA,
            pltpu.SemaphoreType.DMA,
            pltpu.SemaphoreType.DMA,
            pltpu.SemaphoreType.DMA,
        ],
    )


def _sc_counts_body(r_hbm, zeros_hbm, ones_hbm, cnt_out,
                    i0, i1, ones_buf, wb_buf, acc, sl0, sl1, sa0, sa1):
    cid = lax.axis_index("c")
    sid = lax.axis_index("s")
    wid = cid * NS + sid
    base = wid * EW
    tb = sid * RPT
    nch = EW // CH

    pltpu.sync_copy(zeros_hbm, acc.at[pl.ds(tb, RPT)])
    pltpu.sync_copy(ones_hbm, ones_buf)
    plsc.subcore_barrier()

    def start_l(j, ib, sl):
        pltpu.async_copy(r_hbm.at[pl.ds(base + j * CH, CH)], ib, sl)

    def wait_l(ib, sl):
        pltpu.make_async_copy(r_hbm.at[pl.ds(base, CH)], ib, sl).wait()

    def start_a(ib, sa):
        pltpu.async_copy(ones_buf, acc.at[ib], sa, add=True)

    def wait_a(ib, sa):
        pltpu.make_async_copy(ones_buf, acc.at[ib], sa).wait()

    start_l(0, i0, sl0)
    start_l(1, i1, sl1)

    def body(t, carry):
        j = 2 * t
        wait_l(i0, sl0)
        start_a(i0, sa0)
        wait_l(i1, sl1)
        start_a(i1, sa1)
        wait_a(i0, sa0)
        start_l(j + 2, i0, sl0)
        wait_a(i1, sa1)

        @pl.when(t < (nch - 1) // 2 - 1)
        def _():
            start_l(j + 3, i1, sl1)

        return carry

    lax.fori_loop(0, (nch - 1) // 2, body, 0)
    wait_l(i0, sl0)
    start_a(i0, sa0)
    wait_a(i0, sa0)
    plsc.subcore_barrier()

    def wb(k, carry):
        r0 = tb + k * (RPT // WBC)
        pltpu.sync_copy(acc.at[pl.ds(r0, RPT // WBC)], wb_buf)
        pltpu.sync_copy(wb_buf, cnt_out.at[cid, pl.ds(r0, RPT // WBC)])
        return carry

    lax.fori_loop(0, WBC, wb, 0)


@functools.cache
def _sc_gather_kernel():
    return pl.kernel(
        _sc_gather_body,
        out_type=(
            jax.ShapeDtypeStruct((ECH, DN), jnp.float32),
            jax.ShapeDtypeStruct((ECH, DN), jnp.float32),
        ),
        mesh=_mesh(),
        scratch_types=[
            pltpu.VMEM((CH,), jnp.int32),
            pltpu.VMEM((CH,), jnp.int32),
            pltpu.VMEM((CH,), jnp.int32),
            pltpu.VMEM((CH,), jnp.int32),
            pltpu.VMEM((CH, DN), jnp.float32),
            pltpu.VMEM((CH, DN), jnp.float32),
            pltpu.VMEM((CH, DN), jnp.float32),
            pltpu.VMEM((CH, DN), jnp.float32),
            pltpu.SemaphoreType.DMA,
            pltpu.SemaphoreType.DMA,
            pltpu.SemaphoreType.DMA,
            pltpu.SemaphoreType.DMA,
        ],
    )


def _sc_gather_body(nodes_hbm, r_hbm, s_hbm, a_out, c_out,
                    ri0, si0, ri1, si1, a0, c0, a1, c1, sg0, sg1, sw0, sw1):
    cid = lax.axis_index("c")
    sid = lax.axis_index("s")
    wid = cid * NS + sid
    base = wid * EWC
    nch = EWC // CH

    def start_g(j, ri, si, ab, cb, sg):
        off = base + j * CH
        pltpu.sync_copy(r_hbm.at[pl.ds(off, CH)], ri)
        pltpu.sync_copy(s_hbm.at[pl.ds(off, CH)], si)
        pltpu.async_copy(nodes_hbm.at[ri], ab, sg)
        pltpu.async_copy(nodes_hbm.at[si], cb, sg)

    def wait_g(ri, si, ab, cb, sg):
        pltpu.make_async_copy(nodes_hbm.at[ri], ab, sg).wait()
        pltpu.make_async_copy(nodes_hbm.at[si], cb, sg).wait()

    def start_w(j, ab, cb, sw):
        off = base + j * CH
        pltpu.async_copy(ab, a_out.at[pl.ds(off, CH)], sw)
        pltpu.async_copy(cb, c_out.at[pl.ds(off, CH)], sw)

    def wait_w(ab, cb, sw):
        pltpu.make_async_copy(ab, a_out.at[pl.ds(0, CH)], sw).wait()
        pltpu.make_async_copy(cb, c_out.at[pl.ds(0, CH)], sw).wait()

    start_g(0, ri0, si0, a0, c0, sg0)
    start_g(1, ri1, si1, a1, c1, sg1)

    def body(t, carry):
        j = 2 * t
        wait_g(ri0, si0, a0, c0, sg0)
        start_w(j, a0, c0, sw0)
        wait_g(ri1, si1, a1, c1, sg1)
        start_w(j + 1, a1, c1, sw1)
        wait_w(a0, c0, sw0)
        start_g(j + 2, ri0, si0, a0, c0, sg0)
        wait_w(a1, c1, sw1)

        @pl.when(t < (nch - 1) // 2 - 1)
        def _():
            start_g(j + 3, ri1, si1, a1, c1, sg1)

        return carry

    lax.fori_loop(0, (nch - 1) // 2, body, 0)
    wait_g(ri0, si0, a0, c0, sg0)
    start_w(nch - 1, a0, c0, sw0)
    wait_w(a0, c0, sw0)


@functools.cache
def _sc_scatter_kernel(ks):
    return pl.kernel(
        functools.partial(_sc_scatter_body, ks),
        out_type=jax.ShapeDtypeStruct((NC, NPAD, DN), jnp.float32),
        mesh=_mesh(),
        scratch_types=[
            pltpu.VMEM((CH,), jnp.int32),
            pltpu.VMEM((CH,), jnp.int32),
            pltpu.VMEM((CH, DN), jnp.float32),
            pltpu.VMEM((CH, DN), jnp.float32),
            pltpu.VMEM((RPT // WBC, DN), jnp.float32),
            pltpu.VMEM_SHARED((NPAD, DN), jnp.float32),
            pltpu.SemaphoreType.DMA,
            pltpu.SemaphoreType.DMA,
            pltpu.SemaphoreType.DMA,
            pltpu.SemaphoreType.DMA,
        ],
    )


def _sc_scatter_body(ks, *refs):
    e2s = refs[:len(ks)]
    (r_hbm, zeros_hbm, p_out,
     i0, i1, b0, b1, wb_buf, acc, sl0, sl1, sa0, sa1) = refs[len(ks):]
    cid = lax.axis_index("c")
    sid = lax.axis_index("s")
    wid = cid * NS + sid
    tb = sid * RPT
    nch = EWC // CH

    pltpu.sync_copy(zeros_hbm, acc.at[pl.ds(tb, RPT)])
    plsc.subcore_barrier()

    for k, e2_hbm in zip(ks, e2s):
        gbase = k * ECH + wid * EWC
        lbase = wid * EWC

        def start_l(j, ib, rb, sl, e2_hbm=e2_hbm, gbase=gbase, lbase=lbase):
            pltpu.async_copy(r_hbm.at[pl.ds(gbase + j * CH, CH)], ib, sl)
            pltpu.async_copy(e2_hbm.at[pl.ds(lbase + j * CH, CH)], rb, sl)

        def wait_l(ib, rb, sl):
            pltpu.make_async_copy(r_hbm.at[pl.ds(0, CH)], ib, sl).wait()
            pltpu.make_async_copy(e20.at[pl.ds(0, CH)], rb, sl).wait()

        def start_a(ib, rb, sa):
            pltpu.async_copy(rb, acc.at[ib], sa, add=True)

        def wait_a(rb, sa):
            pltpu.make_async_copy(rb, acc.at[pl.ds(0, CH)], sa).wait()

        def start_l(j, ib, rb, sl, e2_hbm=e2_hbm, gbase=gbase, lbase=lbase):
            pltpu.async_copy(r_hbm.at[pl.ds(gbase + j * CH, CH)], ib, sl)
            pltpu.async_copy(e2_hbm.at[pl.ds(lbase + j * CH, CH)], rb, sl)

        def wait_l(ib, rb, sl, e2_hbm=e2_hbm, gbase=gbase, lbase=lbase):
            pltpu.make_async_copy(r_hbm.at[pl.ds(gbase, CH)], ib, sl).wait()
            pltpu.make_async_copy(e2_hbm.at[pl.ds(lbase, CH)], rb, sl).wait()

        def start_a(ib, rb, sa):
            pltpu.async_copy(rb, acc.at[ib], sa, add=True)

        def wait_a(ib, rb, sa):
            pltpu.make_async_copy(rb, acc.at[ib], sa).wait()

        start_l(0, i0, b0, sl0)
        start_l(1, i1, b1, sl1)

        def body(t, carry):
            j = 2 * t
            wait_l(i0, b0, sl0)
            start_a(i0, b0, sa0)
            wait_l(i1, b1, sl1)
            start_a(i1, b1, sa1)
            wait_a(i0, b0, sa0)
            start_l(j + 2, i0, b0, sl0)
            wait_a(i1, b1, sa1)

            @pl.when(t < (nch - 1) // 2 - 1)
            def _():
                start_l(j + 3, i1, b1, sl1)

            return carry

        lax.fori_loop(0, (nch - 1) // 2, body, 0)
        wait_l(i0, b0, sl0)
        start_a(i0, b0, sa0)
        wait_a(i0, b0, sa0)
    plsc.subcore_barrier()

    def wb(k, carry):
        r0 = tb + k * (RPT // WBC)
        pltpu.sync_copy(acc.at[pl.ds(r0, RPT // WBC)], wb_buf)
        pltpu.sync_copy(wb_buf, p_out.at[cid, pl.ds(r0, RPT // WBC)])
        return carry

    lax.fori_loop(0, WBC, wb, 0)


def _mlp_body(a_ref, c_ref, e_ref, w1_ref, b1_ref, w2_ref, b2_ref,
              w3_ref, b3_ref, e2_ref, eo_ref):
    w1 = w1_ref[...]
    h = jnp.dot(a_ref[...].astype(jnp.bfloat16), w1[0:DN, :],
                preferred_element_type=jnp.float32)
    h += jnp.dot(e_ref[...].astype(jnp.bfloat16), w1[DN:DN + DE, :],
                 preferred_element_type=jnp.float32)
    h += jnp.dot(c_ref[...].astype(jnp.bfloat16), w1[DN + DE:, :],
                 preferred_element_type=jnp.float32)
    h = jax.nn.relu(h + b1_ref[...])
    e2 = jax.nn.relu(
        jnp.dot(h.astype(jnp.bfloat16), w2_ref[...],
                preferred_element_type=jnp.float32) + b2_ref[...])
    e2_ref[...] = e2
    eo_ref[...] = jax.nn.relu(
        jnp.dot(e2.astype(jnp.bfloat16), w3_ref[...],
                preferred_element_type=jnp.float32) + b3_ref[...])


def _tc_mlp(a, c, e, w1, b1, w2, b2, w3, b3, te=1280):
    grid = ECH // te
    blk = lambda d: pl.BlockSpec((te, d), lambda i: (i, 0))
    full = lambda s: pl.BlockSpec(s, lambda i: (0,) * len(s))
    return pl.pallas_call(
        _mlp_body,
        grid=(grid,),
        in_specs=[
            blk(DN), blk(DN), blk(DE),
            full((DN + DE + DN, H1)), full((1, H1)),
            full((H1, DN)), full((1, DN)),
            full((DN, DE)), full((1, DE)),
        ],
        out_specs=[blk(DN), blk(DE)],
        out_shape=[
            jax.ShapeDtypeStruct((ECH, DN), jnp.float32),
            jax.ShapeDtypeStruct((ECH, DE), jnp.float32),
        ],
    )(a, c, e, w1, b1, w2, b2, w3, b3)


def _combine_body(pa_ref, pb_ref, cnt_ref, o_ref):
    s = (pa_ref[0, 0:N, :] + pa_ref[1, 0:N, :]
         + pb_ref[0, 0:N, :] + pb_ref[1, 0:N, :])
    cnt = cnt_ref[0, 0:N, 0:1] + cnt_ref[1, 0:N, 0:1]
    o_ref[...] = s / jnp.maximum(cnt, 1.0)


def _tc_combine(pa, pb, cnt):
    return pl.pallas_call(
        _combine_body,
        out_shape=jax.ShapeDtypeStruct((N, DN), jnp.float32),
    )(pa, pb, cnt)


def kernel(nodes, edges, senders, receivers, W1, b1, W2, b2, W3, b3):
    b = nodes.shape[0]
    nodes_flat = nodes.reshape(N, DN)
    edges_flat = edges.reshape(E, DE)
    r = receivers.reshape(E)
    s = senders.reshape(E)

    zeros = jnp.zeros((RPT, DN), jnp.float32)
    ones = jnp.ones((CH, DN), jnp.float32)
    cnt = _sc_counts_kernel()(r, zeros, ones)

    w1b = W1.astype(jnp.bfloat16)
    w2b = W2.astype(jnp.bfloat16)
    w3b = W3.astype(jnp.bfloat16)
    b1r, b2r, b3r = b1.reshape(1, H1), b2.reshape(1, DN), b3.reshape(1, DE)

    e2s, eos = [], []
    for k in range(NCH):
        sl = slice(k * ECH, (k + 1) * ECH)
        a_k, c_k = _sc_gather_kernel()(nodes_flat, r[sl], s[sl])
        e2_k, eo_k = _tc_mlp(a_k, c_k, edges_flat[sl],
                             w1b, b1r, w2b, b2r, w3b, b3r)
        e2s.append(e2_k)
        eos.append(eo_k)
    edges_out = jnp.concatenate(eos, axis=0)

    pa = _sc_scatter_kernel((0, 1, 2))(*e2s[0:3], r, zeros)
    pb = _sc_scatter_kernel((3, 4))(*e2s[3:5], r, zeros)
    nodes_out = _tc_combine(pa, pb, cnt)
    return (nodes_out.reshape(b, N, DN), edges_out.reshape(b, E, DE),
            senders, receivers)

# --- scband reference (transcript-rebuilt; emitter-appended) ---
"""Pipeline reference for scband-graph-conv-v2-30193620091001 (READ-ONLY COPY).

The authoritative reference and input builder live on the scoring server;
editing this copy changes nothing except your own understanding.
"""

import jax, jax.numpy as jnp
import numpy as np

B, N, E = 1, 10000, 320000
NODE_SHAPE, EDGE_SHAPE, INPUT_UNITS = 128, 16, 256


def setup_inputs(seed: int = 0) -> dict:
    key = jax.random.key(seed)
    ks = jax.random.split(key, 10)
    nodes = jax.random.normal(ks[0], (B, N, NODE_SHAPE), dtype=jnp.float32)
    edges = jax.random.normal(ks[1], (B, E, EDGE_SHAPE), dtype=jnp.float32)
    senders = jax.random.randint(ks[2], (B, E), 0, N, dtype=jnp.int32)
    receivers = jax.random.randint(ks[3], (B, E), 0, N, dtype=jnp.int32)
    concat_dim = NODE_SHAPE + EDGE_SHAPE + NODE_SHAPE  # receiver feats + edge feats + sender feats = 272
    W1 = jax.random.normal(ks[4], (concat_dim, INPUT_UNITS), dtype=jnp.float32) * 0.05
    b1 = jnp.zeros((INPUT_UNITS,), dtype=jnp.float32)
    W2 = jax.random.normal(ks[5], (INPUT_UNITS, NODE_SHAPE), dtype=jnp.float32) * 0.05
    b2 = jnp.zeros((NODE_SHAPE,), dtype=jnp.float32)
    W3 = jax.random.normal(ks[6], (NODE_SHAPE, EDGE_SHAPE), dtype=jnp.float32) * 0.05
    b3 = jnp.zeros((EDGE_SHAPE,), dtype=jnp.float32)
    return {"nodes": nodes, "edges": edges, "senders": senders, "receivers": receivers,
            "W1": W1, "b1": b1, "W2": W2, "b2": b2, "W3": W3, "b3": b3}


def reference(nodes, edges, senders, receivers, W1, b1, W2, b2, W3, b3):
    b, n, dn = nodes.shape
    e = edges.shape[1]
    de = edges.shape[2]
    nodes_flat = nodes.reshape(b * n, dn)
    edges_flat = edges.reshape(b * e, de)
    s = senders.reshape(b * e)
    r = receivers.reshape(b * e)
    # broadcast_receiver_nodes_to_edges / broadcast_sender_nodes_to_edges (gathers)
    a = jnp.take(nodes_flat, r, axis=0)
    c = jnp.take(nodes_flat, s, axis=0)
    d = jnp.concatenate([a, edges_flat, c], axis=1)
    # node_layer_in (relu) then node_layer_out (relu) -- intermediate_node_layer is unused in call
    h = jax.nn.relu(d @ W1 + b1)
    e2 = jax.nn.relu(h @ W2 + b2)
    # ReceivedEdgesToNodesAggregator with unsorted_segment_mean over all b*n nodes
    seg_sum = jax.ops.segment_sum(e2, r, num_segments=b * n)
    cnt = jax.ops.segment_sum(jnp.ones((b * e,), dtype=e2.dtype), r, num_segments=b * n)
    new_nodes = seg_sum / jnp.maximum(cnt, 1.0)[:, None]
    # edge_layer applied to the (post node_layer_out) edge features
    new_edges = jax.nn.relu(e2 @ W3 + b3)
    nodes_out = new_nodes.reshape(b, n, dn)
    edges_out = new_edges.reshape(b, e, de)
    return (nodes_out, edges_out, senders, receivers)

if __name__ == "__main__":
    import jax
    _d = setup_inputs()
    print(jax.jit(kernel)(*tuple(_d.values())))

</pallas_src>

<mosaic_0001>
#map = affine_map<(d0, d1) -> (0, 0)>
#map1 = affine_map<(d0, d1) -> (0)>
module attributes {stable_mosaic.version = 14 : i64} {
  func.func @_sc_gather_body(%arg0: i32, %arg1: i32, %arg2: memref<10000x128xf32, #tpu.memory_space<hbm>>, %arg3: memref<64000xi32, #tpu.memory_space<hbm>>, %arg4: memref<64000xi32, #tpu.memory_space<hbm>>, %arg5: memref<64000x128xf32, #tpu.memory_space<hbm>>, %arg6: memref<64000x128xf32, #tpu.memory_space<hbm>>, %arg7: memref<80xi32, #tpu.memory_space<vmem>>, %arg8: memref<80xi32, #tpu.memory_space<vmem>>, %arg9: memref<80xi32, #tpu.memory_space<vmem>>, %arg10: memref<80xi32, #tpu.memory_space<vmem>>, %arg11: memref<80x128xf32, #tpu.memory_space<vmem>>, %arg12: memref<80x128xf32, #tpu.memory_space<vmem>>, %arg13: memref<80x128xf32, #tpu.memory_space<vmem>>, %arg14: memref<80x128xf32, #tpu.memory_space<vmem>>, %arg15: memref<!tpu.dma_semaphore, #tpu.memory_space<semaphore_mem>>, %arg16: memref<!tpu.dma_semaphore, #tpu.memory_space<semaphore_mem>>, %arg17: memref<!tpu.dma_semaphore, #tpu.memory_space<semaphore_mem>>, %arg18: memref<!tpu.dma_semaphore, #tpu.memory_space<semaphore_mem>>) attributes {dimension_semantics = [#tpu.dimension_semantics<core_parallel>, #tpu.dimension_semantics<subcore_parallel>], iteration_bounds = array<i64: 2, 16>, scalar_prefetch = 0 : i64, scratch_operands = 12 : i64, tpu.core_type = #tpu.core_type<sc_vector_subcore>, window_params = [{transform_indices = #map}, {transform_indices = #map1}, {transform_indices = #map1}, {transform_indices = #map}, {transform_indices = #map}]} {
    %mul3A = arith.constant 16 : i32
    %mul3A_0 = arith.muli %arg0, %mul3A : i32
    %add3A = arith.addi %mul3A_0, %arg1 : i32
    %mul3A_1 = arith.constant 2000 : i32
    %mul3A_2 = arith.muli %add3A, %mul3A_1 : i32
    %add3A_3 = arith.constant 0 : i32
    %add3A_4 = arith.addi %mul3A_2, %add3A_3 : i32
    "tpu.region"() ({
      %run_scoped3A = tpu.sem_alloc : memref<!tpu.dma_semaphore, #tpu.memory_space<semaphore_mem>>
      %dma_start3A_50 = tpu.memref_slice %arg3[%add3A_4] : memref<64000xi32, #tpu.memory_space<hbm>> -> memref<80xi32, #tpu.memory_space<hbm>>
      %dma_start3A_51 = tpu.memref_slice %arg3[%add3A_4] : memref<64000xi32, #tpu.memory_space<hbm>> -> memref<80xi32, #tpu.memory_space<hbm>>
      tpu.enqueue_dma source(%dma_start3A_51 : memref<80xi32, #tpu.memory_space<hbm>>) target(%arg7 : memref<80xi32, #tpu.memory_space<vmem>>) target_semaphore(%run_scoped3A : memref<!tpu.dma_semaphore, #tpu.memory_space<semaphore_mem>>)
      %dma_wait3A_52 = tpu.memref_slice %arg3[%add3A_4] : memref<64000xi32, #tpu.memory_space<hbm>> -> memref<80xi32, #tpu.memory_space<hbm>>
      %dma_wait3A_53 = tpu.memref_slice %arg3[%add3A_4] : memref<64000xi32, #tpu.memory_space<hbm>> -> memref<80xi32, #tpu.memory_space<hbm>>
      tpu.wait_dma2 semaphore(%run_scoped3A : memref<!tpu.dma_semaphore, #tpu.memory_space<semaphore_mem>>) src(%dma_wait3A_53 : memref<80xi32, #tpu.memory_space<hbm>>) dst(%arg7 : memref<80xi32, #tpu.memory_space<vmem>>)
      tpu.yield
    }) : () -> ()
    "tpu.region"() ({
      %run_scoped3A = tpu.sem_alloc : memref<!tpu.dma_semaphore, #tpu.memory_space<semaphore_mem>>
      %dma_start3A_50 = tpu.memref_slice %arg4[%add3A_4] : memref<64000xi32, #tpu.memory_space<hbm>> -> memref<80xi32, #tpu.memory_space<hbm>>
      %dma_start3A_51 = tpu.memref_slice %arg4[%add3A_4] : memref<64000xi32, #tpu.memory_space<hbm>> -> memref<80xi32, #tpu.memory_space<hbm>>
      tpu.enqueue_dma source(%dma_start3A_51 : memref<80xi32, #tpu.memory_space<hbm>>) target(%arg8 : memref<80xi32, #tpu.memory_space<vmem>>) target_semaphore(%run_scoped3A : memref<!tpu.dma_semaphore, #tpu.memory_space<semaphore_mem>>)
      %dma_wait3A_52 = tpu.memref_slice %arg4[%add3A_4] : memref<64000xi32, #tpu.memory_space<hbm>> -> memref<80xi32, #tpu.memory_space<hbm>>
      %dma_wait3A_53 = tpu.memref_slice %arg4[%add3A_4] : memref<64000xi32, #tpu.memory_space<hbm>> -> memref<80xi32, #tpu.memory_space<hbm>>
      tpu.wait_dma2 semaphore(%run_scoped3A : memref<!tpu.dma_semaphore, #tpu.memory_space<semaphore_mem>>) src(%dma_wait3A_53 : memref<80xi32, #tpu.memory_space<hbm>>) dst(%arg8 : memref<80xi32, #tpu.memory_space<vmem>>)
      tpu.yield
    }) : () -> ()
    %dma_start3A = arith.constant 0 : i32
    %dma_start3A_5 = arith.constant 0 : i32
    %dma_start3A_6 = tpu.memref_slice %arg2[%dma_start3A, %dma_start3A_5] : memref<10000x128xf32, #tpu.memory_space<hbm>> -> memref<10000x128xf32, #tpu.memory_space<hbm>>
    tpu.enqueue_indirect_dma source(%dma_start3A_6 : memref<10000x128xf32, #tpu.memory_space<hbm>>) target(%arg11 : memref<80x128xf32, #tpu.memory_space<vmem>>) offsets(%arg7 : memref<80xi32, #tpu.memory_space<vmem>>) semaphore(%arg15 : memref<!tpu.dma_semaphore, #tpu.memory_space<semaphore_mem>>)
    %dma_start3A_7 = arith.constant 0 : i32
    %dma_start3A_8 = arith.constant 0 : i32
    %dma_start3A_9 = tpu.memref_slice %arg2[%dma_start3A_7, %dma_start3A_8] : memref<10000x128xf32, #tpu.memory_space<hbm>> -> memref<10000x128xf32, #tpu.memory_space<hbm>>
    tpu.enqueue_indirect_dma source(%dma_start3A_9 : memref<10000x128xf32, #tpu.memory_space<hbm>>) target(%arg12 : memref<80x128xf32, #tpu.memory_space<vmem>>) offsets(%arg8 : memref<80xi32, #tpu.memory_space<vmem>>) semaphore(%arg15 : memref<!tpu.dma_semaphore, #tpu.memory_space<semaphore_mem>>)
    %add3A_10 = arith.constant 80 : i32
    %add3A_11 = arith.addi %mul3A_2, %add3A_10 : i32
    "tpu.region"() ({
      %run_scoped3A = tpu.sem_alloc : memref<!tpu.dma_semaphore, #tpu.memory_space<semaphore_mem>>
      %dma_start3A_50 = tpu.memref_slice %arg3[%add3A_11] : memref<64000xi32, #tpu.memory_space<hbm>> -> memref<80xi32, #tpu.memory_space<hbm>>
      %dma_start3A_51 = tpu.memref_slice %arg3[%add3A_11] : memref<64000xi32, #tpu.memory_space<hbm>> -> memref<80xi32, #tpu.memory_space<hbm>>
      tpu.enqueue_dma source(%dma_start3A_51 : memref<80xi32, #tpu.memory_space<hbm>>) target(%arg9 : memref<80xi32, #tpu.memory_space<vmem>>) target_semaphore(%run_scoped3A : memref<!tpu.dma_semaphore, #tpu.memory_space<semaphore_mem>>)
      %dma_wait3A_52 = tpu.memref_slice %arg3[%add3A_11] : memref<64000xi32, #tpu.memory_space<hbm>> -> memref<80xi32, #tpu.memory_space<hbm>>
      %dma_wait3A_53 = tpu.memref_slice %arg3[%add3A_11] : memref<64000xi32, #tpu.memory_space<hbm>> -> memref<80xi32, #tpu.memory_space<hbm>>
      tpu.wait_dma2 semaphore(%run_scoped3A : memref<!tpu.dma_semaphore, #tpu.memory_space<semaphore_mem>>) src(%dma_wait3A_53 : memref<80xi32, #tpu.memory_space<hbm>>) dst(%arg9 : memref<80xi32, #tpu.memory_space<vmem>>)
      tpu.yield
    }) : () -> ()
    "tpu.region"() ({
      %run_scoped3A = tpu.sem_alloc : memref<!tpu.dma_semaphore, #tpu.memory_space<semaphore_mem>>
      %dma_start3A_50 = tpu.memref_slice %arg4[%add3A_11] : memref<64000xi32, #tpu.memory_space<hbm>> -> memref<80xi32, #tpu.memory_space<hbm>>
      %dma_start3A_51 = tpu.memref_slice %arg4[%add3A_11] : memref<64000xi32, #tpu.memory_space<hbm>> -> memref<80xi32, #tpu.memory_space<hbm>>
      tpu.enqueue_dma source(%dma_start3A_51 : memref<80xi32, #tpu.memory_space<hbm>>) target(%arg10 : memref<80xi32, #tpu.memory_space<vmem>>) target_semaphore(%run_scoped3A : memref<!tpu.dma_semaphore, #tpu.memory_space<semaphore_mem>>)
      %dma_wait3A_52 = tpu.memref_slice %arg4[%add3A_11] : memref<64000xi32, #tpu.memory_space<hbm>> -> memref<80xi32, #tpu.memory_space<hbm>>
      %dma_wait3A_53 = tpu.memref_slice %arg4[%add3A_11] : memref<64000xi32, #tpu.memory_space<hbm>> -> memref<80xi32, #tpu.memory_space<hbm>>
      tpu.wait_dma2 semaphore(%run_scoped3A : memref<!tpu.dma_semaphore, #tpu.memory_space<semaphore_mem>>) src(%dma_wait3A_53 : memref<80xi32, #tpu.memory_space<hbm>>) dst(%arg10 : memref<80xi32, #tpu.memory_space<vmem>>)
      tpu.yield
    }) : () -> ()
    %dma_start3A_12 = arith.constant 0 : i32
    %dma_start3A_13 = arith.constant 0 : i32
    %dma_start3A_14 = tpu.memref_slice %arg2[%dma_start3A_12, %dma_start3A_13] : memref<10000x128xf32, #tpu.memory_space<hbm>> -> memref<10000x128xf32, #tpu.memory_space<hbm>>
    tpu.enqueue_indirect_dma source(%dma_start3A_14 : memref<10000x128xf32, #tpu.memory_space<hbm>>) target(%arg13 : memref<80x128xf32, #tpu.memory_space<vmem>>) offsets(%arg9 : memref<80xi32, #tpu.memory_space<vmem>>) semaphore(%arg16 : memref<!tpu.dma_semaphore, #tpu.memory_space<semaphore_mem>>)
    %dma_start3A_15 = arith.constant 0 : i32
    %dma_start3A_16 = arith.constant 0 : i32
    %dma_start3A_17 = tpu.memref_slice %arg2[%dma_start3A_15, %dma_start3A_16] : memref<10000x128xf32, #tpu.memory_space<hbm>> -> memref<10000x128xf32, #tpu.memory_space<hbm>>
    tpu.enqueue_indirect_dma source(%dma_start3A_17 : memref<10000x128xf32, #tpu.memory_space<hbm>>) target(%arg14 : memref<80x128xf32, #tpu.memory_space<vmem>>) offsets(%arg10 : memref<80xi32, #tpu.memory_space<vmem>>) semaphore(%arg16 : memref<!tpu.dma_semaphore, #tpu.memory_space<semaphore_mem>>)
    %scan3A = arith.constant 0 : i32
    %scan3A_18 = arith.constant 0 : i32
    %scan3A_19 = arith.constant 12 : i32
    %scan3A_20 = arith.addi %scan3A_18, %scan3A_19 : i32
    %scan3A_21 = arith.constant 1 : i32
    scf.for %scan3A_50 = %scan3A_18 to %scan3A_20 step %scan3A_21  : i32 {
      %mul3A_51 = arith.constant 2 : i32
      %mul3A_52 = arith.muli %mul3A_51, %scan3A_50 : i32
      %dma_wait3A_53 = arith.constant 0 : i32
      %dma_wait3A_54 = arith.constant 0 : i32
      %dma_wait3A_55 = tpu.memref_slice %arg2[%dma_wait3A_53, %dma_wait3A_54] : memref<10000x128xf32, #tpu.memory_space<hbm>> -> memref<10000x128xf32, #tpu.memory_space<hbm>>
      tpu.wait_indirect_dma semaphore(%arg15 : memref<!tpu.dma_semaphore, #tpu.memory_space<semaphore_mem>>) src(%dma_wait3A_55 : memref<10000x128xf32, #tpu.memory_space<hbm>>) dst(%arg11 : memref<80x128xf32, #tpu.memory_space<vmem>>)
      %dma_wait3A_56 = arith.constant 0 : i32
      %dma_wait3A_57 = arith.constant 0 : i32
      %dma_wait3A_58 = tpu.memref_slice %arg2[%dma_wait3A_56, %dma_wait3A_57] : memref<10000x128xf32, #tpu.memory_space<hbm>> -> memref<10000x128xf32, #tpu.memory_space<hbm>>
      tpu.wait_indirect_dma semaphore(%arg15 : memref<!tpu.dma_semaphore, #tpu.memory_space<semaphore_mem>>) src(%dma_wait3A_58 : memref<10000x128xf32, #tpu.memory_space<hbm>>) dst(%arg12 : memref<80x128xf32, #tpu.memory_space<vmem>>)
      %mul3A_59 = arith.constant 80 : i32
      %mul3A_60 = arith.muli %mul3A_52, %mul3A_59 : i32
      %add3A_61 = arith.addi %mul3A_2, %mul3A_60 : i32
      %dma_start3A_62 = arith.constant 0 : i32
      %dma_start3A_63 = tpu.memref_slice %arg5[%add3A_61, %dma_start3A_62] : memref<64000x128xf32, #tpu.memory_space<hbm>> -> memref<80x128xf32, #tpu.memory_space<hbm>>
      %dma_start3A_64 = arith.constant 0 : i32
      %dma_start3A_65 = tpu.memref_slice %arg5[%add3A_61, %dma_start3A_64] : memref<64000x128xf32, #tpu.memory_space<hbm>> -> memref<80x128xf32, #tpu.memory_space<hbm>>
      tpu.enqueue_dma source(%arg11 : memref<80x128xf32, #tpu.memory_space<vmem>>) target(%dma_start3A_65 : memref<80x128xf32, #tpu.memory_space<hbm>>) target_semaphore(%arg17 : memref<!tpu.dma_semaphore, #tpu.memory_space<semaphore_mem>>)
      %dma_start3A_66 = arith.constant 0 : i32
      %dma_start3A_67 = tpu.memref_slice %arg6[%add3A_61, %dma_start3A_66] : memref<64000x128xf32, #tpu.memory_space<hbm>> -> memref<80x128xf32, #tpu.memory_space<hbm>>
      %dma_start3A_68 = arith.constant 0 : i32
      %dma_start3A_69 = tpu.memref_slice %arg6[%add3A_61, %dma_start3A_68] : memref<64000x128xf32, #tpu.memory_space<hbm>> -> memref<80x128xf32, #tpu.memory_space<hbm>>
      tpu.enqueue_dma source(%arg12 : memref<80x128xf32, #tpu.memory_space<vmem>>) target(%dma_start3A_69 : memref<80x128xf32, #tpu.memory_space<hbm>>) target_semaphore(%arg17 : memref<!tpu.dma_semaphore, #tpu.memory_space<semaphore_mem>>)
      %dma_wait3A_70 = arith.constant 0 : i32
      %dma_wait3A_71 = arith.constant 0 : i32
      %dma_wait3A_72 = tpu.memref_slice %arg2[%dma_wait3A_70, %dma_wait3A_71] : memref<10000x128xf32, #tpu.memory_space<hbm>> -> memref<10000x128xf32, #tpu.memory_space<hbm>>
      tpu.wait_indirect_dma semaphore(%arg16 : memref<!tpu.dma_semaphore, #tpu.memory_space<semaphore_mem>>) src(%dma_wait3A_72 : memref<10000x128xf32, #tpu.memory_space<hbm>>) dst(%arg13 : memref<80x128xf32, #tpu.memory_space<vmem>>)
      %dma_wait3A_73 = arith.constant 0 : i32
      %dma_wait3A_74 = arith.constant 0 : i32
      %dma_wait3A_75 = tpu.memref_slice %arg2[%dma_wait3A_73, %dma_wait3A_74] : memref<10000x128xf32, #tpu.memory_space<hbm>> -> memref<10000x128xf32, #tpu.memory_space<hbm>>
      tpu.wait_indirect_dma semaphore(%arg16 : memref<!tpu.dma_semaphore, #tpu.memory_space<semaphore_mem>>) src(%dma_wait3A_75 : memref<10000x128xf32, #tpu.memory_space<hbm>>) dst(%arg14 : memref<80x128xf32, #tpu.memory_space<vmem>>)
      %add3A_76 = arith.constant 1 : i32
      %add3A_77 = arith.addi %mul3A_52, %add3A_76 : i32
      %mul3A_78 = arith.constant 80 : i32
      %mul3A_79 = arith.muli %add3A_77, %mul3A_78 : i32
      %add3A_80 = arith.addi %mul3A_2, %mul3A_79 : i32
      %dma_start3A_81 = arith.constant 0 : i32
      %dma_start3A_82 = tpu.memref_slice %arg5[%add3A_80, %dma_start3A_81] : memref<64000x128xf32, #tpu.memory_space<hbm>> -> memref<80x128xf32, #tpu.memory_space<hbm>>
      %dma_start3A_83 = arith.constant 0 : i32
      %dma_start3A_84 = tpu.memref_slice %arg5[%add3A_80, %dma_start3A_83] : memref<64000x128xf32, #tpu.memory_space<hbm>> -> memref<80x128xf32, #tpu.memory_space<hbm>>
      tpu.enqueue_dma source(%arg13 : memref<80x128xf32, #tpu.memory_space<vmem>>) target(%dma_start3A_84 : memref<80x128xf32, #tpu.memory_space<hbm>>) target_semaphore(%arg18 : memref<!tpu.dma_semaphore, #tpu.memory_space<semaphore_mem>>)
      %dma_start3A_85 = arith.constant 0 : i32
      %dma_start3A_86 = tpu.memref_slice %arg6[%add3A_80, %dma_start3A_85] : memref<64000x128xf32, #tpu.memory_space<hbm>> -> memref<80x128xf32, #tpu.memory_space<hbm>>
      %dma_start3A_87 = arith.constant 0 : i32
      %dma_start3A_88 = tpu.memref_slice %arg6[%add3A_80, %dma_start3A_87] : memref<64000x128xf32, #tpu.memory_space<hbm>> -> memref<80x128xf32, #tpu.memory_space<hbm>>
      tpu.enqueue_dma source(%arg14 : memref<80x128xf32, #tpu.memory_space<vmem>>) target(%dma_start3A_88 : memref<80x128xf32, #tpu.memory_space<hbm>>) target_semaphore(%arg18 : memref<!tpu.dma_semaphore, #tpu.memory_space<semaphore_mem>>)
      %dma_wait3A_89 = arith.constant 0 : i32
      %dma_wait3A_90 = arith.constant 0 : i32
      %dma_wait3A_91 = tpu.memref_slice %arg5[%dma_wait3A_89, %dma_wait3A_90] : memref<64000x128xf32, #tpu.memory_space<hbm>> -> memref<80x128xf32, #tpu.memory_space<hbm>>
      %dma_wait3A_92 = arith.constant 0 : i32
      %dma_wait3A_93 = arith.constant 0 : i32
      %dma_wait3A_94 = tpu.memref_slice %arg5[%dma_wait3A_92, %dma_wait3A_93] : memref<64000x128xf32, #tpu.memory_space<hbm>> -> memref<80x128xf32, #tpu.memory_space<hbm>>
      tpu.wait_dma2 semaphore(%arg17 : memref<!tpu.dma_semaphore, #tpu.memory_space<semaphore_mem>>) src(%arg11 : memref<80x128xf32, #tpu.memory_space<vmem>>) dst(%dma_wait3A_94 : memref<80x128xf32, #tpu.memory_space<hbm>>)
      %dma_wait3A_95 = arith.constant 0 : i32
      %dma_wait3A_96 = arith.constant 0 : i32
      %dma_wait3A_97 = tpu.memref_slice %arg6[%dma_wait3A_95, %dma_wait3A_96] : memref<64000x128xf32, #tpu.memory_space<hbm>> -> memref<80x128xf32, #tpu.memory_space<hbm>>
      %dma_wait3A_98 = arith.constant 0 : i32
      %dma_wait3A_99 = arith.constant 0 : i32
      %dma_wait3A_100 = tpu.memref_slice %arg6[%dma_wait3A_98, %dma_wait3A_99] : memref<64000x128xf32, #tpu.memory_space<hbm>> -> memref<80x128xf32, #tpu.memory_space<hbm>>
      tpu.wait_dma2 semaphore(%arg17 : memref<!tpu.dma_semaphore, #tpu.memory_space<semaphore_mem>>) src(%arg12 : memref<80x128xf32, #tpu.memory_space<vmem>>) dst(%dma_wait3A_100 : memref<80x128xf32, #tpu.memory_space<hbm>>)
      %add3A_101 = arith.constant 2 : i32
      %add3A_102 = arith.addi %mul3A_52, %add3A_101 : i32
      %mul3A_103 = arith.constant 80 : i32
      %mul3A_104 = arith.muli %add3A_102, %mul3A_103 : i32
      %add3A_105 = arith.addi %mul3A_2, %mul3A_104 : i32
      "tpu.region"() ({
        %run_scoped3A = tpu.sem_alloc : memref<!tpu.dma_semaphore, #tpu.memory_space<semaphore_mem>>
        %dma_start3A_126 = tpu.memref_slice %arg3[%add3A_105] : memref<64000xi32, #tpu.memory_space<hbm>> -> memref<80xi32, #tpu.memory_space<hbm>>
        %dma_start3A_127 = tpu.memref_slice %arg3[%add3A_105] : memref<64000xi32, #tpu.memory_space<hbm>> -> memref<80xi32, #tpu.memory_space<hbm>>
        tpu.enqueue_dma source(%dma_start3A_127 : memref<80xi32, #tpu.memory_space<hbm>>) target(%arg7 : memref<80xi32, #tpu.memory_space<vmem>>) target_semaphore(%run_scoped3A : memref<!tpu.dma_semaphore, #tpu.memory_space<semaphore_mem>>)
        %dma_wait3A_128 = tpu.memref_slice %arg3[%add3A_105] : memref<64000xi32, #tpu.memory_space<hbm>> -> memref<80xi32, #tpu.memory_space<hbm>>
        %dma_wait3A_129 = tpu.memref_slice %arg3[%add3A_105] : memref<64000xi32, #tpu.memory_space<hbm>> -> memref<80xi32, #tpu.memory_space<hbm>>
        tpu.wait_dma2 semaphore(%run_scoped3A : memref<!tpu.dma_semaphore, #tpu.memory_space<semaphore_mem>>) src(%dma_wait3A_129 : memref<80xi32, #tpu.memory_space<hbm>>) dst(%arg7 : memref<80xi32, #tpu.memory_space<vmem>>)
        tpu.yield
      }) : () -> ()
      "tpu.region"() ({
        %run_scoped3A = tpu.sem_alloc : memref<!tpu.dma_semaphore, #tpu.memory_space<semaphore_mem>>
        %dma_start3A_126 = tpu.memref_slice %arg4[%add3A_105] : memref<64000xi32, #tpu.memory_space<hbm>> -> memref<80xi32, #tpu.memory_space<hbm>>
        %dma_start3A_127 = tpu.memref_slice %arg4[%add3A_105] : memref<64000xi32, #tpu.memory_space<hbm>> -> memref<80xi32, #tpu.memory_space<hbm>>
        tpu.enqueue_dma source(%dma_start3A_127 : memref<80xi32, #tpu.memory_space<hbm>>) target(%arg8 : memref<80xi32, #tpu.memory_space<vmem>>) target_semaphore(%run_scoped3A : memref<!tpu.dma_semaphore, #tpu.memory_space<semaphore_mem>>)
        %dma_wait3A_128 = tpu.memref_slice %arg4[%add3A_105] : memref<64000xi32, #tpu.memory_space<hbm>> -> memref<80xi32, #tpu.memory_space<hbm>>
        %dma_wait3A_129 = tpu.memref_slice %arg4[%add3A_105] : memref<64000xi32, #tpu.memory_space<hbm>> -> memref<80xi32, #tpu.memory_space<hbm>>
        tpu.wait_dma2 semaphore(%run_scoped3A : memref<!tpu.dma_semaphore, #tpu.memory_space<semaphore_mem>>) src(%dma_wait3A_129 : memref<80xi32, #tpu.memory_space<hbm>>) dst(%arg8 : memref<80xi32, #tpu.memory_space<vmem>>)
        tpu.yield
      }) : () -> ()
      %dma_start3A_106 = arith.constant 0 : i32
      %dma_start3A_107 = arith.constant 0 : i32
      %dma_start3A_108 = tpu.memref_slice %arg2[%dma_start3A_106, %dma_start3A_107] : memref<10000x128xf32, #tpu.memory_space<hbm>> -> memref<10000x128xf32, #tpu.memory_space<hbm>>
      tpu.enqueue_indirect_dma source(%dma_start3A_108 : memref<10000x128xf32, #tpu.memory_space<hbm>>) target(%arg11 : memref<80x128xf32, #tpu.memory_space<vmem>>) offsets(%arg7 : memref<80xi32, #tpu.memory_space<vmem>>) semaphore(%arg15 : memref<!tpu.dma_semaphore, #tpu.memory_space<semaphore_mem>>)
      %dma_start3A_109 = arith.constant 0 : i32
      %dma_start3A_110 = arith.constant 0 : i32
      %dma_start3A_111 = tpu.memref_slice %arg2[%dma_start3A_109, %dma_start3A_110] : memref<10000x128xf32, #tpu.memory_space<hbm>> -> memref<10000x128xf32, #tpu.memory_space<hbm>>
      tpu.enqueue_indirect_dma source(%dma_start3A_111 : memref<10000x128xf32, #tpu.memory_space<hbm>>) target(%arg12 : memref<80x128xf32, #tpu.memory_space<vmem>>) offsets(%arg8 : memref<80xi32, #tpu.memory_space<vmem>>) semaphore(%arg15 : memref<!tpu.dma_semaphore, #tpu.memory_space<semaphore_mem>>)
      %dma_wait3A_112 = arith.constant 0 : i32
      %dma_wait3A_113 = arith.constant 0 : i32
      %dma_wait3A_114 = tpu.memref_slice %arg5[%dma_wait3A_112, %dma_wait3A_113] : memref<64000x128xf32, #tpu.memory_space<hbm>> -> memref<80x128xf32, #tpu.memory_space<hbm>>
      %dma_wait3A_115 = arith.constant 0 : i32
      %dma_wait3A_116 = arith.constant 0 : i32
      %dma_wait3A_117 = tpu.memref_slice %arg5[%dma_wait3A_115, %dma_wait3A_116] : memref<64000x128xf32, #tpu.memory_space<hbm>> -> memref<80x128xf32, #tpu.memory_space<hbm>>
      tpu.wait_dma2 semaphore(%arg18 : memref<!tpu.dma_semaphore, #tpu.memory_space<semaphore_mem>>) src(%arg13 : memref<80x128xf32, #tpu.memory_space<vmem>>) dst(%dma_wait3A_117 : memref<80x128xf32, #tpu.memory_space<hbm>>)
      %dma_wait3A_118 = arith.constant 0 : i32
      %dma_wait3A_119 = arith.constant 0 : i32
      %dma_wait3A_120 = tpu.memref_slice %arg6[%dma_wait3A_118, %dma_wait3A_119] : memref<64000x128xf32, #tpu.memory_space<hbm>> -> memref<80x128xf32, #tpu.memory_space<hbm>>
      %dma_wait3A_121 = arith.constant 0 : i32
      %dma_wait3A_122 = arith.constant 0 : i32
      %dma_wait3A_123 = tpu.memref_slice %arg6[%dma_wait3A_121, %dma_wait3A_122] : memref<64000x128xf32, #tpu.memory_space<hbm>> -> memref<80x128xf32, #tpu.memory_space<hbm>>
      tpu.wait_dma2 semaphore(%arg18 : memref<!tpu.dma_semaphore, #tpu.memory_space<semaphore_mem>>) src(%arg14 : memref<80x128xf32, #tpu.memory_space<vmem>>) dst(%dma_wait3A_123 : memref<80x128xf32, #tpu.memory_space<hbm>>)
      %lt3A = arith.constant 11 : i32
      %lt3A_124 = arith.cmpi slt, %scan3A_50, %lt3A : i32
      %convert_element_type3A = arith.extui %lt3A_124 : i1 to i32
      %cond3A = arith.constant 0 : i32
      %cond3A_125 = arith.cmpi ne, %convert_element_type3A, %cond3A : i32
      scf.if %cond3A_125 {
        %add3A_126 = arith.constant 3 : i32
        %add3A_127 = arith.addi %mul3A_52, %add3A_126 : i32
        %mul3A_128 = arith.constant 80 : i32
        %mul3A_129 = arith.muli %add3A_127, %mul3A_128 : i32
        %add3A_130 = arith.addi %mul3A_2, %mul3A_129 : i32
        "tpu.region"() ({
          %run_scoped3A = tpu.sem_alloc : memref<!tpu.dma_semaphore, #tpu.memory_space<semaphore_mem>>
          %dma_start3A_137 = tpu.memref_slice %arg3[%add3A_130] : memref<64000xi32, #tpu.memory_space<hbm>> -> memref<80xi32, #tpu.memory_space<hbm>>
          %dma_start3A_138 = tpu.memref_slice %arg3[%add3A_130] : memref<64000xi32, #tpu.memory_space<hbm>> -> memref<80xi32, #tpu.memory_space<hbm>>
          tpu.enqueue_dma source(%dma_start3A_138 : memref<80xi32, #tpu.memory_space<hbm>>) target(%arg9 : memref<80xi32, #tpu.memory_space<vmem>>) target_semaphore(%run_scoped3A : memref<!tpu.dma_semaphore, #tpu.memory_space<semaphore_mem>>)
          %dma_wait3A_139 = tpu.memref_slice %arg3[%add3A_130] : memref<64000xi32, #tpu.memory_space<hbm>> -> memref<80xi32, #tpu.memory_space<hbm>>
          %dma_wait3A_140 = tpu.memref_slice %arg3[%add3A_130] : memref<64000xi32, #tpu.memory_space<hbm>> -> memref<80xi32, #tpu.memory_space<hbm>>
          tpu.wait_dma2 semaphore(%run_scoped3A : memref<!tpu.dma_semaphore, #tpu.memory_space<semaphore_mem>>) src(%dma_wait3A_140 : memref<80xi32, #tpu.memory_space<hbm>>) dst(%arg9 : memref<80xi32, #tpu.memory_space<vmem>>)
          tpu.yield
        }) : () -> ()
        "tpu.region"() ({
          %run_scoped3A = tpu.sem_alloc : memref<!tpu.dma_semaphore, #tpu.memory_space<semaphore_mem>>
          %dma_start3A_137 = tpu.memref_slice %arg4[%add3A_130] : memref<64000xi32, #tpu.memory_space<hbm>> -> memref<80xi32, #tpu.memory_space<hbm>>
          %dma_start3A_138 = tpu.memref_slice %arg4[%add3A_130] : memref<64000xi32, #tpu.memory_space<hbm>> -> memref<80xi32, #tpu.memory_space<hbm>>
          tpu.enqueue_dma source(%dma_start3A_138 : memref<80xi32, #tpu.memory_space<hbm>>) target(%arg10 : memref<80xi32, #tpu.memory_space<vmem>>) target_semaphore(%run_scoped3A : memref<!tpu.dma_semaphore, #tpu.memory_space<semaphore_mem>>)
          %dma_wait3A_139 = tpu.memref_slice %arg4[%add3A_130] : memref<64000xi32, #tpu.memory_space<hbm>> -> memref<80xi32, #tpu.memory_space<hbm>>
          %dma_wait3A_140 = tpu.memref_slice %arg4[%add3A_130] : memref<64000xi32, #tpu.memory_space<hbm>> -> memref<80xi32, #tpu.memory_space<hbm>>
          tpu.wait_dma2 semaphore(%run_scoped3A : memref<!tpu.dma_semaphore, #tpu.memory_space<semaphore_mem>>) src(%dma_wait3A_140 : memref<80xi32, #tpu.memory_space<hbm>>) dst(%arg10 : memref<80xi32, #tpu.memory_space<vmem>>)
          tpu.yield
        }) : () -> ()
        %dma_start3A_131 = arith.constant 0 : i32
        %dma_start3A_132 = arith.constant 0 : i32
        %dma_start3A_133 = tpu.memref_slice %arg2[%dma_start3A_131, %dma_start3A_132] : memref<10000x128xf32, #tpu.memory_space<hbm>> -> memref<10000x128xf32, #tpu.memory_space<hbm>>
        tpu.enqueue_indirect_dma source(%dma_start3A_133 : memref<10000x128xf32, #tpu.memory_space<hbm>>) target(%arg13 : memref<80x128xf32, #tpu.memory_space<vmem>>) offsets(%arg9 : memref<80xi32, #tpu.memory_space<vmem>>) semaphore(%arg16 : memref<!tpu.dma_semaphore, #tpu.memory_space<semaphore_mem>>)
        %dma_start3A_134 = arith.constant 0 : i32
        %dma_start3A_135 = arith.constant 0 : i32
        %dma_start3A_136 = tpu.memref_slice %arg2[%dma_start3A_134, %dma_start3A_135] : memref<10000x128xf32, #tpu.memory_space<hbm>> -> memref<10000x128xf32, #tpu.memory_space<hbm>>
        tpu.enqueue_indirect_dma source(%dma_start3A_136 : memref<10000x128xf32, #tpu.memory_space<hbm>>) target(%arg14 : memref<80x128xf32, #tpu.memory_space<vmem>>) offsets(%arg10 : memref<80xi32, #tpu.memory_space<vmem>>) semaphore(%arg16 : memref<!tpu.dma_semaphore, #tpu.memory_space<semaphore_mem>>)
      } else {
      }
    }
    %scan3A_22 = arith.constant 12 : i32
    %dma_wait3A = arith.constant 0 : i32
    %dma_wait3A_23 = arith.constant 0 : i32
    %dma_wait3A_24 = tpu.memref_slice %arg2[%dma_wait3A, %dma_wait3A_23] : memref<10000x128xf32, #tpu.memory_space<hbm>> -> memref<10000x128xf32, #tpu.memory_space<hbm>>
    tpu.wait_indirect_dma semaphore(%arg15 : memref<!tpu.dma_semaphore, #tpu.memory_space<semaphore_mem>>) src(%dma_wait3A_24 : memref<10000x128xf32, #tpu.memory_space<hbm>>) dst(%arg11 : memref<80x128xf32, #tpu.memory_space<vmem>>)
    %dma_wait3A_25 = arith.constant 0 : i32
    %dma_wait3A_26 = arith.constant 0 : i32
    %dma_wait3A_27 = tpu.memref_slice %arg2[%dma_wait3A_25, %dma_wait3A_26] : memref<10000x128xf32, #tpu.memory_space<hbm>> -> memref<10000x128xf32, #tpu.memory_space<hbm>>
    tpu.wait_indirect_dma semaphore(%arg15 : memref<!tpu.dma_semaphore, #tpu.memory_space<semaphore_mem>>) src(%dma_wait3A_27 : memref<10000x128xf32, #tpu.memory_space<hbm>>) dst(%arg12 : memref<80x128xf32, #tpu.memory_space<vmem>>)
    %add3A_28 = arith.constant 1920 : i32
    %add3A_29 = arith.addi %mul3A_2, %add3A_28 : i32
    %dma_start3A_30 = arith.constant 0 : i32
    %dma_start3A_31 = tpu.memref_slice %arg5[%add3A_29, %dma_start3A_30] : memref<64000x128xf32, #tpu.memory_space<hbm>> -> memref<80x128xf32, #tpu.memory_space<hbm>>
    %dma_start3A_32 = arith.constant 0 : i32
    %dma_start3A_33 = tpu.memref_slice %arg5[%add3A_29, %dma_start3A_32] : memref<64000x128xf32, #tpu.memory_space<hbm>> -> memref<80x128xf32, #tpu.memory_space<hbm>>
    tpu.enqueue_dma source(%arg11 : memref<80x128xf32, #tpu.memory_space<vmem>>) target(%dma_start3A_33 : memref<80x128xf32, #tpu.memory_space<hbm>>) target_semaphore(%arg17 : memref<!tpu.dma_semaphore, #tpu.memory_space<semaphore_mem>>)
    %dma_start3A_34 = arith.constant 0 : i32
    %dma_start3A_35 = tpu.memref_slice %arg6[%add3A_29, %dma_start3A_34] : memref<64000x128xf32, #tpu.memory_space<hbm>> -> memref<80x128xf32, #tpu.memory_space<hbm>>
    %dma_start3A_36 = arith.constant 0 : i32
    %dma_start3A_37 = tpu.memref_slice %arg6[%add3A_29, %dma_start3A_36] : memref<64000x128xf32, #tpu.memory_space<hbm>> -> memref<80x128xf32, #tpu.memory_space<hbm>>
    tpu.enqueue_dma source(%arg12 : memref<80x128xf32, #tpu.memory_space<vmem>>) target(%dma_start3A_37 : memref<80x128xf32, #tpu.memory_space<hbm>>) target_semaphore(%arg17 : memref<!tpu.dma_semaphore, #tpu.memory_space<semaphore_mem>>)
    %dma_wait3A_38 = arith.constant 0 : i32
    %dma_wait3A_39 = arith.constant 0 : i32
    %dma_wait3A_40 = tpu.memref_slice %arg5[%dma_wait3A_38, %dma_wait3A_39] : memref<64000x128xf32, #tpu.memory_space<hbm>> -> memref<80x128xf32, #tpu.memory_space<hbm>>
    %dma_wait3A_41 = arith.constant 0 : i32
    %dma_wait3A_42 = arith.constant 0 : i32
    %dma_wait3A_43 = tpu.memref_slice %arg5[%dma_wait3A_41, %dma_wait3A_42] : memref<64000x128xf32, #tpu.memory_space<hbm>> -> memref<80x128xf32, #tpu.memory_space<hbm>>
    tpu.wait_dma2 semaphore(%arg17 : memref<!tpu.dma_semaphore, #tpu.memory_space<semaphore_mem>>) src(%arg11 : memref<80x128xf32, #tpu.memory_space<vmem>>) dst(%dma_wait3A_43 : memref<80x128xf32, #tpu.memory_space<hbm>>)
    %dma_wait3A_44 = arith.constant 0 : i32
    %dma_wait3A_45 = arith.constant 0 : i32
    %dma_wait3A_46 = tpu.memref_slice %arg6[%dma_wait3A_44, %dma_wait3A_45] : memref<64000x128xf32, #tpu.memory_space<hbm>> -> memref<80x128xf32, #tpu.memory_space<hbm>>
    %dma_wait3A_47 = arith.constant 0 : i32
    %dma_wait3A_48 = arith.constant 0 : i32
    %dma_wait3A_49 = tpu.memref_slice %arg6[%dma_wait3A_47, %dma_wait3A_48] : memref<64000x128xf32, #tpu.memory_space<hbm>> -> memref<80x128xf32, #tpu.memory_space<hbm>>
    tpu.wait_dma2 semaphore(%arg17 : memref<!tpu.dma_semaphore, #tpu.memory_space<semaphore_mem>>) src(%arg12 : memref<80x128xf32, #tpu.memory_space<vmem>>) dst(%dma_wait3A_49 : memref<80x128xf32, #tpu.memory_space<hbm>>)
    return
  }
}

#map = affine_map<(d0, d1) -> (0, 0)>
#map1 = affine_map<(d0, d1) -> (0)>
module attributes {stable_mosaic.version = 14 : i64} {
  func.func @_sc_gather_body(%arg0: i32, %arg1: i32, %arg2: memref<10000x128xf32, #tpu.memory_space<hbm>>, %arg3: memref<64000xi32, #tpu.memory_space<hbm>>, %arg4: memref<64000xi32, #tpu.memory_space<hbm>>, %arg5: memref<64000x128xf32, #tpu.memory_space<hbm>>, %arg6: memref<64000x128xf32, #tpu.memory_space<hbm>>, %arg7: memref<80xi32, #tpu.memory_space<vmem>>, %arg8: memref<80xi32, #tpu.memory_space<vmem>>, %arg9: memref<80xi32, #tpu.memory_space<vmem>>, %arg10: memref<80xi32, #tpu.memory_space<vmem>>, %arg11: memref<80x128xf32, #tpu.memory_space<vmem>>, %arg12: memref<80x128xf32, #tpu.memory_space<vmem>>, %arg13: memref<80x128xf32, #tpu.memory_space<vmem>>, %arg14: memref<80x128xf32, #tpu.memory_space<vmem>>, %arg15: memref<!tpu.dma_semaphore, #tpu.memory_space<semaphore_mem>>, %arg16: memref<!tpu.dma_semaphore, #tpu.memory_space<semaphore_mem>>, %arg17: memref<!tpu.dma_semaphore, #tpu.memory_space<semaphore_mem>>, %arg18: memref<!tpu.dma_semaphore, #tpu.memory_space<semaphore_mem>>) attributes {dimension_semantics = [#tpu.dimension_semantics<core_parallel>, #tpu.dimension_semantics<subcore_parallel>], iteration_bounds = array<i64: 2, 16>, scalar_prefetch = 0 : i64, scratch_operands = 12 : i64, tpu.core_type = #tpu.core_type<sc_vector_subcore>, window_params = [{transform_indices = #map}, {transform_indices = #map1}, {transform_indices = #map1}, {transform_indices = #map}, {transform_indices = #map}]} {
    %mul3A = arith.constant 16 : i32
    %mul3A_0 = arith.muli %arg0, %mul3A : i32
    %add3A = arith.addi %mul3A_0, %arg1 : i32
    %mul3A_1 = arith.constant 2000 : i32
    %mul3A_2 = arith.muli %add3A, %mul3A_1 : i32
    %add3A_3 = arith.constant 0 : i32
    %add3A_4 = arith.addi %mul3A_2, %add3A_3 : i32
    "tpu.region"() ({
      %run_scoped3A = tpu.sem_alloc : memref<!tpu.dma_semaphore, #tpu.memory_space<semaphore_mem>>
      %dma_start3A_50 = tpu.memref_slice %arg3[%add3A_4] : memref<64000xi32, #tpu.memory_space<hbm>> -> memref<80xi32, #tpu.memory_space<hbm>>
      %dma_start3A_51 = tpu.memref_slice %arg3[%add3A_4] : memref<64000xi32, #tpu.memory_space<hbm>> -> memref<80xi32, #tpu.memory_space<hbm>>
      tpu.enqueue_dma source(%dma_start3A_51 : memref<80xi32, #tpu.memory_space<hbm>>) target(%arg7 : memref<80xi32, #tpu.memory_space<vmem>>) target_semaphore(%run_scoped3A : memref<!tpu.dma_semaphore, #tpu.memory_space<semaphore_mem>>)
      %dma_wait3A_52 = tpu.memref_slice %arg3[%add3A_4] : memref<64000xi32, #tpu.memory_space<hbm>> -> memref<80xi32, #tpu.memory_space<hbm>>
      %dma_wait3A_53 = tpu.memref_slice %arg3[%add3A_4] : memref<64000xi32, #tpu.memory_space<hbm>> -> memref<80xi32, #tpu.memory_space<hbm>>
      tpu.wait_dma2 semaphore(%run_scoped3A : memref<!tpu.dma_semaphore, #tpu.memory_space<semaphore_mem>>) src(%dma_wait3A_53 : memref<80xi32, #tpu.memory_space<hbm>>) dst(%arg7 : memref<80xi32, #tpu.memory_space<vmem>>)
      tpu.yield
    }) : () -> ()
    "tpu.region"() ({
      %run_scoped3A = tpu.sem_alloc : memref<!tpu.dma_semaphore, #tpu.memory_space<semaphore_mem>>
      %dma_start3A_50 = tpu.memref_slice %arg4[%add3A_4] : memref<64000xi32, #tpu.memory_space<hbm>> -> memref<80xi32, #tpu.memory_space<hbm>>
      %dma_start3A_51 = tpu.memref_slice %arg4[%add3A_4] : memref<64000xi32, #tpu.memory_space<hbm>> -> memref<80xi32, #tpu.memory_space<hbm>>
      tpu.enqueue_dma source(%dma_start3A_51 : memref<80xi32, #tpu.memory_space<hbm>>) target(%arg8 : memref<80xi32, #tpu.memory_space<vmem>>) target_semaphore(%run_scoped3A : memref<!tpu.dma_semaphore, #tpu.memory_space<semaphore_mem>>)
      %dma_wait3A_52 = tpu.memref_slice %arg4[%add3A_4] : memref<64000xi32, #tpu.memory_space<hbm>> -> memref<80xi32, #tpu.memory_space<hbm>>
      %dma_wait3A_53 = tpu.memref_slice %arg4[%add3A_4] : memref<64000xi32, #tpu.memory_space<hbm>> -> memref<80xi32, #tpu.memory_space<hbm>>
      tpu.wait_dma2 semaphore(%run_scoped3A : memref<!tpu.dma_semaphore, #tpu.memory_space<semaphore_mem>>) src(%dma_wait3A_53 : memref<80xi32, #tpu.memory_space<hbm>>) dst(%arg8 : memref<80xi32, #tpu.memory_space<vmem>>)
      tpu.yield
    }) : () -> ()
    %dma_start3A = arith.constant 0 : i32
    %dma_start3A_5 = arith.constant 0 : i32
    %dma_start3A_6 = tpu.memref_slice %arg2[%dma_start3A, %dma_start3A_5] : memref<10000x128xf32, #tpu.memory_space<hbm>> -> memref<10000x128xf32, #tpu.memory_space<hbm>>
    tpu.enqueue_indirect_dma source(%dma_start3A_6 : memref<10000x128xf32, #tpu.memory_space<hbm>>) target(%arg11 : memref<80x128xf32, #tpu.memory_space<vmem>>) offsets(%arg7 : memref<80xi32, #tpu.memory_space<vmem>>) semaphore(%arg15 : memref<!tpu.dma_semaphore, #tpu.memory_space<semaphore_mem>>)
    %dma_start3A_7 = arith.constant 0 : i32
    %dma_start3A_8 = arith.constant 0 : i32
    %dma_start3A_9 = tpu.memref_slice %arg2[%dma_start3A_7, %dma_start3A_8] : memref<10000x128xf32, #tpu.memory_space<hbm>> -> memref<10000x128xf32, #tpu.memory_space<hbm>>
    tpu.enqueue_indirect_dma source(%dma_start3A_9 : memref<10000x128xf32, #tpu.memory_space<hbm>>) target(%arg12 : memref<80x128xf32, #tpu.memory_space<vmem>>) offsets(%arg8 : memref<80xi32, #tpu.memory_space<vmem>>) semaphore(%arg15 : memref<!tpu.dma_semaphore, #tpu.memory_space<semaphore_mem>>)
    %add3A_10 = arith.constant 80 : i32
    %add3A_11 = arith.addi %mul3A_2, %add3A_10 : i32
    "tpu.region"() ({
      %run_scoped3A = tpu.sem_alloc : memref<!tpu.dma_semaphore, #tpu.memory_space<semaphore_mem>>
      %dma_start3A_50 = tpu.memref_slice %arg3[%add3A_11] : memref<64000xi32, #tpu.memory_space<hbm>> -> memref<80xi32, #tpu.memory_space<hbm>>
      %dma_start3A_51 = tpu.memref_slice %arg3[%add3A_11] : memref<64000xi32, #tpu.memory_space<hbm>> -> memref<80xi32, #tpu.memory_space<hbm>>
      tpu.enqueue_dma source(%dma_start3A_51 : memref<80xi32, #tpu.memory_space<hbm>>) target(%arg9 : memref<80xi32, #tpu.memory_space<vmem>>) target_semaphore(%run_scoped3A : memref<!tpu.dma_semaphore, #tpu.memory_space<semaphore_mem>>)
      %dma_wait3A_52 = tpu.memref_slice %arg3[%add3A_11] : memref<64000xi32, #tpu.memory_space<hbm>> -> memref<80xi32, #tpu.memory_space<hbm>>
      %dma_wait3A_53 = tpu.memref_slice %arg3[%add3A_11] : memref<64000xi32, #tpu.memory_space<hbm>> -> memref<80xi32, #tpu.memory_space<hbm>>
      tpu.wait_dma2 semaphore(%run_scoped3A : memref<!tpu.dma_semaphore, #tpu.memory_space<semaphore_mem>>) src(%dma_wait3A_53 : memref<80xi32, #tpu.memory_space<hbm>>) dst(%arg9 : memref<80xi32, #tpu.memory_space<vmem>>)
      tpu.yield
    }) : () -> ()
    "tpu.region"() ({
      %run_scoped3A = tpu.sem_alloc : memref<!tpu.dma_semaphore, #tpu.memory_space<semaphore_mem>>
      %dma_start3A_50 = tpu.memref_slice %arg4[%add3A_11] : memref<64000xi32, #tpu.memory_space<hbm>> -> memref<80xi32, #tpu.memory_space<hbm>>
      %dma_start3A_51 = tpu.memref_slice %arg4[%add3A_11] : memref<64000xi32, #tpu.memory_space<hbm>> -> memref<80xi32, #tpu.memory_space<hbm>>
      tpu.enqueue_dma source(%dma_start3A_51 : memref<80xi32, #tpu.memory_space<hbm>>) target(%arg10 : memref<80xi32, #tpu.memory_space<vmem>>) target_semaphore(%run_scoped3A : memref<!tpu.dma_semaphore, #tpu.memory_space<semaphore_mem>>)
      %dma_wait3A_52 = tpu.memref_slice %arg4[%add3A_11] : memref<64000xi32, #tpu.memory_space<hbm>> -> memref<80xi32, #tpu.memory_space<hbm>>
      %dma_wait3A_53 = tpu.memref_slice %arg4[%add3A_11] : memref<64000xi32, #tpu.memory_space<hbm>> -> memref<80xi32, #tpu.memory_space<hbm>>
      tpu.wait_dma2 semaphore(%run_scoped3A : memref<!tpu.dma_semaphore, #tpu.memory_space<semaphore_mem>>) src(%dma_wait3A_53 : memref<80xi32, #tpu.memory_space<hbm>>) dst(%arg10 : memref<80xi32, #tpu.memory_space<vmem>>)
      tpu.yield
    }) : () -> ()
    %dma_start3A_12 = arith.constant 0 : i32
    %dma_start3A_13 = arith.constant 0 : i32
    %dma_start3A_14 = tpu.memref_slice %arg2[%dma_start3A_12, %dma_start3A_13] : memref<10000x128xf32, #tpu.memory_space<hbm>> -> memref<10000x128xf32, #tpu.memory_space<hbm>>
    tpu.enqueue_indirect_dma source(%dma_start3A_14 : memref<10000x128xf32, #tpu.memory_space<hbm>>) target(%arg13 : memref<80x128xf32, #tpu.memory_space<vmem>>) offsets(%arg9 : memref<80xi32, #tpu.memory_space<vmem>>) semaphore(%arg16 : memref<!tpu.dma_semaphore, #tpu.memory_space<semaphore_mem>>)
    %dma_start3A_15 = arith.constant 0 : i32
    %dma_start3A_16 = arith.constant 0 : i32
    %dma_start3A_17 = tpu.memref_slice %arg2[%dma_start3A_15, %dma_start3A_16] : memref<10000x128xf32, #tpu.memory_space<hbm>> -> memref<10000x128xf32, #tpu.memory_space<hbm>>
    tpu.enqueue_indirect_dma source(%dma_start3A_17 : memref<10000x128xf32, #tpu.memory_space<hbm>>) target(%arg14 : memref<80x128xf32, #tpu.memory_space<vmem>>) offsets(%arg10 : memref<80xi32, #tpu.memory_space<vmem>>) semaphore(%arg16 : memref<!tpu.dma_semaphore, #tpu.memory_space<semaphore_mem>>)
    %scan3A = arith.constant 0 : i32
    %scan3A_18 = arith.constant 0 : i32
    %scan3A_19 = arith.constant 12 : i32
    %scan3A_20 = arith.addi %scan3A_18, %scan3A_19 : i32
    %scan3A_21 = arith.constant 1 : i32
    scf.for %scan3A_50 = %scan3A_18 to %scan3A_20 step %scan3A_21  : i32 {
      %mul3A_51 = arith.constant 2 : i32
      %mul3A_52 = arith.muli %mul3A_51, %scan3A_50 : i32
      %dma_wait3A_53 = arith.constant 0 : i32
      %dma_wait3A_54 = arith.constant 0 : i32
      %dma_wait3A_55 = tpu.memref_slice %arg2[%dma_wait3A_53, %dma_wait3A_54] : memref<10000x128xf32, #tpu.memory_space<hbm>> -> memref<10000x128xf32, #tpu.memory_space<hbm>>
      tpu.wait_indirect_dma semaphore(%arg15 : memref<!tpu.dma_semaphore, #tpu.memory_space<semaphore_mem>>) src(%dma_wait3A_55 : memref<10000x128xf32, #tpu.memory_space<hbm>>) dst(%arg11 : memref<80x128xf32, #tpu.memory_space<vmem>>)
      %dma_wait3A_56 = arith.constant 0 : i32
      %dma_wait3A_57 = arith.constant 0 : i32
      %dma_wait3A_58 = tpu.memref_slice %arg2[%dma_wait3A_56, %dma_wait3A_57] : memref<10000x128xf32, #tpu.memory_space<hbm>> -> memref<10000x128xf32, #tpu.memory_space<hbm>>
      tpu.wait_indirect_dma semaphore(%arg15 : memref<!tpu.dma_semaphore, #tpu.memory_space<semaphore_mem>>) src(%dma_wait3A_58 : memref<10000x128xf32, #tpu.memory_space<hbm>>) dst(%arg12 : memref<80x128xf32, #tpu.memory_space<vmem>>)
      %mul3A_59 = arith.constant 80 : i32
      %mul3A_60 = arith.muli %mul3A_52, %mul3A_59 : i32
      %add3A_61 = arith.addi %mul3A_2, %mul3A_60 : i32
      %dma_start3A_62 = arith.constant 0 : i32
      %dma_start3A_63 = tpu.memref_slice %arg5[%add3A_61, %dma_start3A_62] : memref<64000x128xf32, #tpu.memory_space<hbm>> -> memref<80x128xf32, #tpu.memory_space<hbm>>
      %dma_start3A_64 = arith.constant 0 : i32
      %dma_start3A_65 = tpu.memref_slice %arg5[%add3A_61, %dma_start3A_64] : memref<64000x128xf32, #tpu.memory_space<hbm>> -> memref<80x128xf32, #tpu.memory_space<hbm>>
      tpu.enqueue_dma source(%arg11 : memref<80x128xf32, #tpu.memory_space<vmem>>) target(%dma_start3A_65 : memref<80x128xf32, #tpu.memory_space<hbm>>) target_semaphore(%arg17 : memref<!tpu.dma_semaphore, #tpu.memory_space<semaphore_mem>>)
      %dma_start3A_66 = arith.constant 0 : i32
      %dma_start3A_67 = tpu.memref_slice %arg6[%add3A_61, %dma_start3A_66] : memref<64000x128xf32, #tpu.memory_space<hbm>> -> memref<80x128xf32, #tpu.memory_space<hbm>>
      %dma_start3A_68 = arith.constant 0 : i32
      %dma_start3A_69 = tpu.memref_slice %arg6[%add3A_61, %dma_start3A_68] : memref<64000x128xf32, #tpu.memory_space<hbm>> -> memref<80x128xf32, #tpu.memory_space<hbm>>
      tpu.enqueue_dma source(%arg12 : memref<80x128xf32, #tpu.memory_space<vmem>>) target(%dma_start3A_69 : memref<80x128xf32, #tpu.memory_space<hbm>>) target_semaphore(%arg17 : memref<!tpu.dma_semaphore, #tpu.memory_space<semaphore_mem>>)
      %dma_wait3A_70 = arith.constant 0 : i32
      %dma_wait3A_71 = arith.constant 0 : i32
      %dma_wait3A_72 = tpu.memref_slice %arg2[%dma_wait3A_70, %dma_wait3A_71] : memref<10000x128xf32, #tpu.memory_space<hbm>> -> memref<10000x128xf32, #tpu.memory_space<hbm>>
      tpu.wait_indirect_dma semaphore(%arg16 : memref<!tpu.dma_semaphore, #tpu.memory_space<semaphore_mem>>) src(%dma_wait3A_72 : memref<10000x128xf32, #tpu.memory_space<hbm>>) dst(%arg13 : memref<80x128xf32, #tpu.memory_space<vmem>>)
      %dma_wait3A_73 = arith.constant 0 : i32
      %dma_wait3A_74 = arith.constant 0 : i32
      %dma_wait3A_75 = tpu.memref_slice %arg2[%dma_wait3A_73, %dma_wait3A_74] : memref<10000x128xf32, #tpu.memory_space<hbm>> -> memref<10000x128xf32, #tpu.memory_space<hbm>>
      tpu.wait_indirect_dma semaphore(%arg16 : memref<!tpu.dma_semaphore, #tpu.memory_space<semaphore_mem>>) src(%dma_wait3A_75 : memref<10000x128xf32, #tpu.memory_space<hbm>>) dst(%arg14 : memref<80x128xf32, #tpu.memory_space<vmem>>)
      %add3A_76 = arith.constant 1 : i32
      %add3A_77 = arith.addi %mul3A_52, %add3A_76 : i32
      %mul3A_78 = arith.constant 80 : i32
      %mul3A_79 = arith.muli %add3A_77, %mul3A_78 : i32
      %add3A_80 = arith.addi %mul3A_2, %mul3A_79 : i32
      %dma_start3A_81 = arith.constant 0 : i32
      %dma_start3A_82 = tpu.memref_slice %arg5[%add3A_80, %dma_start3A_81] : memref<64000x128xf32, #tpu.memory_space<hbm>> -> memref<80x128xf32, #tpu.memory_space<hbm>>
      %dma_start3A_83 = arith.constant 0 : i32
      %dma_start3A_84 = tpu.memref_slice %arg5[%add3A_80, %dma_start3A_83] : memref<64000x128xf32, #tpu.memory_space<hbm>> -> memref<80x128xf32, #tpu.memory_space<hbm>>
      tpu.enqueue_dma source(%arg13 : memref<80x128xf32, #tpu.memory_space<vmem>>) target(%dma_start3A_84 : memref<80x128xf32, #tpu.memory_space<hbm>>) target_semaphore(%arg18 : memref<!tpu.dma_semaphore, #tpu.memory_space<semaphore_mem>>)
      %dma_start3A_85 = arith.constant 0 : i32
      %dma_start3A_86 = tpu.memref_slice %arg6[%add3A_80, %dma_start3A_85] : memref<64000x128xf32, #tpu.memory_space<hbm>> -> memref<80x128xf32, #tpu.memory_space<hbm>>
      %dma_start3A_87 = arith.constant 0 : i32
      %dma_start3A_88 = tpu.memref_slice %arg6[%add3A_80, %dma_start3A_87] : memref<64000x128xf32, #tpu.memory_space<hbm>> -> memref<80x128xf32, #tpu.memory_space<hbm>>
      tpu.enqueue_dma source(%arg14 : memref<80x128xf32, #tpu.memory_space<vmem>>) target(%dma_start3A_88 : memref<80x128xf32, #tpu.memory_space<hbm>>) target_semaphore(%arg18 : memref<!tpu.dma_semaphore, #tpu.memory_space<semaphore_mem>>)
      %dma_wait3A_89 = arith.constant 0 : i32
      %dma_wait3A_90 = arith.constant 0 : i32
      %dma_wait3A_91 = tpu.memref_slice %arg5[%dma_wait3A_89, %dma_wait3A_90] : memref<64000x128xf32, #tpu.memory_space<hbm>> -> memref<80x128xf32, #tpu.memory_space<hbm>>
      %dma_wait3A_92 = arith.constant 0 : i32
      %dma_wait3A_93 = arith.constant 0 : i32
      %dma_wait3A_94 = tpu.memref_slice %arg5[%dma_wait3A_92, %dma_wait3A_93] : memref<64000x128xf32, #tpu.memory_space<hbm>> -> memref<80x128xf32, #tpu.memory_space<hbm>>
      tpu.wait_dma2 semaphore(%arg17 : memref<!tpu.dma_semaphore, #tpu.memory_space<semaphore_mem>>) src(%arg11 : memref<80x128xf32, #tpu.memory_space<vmem>>) dst(%dma_wait3A_94 : memref<80x128xf32, #tpu.memory_space<hbm>>)
      %dma_wait3A_95 = arith.constant 0 : i32
      %dma_wait3A_96 = arith.constant 0 : i32
      %dma_wait3A_97 = tpu.memref_slice %arg6[%dma_wait3A_95, %dma_wait3A_96] : memref<64000x128xf32, #tpu.memory_space<hbm>> -> memref<80x128xf32, #tpu.memory_space<hbm>>
      %dma_wait3A_98 = arith.constant 0 : i32
      %dma_wait3A_99 = arith.constant 0 : i32
      %dma_wait3A_100 = tpu.memref_slice %arg6[%dma_wait3A_98, %dma_wait3A_99] : memref<64000x128xf32, #tpu.memory_space<hbm>> -> memref<80x128xf32, #tpu.memory_space<hbm>>
      tpu.wait_dma2 semaphore(%arg17 : memref<!tpu.dma_semaphore, #tpu.memory_space<semaphore_mem>>) src(%arg12 : memref<80x128xf32, #tpu.memory_space<vmem>>) dst(%dma_wait3A_100 : memref<80x128xf32, #tpu.memory_space<hbm>>)
      %add3A_101 = arith.constant 2 : i32
      %add3A_102 = arith.addi %mul3A_52, %add3A_101 : i32
      %mul3A_103 = arith.constant 80 : i32
      %mul3A_104 = arith.muli %add3A_102, %mul3A_103 : i32
      %add3A_105 = arith.addi %mul3A_2, %mul3A_104 : i32
      "tpu.region"() ({
        %run_scoped3A = tpu.sem_alloc : memref<!tpu.dma_semaphore, #tpu.memory_space<semaphore_mem>>
        %dma_start3A_126 = tpu.memref_slice %arg3[%add3A_105] : memref<64000xi32, #tpu.memory_space<hbm>> -> memref<80xi32, #tpu.memory_space<hbm>>
        %dma_start3A_127 = tpu.memref_slice %arg3[%add3A_105] : memref<64000xi32, #tpu.memory_space<hbm>> -> memref<80xi32, #tpu.memory_space<hbm>>
        tpu.enqueue_dma source(%dma_start3A_127 : memref<80xi32, #tpu.memory_space<hbm>>) target(%arg7 : memref<80xi32, #tpu.memory_space<vmem>>) target_semaphore(%run_scoped3A : memref<!tpu.dma_semaphore, #tpu.memory_space<semaphore_mem>>)
        %dma_wait3A_128 = tpu.memref_slice %arg3[%add3A_105] : memref<64000xi32, #tpu.memory_space<hbm>> -> memref<80xi32, #tpu.memory_space<hbm>>
        %dma_wait3A_129 = tpu.memref_slice %arg3[%add3A_105] : memref<64000xi32, #tpu.memory_space<hbm>> -> memref<80xi32, #tpu.memory_space<hbm>>
        tpu.wait_dma2 semaphore(%run_scoped3A : memref<!tpu.dma_semaphore, #tpu.memory_space<semaphore_mem>>) src(%dma_wait3A_129 : memref<80xi32, #tpu.memory_space<hbm>>) dst(%arg7 : memref<80xi32, #tpu.memory_space<vmem>>)
        tpu.yield
      }) : () -> ()
      "tpu.region"() ({
        %run_scoped3A = tpu.sem_alloc : memref<!tpu.dma_semaphore, #tpu.memory_space<semaphore_mem>>
        %dma_start3A_126 = tpu.memref_slice %arg4[%add3A_105] : memref<64000xi32, #tpu.memory_space<hbm>> -> memref<80xi32, #tpu.memory_space<hbm>>
        %dma_start3A_127 = tpu.memref_slice %arg4[%add3A_105] : memref<64000xi32, #tpu.memory_space<hbm>> -> memref<80xi32, #tpu.memory_space<hbm>>
        tpu.enqueue_dma source(%dma_start3A_127 : memref<80xi32, #tpu.memory_space<hbm>>) target(%arg8 : memref<80xi32, #tpu.memory_space<vmem>>) target_semaphore(%run_scoped3A : memref<!tpu.dma_semaphore, #tpu.memory_space<semaphore_mem>>)
        %dma_wait3A_128 = tpu.memref_slice %arg4[%add3A_105] : memref<64000xi32, #tpu.memory_space<hbm>> -> memref<80xi32, #tpu.memory_space<hbm>>
        %dma_wait3A_129 = tpu.memref_slice %arg4[%add3A_105] : memref<64000xi32, #tpu.memory_space<hbm>> -> memref<80xi32, #tpu.memory_space<hbm>>
        tpu.wait_dma2 semaphore(%run_scoped3A : memref<!tpu.dma_semaphore, #tpu.memory_space<semaphore_mem>>) src(%dma_wait3A_129 : memref<80xi32, #tpu.memory_space<hbm>>) dst(%arg8 : memref<80xi32, #tpu.memory_space<vmem>>)
        tpu.yield
      }) : () -> ()
      %dma_start3A_106 = arith.constant 0 : i32
      %dma_start3A_107 = arith.constant 0 : i32
      %dma_start3A_108 = tpu.memref_slice %arg2[%dma_start3A_106, %dma_start3A_107] : memref<10000x128xf32, #tpu.memory_space<hbm>> -> memref<10000x128xf32, #tpu.memory_space<hbm>>
      tpu.enqueue_indirect_dma source(%dma_start3A_108 : memref<10000x128xf32, #tpu.memory_space<hbm>>) target(%arg11 : memref<80x128xf32, #tpu.memory_space<vmem>>) offsets(%arg7 : memref<80xi32, #tpu.memory_space<vmem>>) semaphore(%arg15 : memref<!tpu.dma_semaphore, #tpu.memory_space<semaphore_mem>>)
      %dma_start3A_109 = arith.constant 0 : i32
      %dma_start3A_110 = arith.constant 0 : i32
      %dma_start3A_111 = tpu.memref_slice %arg2[%dma_start3A_109, %dma_start3A_110] : memref<10000x128xf32, #tpu.memory_space<hbm>> -> memref<10000x128xf32, #tpu.memory_space<hbm>>
      tpu.enqueue_indirect_dma source(%dma_start3A_111 : memref<10000x128xf32, #tpu.memory_space<hbm>>) target(%arg12 : memref<80x128xf32, #tpu.memory_space<vmem>>) offsets(%arg8 : memref<80xi32, #tpu.memory_space<vmem>>) semaphore(%arg15 : memref<!tpu.dma_semaphore, #tpu.memory_space<semaphore_mem>>)
      %dma_wait3A_112 = arith.constant 0 : i32
      %dma_wait3A_113 = arith.constant 0 : i32
      %dma_wait3A_114 = tpu.memref_slice %arg5[%dma_wait3A_112, %dma_wait3A_113] : memref<64000x128xf32, #tpu.memory_space<hbm>> -> memref<80x128xf32, #tpu.memory_space<hbm>>
      %dma_wait3A_115 = arith.constant 0 : i32
      %dma_wait3A_116 = arith.constant 0 : i32
      %dma_wait3A_117 = tpu.memref_slice %arg5[%dma_wait3A_115, %dma_wait3A_116] : memref<64000x128xf32, #tpu.memory_space<hbm>> -> memref<80x128xf32, #tpu.memory_space<hbm>>
      tpu.wait_dma2 semaphore(%arg18 : memref<!tpu.dma_semaphore, #tpu.memory_space<semaphore_mem>>) src(%arg13 : memref<80x128xf32, #tpu.memory_space<vmem>>) dst(%dma_wait3A_117 : memref<80x128xf32, #tpu.memory_space<hbm>>)
      %dma_wait3A_118 = arith.constant 0 : i32
      %dma_wait3A_119 = arith.constant 0 : i32
      %dma_wait3A_120 = tpu.memref_slice %arg6[%dma_wait3A_118, %dma_wait3A_119] : memref<64000x128xf32, #tpu.memory_space<hbm>> -> memref<80x128xf32, #tpu.memory_space<hbm>>
      %dma_wait3A_121 = arith.constant 0 : i32
      %dma_wait3A_122 = arith.constant 0 : i32
      %dma_wait3A_123 = tpu.memref_slice %arg6[%dma_wait3A_121, %dma_wait3A_122] : memref<64000x128xf32, #tpu.memory_space<hbm>> -> memref<80x128xf32, #tpu.memory_space<hbm>>
      tpu.wait_dma2 semaphore(%arg18 : memref<!tpu.dma_semaphore, #tpu.memory_space<semaphore_mem>>) src(%arg14 : memref<80x128xf32, #tpu.memory_space<vmem>>) dst(%dma_wait3A_123 : memref<80x128xf32, #tpu.memory_space<hbm>>)
      %lt3A = arith.constant 11 : i32
      %lt3A_124 = arith.cmpi slt, %scan3A_50, %lt3A : i32
      %convert_element_type3A = arith.extui %lt3A_124 : i1 to i32
      %cond3A = arith.constant 0 : i32
      %cond3A_125 = arith.cmpi ne, %convert_element_type3A, %cond3A : i32
      scf.if %cond3A_125 {
        %add3A_126 = arith.constant 3 : i32
        %add3A_127 = arith.addi %mul3A_52, %add3A_126 : i32
        %mul3A_128 = arith.constant 80 : i32
        %mul3A_129 = arith.muli %add3A_127, %mul3A_128 : i32
        %add3A_130 = arith.addi %mul3A_2, %mul3A_129 : i32
        "tpu.region"() ({
          %run_scoped3A = tpu.sem_alloc : memref<!tpu.dma_semaphore, #tpu.memory_space<semaphore_mem>>
          %dma_start3A_137 = tpu.memref_slice %arg3[%add3A_130] : memref<64000xi32, #tpu.memory_space<hbm>> -> memref<80xi32, #tpu.memory_space<hbm>>
          %dma_start3A_138 = tpu.memref_slice %arg3[%add3A_130] : memref<64000xi32, #tpu.memory_space<hbm>> -> memref<80xi32, #tpu.memory_space<hbm>>
          tpu.enqueue_dma source(%dma_start3A_138 : memref<80xi32, #tpu.memory_space<hbm>>) target(%arg9 : memref<80xi32, #tpu.memory_space<vmem>>) target_semaphore(%run_scoped3A : memref<!tpu.dma_semaphore, #tpu.memory_space<semaphore_mem>>)
          %dma_wait3A_139 = tpu.memref_slice %arg3[%add3A_130] : memref<64000xi32, #tpu.memory_space<hbm>> -> memref<80xi32, #tpu.memory_space<hbm>>
          %dma_wait3A_140 = tpu.memref_slice %arg3[%add3A_130] : memref<64000xi32, #tpu.memory_space<hbm>> -> memref<80xi32, #tpu.memory_space<hbm>>
          tpu.wait_dma2 semaphore(%run_scoped3A : memref<!tpu.dma_semaphore, #tpu.memory_space<semaphore_mem>>) src(%dma_wait3A_140 : memref<80xi32, #tpu.memory_space<hbm>>) dst(%arg9 : memref<80xi32, #tpu.memory_space<vmem>>)
          tpu.yield
        }) : () -> ()
        "tpu.region"() ({
          %run_scoped3A = tpu.sem_alloc : memref<!tpu.dma_semaphore, #tpu.memory_space<semaphore_mem>>
          %dma_start3A_137 = tpu.memref_slice %arg4[%add3A_130] : memref<64000xi32, #tpu.memory_space<hbm>> -> memref<80xi32, #tpu.memory_space<hbm>>
          %dma_start3A_138 = tpu.memref_slice %arg4[%add3A_130] : memref<64000xi32, #tpu.memory_space<hbm>> -> memref<80xi32, #tpu.memory_space<hbm>>
          tpu.enqueue_dma source(%dma_start3A_138 : memref<80xi32, #tpu.memory_space<hbm>>) target(%arg10 : memref<80xi32, #tpu.memory_space<vmem>>) target_semaphore(%run_scoped3A : memref<!tpu.dma_semaphore, #tpu.memory_space<semaphore_mem>>)
          %dma_wait3A_139 = tpu.memref_slice %arg4[%add3A_130] : memref<64000xi32, #tpu.memory_space<hbm>> -> memref<80xi32, #tpu.memory_space<hbm>>
          %dma_wait3A_140 = tpu.memref_slice %arg4[%add3A_130] : memref<64000xi32, #tpu.memory_space<hbm>> -> memref<80xi32, #tpu.memory_space<hbm>>
          tpu.wait_dma2 semaphore(%run_scoped3A : memref<!tpu.dma_semaphore, #tpu.memory_space<semaphore_mem>>) src(%dma_wait3A_140 : memref<80xi32, #tpu.memory_space<hbm>>) dst(%arg10 : memref<80xi32, #tpu.memory_space<vmem>>)
          tpu.yield
        }) : () -> ()
        %dma_start3A_131 = arith.constant 0 : i32
        %dma_start3A_132 = arith.constant 0 : i32
        %dma_start3A_133 = tpu.memref_slice %arg2[%dma_start3A_131, %dma_start3A_132] : memref<10000x128xf32, #tpu.memory_space<hbm>> -> memref<10000x128xf32, #tpu.memory_space<hbm>>
        tpu.enqueue_indirect_dma source(%dma_start3A_133 : memref<10000x128xf32, #tpu.memory_space<hbm>>) target(%arg13 : memref<80x128xf32, #tpu.memory_space<vmem>>) offsets(%arg9 : memref<80xi32, #tpu.memory_space<vmem>>) semaphore(%arg16 : memref<!tpu.dma_semaphore, #tpu.memory_space<semaphore_mem>>)
        %dma_start3A_134 = arith.constant 0 : i32
        %dma_start3A_135 = arith.constant 0 : i32
        %dma_start3A_136 = tpu.memref_slice %arg2[%dma_start3A_134, %dma_start3A_135] : memref<10000x128xf32, #tpu.memory_space<hbm>> -> memref<10000x128xf32, #tpu.memory_space<hbm>>
        tpu.enqueue_indirect_dma source(%dma_start3A_136 : memref<10000x128xf32, #tpu.memory_space<hbm>>) target(%arg14 : memref<80x128xf32, #tpu.memory_space<vmem>>) offsets(%arg10 : memref<80xi32, #tpu.memory_space<vmem>>) semaphore(%arg16 : memref<!tpu.dma_semaphore, #tpu.memory_space<semaphore_mem>>)
      } else {
      }
    }
    %scan3A_22 = arith.constant 12 : i32
    %dma_wait3A = arith.constant 0 : i32
    %dma_wait3A_23 = arith.constant 0 : i32
    %dma_wait3A_24 = tpu.memref_slice %arg2[%dma_wait3A, %dma_wait3A_23] : memref<10000x128xf32, #tpu.memory_space<hbm>> -> memref<10000x128xf32, #tpu.memory_space<hbm>>
    tpu.wait_indirect_dma semaphore(%arg15 : memref<!tpu.dma_semaphore, #tpu.memory_space<semaphore_mem>>) src(%dma_wait3A_24 : memref<10000x128xf32, #tpu.memory_space<hbm>>) dst(%arg11 : memref<80x128xf32, #tpu.memory_space<vmem>>)
    %dma_wait3A_25 = arith.constant 0 : i32
    %dma_wait3A_26 = arith.constant 0 : i32
    %dma_wait3A_27 = tpu.memref_slice %arg2[%dma_wait3A_25, %dma_wait3A_26] : memref<10000x128xf32, #tpu.memory_space<hbm>> -> memref<10000x128xf32, #tpu.memory_space<hbm>>
    tpu.wait_indirect_dma semaphore(%arg15 : memref<!tpu.dma_semaphore, #tpu.memory_space<semaphore_mem>>) src(%dma_wait3A_27 : memref<10000x128xf32, #tpu.memory_space<hbm>>) dst(%arg12 : memref<80x128xf32, #tpu.memory_space<vmem>>)
    %add3A_28 = arith.constant 1920 : i32
    %add3A_29 = arith.addi %mul3A_2, %add3A_28 : i32
    %dma_start3A_30 = arith.constant 0 : i32
    %dma_start3A_31 = tpu.memref_slice %arg5[%add3A_29, %dma_start3A_30] : memref<64000x128xf32, #tpu.memory_space<hbm>> -> memref<80x128xf32, #tpu.memory_space<hbm>>
    %dma_start3A_32 = arith.constant 0 : i32
    %dma_start3A_33 = tpu.memref_slice %arg5[%add3A_29, %dma_start3A_32] : memref<64000x128xf32, #tpu.memory_space<hbm>> -> memref<80x128xf32, #tpu.memory_space<hbm>>
    tpu.enqueue_dma source(%arg11 : memref<80x128xf32, #tpu.memory_space<vmem>>) target(%dma_start3A_33 : memref<80x128xf32, #tpu.memory_space<hbm>>) target_semaphore(%arg17 : memref<!tpu.dma_semaphore, #tpu.memory_space<semaphore_mem>>)
    %dma_start3A_34 = arith.constant 0 : i32
    %dma_start3A_35 = tpu.memref_slice %arg6[%add3A_29, %dma_start3A_34] : memref<64000x128xf32, #tpu.memory_space<hbm>> -> memref<80x128xf32, #tpu.memory_space<hbm>>
    %dma_start3A_36 = arith.constant 0 : i32
    %dma_start3A_37 = tpu.memref_slice %arg6[%add3A_29, %dma_start3A_36] : memref<64000x128xf32, #tpu.memory_space<hbm>> -> memref<80x128xf32, #tpu.memory_space<hbm>>
    tpu.enqueue_dma source(%arg12 : memref<80x128xf32, #tpu.memory_space<vmem>>) target(%dma_start3A_37 : memref<80x128xf32, #tpu.memory_space<hbm>>) target_semaphore(%arg17 : memref<!tpu.dma_semaphore, #tpu.memory_space<semaphore_mem>>)
    %dma_wait3A_38 = arith.constant 0 : i32
    %dma_wait3A_39 = arith.constant 0 : i32
    %dma_wait3A_40 = tpu.memref_slice %arg5[%dma_wait3A_38, %dma_wait3A_39] : memref<64000x128xf32, #tpu.memory_space<hbm>> -> memref<80x128xf32, #tpu.memory_space<hbm>>
    %dma_wait3A_41 = arith.constant 0 : i32
    %dma_wait3A_42 = arith.constant 0 : i32
    %dma_wait3A_43 = tpu.memref_slice %arg5[%dma_wait3A_41, %dma_wait3A_42] : memref<64000x128xf32, #tpu.memory_space<hbm>> -> memref<80x128xf32, #tpu.memory_space<hbm>>
    tpu.wait_dma2 semaphore(%arg17 : memref<!tpu.dma_semaphore, #tpu.memory_space<semaphore_mem>>) src(%arg11 : memref<80x128xf32, #tpu.memory_space<vmem>>) dst(%dma_wait3A_43 : memref<80x128xf32, #tpu.memory_space<hbm>>)
    %dma_wait3A_44 = arith.constant 0 : i32
    %dma_wait3A_45 = arith.constant 0 : i32
    %dma_wait3A_46 = tpu.memref_slice %arg6[%dma_wait3A_44, %dma_wait3A_45] : memref<64000x128xf32, #tpu.memory_space<hbm>> -> memref<80x128xf32, #tpu.memory_space<hbm>>
    %dma_wait3A_47 = arith.constant 0 : i32
    %dma_wait3A_48 = arith.constant 0 : i32
    %dma_wait3A_49 = tpu.memref_slice %arg6[%dma_wait3A_47, %dma_wait3A_48] : memref<64000x128xf32, #tpu.memory_space<hbm>> -> memref<80x128xf32, #tpu.memory_space<hbm>>
    tpu.wait_dma2 semaphore(%arg17 : memref<!tpu.dma_semaphore, #tpu.memory_space<semaphore_mem>>) src(%arg12 : memref<80x128xf32, #tpu.memory_space<vmem>>) dst(%dma_wait3A_49 : memref<80x128xf32, #tpu.memory_space<hbm>>)
    return
  }
}

#map = affine_map<(d0, d1) -> (0, 0)>
#map1 = affine_map<(d0, d1) -> (0)>
module attributes {stable_mosaic.version = 14 : i64} {
  func.func @_sc_gather_body(%arg0: i32, %arg1: i32, %arg2: memref<10000x128xf32, #tpu.memory_space<hbm>>, %arg3: memref<64000xi32, #tpu.memory_space<hbm>>, %arg4: memref<64000xi32, #tpu.memory_space<hbm>>, %arg5: memref<64000x128xf32, #tpu.memory_space<hbm>>, %arg6: memref<64000x128xf32, #tpu.memory_space<hbm>>, %arg7: memref<80xi32, #tpu.memory_space<vmem>>, %arg8: memref<80xi32, #tpu.memory_space<vmem>>, %arg9: memref<80xi32, #tpu.memory_space<vmem>>, %arg10: memref<80xi32, #tpu.memory_space<vmem>>, %arg11: memref<80x128xf32, #tpu.memory_space<vmem>>, %arg12: memref<80x128xf32, #tpu.memory_space<vmem>>, %arg13: memref<80x128xf32, #tpu.memory_space<vmem>>, %arg14: memref<80x128xf32, #tpu.memory_space<vmem>>, %arg15: memref<!tpu.dma_semaphore, #tpu.memory_space<semaphore_mem>>, %arg16: memref<!tpu.dma_semaphore, #tpu.memory_space<semaphore_mem>>, %arg17: memref<!tpu.dma_semaphore, #tpu.memory_space<semaphore_mem>>, %arg18: memref<!tpu.dma_semaphore, #tpu.memory_space<semaphore_mem>>) attributes {dimension_semantics = [#tpu.dimension_semantics<core_parallel>, #tpu.dimension_semantics<subcore_parallel>], iteration_bounds = array<i64: 2, 16>, scalar_prefetch = 0 : i64, scratch_operands = 12 : i64, tpu.core_type = #tpu.core_type<sc_vector_subcore>, window_params = [{transform_indices = #map}, {transform_indices = #map1}, {transform_indices = #map1}, {transform_indices = #map}, {transform_indices = #map}]} {
    %mul3A = arith.constant 16 : i32
    %mul3A_0 = arith.muli %arg0, %mul3A : i32
    %add3A = arith.addi %mul3A_0, %arg1 : i32
    %mul3A_1 = arith.constant 2000 : i32
    %mul3A_2 = arith.muli %add3A, %mul3A_1 : i32
    %add3A_3 = arith.constant 0 : i32
    %add3A_4 = arith.addi %mul3A_2, %add3A_3 : i32
    "tpu.region"() ({
      %run_scoped3A = tpu.sem_alloc : memref<!tpu.dma_semaphore, #tpu.memory_space<semaphore_mem>>
      %dma_start3A_50 = tpu.memref_slice %arg3[%add3A_4] : memref<64000xi32, #tpu.memory_space<hbm>> -> memref<80xi32, #tpu.memory_space<hbm>>
      %dma_start3A_51 = tpu.memref_slice %arg3[%add3A_4] : memref<64000xi32, #tpu.memory_space<hbm>> -> memref<80xi32, #tpu.memory_space<hbm>>
      tpu.enqueue_dma source(%dma_start3A_51 : memref<80xi32, #tpu.memory_space<hbm>>) target(%arg7 : memref<80xi32, #tpu.memory_space<vmem>>) target_semaphore(%run_scoped3A : memref<!tpu.dma_semaphore, #tpu.memory_space<semaphore_mem>>)
      %dma_wait3A_52 = tpu.memref_slice %arg3[%add3A_4] : memref<64000xi32, #tpu.memory_space<hbm>> -> memref<80xi32, #tpu.memory_space<hbm>>
      %dma_wait3A_53 = tpu.memref_slice %arg3[%add3A_4] : memref<64000xi32, #tpu.memory_space<hbm>> -> memref<80xi32, #tpu.memory_space<hbm>>
      tpu.wait_dma2 semaphore(%run_scoped3A : memref<!tpu.dma_semaphore, #tpu.memory_space<semaphore_mem>>) src(%dma_wait3A_53 : memref<80xi32, #tpu.memory_space<hbm>>) dst(%arg7 : memref<80xi32, #tpu.memory_space<vmem>>)
      tpu.yield
    }) : () -> ()
    "tpu.region"() ({
      %run_scoped3A = tpu.sem_alloc : memref<!tpu.dma_semaphore, #tpu.memory_space<semaphore_mem>>
      %dma_start3A_50 = tpu.memref_slice %arg4[%add3A_4] : memref<64000xi32, #tpu.memory_space<hbm>> -> memref<80xi32, #tpu.memory_space<hbm>>
      %dma_start3A_51 = tpu.memref_slice %arg4[%add3A_4] : memref<64000xi32, #tpu.memory_space<hbm>> -> memref<80xi32, #tpu.memory_space<hbm>>
      tpu.enqueue_dma source(%dma_start3A_51 : memref<80xi32, #tpu.memory_space<hbm>>) target(%arg8 : memref<80xi32, #tpu.memory_space<vmem>>) target_semaphore(%run_scoped3A : memref<!tpu.dma_semaphore, #tpu.memory_space<semaphore_mem>>)
      %dma_wait3A_52 = tpu.memref_slice %arg4[%add3A_4] : memref<64000xi32, #tpu.memory_space<hbm>> -> memref<80xi32, #tpu.memory_space<hbm>>
      %dma_wait3A_53 = tpu.memref_slice %arg4[%add3A_4] : memref<64000xi32, #tpu.memory_space<hbm>> -> memref<80xi32, #tpu.memory_space<hbm>>
      tpu.wait_dma2 semaphore(%run_scoped3A : memref<!tpu.dma_semaphore, #tpu.memory_space<semaphore_mem>>) src(%dma_wait3A_53 : memref<80xi32, #tpu.memory_space<hbm>>) dst(%arg8 : memref<80xi32, #tpu.memory_space<vmem>>)
      tpu.yield
    }) : () -> ()
    %dma_start3A = arith.constant 0 : i32
    %dma_start3A_5 = arith.constant 0 : i32
    %dma_start3A_6 = tpu.memref_slice %arg2[%dma_start3A, %dma_start3A_5] : memref<10000x128xf32, #tpu.memory_space<hbm>> -> memref<10000x128xf32, #tpu.memory_space<hbm>>
    tpu.enqueue_indirect_dma source(%dma_start3A_6 : memref<10000x128xf32, #tpu.memory_space<hbm>>) target(%arg11 : memref<80x128xf32, #tpu.memory_space<vmem>>) offsets(%arg7 : memref<80xi32, #tpu.memory_space<vmem>>) semaphore(%arg15 : memref<!tpu.dma_semaphore, #tpu.memory_space<semaphore_mem>>)
    %dma_start3A_7 = arith.constant 0 : i32
    %dma_start3A_8 = arith.constant 0 : i32
    %dma_start3A_9 = tpu.memref_slice %arg2[%dma_start3A_7, %dma_start3A_8] : memref<10000x128xf32, #tpu.memory_space<hbm>> -> memref<10000x128xf32, #tpu.memory_space<hbm>>
    tpu.enqueue_indirect_dma source(%dma_start3A_9 : memref<10000x128xf32, #tpu.memory_space<hbm>>) target(%arg12 : memref<80x128xf32, #tpu.memory_space<vmem>>) offsets(%arg8 : memref<80xi32, #tpu.memory_space<vmem>>) semaphore(%arg15 : memref<!tpu.dma_semaphore, #tpu.memory_space<semaphore_mem>>)
    %add3A_10 = arith.constant 80 : i32
    %add3A_11 = arith.addi %mul3A_2, %add3A_10 : i32
    "tpu.region"() ({
      %run_scoped3A = tpu.sem_alloc : memref<!tpu.dma_semaphore, #tpu.memory_space<semaphore_mem>>
      %dma_start3A_50 = tpu.memref_slice %arg3[%add3A_11] : memref<64000xi32, #tpu.memory_space<hbm>> -> memref<80xi32, #tpu.memory_space<hbm>>
      %dma_start3A_51 = tpu.memref_slice %arg3[%add3A_11] : memref<64000xi32, #tpu.memory_space<hbm>> -> memref<80xi32, #tpu.memory_space<hbm>>
      tpu.enqueue_dma source(%dma_start3A_51 : memref<80xi32, #tpu.memory_space<hbm>>) target(%arg9 : memref<80xi32, #tpu.memory_space<vmem>>) target_semaphore(%run_scoped3A : memref<!tpu.dma_semaphore, #tpu.memory_space<semaphore_mem>>)
      %dma_wait3A_52 = tpu.memref_slice %arg3[%add3A_11] : memref<64000xi32, #tpu.memory_space<hbm>> -> memref<80xi32, #tpu.memory_space<hbm>>
      %dma_wait3A_53 = tpu.memref_slice %arg3[%add3A_11] : memref<64000xi32, #tpu.memory_space<hbm>> -> memref<80xi32, #tpu.memory_space<hbm>>
      tpu.wait_dma2 semaphore(%run_scoped3A : memref<!tpu.dma_semaphore, #tpu.memory_space<semaphore_mem>>) src(%dma_wait3A_53 : memref<80xi32, #tpu.memory_space<hbm>>) dst(%arg9 : memref<80xi32, #tpu.memory_space<vmem>>)
      tpu.yield
    }) : () -> ()
    "tpu.region"() ({
      %run_scoped3A = tpu.sem_alloc : memref<!tpu.dma_semaphore, #tpu.memory_space<semaphore_mem>>
      %dma_start3A_50 = tpu.memref_slice %arg4[%add3A_11] : memref<64000xi32, #tpu.memory_space<hbm>> -> memref<80xi32, #tpu.memory_space<hbm>>
      %dma_start3A_51 = tpu.memref_slice %arg4[%add3A_11] : memref<64000xi32, #tpu.memory_space<hbm>> -> memref<80xi32, #tpu.memory_space<hbm>>
      tpu.enqueue_dma source(%dma_start3A_51 : memref<80xi32, #tpu.memory_space<hbm>>) target(%arg10 : memref<80xi32, #tpu.memory_space<vmem>>) target_semaphore(%run_scoped3A : memref<!tpu.dma_semaphore, #tpu.memory_space<semaphore_mem>>)
      %dma_wait3A_52 = tpu.memref_slice %arg4[%add3A_11] : memref<64000xi32, #tpu.memory_space<hbm>> -> memref<80xi32, #tpu.memory_space<hbm>>
      %dma_wait3A_53 = tpu.memref_slice %arg4[%add3A_11] : memref<64000xi32, #tpu.memory_space<hbm>> -> memref<80xi32, #tpu.memory_space<hbm>>
      tpu.wait_dma2 semaphore(%run_scoped3A : memref<!tpu.dma_semaphore, #tpu.memory_space<semaphore_mem>>) src(%dma_wait3A_53 : memref<80xi32, #tpu.memory_space<hbm>>) dst(%arg10 : memref<80xi32, #tpu.memory_space<vmem>>)
      tpu.yield
    }) : () -> ()
    %dma_start3A_12 = arith.constant 0 : i32
    %dma_start3A_13 = arith.constant 0 : i32
    %dma_start3A_14 = tpu.memref_slice %arg2[%dma_start3A_12, %dma_start3A_13] : memref<10000x128xf32, #tpu.memory_space<hbm>> -> memref<10000x128xf32, #tpu.memory_space<hbm>>
    tpu.enqueue_indirect_dma source(%dma_start3A_14 : memref<10000x128xf32, #tpu.memory_space<hbm>>) target(%arg13 : memref<80x128xf32, #tpu.memory_space<vmem>>) offsets(%arg9 : memref<80xi32, #tpu.memory_space<vmem>>) semaphore(%arg16 : memref<!tpu.dma_semaphore, #tpu.memory_space<semaphore_mem>>)
    %dma_start3A_15 = arith.constant 0 : i32
    %dma_start3A_16 = arith.constant 0 : i32
    %dma_start3A_17 = tpu.memref_slice %arg2[%dma_start3A_15, %dma_start3A_16] : memref<10000x128xf32, #tpu.memory_space<hbm>> -> memref<10000x128xf32, #tpu.memory_space<hbm>>
    tpu.enqueue_indirect_dma source(%dma_start3A_17 : memref<10000x128xf32, #tpu.memory_space<hbm>>) target(%arg14 : memref<80x128xf32, #tpu.memory_space<vmem>>) offsets(%arg10 : memref<80xi32, #tpu.memory_space<vmem>>) semaphore(%arg16 : memref<!tpu.dma_semaphore, #tpu.memory_space<semaphore_mem>>)
    %scan3A = arith.constant 0 : i32
    %scan3A_18 = arith.constant 0 : i32
    %scan3A_19 = arith.constant 12 : i32
    %scan3A_20 = arith.addi %scan3A_18, %scan3A_19 : i32
    %scan3A_21 = arith.constant 1 : i32
    scf.for %scan3A_50 = %scan3A_18 to %scan3A_20 step %scan3A_21  : i32 {
      %mul3A_51 = arith.constant 2 : i32
      %mul3A_52 = arith.muli %mul3A_51, %scan3A_50 : i32
      %dma_wait3A_53 = arith.constant 0 : i32
      %dma_wait3A_54 = arith.constant 0 : i32
      %dma_wait3A_55 = tpu.memref_slice %arg2[%dma_wait3A_53, %dma_wait3A_54] : memref<10000x128xf32, #tpu.memory_space<hbm>> -> memref<10000x128xf32, #tpu.memory_space<hbm>>
      tpu.wait_indirect_dma semaphore(%arg15 : memref<!tpu.dma_semaphore, #tpu.memory_space<semaphore_mem>>) src(%dma_wait3A_55 : memref<10000x128xf32, #tpu.memory_space<hbm>>) dst(%arg11 : memref<80x128xf32, #tpu.memory_space<vmem>>)
      %dma_wait3A_56 = arith.constant 0 : i32
      %dma_wait3A_57 = arith.constant 0 : i32
      %dma_wait3A_58 = tpu.memref_slice %arg2[%dma_wait3A_56, %dma_wait3A_57] : memref<10000x128xf32, #tpu.memory_space<hbm>> -> memref<10000x128xf32, #tpu.memory_space<hbm>>
      tpu.wait_indirect_dma semaphore(%arg15 : memref<!tpu.dma_semaphore, #tpu.memory_space<semaphore_mem>>) src(%dma_wait3A_58 : memref<10000x128xf32, #tpu.memory_space<hbm>>) dst(%arg12 : memref<80x128xf32, #tpu.memory_space<vmem>>)
      %mul3A_59 = arith.constant 80 : i32
      %mul3A_60 = arith.muli %mul3A_52, %mul3A_59 : i32
      %add3A_61 = arith.addi %mul3A_2, %mul3A_60 : i32
      %dma_start3A_62 = arith.constant 0 : i32
      %dma_start3A_63 = tpu.memref_slice %arg5[%add3A_61, %dma_start3A_62] : memref<64000x128xf32, #tpu.memory_space<hbm>> -> memref<80x128xf32, #tpu.memory_space<hbm>>
      %dma_start3A_64 = arith.constant 0 : i32
      %dma_start3A_65 = tpu.memref_slice %arg5[%add3A_61, %dma_start3A_64] : memref<64000x128xf32, #tpu.memory_space<hbm>> -> memref<80x128xf32, #tpu.memory_space<hbm>>
      tpu.enqueue_dma source(%arg11 : memref<80x128xf32, #tpu.memory_space<vmem>>) target(%dma_start3A_65 : memref<80x128xf32, #tpu.memory_space<hbm>>) target_semaphore(%arg17 : memref<!tpu.dma_semaphore, #tpu.memory_space<semaphore_mem>>)
      %dma_start3A_66 = arith.constant 0 : i32
      %dma_start3A_67 = tpu.memref_slice %arg6[%add3A_61, %dma_start3A_66] : memref<64000x128xf32, #tpu.memory_space<hbm>> -> memref<80x128xf32, #tpu.memory_space<hbm>>
      %dma_start3A_68 = arith.constant 0 : i32
      %dma_start3A_69 = tpu.memref_slice %arg6[%add3A_61, %dma_start3A_68] : memref<64000x128xf32, #tpu.memory_space<hbm>> -> memref<80x128xf32, #tpu.memory_space<hbm>>
      tpu.enqueue_dma source(%arg12 : memref<80x128xf32, #tpu.memory_space<vmem>>) target(%dma_start3A_69 : memref<80x128xf32, #tpu.memory_space<hbm>>) target_semaphore(%arg17 : memref<!tpu.dma_semaphore, #tpu.memory_space<semaphore_mem>>)
      %dma_wait3A_70 = arith.constant 0 : i32
      %dma_wait3A_71 = arith.constant 0 : i32
      %dma_wait3A_72 = tpu.memref_slice %arg2[%dma_wait3A_70, %dma_wait3A_71] : memref<10000x128xf32, #tpu.memory_space<hbm>> -> memref<10000x128xf32, #tpu.memory_space<hbm>>
      tpu.wait_indirect_dma semaphore(%arg16 : memref<!tpu.dma_semaphore, #tpu.memory_space<semaphore_mem>>) src(%dma_wait3A_72 : memref<10000x128xf32, #tpu.memory_space<hbm>>) dst(%arg13 : memref<80x128xf32, #tpu.memory_space<vmem>>)
      %dma_wait3A_73 = arith.constant 0 : i32
      %dma_wait3A_74 = arith.constant 0 : i32
      %dma_wait3A_75 = tpu.memref_slice %arg2[%dma_wait3A_73, %dma_wait3A_74] : memref<10000x128xf32, #tpu.memory_space<hbm>> -> memref<10000x128xf32, #tpu.memory_space<hbm>>
      tpu.wait_indirect_dma semaphore(%arg16 : memref<!tpu.dma_semaphore, #tpu.memory_space<semaphore_mem>>) src(%dma_wait3A_75 : memref<10000x128xf32, #tpu.memory_space<hbm>>) dst(%arg14 : memref<80x128xf32, #tpu.memory_space<vmem>>)
      %add3A_76 = arith.constant 1 : i32
      %add3A_77 = arith.addi %mul3A_52, %add3A_76 : i32
      %mul3A_78 = arith.constant 80 : i32
      %mul3A_79 = arith.muli %add3A_77, %mul3A_78 : i32
      %add3A_80 = arith.addi %mul3A_2, %mul3A_79 : i32
      %dma_start3A_81 = arith.constant 0 : i32
      %dma_start3A_82 = tpu.memref_slice %arg5[%add3A_80, %dma_start3A_81] : memref<64000x128xf32, #tpu.memory_space<hbm>> -> memref<80x128xf32, #tpu.memory_space<hbm>>
      %dma_start3A_83 = arith.constant 0 : i32
      %dma_start3A_84 = tpu.memref_slice %arg5[%add3A_80, %dma_start3A_83] : memref<64000x128xf32, #tpu.memory_space<hbm>> -> memref<80x128xf32, #tpu.memory_space<hbm>>
      tpu.enqueue_dma source(%arg13 : memref<80x128xf32, #tpu.memory_space<vmem>>) target(%dma_start3A_84 : memref<80x128xf32, #tpu.memory_space<hbm>>) target_semaphore(%arg18 : memref<!tpu.dma_semaphore, #tpu.memory_space<semaphore_mem>>)
      %dma_start3A_85 = arith.constant 0 : i32
      %dma_start3A_86 = tpu.memref_slice %arg6[%add3A_80, %dma_start3A_85] : memref<64000x128xf32, #tpu.memory_space<hbm>> -> memref<80x128xf32, #tpu.memory_space<hbm>>
      %dma_start3A_87 = arith.constant 0 : i32
      %dma_start3A_88 = tpu.memref_slice %arg6[%add3A_80, %dma_start3A_87] : memref<64000x128xf32, #tpu.memory_space<hbm>> -> memref<80x128xf32, #tpu.memory_space<hbm>>
      tpu.enqueue_dma source(%arg14 : memref<80x128xf32, #tpu.memory_space<vmem>>) target(%dma_start3A_88 : memref<80x128xf32, #tpu.memory_space<hbm>>) target_semaphore(%arg18 : memref<!tpu.dma_semaphore, #tpu.memory_space<semaphore_mem>>)
      %dma_wait3A_89 = arith.constant 0 : i32
      %dma_wait3A_90 = arith.constant 0 : i32
      %dma_wait3A_91 = tpu.memref_slice %arg5[%dma_wait3A_89, %dma_wait3A_90] : memref<64000x128xf32, #tpu.memory_space<hbm>> -> memref<80x128xf32, #tpu.memory_space<hbm>>
      %dma_wait3A_92 = arith.constant 0 : i32
      %dma_wait3A_93 = arith.constant 0 : i32
      %dma_wait3A_94 = tpu.memref_slice %arg5[%dma_wait3A_92, %dma_wait3A_93] : memref<64000x128xf32, #tpu.memory_space<hbm>> -> memref<80x128xf32, #tpu.memory_space<hbm>>
      tpu.wait_dma2 semaphore(%arg17 : memref<!tpu.dma_semaphore, #tpu.memory_space<semaphore_mem>>) src(%arg11 : memref<80x128xf32, #tpu.memory_space<vmem>>) dst(%dma_wait3A_94 : memref<80x128xf32, #tpu.memory_space<hbm>>)
      %dma_wait3A_95 = arith.constant 0 : i32
      %dma_wait3A_96 = arith.constant 0 : i32
      %dma_wait3A_97 = tpu.memref_slice %arg6[%dma_wait3A_95, %dma_wait3A_96] : memref<64000x128xf32, #tpu.memory_space<hbm>> -> memref<80x128xf32, #tpu.memory_space<hbm>>
      %dma_wait3A_98 = arith.constant 0 : i32
      %dma_wait3A_99 = arith.constant 0 : i32
      %dma_wait3A_100 = tpu.memref_slice %arg6[%dma_wait3A_98, %dma_wait3A_99] : memref<64000x128xf32, #tpu.memory_space<hbm>> -> memref<80x128xf32, #tpu.memory_space<hbm>>
      tpu.wait_dma2 semaphore(%arg17 : memref<!tpu.dma_semaphore, #tpu.memory_space<semaphore_mem>>) src(%arg12 : memref<80x128xf32, #tpu.memory_space<vmem>>) dst(%dma_wait3A_100 : memref<80x128xf32, #tpu.memory_space<hbm>>)
      %add3A_101 = arith.constant 2 : i32
      %add3A_102 = arith.addi %mul3A_52, %add3A_101 : i32
      %mul3A_103 = arith.constant 80 : i32
      %mul3A_104 = arith.muli %add3A_102, %mul3A_103 : i32
      %add3A_105 = arith.addi %mul3A_2, %mul3A_104 : i32
      "tpu.region"() ({
        %run_scoped3A = tpu.sem_alloc : memref<!tpu.dma_semaphore, #tpu.memory_space<semaphore_mem>>
        %dma_start3A_126 = tpu.memref_slice %arg3[%add3A_105] : memref<64000xi32, #tpu.memory_space<hbm>> -> memref<80xi32, #tpu.memory_space<hbm>>
        %dma_start3A_127 = tpu.memref_slice %arg3[%add3A_105] : memref<64000xi32, #tpu.memory_space<hbm>> -> memref<80xi32, #tpu.memory_space<hbm>>
        tpu.enqueue_dma source(%dma_start3A_127 : memref<80xi32, #tpu.memory_space<hbm>>) target(%arg7 : memref<80xi32, #tpu.memory_space<vmem>>) target_semaphore(%run_scoped3A : memref<!tpu.dma_semaphore, #tpu.memory_space<semaphore_mem>>)
        %dma_wait3A_128 = tpu.memref_slice %arg3[%add3A_105] : memref<64000xi32, #tpu.memory_space<hbm>> -> memref<80xi32, #tpu.memory_space<hbm>>
        %dma_wait3A_129 = tpu.memref_slice %arg3[%add3A_105] : memref<64000xi32, #tpu.memory_space<hbm>> -> memref<80xi32, #tpu.memory_space<hbm>>
        tpu.wait_dma2 semaphore(%run_scoped3A : memref<!tpu.dma_semaphore, #tpu.memory_space<semaphore_mem>>) src(%dma_wait3A_129 : memref<80xi32, #tpu.memory_space<hbm>>) dst(%arg7 : memref<80xi32, #tpu.memory_space<vmem>>)
        tpu.yield
      }) : () -> ()
      "tpu.region"() ({
        %run_scoped3A = tpu.sem_alloc : memref<!tpu.dma_semaphore, #tpu.memory_space<semaphore_mem>>
        %dma_start3A_126 = tpu.memref_slice %arg4[%add3A_105] : memref<64000xi32, #tpu.memory_space<hbm>> -> memref<80xi32, #tpu.memory_space<hbm>>
        %dma_start3A_127 = tpu.memref_slice %arg4[%add3A_105] : memref<64000xi32, #tpu.memory_space<hbm>> -> memref<80xi32, #tpu.memory_space<hbm>>
        tpu.enqueue_dma source(%dma_start3A_127 : memref<80xi32, #tpu.memory_space<hbm>>) target(%arg8 : memref<80xi32, #tpu.memory_space<vmem>>) target_semaphore(%run_scoped3A : memref<!tpu.dma_semaphore, #tpu.memory_space<semaphore_mem>>)
        %dma_wait3A_128 = tpu.memref_slice %arg4[%add3A_105] : memref<64000xi32, #tpu.memory_space<hbm>> -> memref<80xi32, #tpu.memory_space<hbm>>
        %dma_wait3A_129 = tpu.memref_slice %arg4[%add3A_105] : memref<64000xi32, #tpu.memory_space<hbm>> -> memref<80xi32, #tpu.memory_space<hbm>>
        tpu.wait_dma2 semaphore(%run_scoped3A : memref<!tpu.dma_semaphore, #tpu.memory_space<semaphore_mem>>) src(%dma_wait3A_129 : memref<80xi32, #tpu.memory_space<hbm>>) dst(%arg8 : memref<80xi32, #tpu.memory_space<vmem>>)
        tpu.yield
      }) : () -> ()
      %dma_start3A_106 = arith.constant 0 : i32
      %dma_start3A_107 = arith.constant 0 : i32
      %dma_start3A_108 = tpu.memref_slice %arg2[%dma_start3A_106, %dma_start3A_107] : memref<10000x128xf32, #tpu.memory_space<hbm>> -> memref<10000x128xf32, #tpu.memory_space<hbm>>
      tpu.enqueue_indirect_dma source(%dma_start3A_108 : memref<10000x128xf32, #tpu.memory_space<hbm>>) target(%arg11 : memref<80x128xf32, #tpu.memory_space<vmem>>) offsets(%arg7 : memref<80xi32, #tpu.memory_space<vmem>>) semaphore(%arg15 : memref<!tpu.dma_semaphore, #tpu.memory_space<semaphore_mem>>)
      %dma_start3A_109 = arith.constant 0 : i32
      %dma_start3A_110 = arith.constant 0 : i32
      %dma_start3A_111 = tpu.memref_slice %arg2[%dma_start3A_109, %dma_start3A_110] : memref<10000x128xf32, #tpu.memory_space<hbm>> -> memref<10000x128xf32, #tpu.memory_space<hbm>>
      tpu.enqueue_indirect_dma source(%dma_start3A_111 : memref<10000x128xf32, #tpu.memory_space<hbm>>) target(%arg12 : memref<80x128xf32, #tpu.memory_space<vmem>>) offsets(%arg8 : memref<80xi32, #tpu.memory_space<vmem>>) semaphore(%arg15 : memref<!tpu.dma_semaphore, #tpu.memory_space<semaphore_mem>>)
      %dma_wait3A_112 = arith.constant 0 : i32
      %dma_wait3A_113 = arith.constant 0 : i32
      %dma_wait3A_114 = tpu.memref_slice %arg5[%dma_wait3A_112, %dma_wait3A_113] : memref<64000x128xf32, #tpu.memory_space<hbm>> -> memref<80x128xf32, #tpu.memory_space<hbm>>
      %dma_wait3A_115 = arith.constant 0 : i32
      %dma_wait3A_116 = arith.constant 0 : i32
      %dma_wait3A_117 = tpu.memref_slice %arg5[%dma_wait3A_115, %dma_wait3A_116] : memref<64000x128xf32, #tpu.memory_space<hbm>> -> memref<80x128xf32, #tpu.memory_space<hbm>>
      tpu.wait_dma2 semaphore(%arg18 : memref<!tpu.dma_semaphore, #tpu.memory_space<semaphore_mem>>) src(%arg13 : memref<80x128xf32, #tpu.memory_space<vmem>>) dst(%dma_wait3A_117 : memref<80x128xf32, #tpu.memory_space<hbm>>)
      %dma_wait3A_118 = arith.constant 0 : i32
      %dma_wait3A_119 = arith.constant 0 : i32
      %dma_wait3A_120 = tpu.memref_slice %arg6[%dma_wait3A_118, %dma_wait3A_119] : memref<64000x128xf32, #tpu.memory_space<hbm>> -> memref<80x128xf32, #tpu.memory_space<hbm>>
      %dma_wait3A_121 = arith.constant 0 : i32
      %dma_wait3A_122 = arith.constant 0 : i32
      %dma_wait3A_123 = tpu.memref_slice %arg6[%dma_wait3A_121, %dma_wait3A_122] : memref<64000x128xf32, #tpu.memory_space<hbm>> -> memref<80x128xf32, #tpu.memory_space<hbm>>
      tpu.wait_dma2 semaphore(%arg18 : memref<!tpu.dma_semaphore, #tpu.memory_space<semaphore_mem>>) src(%arg14 : memref<80x128xf32, #tpu.memory_space<vmem>>) dst(%dma_wait3A_123 : memref<80x128xf32, #tpu.memory_space<hbm>>)
      %lt3A = arith.constant 11 : i32
      %lt3A_124 = arith.cmpi slt, %scan3A_50, %lt3A : i32
      %convert_element_type3A = arith.extui %lt3A_124 : i1 to i32
      %cond3A = arith.constant 0 : i32
      %cond3A_125 = arith.cmpi ne, %convert_element_type3A, %cond3A : i32
      scf.if %cond3A_125 {
        %add3A_126 = arith.constant 3 : i32
        %add3A_127 = arith.addi %mul3A_52, %add3A_126 : i32
        %mul3A_128 = arith.constant 80 : i32
        %mul3A_129 = arith.muli %add3A_127, %mul3A_128 : i32
        %add3A_130 = arith.addi %mul3A_2, %mul3A_129 : i32
        "tpu.region"() ({
          %run_scoped3A = tpu.sem_alloc : memref<!tpu.dma_semaphore, #tpu.memory_space<semaphore_mem>>
          %dma_start3A_137 = tpu.memref_slice %arg3[%add3A_130] : memref<64000xi32, #tpu.memory_space<hbm>> -> memref<80xi32, #tpu.memory_space<hbm>>
          %dma_start3A_138 = tpu.memref_slice %arg3[%add3A_130] : memref<64000xi32, #tpu.memory_space<hbm>> -> memref<80xi32, #tpu.memory_space<hbm>>
          tpu.enqueue_dma source(%dma_start3A_138 : memref<80xi32, #tpu.memory_space<hbm>>) target(%arg9 : memref<80xi32, #tpu.memory_space<vmem>>) target_semaphore(%run_scoped3A : memref<!tpu.dma_semaphore, #tpu.memory_space<semaphore_mem>>)
          %dma_wait3A_139 = tpu.memref_slice %arg3[%add3A_130] : memref<64000xi32, #tpu.memory_space<hbm>> -> memref<80xi32, #tpu.memory_space<hbm>>
          %dma_wait3A_140 = tpu.memref_slice %arg3[%add3A_130] : memref<64000xi32, #tpu.memory_space<hbm>> -> memref<80xi32, #tpu.memory_space<hbm>>
          tpu.wait_dma2 semaphore(%run_scoped3A : memref<!tpu.dma_semaphore, #tpu.memory_space<semaphore_mem>>) src(%dma_wait3A_140 : memref<80xi32, #tpu.memory_space<hbm>>) dst(%arg9 : memref<80xi32, #tpu.memory_space<vmem>>)
          tpu.yield
        }) : () -> ()
        "tpu.region"() ({
          %run_scoped3A = tpu.sem_alloc : memref<!tpu.dma_semaphore, #tpu.memory_space<semaphore_mem>>
          %dma_start3A_137 = tpu.memref_slice %arg4[%add3A_130] : memref<64000xi32, #tpu.memory_space<hbm>> -> memref<80xi32, #tpu.memory_space<hbm>>
          %dma_start3A_138 = tpu.memref_slice %arg4[%add3A_130] : memref<64000xi32, #tpu.memory_space<hbm>> -> memref<80xi32, #tpu.memory_space<hbm>>
          tpu.enqueue_dma source(%dma_start3A_138 : memref<80xi32, #tpu.memory_space<hbm>>) target(%arg10 : memref<80xi32, #tpu.memory_space<vmem>>) target_semaphore(%run_scoped3A : memref<!tpu.dma_semaphore, #tpu.memory_space<semaphore_mem>>)
          %dma_wait3A_139 = tpu.memref_slice %arg4[%add3A_130] : memref<64000xi32, #tpu.memory_space<hbm>> -> memref<80xi32, #tpu.memory_space<hbm>>
          %dma_wait3A_140 = tpu.memref_slice %arg4[%add3A_130] : memref<64000xi32, #tpu.memory_space<hbm>> -> memref<80xi32, #tpu.memory_space<hbm>>
          tpu.wait_dma2 semaphore(%run_scoped3A : memref<!tpu.dma_semaphore, #tpu.memory_space<semaphore_mem>>) src(%dma_wait3A_140 : memref<80xi32, #tpu.memory_space<hbm>>) dst(%arg10 : memref<80xi32, #tpu.memory_space<vmem>>)
          tpu.yield
        }) : () -> ()
        %dma_start3A_131 = arith.constant 0 : i32
        %dma_start3A_132 = arith.constant 0 : i32
        %dma_start3A_133 = tpu.memref_slice %arg2[%dma_start3A_131, %dma_start3A_132] : memref<10000x128xf32, #tpu.memory_space<hbm>> -> memref<10000x128xf32, #tpu.memory_space<hbm>>
        tpu.enqueue_indirect_dma source(%dma_start3A_133 : memref<10000x128xf32, #tpu.memory_space<hbm>>) target(%arg13 : memref<80x128xf32, #tpu.memory_space<vmem>>) offsets(%arg9 : memref<80xi32, #tpu.memory_space<vmem>>) semaphore(%arg16 : memref<!tpu.dma_semaphore, #tpu.memory_space<semaphore_mem>>)
        %dma_start3A_134 = arith.constant 0 : i32
        %dma_start3A_135 = arith.constant 0 : i32
        %dma_start3A_136 = tpu.memref_slice %arg2[%dma_start3A_134, %dma_start3A_135] : memref<10000x128xf32, #tpu.memory_space<hbm>> -> memref<10000x128xf32, #tpu.memory_space<hbm>>
        tpu.enqueue_indirect_dma source(%dma_start3A_136 : memref<10000x128xf32, #tpu.memory_space<hbm>>) target(%arg14 : memref<80x128xf32, #tpu.memory_space<vmem>>) offsets(%arg10 : memref<80xi32, #tpu.memory_space<vmem>>) semaphore(%arg16 : memref<!tpu.dma_semaphore, #tpu.memory_space<semaphore_mem>>)
      } else {
      }
    }
    %scan3A_22 = arith.constant 12 : i32
    %dma_wait3A = arith.constant 0 : i32
    %dma_wait3A_23 = arith.constant 0 : i32
    %dma_wait3A_24 = tpu.memref_slice %arg2[%dma_wait3A, %dma_wait3A_23] : memref<10000x128xf32, #tpu.memory_space<hbm>> -> memref<10000x128xf32, #tpu.memory_space<hbm>>
    tpu.wait_indirect_dma semaphore(%arg15 : memref<!tpu.dma_semaphore, #tpu.memory_space<semaphore_mem>>) src(%dma_wait3A_24 : memref<10000x128xf32, #tpu.memory_space<hbm>>) dst(%arg11 : memref<80x128xf32, #tpu.memory_space<vmem>>)
    %dma_wait3A_25 = arith.constant 0 : i32
    %dma_wait3A_26 = arith.constant 0 : i32
    %dma_wait3A_27 = tpu.memref_slice %arg2[%dma_wait3A_25, %dma_wait3A_26] : memref<10000x128xf32, #tpu.memory_space<hbm>> -> memref<10000x128xf32, #tpu.memory_space<hbm>>
    tpu.wait_indirect_dma semaphore(%arg15 : memref<!tpu.dma_semaphore, #tpu.memory_space<semaphore_mem>>) src(%dma_wait3A_27 : memref<10000x128xf32, #tpu.memory_space<hbm>>) dst(%arg12 : memref<80x128xf32, #tpu.memory_space<vmem>>)
    %add3A_28 = arith.constant 1920 : i32
    %add3A_29 = arith.addi %mul3A_2, %add3A_28 : i32
    %dma_start3A_30 = arith.constant 0 : i32
    %dma_start3A_31 = tpu.memref_slice %arg5[%add3A_29, %dma_start3A_30] : memref<64000x128xf32, #tpu.memory_space<hbm>> -> memref<80x128xf32, #tpu.memory_space<hbm>>
    %dma_start3A_32 = arith.constant 0 : i32
    %dma_start3A_33 = tpu.memref_slice %arg5[%add3A_29, %dma_start3A_32] : memref<64000x128xf32, #tpu.memory_space<hbm>> -> memref<80x128xf32, #tpu.memory_space<hbm>>
    tpu.enqueue_dma source(%arg11 : memref<80x128xf32, #tpu.memory_space<vmem>>) target(%dma_start3A_33 : memref<80x128xf32, #tpu.memory_space<hbm>>) target_semaphore(%arg17 : memref<!tpu.dma_semaphore, #tpu.memory_space<semaphore_mem>>)
    %dma_start3A_34 = arith.constant 0 : i32
    %dma_start3A_35 = tpu.memref_slice %arg6[%add3A_29, %dma_start3A_34] : memref<64000x128xf32, #tpu.memory_space<hbm>> -> memref<80x128xf32, #tpu.memory_space<hbm>>
    %dma_start3A_36 = arith.constant 0 : i32
    %dma_start3A_37 = tpu.memref_slice %arg6[%add3A_29, %dma_start3A_36] : memref<64000x128xf32, #tpu.memory_space<hbm>> -> memref<80x128xf32, #tpu.memory_space<hbm>>
    tpu.enqueue_dma source(%arg12 : memref<80x128xf32, #tpu.memory_space<vmem>>) target(%dma_start3A_37 : memref<80x128xf32, #tpu.memory_space<hbm>>) target_semaphore(%arg17 : memref<!tpu.dma_semaphore, #tpu.memory_space<semaphore_mem>>)
    %dma_wait3A_38 = arith.constant 0 : i32
    %dma_wait3A_39 = arith.constant 0 : i32
    %dma_wait3A_40 = tpu.memref_slice %arg5[%dma_wait3A_38, %dma_wait3A_39] : memref<64000x128xf32, #tpu.memory_space<hbm>> -> memref<80x128xf32, #tpu.memory_space<hbm>>
    %dma_wait3A_41 = arith.constant 0 : i32
    %dma_wait3A_42 = arith.constant 0 : i32
    %dma_wait3A_43 = tpu.memref_slice %arg5[%dma_wait3A_41, %dma_wait3A_42] : memref<64000x128xf32, #tpu.memory_space<hbm>> -> memref<80x128xf32, #tpu.memory_space<hbm>>
    tpu.wait_dma2 semaphore(%arg17 : memref<!tpu.dma_semaphore, #tpu.memory_space<semaphore_mem>>) src(%arg11 : memref<80x128xf32, #tpu.memory_space<vmem>>) dst(%dma_wait3A_43 : memref<80x128xf32, #tpu.memory_space<hbm>>)
    %dma_wait3A_44 = arith.constant 0 : i32
    %dma_wait3A_45 = arith.constant 0 : i32
    %dma_wait3A_46 = tpu.memref_slice %arg6[%dma_wait3A_44, %dma_wait3A_45] : memref<64000x128xf32, #tpu.memory_space<hbm>> -> memref<80x128xf32, #tpu.memory_space<hbm>>
    %dma_wait3A_47 = arith.constant 0 : i32
    %dma_wait3A_48 = arith.constant 0 : i32
    %dma_wait3A_49 = tpu.memref_slice %arg6[%dma_wait3A_47, %dma_wait3A_48] : memref<64000x128xf32, #tpu.memory_space<hbm>> -> memref<80x128xf32, #tpu.memory_space<hbm>>
    tpu.wait_dma2 semaphore(%arg17 : memref<!tpu.dma_semaphore, #tpu.memory_space<semaphore_mem>>) src(%arg12 : memref<80x128xf32, #tpu.memory_space<vmem>>) dst(%dma_wait3A_49 : memref<80x128xf32, #tpu.memory_space<hbm>>)
    return
  }
}

#map = affine_map<(d0, d1) -> (0, 0)>
#map1 = affine_map<(d0, d1) -> (0)>
module attributes {stable_mosaic.version = 14 : i64} {
  func.func @_sc_gather_body(%arg0: i32, %arg1: i32, %arg2: memref<10000x128xf32, #tpu.memory_space<hbm>>, %arg3: memref<64000xi32, #tpu.memory_space<hbm>>, %arg4: memref<64000xi32, #tpu.memory_space<hbm>>, %arg5: memref<64000x128xf32, #tpu.memory_space<hbm>>, %arg6: memref<64000x128xf32, #tpu.memory_space<hbm>>, %arg7: memref<80xi32, #tpu.memory_space<vmem>>, %arg8: memref<80xi32, #tpu.memory_space<vmem>>, %arg9: memref<80xi32, #tpu.memory_space<vmem>>, %arg10: memref<80xi32, #tpu.memory_space<vmem>>, %arg11: memref<80x128xf32, #tpu.memory_space<vmem>>, %arg12: memref<80x128xf32, #tpu.memory_space<vmem>>, %arg13: memref<80x128xf32, #tpu.memory_space<vmem>>, %arg14: memref<80x128xf32, #tpu.memory_space<vmem>>, %arg15: memref<!tpu.dma_semaphore, #tpu.memory_space<semaphore_mem>>, %arg16: memref<!tpu.dma_semaphore, #tpu.memory_space<semaphore_mem>>, %arg17: memref<!tpu.dma_semaphore, #tpu.memory_space<semaphore_mem>>, %arg18: memref<!tpu.dma_semaphore, #tpu.memory_space<semaphore_mem>>) attributes {dimension_semantics = [#tpu.dimension_semantics<core_parallel>, #tpu.dimension_semantics<subcore_parallel>], iteration_bounds = array<i64: 2, 16>, scalar_prefetch = 0 : i64, scratch_operands = 12 : i64, tpu.core_type = #tpu.core_type<sc_vector_subcore>, window_params = [{transform_indices = #map}, {transform_indices = #map1}, {transform_indices = #map1}, {transform_indices = #map}, {transform_indices = #map}]} {
    %mul3A = arith.constant 16 : i32
    %mul3A_0 = arith.muli %arg0, %mul3A : i32
    %add3A = arith.addi %mul3A_0, %arg1 : i32
    %mul3A_1 = arith.constant 2000 : i32
    %mul3A_2 = arith.muli %add3A, %mul3A_1 : i32
    %add3A_3 = arith.constant 0 : i32
    %add3A_4 = arith.addi %mul3A_2, %add3A_3 : i32
    "tpu.region"() ({
      %run_scoped3A = tpu.sem_alloc : memref<!tpu.dma_semaphore, #tpu.memory_space<semaphore_mem>>
      %dma_start3A_50 = tpu.memref_slice %arg3[%add3A_4] : memref<64000xi32, #tpu.memory_space<hbm>> -> memref<80xi32, #tpu.memory_space<hbm>>
      %dma_start3A_51 = tpu.memref_slice %arg3[%add3A_4] : memref<64000xi32, #tpu.memory_space<hbm>> -> memref<80xi32, #tpu.memory_space<hbm>>
      tpu.enqueue_dma source(%dma_start3A_51 : memref<80xi32, #tpu.memory_space<hbm>>) target(%arg7 : memref<80xi32, #tpu.memory_space<vmem>>) target_semaphore(%run_scoped3A : memref<!tpu.dma_semaphore, #tpu.memory_space<semaphore_mem>>)
      %dma_wait3A_52 = tpu.memref_slice %arg3[%add3A_4] : memref<64000xi32, #tpu.memory_space<hbm>> -> memref<80xi32, #tpu.memory_space<hbm>>
      %dma_wait3A_53 = tpu.memref_slice %arg3[%add3A_4] : memref<64000xi32, #tpu.memory_space<hbm>> -> memref<80xi32, #tpu.memory_space<hbm>>
      tpu.wait_dma2 semaphore(%run_scoped3A : memref<!tpu.dma_semaphore, #tpu.memory_space<semaphore_mem>>) src(%dma_wait3A_53 : memref<80xi32, #tpu.memory_space<hbm>>) dst(%arg7 : memref<80xi32, #tpu.memory_space<vmem>>)
      tpu.yield
    }) : () -> ()
    "tpu.region"() ({
      %run_scoped3A = tpu.sem_alloc : memref<!tpu.dma_semaphore, #tpu.memory_space<semaphore_mem>>
      %dma_start3A_50 = tpu.memref_slice %arg4[%add3A_4] : memref<64000xi32, #tpu.memory_space<hbm>> -> memref<80xi32, #tpu.memory_space<hbm>>
      %dma_start3A_51 = tpu.memref_slice %arg4[%add3A_4] : memref<64000xi32, #tpu.memory_space<hbm>> -> memref<80xi32, #tpu.memory_space<hbm>>
      tpu.enqueue_dma source(%dma_start3A_51 : memref<80xi32, #tpu.memory_space<hbm>>) target(%arg8 : memref<80xi32, #tpu.memory_space<vmem>>) target_semaphore(%run_scoped3A : memref<!tpu.dma_semaphore, #tpu.memory_space<semaphore_mem>>)
      %dma_wait3A_52 = tpu.memref_slice %arg4[%add3A_4] : memref<64000xi32, #tpu.memory_space<hbm>> -> memref<80xi32, #tpu.memory_space<hbm>>
      %dma_wait3A_53 = tpu.memref_slice %arg4[%add3A_4] : memref<64000xi32, #tpu.memory_space<hbm>> -> memref<80xi32, #tpu.memory_space<hbm>>
      tpu.wait_dma2 semaphore(%run_scoped3A : memref<!tpu.dma_semaphore, #tpu.memory_space<semaphore_mem>>) src(%dma_wait3A_53 : memref<80xi32, #tpu.memory_space<hbm>>) dst(%arg8 : memref<80xi32, #tpu.memory_space<vmem>>)
      tpu.yield
    }) : () -> ()
    %dma_start3A = arith.constant 0 : i32
    %dma_start3A_5 = arith.constant 0 : i32
    %dma_start3A_6 = tpu.memref_slice %arg2[%dma_start3A, %dma_start3A_5] : memref<10000x128xf32, #tpu.memory_space<hbm>> -> memref<10000x128xf32, #tpu.memory_space<hbm>>
    tpu.enqueue_indirect_dma source(%dma_start3A_6 : memref<10000x128xf32, #tpu.memory_space<hbm>>) target(%arg11 : memref<80x128xf32, #tpu.memory_space<vmem>>) offsets(%arg7 : memref<80xi32, #tpu.memory_space<vmem>>) semaphore(%arg15 : memref<!tpu.dma_semaphore, #tpu.memory_space<semaphore_mem>>)
    %dma_start3A_7 = arith.constant 0 : i32
    %dma_start3A_8 = arith.constant 0 : i32
    %dma_start3A_9 = tpu.memref_slice %arg2[%dma_start3A_7, %dma_start3A_8] : memref<10000x128xf32, #tpu.memory_space<hbm>> -> memref<10000x128xf32, #tpu.memory_space<hbm>>
    tpu.enqueue_indirect_dma source(%dma_start3A_9 : memref<10000x128xf32, #tpu.memory_space<hbm>>) target(%arg12 : memref<80x128xf32, #tpu.memory_space<vmem>>) offsets(%arg8 : memref<80xi32, #tpu.memory_space<vmem>>) semaphore(%arg15 : memref<!tpu.dma_semaphore, #tpu.memory_space<semaphore_mem>>)
    %add3A_10 = arith.constant 80 : i32
    %add3A_11 = arith.addi %mul3A_2, %add3A_10 : i32
    "tpu.region"() ({
      %run_scoped3A = tpu.sem_alloc : memref<!tpu.dma_semaphore, #tpu.memory_space<semaphore_mem>>
      %dma_start3A_50 = tpu.memref_slice %arg3[%add3A_11] : memref<64000xi32, #tpu.memory_space<hbm>> -> memref<80xi32, #tpu.memory_space<hbm>>
      %dma_start3A_51 = tpu.memref_slice %arg3[%add3A_11] : memref<64000xi32, #tpu.memory_space<hbm>> -> memref<80xi32, #tpu.memory_space<hbm>>
      tpu.enqueue_dma source(%dma_start3A_51 : memref<80xi32, #tpu.memory_space<hbm>>) target(%arg9 : memref<80xi32, #tpu.memory_space<vmem>>) target_semaphore(%run_scoped3A : memref<!tpu.dma_semaphore, #tpu.memory_space<semaphore_mem>>)
      %dma_wait3A_52 = tpu.memref_slice %arg3[%add3A_11] : memref<64000xi32, #tpu.memory_space<hbm>> -> memref<80xi32, #tpu.memory_space<hbm>>
      %dma_wait3A_53 = tpu.memref_slice %arg3[%add3A_11] : memref<64000xi32, #tpu.memory_space<hbm>> -> memref<80xi32, #tpu.memory_space<hbm>>
      tpu.wait_dma2 semaphore(%run_scoped3A : memref<!tpu.dma_semaphore, #tpu.memory_space<semaphore_mem>>) src(%dma_wait3A_53 : memref<80xi32, #tpu.memory_space<hbm>>) dst(%arg9 : memref<80xi32, #tpu.memory_space<vmem>>)
      tpu.yield
    }) : () -> ()
    "tpu.region"() ({
      %run_scoped3A = tpu.sem_alloc : memref<!tpu.dma_semaphore, #tpu.memory_space<semaphore_mem>>
      %dma_start3A_50 = tpu.memref_slice %arg4[%add3A_11] : memref<64000xi32, #tpu.memory_space<hbm>> -> memref<80xi32, #tpu.memory_space<hbm>>
      %dma_start3A_51 = tpu.memref_slice %arg4[%add3A_11] : memref<64000xi32, #tpu.memory_space<hbm>> -> memref<80xi32, #tpu.memory_space<hbm>>
      tpu.enqueue_dma source(%dma_start3A_51 : memref<80xi32, #tpu.memory_space<hbm>>) target(%arg10 : memref<80xi32, #tpu.memory_space<vmem>>) target_semaphore(%run_scoped3A : memref<!tpu.dma_semaphore, #tpu.memory_space<semaphore_mem>>)
      %dma_wait3A_52 = tpu.memref_slice %arg4[%add3A_11] : memref<64000xi32, #tpu.memory_space<hbm>> -> memref<80xi32, #tpu.memory_space<hbm>>
      %dma_wait3A_53 = tpu.memref_slice %arg4[%add3A_11] : memref<64000xi32, #tpu.memory_space<hbm>> -> memref<80xi32, #tpu.memory_space<hbm>>
      tpu.wait_dma2 semaphore(%run_scoped3A : memref<!tpu.dma_semaphore, #tpu.memory_space<semaphore_mem>>) src(%dma_wait3A_53 : memref<80xi32, #tpu.memory_space<hbm>>) dst(%arg10 : memref<80xi32, #tpu.memory_space<vmem>>)
      tpu.yield
    }) : () -> ()
    %dma_start3A_12 = arith.constant 0 : i32
    %dma_start3A_13 = arith.constant 0 : i32
    %dma_start3A_14 = tpu.memref_slice %arg2[%dma_start3A_12, %dma_start3A_13] : memref<10000x128xf32, #tpu.memory_space<hbm>> -> memref<10000x128xf32, #tpu.memory_space<hbm>>
    tpu.enqueue_indirect_dma source(%dma_start3A_14 : memref<10000x128xf32, #tpu.memory_space<hbm>>) target(%arg13 : memref<80x128xf32, #tpu.memory_space<vmem>>) offsets(%arg9 : memref<80xi32, #tpu.memory_space<vmem>>) semaphore(%arg16 : memref<!tpu.dma_semaphore, #tpu.memory_space<semaphore_mem>>)
    %dma_start3A_15 = arith.constant 0 : i32
    %dma_start3A_16 = arith.constant 0 : i32
    %dma_start3A_17 = tpu.memref_slice %arg2[%dma_start3A_15, %dma_start3A_16] : memref<10000x128xf32, #tpu.memory_space<hbm>> -> memref<10000x128xf32, #tpu.memory_space<hbm>>
    tpu.enqueue_indirect_dma source(%dma_start3A_17 : memref<10000x128xf32, #tpu.memory_space<hbm>>) target(%arg14 : memref<80x128xf32, #tpu.memory_space<vmem>>) offsets(%arg10 : memref<80xi32, #tpu.memory_space<vmem>>) semaphore(%arg16 : memref<!tpu.dma_semaphore, #tpu.memory_space<semaphore_mem>>)
    %scan3A = arith.constant 0 : i32
    %scan3A_18 = arith.constant 0 : i32
    %scan3A_19 = arith.constant 12 : i32
    %scan3A_20 = arith.addi %scan3A_18, %scan3A_19 : i32
    %scan3A_21 = arith.constant 1 : i32
    scf.for %scan3A_50 = %scan3A_18 to %scan3A_20 step %scan3A_21  : i32 {
      %mul3A_51 = arith.constant 2 : i32
      %mul3A_52 = arith.muli %mul3A_51, %scan3A_50 : i32
      %dma_wait3A_53 = arith.constant 0 : i32
      %dma_wait3A_54 = arith.constant 0 : i32
      %dma_wait3A_55 = tpu.memref_slice %arg2[%dma_wait3A_53, %dma_wait3A_54] : memref<10000x128xf32, #tpu.memory_space<hbm>> -> memref<10000x128xf32, #tpu.memory_space<hbm>>
      tpu.wait_indirect_dma semaphore(%arg15 : memref<!tpu.dma_semaphore, #tpu.memory_space<semaphore_mem>>) src(%dma_wait3A_55 : memref<10000x128xf32, #tpu.memory_space<hbm>>) dst(%arg11 : memref<80x128xf32, #tpu.memory_space<vmem>>)
      %dma_wait3A_56 = arith.constant 0 : i32
      %dma_wait3A_57 = arith.constant 0 : i32
      %dma_wait3A_58 = tpu.memref_slice %arg2[%dma_wait3A_56, %dma_wait3A_57] : memref<10000x128xf32, #tpu.memory_space<hbm>> -> memref<10000x128xf32, #tpu.memory_space<hbm>>
      tpu.wait_indirect_dma semaphore(%arg15 : memref<!tpu.dma_semaphore, #tpu.memory_space<semaphore_mem>>) src(%dma_wait3A_58 : memref<10000x128xf32, #tpu.memory_space<hbm>>) dst(%arg12 : memref<80x128xf32, #tpu.memory_space<vmem>>)
      %mul3A_59 = arith.constant 80 : i32
      %mul3A_60 = arith.muli %mul3A_52, %mul3A_59 : i32
      %add3A_61 = arith.addi %mul3A_2, %mul3A_60 : i32
      %dma_start3A_62 = arith.constant 0 : i32
      %dma_start3A_63 = tpu.memref_slice %arg5[%add3A_61, %dma_start3A_62] : memref<64000x128xf32, #tpu.memory_space<hbm>> -> memref<80x128xf32, #tpu.memory_space<hbm>>
      %dma_start3A_64 = arith.constant 0 : i32
      %dma_start3A_65 = tpu.memref_slice %arg5[%add3A_61, %dma_start3A_64] : memref<64000x128xf32, #tpu.memory_space<hbm>> -> memref<80x128xf32, #tpu.memory_space<hbm>>
      tpu.enqueue_dma source(%arg11 : memref<80x128xf32, #tpu.memory_space<vmem>>) target(%dma_start3A_65 : memref<80x128xf32, #tpu.memory_space<hbm>>) target_semaphore(%arg17 : memref<!tpu.dma_semaphore, #tpu.memory_space<semaphore_mem>>)
      %dma_start3A_66 = arith.constant 0 : i32
      %dma_start3A_67 = tpu.memref_slice %arg6[%add3A_61, %dma_start3A_66] : memref<64000x128xf32, #tpu.memory_space<hbm>> -> memref<80x128xf32, #tpu.memory_space<hbm>>
      %dma_start3A_68 = arith.constant 0 : i32
      %dma_start3A_69 = tpu.memref_slice %arg6[%add3A_61, %dma_start3A_68] : memref<64000x128xf32, #tpu.memory_space<hbm>> -> memref<80x128xf32, #tpu.memory_space<hbm>>
      tpu.enqueue_dma source(%arg12 : memref<80x128xf32, #tpu.memory_space<vmem>>) target(%dma_start3A_69 : memref<80x128xf32, #tpu.memory_space<hbm>>) target_semaphore(%arg17 : memref<!tpu.dma_semaphore, #tpu.memory_space<semaphore_mem>>)
      %dma_wait3A_70 = arith.constant 0 : i32
      %dma_wait3A_71 = arith.constant 0 : i32
      %dma_wait3A_72 = tpu.memref_slice %arg2[%dma_wait3A_70, %dma_wait3A_71] : memref<10000x128xf32, #tpu.memory_space<hbm>> -> memref<10000x128xf32, #tpu.memory_space<hbm>>
      tpu.wait_indirect_dma semaphore(%arg16 : memref<!tpu.dma_semaphore, #tpu.memory_space<semaphore_mem>>) src(%dma_wait3A_72 : memref<10000x128xf32, #tpu.memory_space<hbm>>) dst(%arg13 : memref<80x128xf32, #tpu.memory_space<vmem>>)
      %dma_wait3A_73 = arith.constant 0 : i32
      %dma_wait3A_74 = arith.constant 0 : i32
      %dma_wait3A_75 = tpu.memref_slice %arg2[%dma_wait3A_73, %dma_wait3A_74] : memref<10000x128xf32, #tpu.memory_space<hbm>> -> memref<10000x128xf32, #tpu.memory_space<hbm>>
      tpu.wait_indirect_dma semaphore(%arg16 : memref<!tpu.dma_semaphore, #tpu.memory_space<semaphore_mem>>) src(%dma_wait3A_75 : memref<10000x128xf32, #tpu.memory_space<hbm>>) dst(%arg14 : memref<80x128xf32, #tpu.memory_space<vmem>>)
      %add3A_76 = arith.constant 1 : i32
      %add3A_77 = arith.addi %mul3A_52, %add3A_76 : i32
      %mul3A_78 = arith.constant 80 : i32
      %mul3A_79 = arith.muli %add3A_77, %mul3A_78 : i32
      %add3A_80 = arith.addi %mul3A_2, %mul3A_79 : i32
      %dma_start3A_81 = arith.constant 0 : i32
      %dma_start3A_82 = tpu.memref_slice %arg5[%add3A_80, %dma_start3A_81] : memref<64000x128xf32, #tpu.memory_space<hbm>> -> memref<80x128xf32, #tpu.memory_space<hbm>>
      %dma_start3A_83 = arith.constant 0 : i32
      %dma_start3A_84 = tpu.memref_slice %arg5[%add3A_80, %dma_start3A_83] : memref<64000x128xf32, #tpu.memory_space<hbm>> -> memref<80x128xf32, #tpu.memory_space<hbm>>
      tpu.enqueue_dma source(%arg13 : memref<80x128xf32, #tpu.memory_space<vmem>>) target(%dma_start3A_84 : memref<80x128xf32, #tpu.memory_space<hbm>>) target_semaphore(%arg18 : memref<!tpu.dma_semaphore, #tpu.memory_space<semaphore_mem>>)
      %dma_start3A_85 = arith.constant 0 : i32
      %dma_start3A_86 = tpu.memref_slice %arg6[%add3A_80, %dma_start3A_85] : memref<64000x128xf32, #tpu.memory_space<hbm>> -> memref<80x128xf32, #tpu.memory_space<hbm>>
      %dma_start3A_87 = arith.constant 0 : i32
      %dma_start3A_88 = tpu.memref_slice %arg6[%add3A_80, %dma_start3A_87] : memref<64000x128xf32, #tpu.memory_space<hbm>> -> memref<80x128xf32, #tpu.memory_space<hbm>>
      tpu.enqueue_dma source(%arg14 : memref<80x128xf32, #tpu.memory_space<vmem>>) target(%dma_start3A_88 : memref<80x128xf32, #tpu.memory_space<hbm>>) target_semaphore(%arg18 : memref<!tpu.dma_semaphore, #tpu.memory_space<semaphore_mem>>)
      %dma_wait3A_89 = arith.constant 0 : i32
      %dma_wait3A_90 = arith.constant 0 : i32
      %dma_wait3A_91 = tpu.memref_slice %arg5[%dma_wait3A_89, %dma_wait3A_90] : memref<64000x128xf32, #tpu.memory_space<hbm>> -> memref<80x128xf32, #tpu.memory_space<hbm>>
      %dma_wait3A_92 = arith.constant 0 : i32
      %dma_wait3A_93 = arith.constant 0 : i32
      %dma_wait3A_94 = tpu.memref_slice %arg5[%dma_wait3A_92, %dma_wait3A_93] : memref<64000x128xf32, #tpu.memory_space<hbm>> -> memref<80x128xf32, #tpu.memory_space<hbm>>
      tpu.wait_dma2 semaphore(%arg17 : memref<!tpu.dma_semaphore, #tpu.memory_space<semaphore_mem>>) src(%arg11 : memref<80x128xf32, #tpu.memory_space<vmem>>) dst(%dma_wait3A_94 : memref<80x128xf32, #tpu.memory_space<hbm>>)
      %dma_wait3A_95 = arith.constant 0 : i32
      %dma_wait3A_96 = arith.constant 0 : i32
      %dma_wait3A_97 = tpu.memref_slice %arg6[%dma_wait3A_95, %dma_wait3A_96] : memref<64000x128xf32, #tpu.memory_space<hbm>> -> memref<80x128xf32, #tpu.memory_space<hbm>>
      %dma_wait3A_98 = arith.constant 0 : i32
      %dma_wait3A_99 = arith.constant 0 : i32
      %dma_wait3A_100 = tpu.memref_slice %arg6[%dma_wait3A_98, %dma_wait3A_99] : memref<64000x128xf32, #tpu.memory_space<hbm>> -> memref<80x128xf32, #tpu.memory_space<hbm>>
      tpu.wait_dma2 semaphore(%arg17 : memref<!tpu.dma_semaphore, #tpu.memory_space<semaphore_mem>>) src(%arg12 : memref<80x128xf32, #tpu.memory_space<vmem>>) dst(%dma_wait3A_100 : memref<80x128xf32, #tpu.memory_space<hbm>>)
      %add3A_101 = arith.constant 2 : i32
      %add3A_102 = arith.addi %mul3A_52, %add3A_101 : i32
      %mul3A_103 = arith.constant 80 : i32
      %mul3A_104 = arith.muli %add3A_102, %mul3A_103 : i32
      %add3A_105 = arith.addi %mul3A_2, %mul3A_104 : i32
      "tpu.region"() ({
        %run_scoped3A = tpu.sem_alloc : memref<!tpu.dma_semaphore, #tpu.memory_space<semaphore_mem>>
        %dma_start3A_126 = tpu.memref_slice %arg3[%add3A_105] : memref<64000xi32, #tpu.memory_space<hbm>> -> memref<80xi32, #tpu.memory_space<hbm>>
        %dma_start3A_127 = tpu.memref_slice %arg3[%add3A_105] : memref<64000xi32, #tpu.memory_space<hbm>> -> memref<80xi32, #tpu.memory_space<hbm>>
        tpu.enqueue_dma source(%dma_start3A_127 : memref<80xi32, #tpu.memory_space<hbm>>) target(%arg7 : memref<80xi32, #tpu.memory_space<vmem>>) target_semaphore(%run_scoped3A : memref<!tpu.dma_semaphore, #tpu.memory_space<semaphore_mem>>)
        %dma_wait3A_128 = tpu.memref_slice %arg3[%add3A_105] : memref<64000xi32, #tpu.memory_space<hbm>> -> memref<80xi32, #tpu.memory_space<hbm>>
        %dma_wait3A_129 = tpu.memref_slice %arg3[%add3A_105] : memref<64000xi32, #tpu.memory_space<hbm>> -> memref<80xi32, #tpu.memory_space<hbm>>
        tpu.wait_dma2 semaphore(%run_scoped3A : memref<!tpu.dma_semaphore, #tpu.memory_space<semaphore_mem>>) src(%dma_wait3A_129 : memref<80xi32, #tpu.memory_space<hbm>>) dst(%arg7 : memref<80xi32, #tpu.memory_space<vmem>>)
        tpu.yield
      }) : () -> ()
      "tpu.region"() ({
        %run_scoped3A = tpu.sem_alloc : memref<!tpu.dma_semaphore, #tpu.memory_space<semaphore_mem>>
        %dma_start3A_126 = tpu.memref_slice %arg4[%add3A_105] : memref<64000xi32, #tpu.memory_space<hbm>> -> memref<80xi32, #tpu.memory_space<hbm>>
        %dma_start3A_127 = tpu.memref_slice %arg4[%add3A_105] : memref<64000xi32, #tpu.memory_space<hbm>> -> memref<80xi32, #tpu.memory_space<hbm>>
        tpu.enqueue_dma source(%dma_start3A_127 : memref<80xi32, #tpu.memory_space<hbm>>) target(%arg8 : memref<80xi32, #tpu.memory_space<vmem>>) target_semaphore(%run_scoped3A : memref<!tpu.dma_semaphore, #tpu.memory_space<semaphore_mem>>)
        %dma_wait3A_128 = tpu.memref_slice %arg4[%add3A_105] : memref<64000xi32, #tpu.memory_space<hbm>> -> memref<80xi32, #tpu.memory_space<hbm>>
        %dma_wait3A_129 = tpu.memref_slice %arg4[%add3A_105] : memref<64000xi32, #tpu.memory_space<hbm>> -> memref<80xi32, #tpu.memory_space<hbm>>
        tpu.wait_dma2 semaphore(%run_scoped3A : memref<!tpu.dma_semaphore, #tpu.memory_space<semaphore_mem>>) src(%dma_wait3A_129 : memref<80xi32, #tpu.memory_space<hbm>>) dst(%arg8 : memref<80xi32, #tpu.memory_space<vmem>>)
        tpu.yield
      }) : () -> ()
      %dma_start3A_106 = arith.constant 0 : i32
      %dma_start3A_107 = arith.constant 0 : i32
      %dma_start3A_108 = tpu.memref_slice %arg2[%dma_start3A_106, %dma_start3A_107] : memref<10000x128xf32, #tpu.memory_space<hbm>> -> memref<10000x128xf32, #tpu.memory_space<hbm>>
      tpu.enqueue_indirect_dma source(%dma_start3A_108 : memref<10000x128xf32, #tpu.memory_space<hbm>>) target(%arg11 : memref<80x128xf32, #tpu.memory_space<vmem>>) offsets(%arg7 : memref<80xi32, #tpu.memory_space<vmem>>) semaphore(%arg15 : memref<!tpu.dma_semaphore, #tpu.memory_space<semaphore_mem>>)
      %dma_start3A_109 = arith.constant 0 : i32
      %dma_start3A_110 = arith.constant 0 : i32
      %dma_start3A_111 = tpu.memref_slice %arg2[%dma_start3A_109, %dma_start3A_110] : memref<10000x128xf32, #tpu.memory_space<hbm>> -> memref<10000x128xf32, #tpu.memory_space<hbm>>
      tpu.enqueue_indirect_dma source(%dma_start3A_111 : memref<10000x128xf32, #tpu.memory_space<hbm>>) target(%arg12 : memref<80x128xf32, #tpu.memory_space<vmem>>) offsets(%arg8 : memref<80xi32, #tpu.memory_space<vmem>>) semaphore(%arg15 : memref<!tpu.dma_semaphore, #tpu.memory_space<semaphore_mem>>)
      %dma_wait3A_112 = arith.constant 0 : i32
      %dma_wait3A_113 = arith.constant 0 : i32
      %dma_wait3A_114 = tpu.memref_slice %arg5[%dma_wait3A_112, %dma_wait3A_113] : memref<64000x128xf32, #tpu.memory_space<hbm>> -> memref<80x128xf32, #tpu.memory_space<hbm>>
      %dma_wait3A_115 = arith.constant 0 : i32
      %dma_wait3A_116 = arith.constant 0 : i32
      %dma_wait3A_117 = tpu.memref_slice %arg5[%dma_wait3A_115, %dma_wait3A_116] : memref<64000x128xf32, #tpu.memory_space<hbm>> -> memref<80x128xf32, #tpu.memory_space<hbm>>
      tpu.wait_dma2 semaphore(%arg18 : memref<!tpu.dma_semaphore, #tpu.memory_space<semaphore_mem>>) src(%arg13 : memref<80x128xf32, #tpu.memory_space<vmem>>) dst(%dma_wait3A_117 : memref<80x128xf32, #tpu.memory_space<hbm>>)
      %dma_wait3A_118 = arith.constant 0 : i32
      %dma_wait3A_119 = arith.constant 0 : i32
      %dma_wait3A_120 = tpu.memref_slice %arg6[%dma_wait3A_118, %dma_wait3A_119] : memref<64000x128xf32, #tpu.memory_space<hbm>> -> memref<80x128xf32, #tpu.memory_space<hbm>>
      %dma_wait3A_121 = arith.constant 0 : i32
      %dma_wait3A_122 = arith.constant 0 : i32
      %dma_wait3A_123 = tpu.memref_slice %arg6[%dma_wait3A_121, %dma_wait3A_122] : memref<64000x128xf32, #tpu.memory_space<hbm>> -> memref<80x128xf32, #tpu.memory_space<hbm>>
      tpu.wait_dma2 semaphore(%arg18 : memref<!tpu.dma_semaphore, #tpu.memory_space<semaphore_mem>>) src(%arg14 : memref<80x128xf32, #tpu.memory_space<vmem>>) dst(%dma_wait3A_123 : memref<80x128xf32, #tpu.memory_space<hbm>>)
      %lt3A = arith.constant 11 : i32
      %lt3A_124 = arith.cmpi slt, %scan3A_50, %lt3A : i32
      %convert_element_type3A = arith.extui %lt3A_124 : i1 to i32
      %cond3A = arith.constant 0 : i32
      %cond3A_125 = arith.cmpi ne, %convert_element_type3A, %cond3A : i32
      scf.if %cond3A_125 {
        %add3A_126 = arith.constant 3 : i32
        %add3A_127 = arith.addi %mul3A_52, %add3A_126 : i32
        %mul3A_128 = arith.constant 80 : i32
        %mul3A_129 = arith.muli %add3A_127, %mul3A_128 : i32
        %add3A_130 = arith.addi %mul3A_2, %mul3A_129 : i32
        "tpu.region"() ({
          %run_scoped3A = tpu.sem_alloc : memref<!tpu.dma_semaphore, #tpu.memory_space<semaphore_mem>>
          %dma_start3A_137 = tpu.memref_slice %arg3[%add3A_130] : memref<64000xi32, #tpu.memory_space<hbm>> -> memref<80xi32, #tpu.memory_space<hbm>>
          %dma_start3A_138 = tpu.memref_slice %arg3[%add3A_130] : memref<64000xi32, #tpu.memory_space<hbm>> -> memref<80xi32, #tpu.memory_space<hbm>>
          tpu.enqueue_dma source(%dma_start3A_138 : memref<80xi32, #tpu.memory_space<hbm>>) target(%arg9 : memref<80xi32, #tpu.memory_space<vmem>>) target_semaphore(%run_scoped3A : memref<!tpu.dma_semaphore, #tpu.memory_space<semaphore_mem>>)
          %dma_wait3A_139 = tpu.memref_slice %arg3[%add3A_130] : memref<64000xi32, #tpu.memory_space<hbm>> -> memref<80xi32, #tpu.memory_space<hbm>>
          %dma_wait3A_140 = tpu.memref_slice %arg3[%add3A_130] : memref<64000xi32, #tpu.memory_space<hbm>> -> memref<80xi32, #tpu.memory_space<hbm>>
          tpu.wait_dma2 semaphore(%run_scoped3A : memref<!tpu.dma_semaphore, #tpu.memory_space<semaphore_mem>>) src(%dma_wait3A_140 : memref<80xi32, #tpu.memory_space<hbm>>) dst(%arg9 : memref<80xi32, #tpu.memory_space<vmem>>)
          tpu.yield
        }) : () -> ()
        "tpu.region"() ({
          %run_scoped3A = tpu.sem_alloc : memref<!tpu.dma_semaphore, #tpu.memory_space<semaphore_mem>>
          %dma_start3A_137 = tpu.memref_slice %arg4[%add3A_130] : memref<64000xi32, #tpu.memory_space<hbm>> -> memref<80xi32, #tpu.memory_space<hbm>>
          %dma_start3A_138 = tpu.memref_slice %arg4[%add3A_130] : memref<64000xi32, #tpu.memory_space<hbm>> -> memref<80xi32, #tpu.memory_space<hbm>>
          tpu.enqueue_dma source(%dma_start3A_138 : memref<80xi32, #tpu.memory_space<hbm>>) target(%arg10 : memref<80xi32, #tpu.memory_space<vmem>>) target_semaphore(%run_scoped3A : memref<!tpu.dma_semaphore, #tpu.memory_space<semaphore_mem>>)
          %dma_wait3A_139 = tpu.memref_slice %arg4[%add3A_130] : memref<64000xi32, #tpu.memory_space<hbm>> -> memref<80xi32, #tpu.memory_space<hbm>>
          %dma_wait3A_140 = tpu.memref_slice %arg4[%add3A_130] : memref<64000xi32, #tpu.memory_space<hbm>> -> memref<80xi32, #tpu.memory_space<hbm>>
          tpu.wait_dma2 semaphore(%run_scoped3A : memref<!tpu.dma_semaphore, #tpu.memory_space<semaphore_mem>>) src(%dma_wait3A_140 : memref<80xi32, #tpu.memory_space<hbm>>) dst(%arg10 : memref<80xi32, #tpu.memory_space<vmem>>)
          tpu.yield
        }) : () -> ()
        %dma_start3A_131 = arith.constant 0 : i32
        %dma_start3A_132 = arith.constant 0 : i32
        %dma_start3A_133 = tpu.memref_slice %arg2[%dma_start3A_131, %dma_start3A_132] : memref<10000x128xf32, #tpu.memory_space<hbm>> -> memref<10000x128xf32, #tpu.memory_space<hbm>>
        tpu.enqueue_indirect_dma source(%dma_start3A_133 : memref<10000x128xf32, #tpu.memory_space<hbm>>) target(%arg13 : memref<80x128xf32, #tpu.memory_space<vmem>>) offsets(%arg9 : memref<80xi32, #tpu.memory_space<vmem>>) semaphore(%arg16 : memref<!tpu.dma_semaphore, #tpu.memory_space<semaphore_mem>>)
        %dma_start3A_134 = arith.constant 0 : i32
        %dma_start3A_135 = arith.constant 0 : i32
        %dma_start3A_136 = tpu.memref_slice %arg2[%dma_start3A_134, %dma_start3A_135] : memref<10000x128xf32, #tpu.memory_space<hbm>> -> memref<10000x128xf32, #tpu.memory_space<hbm>>
        tpu.enqueue_indirect_dma source(%dma_start3A_136 : memref<10000x128xf32, #tpu.memory_space<hbm>>) target(%arg14 : memref<80x128xf32, #tpu.memory_space<vmem>>) offsets(%arg10 : memref<80xi32, #tpu.memory_space<vmem>>) semaphore(%arg16 : memref<!tpu.dma_semaphore, #tpu.memory_space<semaphore_mem>>)
      } else {
      }
    }
    %scan3A_22 = arith.constant 12 : i32
    %dma_wait3A = arith.constant 0 : i32
    %dma_wait3A_23 = arith.constant 0 : i32
    %dma_wait3A_24 = tpu.memref_slice %arg2[%dma_wait3A, %dma_wait3A_23] : memref<10000x128xf32, #tpu.memory_space<hbm>> -> memref<10000x128xf32, #tpu.memory_space<hbm>>
    tpu.wait_indirect_dma semaphore(%arg15 : memref<!tpu.dma_semaphore, #tpu.memory_space<semaphore_mem>>) src(%dma_wait3A_24 : memref<10000x128xf32, #tpu.memory_space<hbm>>) dst(%arg11 : memref<80x128xf32, #tpu.memory_space<vmem>>)
    %dma_wait3A_25 = arith.constant 0 : i32
    %dma_wait3A_26 = arith.constant 0 : i32
    %dma_wait3A_27 = tpu.memref_slice %arg2[%dma_wait3A_25, %dma_wait3A_26] : memref<10000x128xf32, #tpu.memory_space<hbm>> -> memref<10000x128xf32, #tpu.memory_space<hbm>>
    tpu.wait_indirect_dma semaphore(%arg15 : memref<!tpu.dma_semaphore, #tpu.memory_space<semaphore_mem>>) src(%dma_wait3A_27 : memref<10000x128xf32, #tpu.memory_space<hbm>>) dst(%arg12 : memref<80x128xf32, #tpu.memory_space<vmem>>)
    %add3A_28 = arith.constant 1920 : i32
    %add3A_29 = arith.addi %mul3A_2, %add3A_28 : i32
    %dma_start3A_30 = arith.constant 0 : i32
    %dma_start3A_31 = tpu.memref_slice %arg5[%add3A_29, %dma_start3A_30] : memref<64000x128xf32, #tpu.memory_space<hbm>> -> memref<80x128xf32, #tpu.memory_space<hbm>>
    %dma_start3A_32 = arith.constant 0 : i32
    %dma_start3A_33 = tpu.memref_slice %arg5[%add3A_29, %dma_start3A_32] : memref<64000x128xf32, #tpu.memory_space<hbm>> -> memref<80x128xf32, #tpu.memory_space<hbm>>
    tpu.enqueue_dma source(%arg11 : memref<80x128xf32, #tpu.memory_space<vmem>>) target(%dma_start3A_33 : memref<80x128xf32, #tpu.memory_space<hbm>>) target_semaphore(%arg17 : memref<!tpu.dma_semaphore, #tpu.memory_space<semaphore_mem>>)
    %dma_start3A_34 = arith.constant 0 : i32
    %dma_start3A_35 = tpu.memref_slice %arg6[%add3A_29, %dma_start3A_34] : memref<64000x128xf32, #tpu.memory_space<hbm>> -> memref<80x128xf32, #tpu.memory_space<hbm>>
    %dma_start3A_36 = arith.constant 0 : i32
    %dma_start3A_37 = tpu.memref_slice %arg6[%add3A_29, %dma_start3A_36] : memref<64000x128xf32, #tpu.memory_space<hbm>> -> memref<80x128xf32, #tpu.memory_space<hbm>>
    tpu.enqueue_dma source(%arg12 : memref<80x128xf32, #tpu.memory_space<vmem>>) target(%dma_start3A_37 : memref<80x128xf32, #tpu.memory_space<hbm>>) target_semaphore(%arg17 : memref<!tpu.dma_semaphore, #tpu.memory_space<semaphore_mem>>)
    %dma_wait3A_38 = arith.constant 0 : i32
    %dma_wait3A_39 = arith.constant 0 : i32
    %dma_wait3A_40 = tpu.memref_slice %arg5[%dma_wait3A_38, %dma_wait3A_39] : memref<64000x128xf32, #tpu.memory_space<hbm>> -> memref<80x128xf32, #tpu.memory_space<hbm>>
    %dma_wait3A_41 = arith.constant 0 : i32
    %dma_wait3A_42 = arith.constant 0 : i32
    %dma_wait3A_43 = tpu.memref_slice %arg5[%dma_wait3A_41, %dma_wait3A_42] : memref<64000x128xf32, #tpu.memory_space<hbm>> -> memref<80x128xf32, #tpu.memory_space<hbm>>
    tpu.wait_dma2 semaphore(%arg17 : memref<!tpu.dma_semaphore, #tpu.memory_space<semaphore_mem>>) src(%arg11 : memref<80x128xf32, #tpu.memory_space<vmem>>) dst(%dma_wait3A_43 : memref<80x128xf32, #tpu.memory_space<hbm>>)
    %dma_wait3A_44 = arith.constant 0 : i32
    %dma_wait3A_45 = arith.constant 0 : i32
    %dma_wait3A_46 = tpu.memref_slice %arg6[%dma_wait3A_44, %dma_wait3A_45] : memref<64000x128xf32, #tpu.memory_space<hbm>> -> memref<80x128xf32, #tpu.memory_space<hbm>>
    %dma_wait3A_47 = arith.constant 0 : i32
    %dma_wait3A_48 = arith.constant 0 : i32
    %dma_wait3A_49 = tpu.memref_slice %arg6[%dma_wait3A_47, %dma_wait3A_48] : memref<64000x128xf32, #tpu.memory_space<hbm>> -> memref<80x128xf32, #tpu.memory_space<hbm>>
    tpu.wait_dma2 semaphore(%arg17 : memref<!tpu.dma_semaphore, #tpu.memory_space<semaphore_mem>>) src(%arg12 : memref<80x128xf32, #tpu.memory_space<vmem>>) dst(%dma_wait3A_49 : memref<80x128xf32, #tpu.memory_space<hbm>>)
    return
  }
}

#map = affine_map<(d0, d1) -> (0, 0)>
#map1 = affine_map<(d0, d1) -> (0)>
module attributes {stable_mosaic.version = 14 : i64} {
  func.func @_sc_gather_body(%arg0: i32, %arg1: i32, %arg2: memref<10000x128xf32, #tpu.memory_space<hbm>>, %arg3: memref<64000xi32, #tpu.memory_space<hbm>>, %arg4: memref<64000xi32, #tpu.memory_space<hbm>>, %arg5: memref<64000x128xf32, #tpu.memory_space<hbm>>, %arg6: memref<64000x128xf32, #tpu.memory_space<hbm>>, %arg7: memref<80xi32, #tpu.memory_space<vmem>>, %arg8: memref<80xi32, #tpu.memory_space<vmem>>, %arg9: memref<80xi32, #tpu.memory_space<vmem>>, %arg10: memref<80xi32, #tpu.memory_space<vmem>>, %arg11: memref<80x128xf32, #tpu.memory_space<vmem>>, %arg12: memref<80x128xf32, #tpu.memory_space<vmem>>, %arg13: memref<80x128xf32, #tpu.memory_space<vmem>>, %arg14: memref<80x128xf32, #tpu.memory_space<vmem>>, %arg15: memref<!tpu.dma_semaphore, #tpu.memory_space<semaphore_mem>>, %arg16: memref<!tpu.dma_semaphore, #tpu.memory_space<semaphore_mem>>, %arg17: memref<!tpu.dma_semaphore, #tpu.memory_space<semaphore_mem>>, %arg18: memref<!tpu.dma_semaphore, #tpu.memory_space<semaphore_mem>>) attributes {dimension_semantics = [#tpu.dimension_semantics<core_parallel>, #tpu.dimension_semantics<subcore_parallel>], iteration_bounds = array<i64: 2, 16>, scalar_prefetch = 0 : i64, scratch_operands = 12 : i64, tpu.core_type = #tpu.core_type<sc_vector_subcore>, window_params = [{transform_indices = #map}, {transform_indices = #map1}, {transform_indices = #map1}, {transform_indices = #map}, {transform_indices = #map}]} {
    %mul3A = arith.constant 16 : i32
    %mul3A_0 = arith.muli %arg0, %mul3A : i32
    %add3A = arith.addi %mul3A_0, %arg1 : i32
    %mul3A_1 = arith.constant 2000 : i32
    %mul3A_2 = arith.muli %add3A, %mul3A_1 : i32
    %add3A_3 = arith.constant 0 : i32
    %add3A_4 = arith.addi %mul3A_2, %add3A_3 : i32
    "tpu.region"() ({
      %run_scoped3A = tpu.sem_alloc : memref<!tpu.dma_semaphore, #tpu.memory_space<semaphore_mem>>
      %dma_start3A_50 = tpu.memref_slice %arg3[%add3A_4] : memref<64000xi32, #tpu.memory_space<hbm>> -> memref<80xi32, #tpu.memory_space<hbm>>
      %dma_start3A_51 = tpu.memref_slice %arg3[%add3A_4] : memref<64000xi32, #tpu.memory_space<hbm>> -> memref<80xi32, #tpu.memory_space<hbm>>
      tpu.enqueue_dma source(%dma_start3A_51 : memref<80xi32, #tpu.memory_space<hbm>>) target(%arg7 : memref<80xi32, #tpu.memory_space<vmem>>) target_semaphore(%run_scoped3A : memref<!tpu.dma_semaphore, #tpu.memory_space<semaphore_mem>>)
      %dma_wait3A_52 = tpu.memref_slice %arg3[%add3A_4] : memref<64000xi32, #tpu.memory_space<hbm>> -> memref<80xi32, #tpu.memory_space<hbm>>
      %dma_wait3A_53 = tpu.memref_slice %arg3[%add3A_4] : memref<64000xi32, #tpu.memory_space<hbm>> -> memref<80xi32, #tpu.memory_space<hbm>>
      tpu.wait_dma2 semaphore(%run_scoped3A : memref<!tpu.dma_semaphore, #tpu.memory_space<semaphore_mem>>) src(%dma_wait3A_53 : memref<80xi32, #tpu.memory_space<hbm>>) dst(%arg7 : memref<80xi32, #tpu.memory_space<vmem>>)
      tpu.yield
    }) : () -> ()
    "tpu.region"() ({
      %run_scoped3A = tpu.sem_alloc : memref<!tpu.dma_semaphore, #tpu.memory_space<semaphore_mem>>
      %dma_start3A_50 = tpu.memref_slice %arg4[%add3A_4] : memref<64000xi32, #tpu.memory_space<hbm>> -> memref<80xi32, #tpu.memory_space<hbm>>
      %dma_start3A_51 = tpu.memref_slice %arg4[%add3A_4] : memref<64000xi32, #tpu.memory_space<hbm>> -> memref<80xi32, #tpu.memory_space<hbm>>
      tpu.enqueue_dma source(%dma_start3A_51 : memref<80xi32, #tpu.memory_space<hbm>>) target(%arg8 : memref<80xi32, #tpu.memory_space<vmem>>) target_semaphore(%run_scoped3A : memref<!tpu.dma_semaphore, #tpu.memory_space<semaphore_mem>>)
      %dma_wait3A_52 = tpu.memref_slice %arg4[%add3A_4] : memref<64000xi32, #tpu.memory_space<hbm>> -> memref<80xi32, #tpu.memory_space<hbm>>
      %dma_wait3A_53 = tpu.memref_slice %arg4[%add3A_4] : memref<64000xi32, #tpu.memory_space<hbm>> -> memref<80xi32, #tpu.memory_space<hbm>>
      tpu.wait_dma2 semaphore(%run_scoped3A : memref<!tpu.dma_semaphore, #tpu.memory_space<semaphore_mem>>) src(%dma_wait3A_53 : memref<80xi32, #tpu.memory_space<hbm>>) dst(%arg8 : memref<80xi32, #tpu.memory_space<vmem>>)
      tpu.yield
    }) : () -> ()
    %dma_start3A = arith.constant 0 : i32
    %dma_start3A_5 = arith.constant 0 : i32
    %dma_start3A_6 = tpu.memref_slice %arg2[%dma_start3A, %dma_start3A_5] : memref<10000x128xf32, #tpu.memory_space<hbm>> -> memref<10000x128xf32, #tpu.memory_space<hbm>>
    tpu.enqueue_indirect_dma source(%dma_start3A_6 : memref<10000x128xf32, #tpu.memory_space<hbm>>) target(%arg11 : memref<80x128xf32, #tpu.memory_space<vmem>>) offsets(%arg7 : memref<80xi32, #tpu.memory_space<vmem>>) semaphore(%arg15 : memref<!tpu.dma_semaphore, #tpu.memory_space<semaphore_mem>>)
    %dma_start3A_7 = arith.constant 0 : i32
    %dma_start3A_8 = arith.constant 0 : i32
    %dma_start3A_9 = tpu.memref_slice %arg2[%dma_start3A_7, %dma_start3A_8] : memref<10000x128xf32, #tpu.memory_space<hbm>> -> memref<10000x128xf32, #tpu.memory_space<hbm>>
    tpu.enqueue_indirect_dma source(%dma_start3A_9 : memref<10000x128xf32, #tpu.memory_space<hbm>>) target(%arg12 : memref<80x128xf32, #tpu.memory_space<vmem>>) offsets(%arg8 : memref<80xi32, #tpu.memory_space<vmem>>) semaphore(%arg15 : memref<!tpu.dma_semaphore, #tpu.memory_space<semaphore_mem>>)
    %add3A_10 = arith.constant 80 : i32
    %add3A_11 = arith.addi %mul3A_2, %add3A_10 : i32
    "tpu.region"() ({
      %run_scoped3A = tpu.sem_alloc : memref<!tpu.dma_semaphore, #tpu.memory_space<semaphore_mem>>
      %dma_start3A_50 = tpu.memref_slice %arg3[%add3A_11] : memref<64000xi32, #tpu.memory_space<hbm>> -> memref<80xi32, #tpu.memory_space<hbm>>
      %dma_start3A_51 = tpu.memref_slice %arg3[%add3A_11] : memref<64000xi32, #tpu.memory_space<hbm>> -> memref<80xi32, #tpu.memory_space<hbm>>
      tpu.enqueue_dma source(%dma_start3A_51 : memref<80xi32, #tpu.memory_space<hbm>>) target(%arg9 : memref<80xi32, #tpu.memory_space<vmem>>) target_semaphore(%run_scoped3A : memref<!tpu.dma_semaphore, #tpu.memory_space<semaphore_mem>>)
      %dma_wait3A_52 = tpu.memref_slice %arg3[%add3A_11] : memref<64000xi32, #tpu.memory_space<hbm>> -> memref<80xi32, #tpu.memory_space<hbm>>
      %dma_wait3A_53 = tpu.memref_slice %arg3[%add3A_11] : memref<64000xi32, #tpu.memory_space<hbm>> -> memref<80xi32, #tpu.memory_space<hbm>>
      tpu.wait_dma2 semaphore(%run_scoped3A : memref<!tpu.dma_semaphore, #tpu.memory_space<semaphore_mem>>) src(%dma_wait3A_53 : memref<80xi32, #tpu.memory_space<hbm>>) dst(%arg9 : memref<80xi32, #tpu.memory_space<vmem>>)
      tpu.yield
    }) : () -> ()
    "tpu.region"() ({
      %run_scoped3A = tpu.sem_alloc : memref<!tpu.dma_semaphore, #tpu.memory_space<semaphore_mem>>
      %dma_start3A_50 = tpu.memref_slice %arg4[%add3A_11] : memref<64000xi32, #tpu.memory_space<hbm>> -> memref<80xi32, #tpu.memory_space<hbm>>
      %dma_start3A_51 = tpu.memref_slice %arg4[%add3A_11] : memref<64000xi32, #tpu.memory_space<hbm>> -> memref<80xi32, #tpu.memory_space<hbm>>
      tpu.enqueue_dma source(%dma_start3A_51 : memref<80xi32, #tpu.memory_space<hbm>>) target(%arg10 : memref<80xi32, #tpu.memory_space<vmem>>) target_semaphore(%run_scoped3A : memref<!tpu.dma_semaphore, #tpu.memory_space<semaphore_mem>>)
      %dma_wait3A_52 = tpu.memref_slice %arg4[%add3A_11] : memref<64000xi32, #tpu.memory_space<hbm>> -> memref<80xi32, #tpu.memory_space<hbm>>
      %dma_wait3A_53 = tpu.memref_slice %arg4[%add3A_11] : memref<64000xi32, #tpu.memory_space<hbm>> -> memref<80xi32, #tpu.memory_space<hbm>>
      tpu.wait_dma2 semaphore(%run_scoped3A : memref<!tpu.dma_semaphore, #tpu.memory_space<semaphore_mem>>) src(%dma_wait3A_53 : memref<80xi32, #tpu.memory_space<hbm>>) dst(%arg10 : memref<80xi32, #tpu.memory_space<vmem>>)
      tpu.yield
    }) : () -> ()
    %dma_start3A_12 = arith.constant 0 : i32
    %dma_start3A_13 = arith.constant 0 : i32
    %dma_start3A_14 = tpu.memref_slice %arg2[%dma_start3A_12, %dma_start3A_13] : memref<10000x128xf32, #tpu.memory_space<hbm>> -> memref<10000x128xf32, #tpu.memory_space<hbm>>
    tpu.enqueue_indirect_dma source(%dma_start3A_14 : memref<10000x128xf32, #tpu.memory_space<hbm>>) target(%arg13 : memref<80x128xf32, #tpu.memory_space<vmem>>) offsets(%arg9 : memref<80xi32, #tpu.memory_space<vmem>>) semaphore(%arg16 : memref<!tpu.dma_semaphore, #tpu.memory_space<semaphore_mem>>)
    %dma_start3A_15 = arith.constant 0 : i32
    %dma_start3A_16 = arith.constant 0 : i32
    %dma_start3A_17 = tpu.memref_slice %arg2[%dma_start3A_15, %dma_start3A_16] : memref<10000x128xf32, #tpu.memory_space<hbm>> -> memref<10000x128xf32, #tpu.memory_space<hbm>>
    tpu.enqueue_indirect_dma source(%dma_start3A_17 : memref<10000x128xf32, #tpu.memory_space<hbm>>) target(%arg14 : memref<80x128xf32, #tpu.memory_space<vmem>>) offsets(%arg10 : memref<80xi32, #tpu.memory_space<vmem>>) semaphore(%arg16 : memref<!tpu.dma_semaphore, #tpu.memory_space<semaphore_mem>>)
    %scan3A = arith.constant 0 : i32
    %scan3A_18 = arith.constant 0 : i32
    %scan3A_19 = arith.constant 12 : i32
    %scan3A_20 = arith.addi %scan3A_18, %scan3A_19 : i32
    %scan3A_21 = arith.constant 1 : i32
    scf.for %scan3A_50 = %scan3A_18 to %scan3A_20 step %scan3A_21  : i32 {
      %mul3A_51 = arith.constant 2 : i32
      %mul3A_52 = arith.muli %mul3A_51, %scan3A_50 : i32
      %dma_wait3A_53 = arith.constant 0 : i32
      %dma_wait3A_54 = arith.constant 0 : i32
      %dma_wait3A_55 = tpu.memref_slice %arg2[%dma_wait3A_53, %dma_wait3A_54] : memref<10000x128xf32, #tpu.memory_space<hbm>> -> memref<10000x128xf32, #tpu.memory_space<hbm>>
      tpu.wait_indirect_dma semaphore(%arg15 : memref<!tpu.dma_semaphore, #tpu.memory_space<semaphore_mem>>) src(%dma_wait3A_55 : memref<10000x128xf32, #tpu.memory_space<hbm>>) dst(%arg11 : memref<80x128xf32, #tpu.memory_space<vmem>>)
      %dma_wait3A_56 = arith.constant 0 : i32
      %dma_wait3A_57 = arith.constant 0 : i32
      %dma_wait3A_58 = tpu.memref_slice %arg2[%dma_wait3A_56, %dma_wait3A_57] : memref<10000x128xf32, #tpu.memory_space<hbm>> -> memref<10000x128xf32, #tpu.memory_space<hbm>>
      tpu.wait_indirect_dma semaphore(%arg15 : memref<!tpu.dma_semaphore, #tpu.memory_space<semaphore_mem>>) src(%dma_wait3A_58 : memref<10000x128xf32, #tpu.memory_space<hbm>>) dst(%arg12 : memref<80x128xf32, #tpu.memory_space<vmem>>)
      %mul3A_59 = arith.constant 80 : i32
      %mul3A_60 = arith.muli %mul3A_52, %mul3A_59 : i32
      %add3A_61 = arith.addi %mul3A_2, %mul3A_60 : i32
      %dma_start3A_62 = arith.constant 0 : i32
      %dma_start3A_63 = tpu.memref_slice %arg5[%add3A_61, %dma_start3A_62] : memref<64000x128xf32, #tpu.memory_space<hbm>> -> memref<80x128xf32, #tpu.memory_space<hbm>>
      %dma_start3A_64 = arith.constant 0 : i32
      %dma_start3A_65 = tpu.memref_slice %arg5[%add3A_61, %dma_start3A_64] : memref<64000x128xf32, #tpu.memory_space<hbm>> -> memref<80x128xf32, #tpu.memory_space<hbm>>
      tpu.enqueue_dma source(%arg11 : memref<80x128xf32, #tpu.memory_space<vmem>>) target(%dma_start3A_65 : memref<80x128xf32, #tpu.memory_space<hbm>>) target_semaphore(%arg17 : memref<!tpu.dma_semaphore, #tpu.memory_space<semaphore_mem>>)
      %dma_start3A_66 = arith.constant 0 : i32
      %dma_start3A_67 = tpu.memref_slice %arg6[%add3A_61, %dma_start3A_66] : memref<64000x128xf32, #tpu.memory_space<hbm>> -> memref<80x128xf32, #tpu.memory_space<hbm>>
      %dma_start3A_68 = arith.constant 0 : i32
      %dma_start3A_69 = tpu.memref_slice %arg6[%add3A_61, %dma_start3A_68] : memref<64000x128xf32, #tpu.memory_space<hbm>> -> memref<80x128xf32, #tpu.memory_space<hbm>>
      tpu.enqueue_dma source(%arg12 : memref<80x128xf32, #tpu.memory_space<vmem>>) target(%dma_start3A_69 : memref<80x128xf32, #tpu.memory_space<hbm>>) target_semaphore(%arg17 : memref<!tpu.dma_semaphore, #tpu.memory_space<semaphore_mem>>)
      %dma_wait3A_70 = arith.constant 0 : i32
      %dma_wait3A_71 = arith.constant 0 : i32
      %dma_wait3A_72 = tpu.memref_slice %arg2[%dma_wait3A_70, %dma_wait3A_71] : memref<10000x128xf32, #tpu.memory_space<hbm>> -> memref<10000x128xf32, #tpu.memory_space<hbm>>
      tpu.wait_indirect_dma semaphore(%arg16 : memref<!tpu.dma_semaphore, #tpu.memory_space<semaphore_mem>>) src(%dma_wait3A_72 : memref<10000x128xf32, #tpu.memory_space<hbm>>) dst(%arg13 : memref<80x128xf32, #tpu.memory_space<vmem>>)
      %dma_wait3A_73 = arith.constant 0 : i32
      %dma_wait3A_74 = arith.constant 0 : i32
      %dma_wait3A_75 = tpu.memref_slice %arg2[%dma_wait3A_73, %dma_wait3A_74] : memref<10000x128xf32, #tpu.memory_space<hbm>> -> memref<10000x128xf32, #tpu.memory_space<hbm>>
      tpu.wait_indirect_dma semaphore(%arg16 : memref<!tpu.dma_semaphore, #tpu.memory_space<semaphore_mem>>) src(%dma_wait3A_75 : memref<10000x128xf32, #tpu.memory_space<hbm>>) dst(%arg14 : memref<80x128xf32, #tpu.memory_space<vmem>>)
      %add3A_76 = arith.constant 1 : i32
      %add3A_77 = arith.addi %mul3A_52, %add3A_76 : i32
      %mul3A_78 = arith.constant 80 : i32
      %mul3A_79 = arith.muli %add3A_77, %mul3A_78 : i32
      %add3A_80 = arith.addi %mul3A_2, %mul3A_79 : i32
      %dma_start3A_81 = arith.constant 0 : i32
      %dma_start3A_82 = tpu.memref_slice %arg5[%add3A_80, %dma_start3A_81] : memref<64000x128xf32, #tpu.memory_space<hbm>> -> memref<80x128xf32, #tpu.memory_space<hbm>>
      %dma_start3A_83 = arith.constant 0 : i32
      %dma_start3A_84 = tpu.memref_slice %arg5[%add3A_80, %dma_start3A_83] : memref<64000x128xf32, #tpu.memory_space<hbm>> -> memref<80x128xf32, #tpu.memory_space<hbm>>
      tpu.enqueue_dma source(%arg13 : memref<80x128xf32, #tpu.memory_space<vmem>>) target(%dma_start3A_84 : memref<80x128xf32, #tpu.memory_space<hbm>>) target_semaphore(%arg18 : memref<!tpu.dma_semaphore, #tpu.memory_space<semaphore_mem>>)
      %dma_start3A_85 = arith.constant 0 : i32
      %dma_start3A_86 = tpu.memref_slice %arg6[%add3A_80, %dma_start3A_85] : memref<64000x128xf32, #tpu.memory_space<hbm>> -> memref<80x128xf32, #tpu.memory_space<hbm>>
      %dma_start3A_87 = arith.constant 0 : i32
      %dma_start3A_88 = tpu.memref_slice %arg6[%add3A_80, %dma_start3A_87] : memref<64000x128xf32, #tpu.memory_space<hbm>> -> memref<80x128xf32, #tpu.memory_space<hbm>>
      tpu.enqueue_dma source(%arg14 : memref<80x128xf32, #tpu.memory_space<vmem>>) target(%dma_start3A_88 : memref<80x128xf32, #tpu.memory_space<hbm>>) target_semaphore(%arg18 : memref<!tpu.dma_semaphore, #tpu.memory_space<semaphore_mem>>)
      %dma_wait3A_89 = arith.constant 0 : i32
      %dma_wait3A_90 = arith.constant 0 : i32
      %dma_wait3A_91 = tpu.memref_slice %arg5[%dma_wait3A_89, %dma_wait3A_90] : memref<64000x128xf32, #tpu.memory_space<hbm>> -> memref<80x128xf32, #tpu.memory_space<hbm>>
      %dma_wait3A_92 = arith.constant 0 : i32
      %dma_wait3A_93 = arith.constant 0 : i32
      %dma_wait3A_94 = tpu.memref_slice %arg5[%dma_wait3A_92, %dma_wait3A_93] : memref<64000x128xf32, #tpu.memory_space<hbm>> -> memref<80x128xf32, #tpu.memory_space<hbm>>
      tpu.wait_dma2 semaphore(%arg17 : memref<!tpu.dma_semaphore, #tpu.memory_space<semaphore_mem>>) src(%arg11 : memref<80x128xf32, #tpu.memory_space<vmem>>) dst(%dma_wait3A_94 : memref<80x128xf32, #tpu.memory_space<hbm>>)
      %dma_wait3A_95 = arith.constant 0 : i32
      %dma_wait3A_96 = arith.constant 0 : i32
      %dma_wait3A_97 = tpu.memref_slice %arg6[%dma_wait3A_95, %dma_wait3A_96] : memref<64000x128xf32, #tpu.memory_space<hbm>> -> memref<80x128xf32, #tpu.memory_space<hbm>>
      %dma_wait3A_98 = arith.constant 0 : i32
      %dma_wait3A_99 = arith.constant 0 : i32
      %dma_wait3A_100 = tpu.memref_slice %arg6[%dma_wait3A_98, %dma_wait3A_99] : memref<64000x128xf32, #tpu.memory_space<hbm>> -> memref<80x128xf32, #tpu.memory_space<hbm>>
      tpu.wait_dma2 semaphore(%arg17 : memref<!tpu.dma_semaphore, #tpu.memory_space<semaphore_mem>>) src(%arg12 : memref<80x128xf32, #tpu.memory_space<vmem>>) dst(%dma_wait3A_100 : memref<80x128xf32, #tpu.memory_space<hbm>>)
      %add3A_101 = arith.constant 2 : i32
      %add3A_102 = arith.addi %mul3A_52, %add3A_101 : i32
      %mul3A_103 = arith.constant 80 : i32
      %mul3A_104 = arith.muli %add3A_102, %mul3A_103 : i32
      %add3A_105 = arith.addi %mul3A_2, %mul3A_104 : i32
      "tpu.region"() ({
        %run_scoped3A = tpu.sem_alloc : memref<!tpu.dma_semaphore, #tpu.memory_space<semaphore_mem>>
        %dma_start3A_126 = tpu.memref_slice %arg3[%add3A_105] : memref<64000xi32, #tpu.memory_space<hbm>> -> memref<80xi32, #tpu.memory_space<hbm>>
        %dma_start3A_127 = tpu.memref_slice %arg3[%add3A_105] : memref<64000xi32, #tpu.memory_space<hbm>> -> memref<80xi32, #tpu.memory_space<hbm>>
        tpu.enqueue_dma source(%dma_start3A_127 : memref<80xi32, #tpu.memory_space<hbm>>) target(%arg7 : memref<80xi32, #tpu.memory_space<vmem>>) target_semaphore(%run_scoped3A : memref<!tpu.dma_semaphore, #tpu.memory_space<semaphore_mem>>)
        %dma_wait3A_128 = tpu.memref_slice %arg3[%add3A_105] : memref<64000xi32, #tpu.memory_space<hbm>> -> memref<80xi32, #tpu.memory_space<hbm>>
        %dma_wait3A_129 = tpu.memref_slice %arg3[%add3A_105] : memref<64000xi32, #tpu.memory_space<hbm>> -> memref<80xi32, #tpu.memory_space<hbm>>
        tpu.wait_dma2 semaphore(%run_scoped3A : memref<!tpu.dma_semaphore, #tpu.memory_space<semaphore_mem>>) src(%dma_wait3A_129 : memref<80xi32, #tpu.memory_space<hbm>>) dst(%arg7 : memref<80xi32, #tpu.memory_space<vmem>>)
        tpu.yield
      }) : () -> ()
      "tpu.region"() ({
        %run_scoped3A = tpu.sem_alloc : memref<!tpu.dma_semaphore, #tpu.memory_space<semaphore_mem>>
        %dma_start3A_126 = tpu.memref_slice %arg4[%add3A_105] : memref<64000xi32, #tpu.memory_space<hbm>> -> memref<80xi32, #tpu.memory_space<hbm>>
        %dma_start3A_127 = tpu.memref_slice %arg4[%add3A_105] : memref<64000xi32, #tpu.memory_space<hbm>> -> memref<80xi32, #tpu.memory_space<hbm>>
        tpu.enqueue_dma source(%dma_start3A_127 : memref<80xi32, #tpu.memory_space<hbm>>) target(%arg8 : memref<80xi32, #tpu.memory_space<vmem>>) target_semaphore(%run_scoped3A : memref<!tpu.dma_semaphore, #tpu.memory_space<semaphore_mem>>)
        %dma_wait3A_128 = tpu.memref_slice %arg4[%add3A_105] : memref<64000xi32, #tpu.memory_space<hbm>> -> memref<80xi32, #tpu.memory_space<hbm>>
        %dma_wait3A_129 = tpu.memref_slice %arg4[%add3A_105] : memref<64000xi32, #tpu.memory_space<hbm>> -> memref<80xi32, #tpu.memory_space<hbm>>
        tpu.wait_dma2 semaphore(%run_scoped3A : memref<!tpu.dma_semaphore, #tpu.memory_space<semaphore_mem>>) src(%dma_wait3A_129 : memref<80xi32, #tpu.memory_space<hbm>>) dst(%arg8 : memref<80xi32, #tpu.memory_space<vmem>>)
        tpu.yield
      }) : () -> ()
      %dma_start3A_106 = arith.constant 0 : i32
      %dma_start3A_107 = arith.constant 0 : i32
      %dma_start3A_108 = tpu.memref_slice %arg2[%dma_start3A_106, %dma_start3A_107] : memref<10000x128xf32, #tpu.memory_space<hbm>> -> memref<10000x128xf32, #tpu.memory_space<hbm>>
      tpu.enqueue_indirect_dma source(%dma_start3A_108 : memref<10000x128xf32, #tpu.memory_space<hbm>>) target(%arg11 : memref<80x128xf32, #tpu.memory_space<vmem>>) offsets(%arg7 : memref<80xi32, #tpu.memory_space<vmem>>) semaphore(%arg15 : memref<!tpu.dma_semaphore, #tpu.memory_space<semaphore_mem>>)
      %dma_start3A_109 = arith.constant 0 : i32
      %dma_start3A_110 = arith.constant 0 : i32
      %dma_start3A_111 = tpu.memref_slice %arg2[%dma_start3A_109, %dma_start3A_110] : memref<10000x128xf32, #tpu.memory_space<hbm>> -> memref<10000x128xf32, #tpu.memory_space<hbm>>
      tpu.enqueue_indirect_dma source(%dma_start3A_111 : memref<10000x128xf32, #tpu.memory_space<hbm>>) target(%arg12 : memref<80x128xf32, #tpu.memory_space<vmem>>) offsets(%arg8 : memref<80xi32, #tpu.memory_space<vmem>>) semaphore(%arg15 : memref<!tpu.dma_semaphore, #tpu.memory_space<semaphore_mem>>)
      %dma_wait3A_112 = arith.constant 0 : i32
      %dma_wait3A_113 = arith.constant 0 : i32
      %dma_wait3A_114 = tpu.memref_slice %arg5[%dma_wait3A_112, %dma_wait3A_113] : memref<64000x128xf32, #tpu.memory_space<hbm>> -> memref<80x128xf32, #tpu.memory_space<hbm>>
      %dma_wait3A_115 = arith.constant 0 : i32
      %dma_wait3A_116 = arith.constant 0 : i32
      %dma_wait3A_117 = tpu.memref_slice %arg5[%dma_wait3A_115, %dma_wait3A_116] : memref<64000x128xf32, #tpu.memory_space<hbm>> -> memref<80x128xf32, #tpu.memory_space<hbm>>
      tpu.wait_dma2 semaphore(%arg18 : memref<!tpu.dma_semaphore, #tpu.memory_space<semaphore_mem>>) src(%arg13 : memref<80x128xf32, #tpu.memory_space<vmem>>) dst(%dma_wait3A_117 : memref<80x128xf32, #tpu.memory_space<hbm>>)
      %dma_wait3A_118 = arith.constant 0 : i32
      %dma_wait3A_119 = arith.constant 0 : i32
      %dma_wait3A_120 = tpu.memref_slice %arg6[%dma_wait3A_118, %dma_wait3A_119] : memref<64000x128xf32, #tpu.memory_space<hbm>> -> memref<80x128xf32, #tpu.memory_space<hbm>>
      %dma_wait3A_121 = arith.constant 0 : i32
      %dma_wait3A_122 = arith.constant 0 : i32
      %dma_wait3A_123 = tpu.memref_slice %arg6[%dma_wait3A_121, %dma_wait3A_122] : memref<64000x128xf32, #tpu.memory_space<hbm>> -> memref<80x128xf32, #tpu.memory_space<hbm>>
      tpu.wait_dma2 semaphore(%arg18 : memref<!tpu.dma_semaphore, #tpu.memory_space<semaphore_mem>>) src(%arg14 : memref<80x128xf32, #tpu.memory_space<vmem>>) dst(%dma_wait3A_123 : memref<80x128xf32, #tpu.memory_space<hbm>>)
      %lt3A = arith.constant 11 : i32
      %lt3A_124 = arith.cmpi slt, %scan3A_50, %lt3A : i32
      %convert_element_type3A = arith.extui %lt3A_124 : i1 to i32
      %cond3A = arith.constant 0 : i32
      %cond3A_125 = arith.cmpi ne, %convert_element_type3A, %cond3A : i32
      scf.if %cond3A_125 {
        %add3A_126 = arith.constant 3 : i32
        %add3A_127 = arith.addi %mul3A_52, %add3A_126 : i32
        %mul3A_128 = arith.constant 80 : i32
        %mul3A_129 = arith.muli %add3A_127, %mul3A_128 : i32
        %add3A_130 = arith.addi %mul3A_2, %mul3A_129 : i32
        "tpu.region"() ({
          %run_scoped3A = tpu.sem_alloc : memref<!tpu.dma_semaphore, #tpu.memory_space<semaphore_mem>>
          %dma_start3A_137 = tpu.memref_slice %arg3[%add3A_130] : memref<64000xi32, #tpu.memory_space<hbm>> -> memref<80xi32, #tpu.memory_space<hbm>>
          %dma_start3A_138 = tpu.memref_slice %arg3[%add3A_130] : memref<64000xi32, #tpu.memory_space<hbm>> -> memref<80xi32, #tpu.memory_space<hbm>>
          tpu.enqueue_dma source(%dma_start3A_138 : memref<80xi32, #tpu.memory_space<hbm>>) target(%arg9 : memref<80xi32, #tpu.memory_space<vmem>>) target_semaphore(%run_scoped3A : memref<!tpu.dma_semaphore, #tpu.memory_space<semaphore_mem>>)
          %dma_wait3A_139 = tpu.memref_slice %arg3[%add3A_130] : memref<64000xi32, #tpu.memory_space<hbm>> -> memref<80xi32, #tpu.memory_space<hbm>>
          %dma_wait3A_140 = tpu.memref_slice %arg3[%add3A_130] : memref<64000xi32, #tpu.memory_space<hbm>> -> memref<80xi32, #tpu.memory_space<hbm>>
          tpu.wait_dma2 semaphore(%run_scoped3A : memref<!tpu.dma_semaphore, #tpu.memory_space<semaphore_mem>>) src(%dma_wait3A_140 : memref<80xi32, #tpu.memory_space<hbm>>) dst(%arg9 : memref<80xi32, #tpu.memory_space<vmem>>)
          tpu.yield
        }) : () -> ()
        "tpu.region"() ({
          %run_scoped3A = tpu.sem_alloc : memref<!tpu.dma_semaphore, #tpu.memory_space<semaphore_mem>>
          %dma_start3A_137 = tpu.memref_slice %arg4[%add3A_130] : memref<64000xi32, #tpu.memory_space<hbm>> -> memref<80xi32, #tpu.memory_space<hbm>>
          %dma_start3A_138 = tpu.memref_slice %arg4[%add3A_130] : memref<64000xi32, #tpu.memory_space<hbm>> -> memref<80xi32, #tpu.memory_space<hbm>>
          tpu.enqueue_dma source(%dma_start3A_138 : memref<80xi32, #tpu.memory_space<hbm>>) target(%arg10 : memref<80xi32, #tpu.memory_space<vmem>>) target_semaphore(%run_scoped3A : memref<!tpu.dma_semaphore, #tpu.memory_space<semaphore_mem>>)
          %dma_wait3A_139 = tpu.memref_slice %arg4[%add3A_130] : memref<64000xi32, #tpu.memory_space<hbm>> -> memref<80xi32, #tpu.memory_space<hbm>>
          %dma_wait3A_140 = tpu.memref_slice %arg4[%add3A_130] : memref<64000xi32, #tpu.memory_space<hbm>> -> memref<80xi32, #tpu.memory_space<hbm>>
          tpu.wait_dma2 semaphore(%run_scoped3A : memref<!tpu.dma_semaphore, #tpu.memory_space<semaphore_mem>>) src(%dma_wait3A_140 : memref<80xi32, #tpu.memory_space<hbm>>) dst(%arg10 : memref<80xi32, #tpu.memory_space<vmem>>)
          tpu.yield
        }) : () -> ()
        %dma_start3A_131 = arith.constant 0 : i32
        %dma_start3A_132 = arith.constant 0 : i32
        %dma_start3A_133 = tpu.memref_slice %arg2[%dma_start3A_131, %dma_start3A_132] : memref<10000x128xf32, #tpu.memory_space<hbm>> -> memref<10000x128xf32, #tpu.memory_space<hbm>>
        tpu.enqueue_indirect_dma source(%dma_start3A_133 : memref<10000x128xf32, #tpu.memory_space<hbm>>) target(%arg13 : memref<80x128xf32, #tpu.memory_space<vmem>>) offsets(%arg9 : memref<80xi32, #tpu.memory_space<vmem>>) semaphore(%arg16 : memref<!tpu.dma_semaphore, #tpu.memory_space<semaphore_mem>>)
        %dma_start3A_134 = arith.constant 0 : i32
        %dma_start3A_135 = arith.constant 0 : i32
        %dma_start3A_136 = tpu.memref_slice %arg2[%dma_start3A_134, %dma_start3A_135] : memref<10000x128xf32, #tpu.memory_space<hbm>> -> memref<10000x128xf32, #tpu.memory_space<hbm>>
        tpu.enqueue_indirect_dma source(%dma_start3A_136 : memref<10000x128xf32, #tpu.memory_space<hbm>>) target(%arg14 : memref<80x128xf32, #tpu.memory_space<vmem>>) offsets(%arg10 : memref<80xi32, #tpu.memory_space<vmem>>) semaphore(%arg16 : memref<!tpu.dma_semaphore, #tpu.memory_space<semaphore_mem>>)
      } else {
      }
    }
    %scan3A_22 = arith.constant 12 : i32
    %dma_wait3A = arith.constant 0 : i32
    %dma_wait3A_23 = arith.constant 0 : i32
    %dma_wait3A_24 = tpu.memref_slice %arg2[%dma_wait3A, %dma_wait3A_23] : memref<10000x128xf32, #tpu.memory_space<hbm>> -> memref<10000x128xf32, #tpu.memory_space<hbm>>
    tpu.wait_indirect_dma semaphore(%arg15 : memref<!tpu.dma_semaphore, #tpu.memory_space<semaphore_mem>>) src(%dma_wait3A_24 : memref<10000x128xf32, #tpu.memory_space<hbm>>) dst(%arg11 : memref<80x128xf32, #tpu.memory_space<vmem>>)
    %dma_wait3A_25 = arith.constant 0 : i32
    %dma_wait3A_26 = arith.constant 0 : i32
    %dma_wait3A_27 = tpu.memref_slice %arg2[%dma_wait3A_25, %dma_wait3A_26] : memref<10000x128xf32, #tpu.memory_space<hbm>> -> memref<10000x128xf32, #tpu.memory_space<hbm>>
    tpu.wait_indirect_dma semaphore(%arg15 : memref<!tpu.dma_semaphore, #tpu.memory_space<semaphore_mem>>) src(%dma_wait3A_27 : memref<10000x128xf32, #tpu.memory_space<hbm>>) dst(%arg12 : memref<80x128xf32, #tpu.memory_space<vmem>>)
    %add3A_28 = arith.constant 1920 : i32
    %add3A_29 = arith.addi %mul3A_2, %add3A_28 : i32
    %dma_start3A_30 = arith.constant 0 : i32
    %dma_start3A_31 = tpu.memref_slice %arg5[%add3A_29, %dma_start3A_30] : memref<64000x128xf32, #tpu.memory_space<hbm>> -> memref<80x128xf32, #tpu.memory_space<hbm>>
    %dma_start3A_32 = arith.constant 0 : i32
    %dma_start3A_33 = tpu.memref_slice %arg5[%add3A_29, %dma_start3A_32] : memref<64000x128xf32, #tpu.memory_space<hbm>> -> memref<80x128xf32, #tpu.memory_space<hbm>>
    tpu.enqueue_dma source(%arg11 : memref<80x128xf32, #tpu.memory_space<vmem>>) target(%dma_start3A_33 : memref<80x128xf32, #tpu.memory_space<hbm>>) target_semaphore(%arg17 : memref<!tpu.dma_semaphore, #tpu.memory_space<semaphore_mem>>)
    %dma_start3A_34 = arith.constant 0 : i32
    %dma_start3A_35 = tpu.memref_slice %arg6[%add3A_29, %dma_start3A_34] : memref<64000x128xf32, #tpu.memory_space<hbm>> -> memref<80x128xf32, #tpu.memory_space<hbm>>
    %dma_start3A_36 = arith.constant 0 : i32
    %dma_start3A_37 = tpu.memref_slice %arg6[%add3A_29, %dma_start3A_36] : memref<64000x128xf32, #tpu.memory_space<hbm>> -> memref<80x128xf32, #tpu.memory_space<hbm>>
    tpu.enqueue_dma source(%arg12 : memref<80x128xf32, #tpu.memory_space<vmem>>) target(%dma_start3A_37 : memref<80x128xf32, #tpu.memory_space<hbm>>) target_semaphore(%arg17 : memref<!tpu.dma_semaphore, #tpu.memory_space<semaphore_mem>>)
    %dma_wait3A_38 = arith.constant 0 : i32
    %dma_wait3A_39 = arith.constant 0 : i32
    %dma_wait3A_40 = tpu.memref_slice %arg5[%dma_wait3A_38, %dma_wait3A_39] : memref<64000x128xf32, #tpu.memory_space<hbm>> -> memref<80x128xf32, #tpu.memory_space<hbm>>
    %dma_wait3A_41 = arith.constant 0 : i32
    %dma_wait3A_42 = arith.constant 0 : i32
    %dma_wait3A_43 = tpu.memref_slice %arg5[%dma_wait3A_41, %dma_wait3A_42] : memref<64000x128xf32, #tpu.memory_space<hbm>> -> memref<80x128xf32, #tpu.memory_space<hbm>>
    tpu.wait_dma2 semaphore(%arg17 : memref<!tpu.dma_semaphore, #tpu.memory_space<semaphore_mem>>) src(%arg11 : memref<80x128xf32, #tpu.memory_space<vmem>>) dst(%dma_wait3A_43 : memref<80x128xf32, #tpu.memory_space<hbm>>)
    %dma_wait3A_44 = arith.constant 0 : i32
    %dma_wait3A_45 = arith.constant 0 : i32
    %dma_wait3A_46 = tpu.memref_slice %arg6[%dma_wait3A_44, %dma_wait3A_45] : memref<64000x128xf32, #tpu.memory_space<hbm>> -> memref<80x128xf32, #tpu.memory_space<hbm>>
    %dma_wait3A_47 = arith.constant 0 : i32
    %dma_wait3A_48 = arith.constant 0 : i32
    %dma_wait3A_49 = tpu.memref_slice %arg6[%dma_wait3A_47, %dma_wait3A_48] : memref<64000x128xf32, #tpu.memory_space<hbm>> -> memref<80x128xf32, #tpu.memory_space<hbm>>
    tpu.wait_dma2 semaphore(%arg17 : memref<!tpu.dma_semaphore, #tpu.memory_space<semaphore_mem>>) src(%arg12 : memref<80x128xf32, #tpu.memory_space<vmem>>) dst(%dma_wait3A_49 : memref<80x128xf32, #tpu.memory_space<hbm>>)
    return
  }
}

#map = affine_map<(d0, d1) -> (0)>
#map1 = affine_map<(d0, d1) -> (0, 0)>
#map2 = affine_map<(d0, d1) -> (0, 0, 0)>
module attributes {stable_mosaic.version = 14 : i64} {
  func.func @_sc_counts_body(%arg0: i32, %arg1: i32, %arg2: memref<320000xi32, #tpu.memory_space<hbm>>, %arg3: memref<640x128xf32, #tpu.memory_space<hbm>>, %arg4: memref<80x128xf32, #tpu.memory_space<hbm>>, %arg5: memref<2x10240x128xf32, #tpu.memory_space<hbm>>, %arg6: memref<80xi32, #tpu.memory_space<vmem>>, %arg7: memref<80xi32, #tpu.memory_space<vmem>>, %arg8: memref<80x128xf32, #tpu.memory_space<vmem>>, %arg9: memref<80x128xf32, #tpu.memory_space<vmem>>, %arg10: memref<10240x128xf32, #tpu.memory_space<vmem_shared>>, %arg11: memref<!tpu.dma_semaphore, #tpu.memory_space<semaphore_mem>>, %arg12: memref<!tpu.dma_semaphore, #tpu.memory_space<semaphore_mem>>, %arg13: memref<!tpu.dma_semaphore, #tpu.memory_space<semaphore_mem>>, %arg14: memref<!tpu.dma_semaphore, #tpu.memory_space<semaphore_mem>>) attributes {dimension_semantics = [#tpu.dimension_semantics<core_parallel>, #tpu.dimension_semantics<subcore_parallel>], iteration_bounds = array<i64: 2, 16>, scalar_prefetch = 0 : i64, scratch_operands = 9 : i64, tpu.core_type = #tpu.core_type<sc_vector_subcore>, window_params = [{transform_indices = #map}, {transform_indices = #map1}, {transform_indices = #map1}, {transform_indices = #map2}]} {
    %mul3A = arith.constant 16 : i32
    %mul3A_0 = arith.muli %arg0, %mul3A : i32
    %add3A = arith.addi %mul3A_0, %arg1 : i32
    %mul3A_1 = arith.constant 10000 : i32
    %mul3A_2 = arith.muli %add3A, %mul3A_1 : i32
    %mul3A_3 = arith.constant 640 : i32
    %mul3A_4 = arith.muli %arg1, %mul3A_3 : i32
    "tpu.region"() ({
      %run_scoped3A = tpu.sem_alloc : memref<!tpu.dma_semaphore, #tpu.memory_space<semaphore_mem>>
      %dma_start3A_31 = arith.constant 0 : i32
      %dma_start3A_32 = tpu.memref_slice %arg10[%mul3A_4, %dma_start3A_31] : memref<10240x128xf32, #tpu.memory_space<vmem_shared>> -> memref<640x128xf32, #tpu.memory_space<vmem_shared>>
      tpu.enqueue_dma source(%arg3 : memref<640x128xf32, #tpu.memory_space<hbm>>) target(%dma_start3A_32 : memref<640x128xf32, #tpu.memory_space<vmem_shared>>) target_semaphore(%run_scoped3A : memref<!tpu.dma_semaphore, #tpu.memory_space<semaphore_mem>>)
      %dma_wait3A_33 = arith.constant 0 : i32
      %dma_wait3A_34 = tpu.memref_slice %arg10[%mul3A_4, %dma_wait3A_33] : memref<10240x128xf32, #tpu.memory_space<vmem_shared>> -> memref<640x128xf32, #tpu.memory_space<vmem_shared>>
      tpu.wait_dma2 semaphore(%run_scoped3A : memref<!tpu.dma_semaphore, #tpu.memory_space<semaphore_mem>>) src(%arg3 : memref<640x128xf32, #tpu.memory_space<hbm>>) dst(%dma_wait3A_34 : memref<640x128xf32, #tpu.memory_space<vmem_shared>>)
      tpu.yield
    }) : () -> ()
    "tpu.region"() ({
      %run_scoped3A = tpu.sem_alloc : memref<!tpu.dma_semaphore, #tpu.memory_space<semaphore_mem>>
      tpu.enqueue_dma source(%arg4 : memref<80x128xf32, #tpu.memory_space<hbm>>) target(%arg8 : memref<80x128xf32, #tpu.memory_space<vmem>>) target_semaphore(%run_scoped3A : memref<!tpu.dma_semaphore, #tpu.memory_space<semaphore_mem>>)
      tpu.wait_dma2 semaphore(%run_scoped3A : memref<!tpu.dma_semaphore, #tpu.memory_space<semaphore_mem>>) src(%arg4 : memref<80x128xf32, #tpu.memory_space<hbm>>) dst(%arg8 : memref<80x128xf32, #tpu.memory_space<vmem>>)
      tpu.yield
    }) : () -> ()
    %barrier3A = arith.constant 0 : index
    tpu.barrier barrier_id(%barrier3A)
    %add3A_5 = arith.constant 0 : i32
    %add3A_6 = arith.addi %mul3A_2, %add3A_5 : i32
    %dma_start3A = tpu.memref_slice %arg2[%add3A_6] : memref<320000xi32, #tpu.memory_space<hbm>> -> memref<80xi32, #tpu.memory_space<hbm>>
    %dma_start3A_7 = tpu.memref_slice %arg2[%add3A_6] : memref<320000xi32, #tpu.memory_space<hbm>> -> memref<80xi32, #tpu.memory_space<hbm>>
    tpu.enqueue_dma source(%dma_start3A_7 : memref<80xi32, #tpu.memory_space<hbm>>) target(%arg6 : memref<80xi32, #tpu.memory_space<vmem>>) target_semaphore(%arg11 : memref<!tpu.dma_semaphore, #tpu.memory_space<semaphore_mem>>)
    %add3A_8 = arith.constant 80 : i32
    %add3A_9 = arith.addi %mul3A_2, %add3A_8 : i32
    %dma_start3A_10 = tpu.memref_slice %arg2[%add3A_9] : memref<320000xi32, #tpu.memory_space<hbm>> -> memref<80xi32, #tpu.memory_space<hbm>>
    %dma_start3A_11 = tpu.memref_slice %arg2[%add3A_9] : memref<320000xi32, #tpu.memory_space<hbm>> -> memref<80xi32, #tpu.memory_space<hbm>>
    tpu.enqueue_dma source(%dma_start3A_11 : memref<80xi32, #tpu.memory_space<hbm>>) target(%arg7 : memref<80xi32, #tpu.memory_space<vmem>>) target_semaphore(%arg12 : memref<!tpu.dma_semaphore, #tpu.memory_space<semaphore_mem>>)
    %scan3A = arith.constant 0 : i32
    %scan3A_12 = arith.constant 0 : i32
    %scan3A_13 = arith.constant 62 : i32
    %scan3A_14 = arith.addi %scan3A_12, %scan3A_13 : i32
    %scan3A_15 = arith.constant 1 : i32
    scf.for %scan3A_31 = %scan3A_12 to %scan3A_14 step %scan3A_15  : i32 {
      %mul3A_32 = arith.constant 2 : i32
      %mul3A_33 = arith.muli %mul3A_32, %scan3A_31 : i32
      %dma_wait3A_34 = tpu.memref_slice %arg2[%mul3A_2] : memref<320000xi32, #tpu.memory_space<hbm>> -> memref<80xi32, #tpu.memory_space<hbm>>
      %dma_wait3A_35 = tpu.memref_slice %arg2[%mul3A_2] : memref<320000xi32, #tpu.memory_space<hbm>> -> memref<80xi32, #tpu.memory_space<hbm>>
      tpu.wait_dma2 semaphore(%arg11 : memref<!tpu.dma_semaphore, #tpu.memory_space<semaphore_mem>>) src(%dma_wait3A_35 : memref<80xi32, #tpu.memory_space<hbm>>) dst(%arg6 : memref<80xi32, #tpu.memory_space<vmem>>)
      %dma_start3A_36 = arith.constant 0 : i32
      %dma_start3A_37 = arith.constant 0 : i32
      %dma_start3A_38 = tpu.memref_slice %arg10[%dma_start3A_36, %dma_start3A_37] : memref<10240x128xf32, #tpu.memory_space<vmem_shared>> -> memref<10240x128xf32, #tpu.memory_space<vmem_shared>>
      tpu.enqueue_indirect_dma source(%arg8 : memref<80x128xf32, #tpu.memory_space<vmem>>) target(%dma_start3A_38 : memref<10240x128xf32, #tpu.memory_space<vmem_shared>>) offsets(%arg6 : memref<80xi32, #tpu.memory_space<vmem>>) semaphore(%arg13 : memref<!tpu.dma_semaphore, #tpu.memory_space<semaphore_mem>>) {add = true}
      %dma_wait3A_39 = tpu.memref_slice %arg2[%mul3A_2] : memref<320000xi32, #tpu.memory_space<hbm>> -> memref<80xi32, #tpu.memory_space<hbm>>
      %dma_wait3A_40 = tpu.memref_slice %arg2[%mul3A_2] : memref<320000xi32, #tpu.memory_space<hbm>> -> memref<80xi32, #tpu.memory_space<hbm>>
      tpu.wait_dma2 semaphore(%arg12 : memref<!tpu.dma_semaphore, #tpu.memory_space<semaphore_mem>>) src(%dma_wait3A_40 : memref<80xi32, #tpu.memory_space<hbm>>) dst(%arg7 : memref<80xi32, #tpu.memory_space<vmem>>)
      %dma_start3A_41 = arith.constant 0 : i32
      %dma_start3A_42 = arith.constant 0 : i32
      %dma_start3A_43 = tpu.memref_slice %arg10[%dma_start3A_41, %dma_start3A_42] : memref<10240x128xf32, #tpu.memory_space<vmem_shared>> -> memref<10240x128xf32, #tpu.memory_space<vmem_shared>>
      tpu.enqueue_indirect_dma source(%arg8 : memref<80x128xf32, #tpu.memory_space<vmem>>) target(%dma_start3A_43 : memref<10240x128xf32, #tpu.memory_space<vmem_shared>>) offsets(%arg7 : memref<80xi32, #tpu.memory_space<vmem>>) semaphore(%arg14 : memref<!tpu.dma_semaphore, #tpu.memory_space<semaphore_mem>>) {add = true}
      %dma_wait3A_44 = arith.constant 0 : i32
      %dma_wait3A_45 = arith.constant 0 : i32
      %dma_wait3A_46 = tpu.memref_slice %arg10[%dma_wait3A_44, %dma_wait3A_45] : memref<10240x128xf32, #tpu.memory_space<vmem_shared>> -> memref<10240x128xf32, #tpu.memory_space<vmem_shared>>
      tpu.wait_indirect_dma semaphore(%arg13 : memref<!tpu.dma_semaphore, #tpu.memory_space<semaphore_mem>>) src(%arg8 : memref<80x128xf32, #tpu.memory_space<vmem>>) dst(%dma_wait3A_46 : memref<10240x128xf32, #tpu.memory_space<vmem_shared>>)
      %add3A_47 = arith.constant 2 : i32
      %add3A_48 = arith.addi %mul3A_33, %add3A_47 : i32
      %mul3A_49 = arith.constant 80 : i32
      %mul3A_50 = arith.muli %add3A_48, %mul3A_49 : i32
      %add3A_51 = arith.addi %mul3A_2, %mul3A_50 : i32
      %dma_start3A_52 = tpu.memref_slice %arg2[%add3A_51] : memref<320000xi32, #tpu.memory_space<hbm>> -> memref<80xi32, #tpu.memory_space<hbm>>
      %dma_start3A_53 = tpu.memref_slice %arg2[%add3A_51] : memref<320000xi32, #tpu.memory_space<hbm>> -> memref<80xi32, #tpu.memory_space<hbm>>
      tpu.enqueue_dma source(%dma_start3A_53 : memref<80xi32, #tpu.memory_space<hbm>>) target(%arg6 : memref<80xi32, #tpu.memory_space<vmem>>) target_semaphore(%arg11 : memref<!tpu.dma_semaphore, #tpu.memory_space<semaphore_mem>>)
      %dma_wait3A_54 = arith.constant 0 : i32
      %dma_wait3A_55 = arith.constant 0 : i32
      %dma_wait3A_56 = tpu.memref_slice %arg10[%dma_wait3A_54, %dma_wait3A_55] : memref<10240x128xf32, #tpu.memory_space<vmem_shared>> -> memref<10240x128xf32, #tpu.memory_space<vmem_shared>>
      tpu.wait_indirect_dma semaphore(%arg14 : memref<!tpu.dma_semaphore, #tpu.memory_space<semaphore_mem>>) src(%arg8 : memref<80x128xf32, #tpu.memory_space<vmem>>) dst(%dma_wait3A_56 : memref<10240x128xf32, #tpu.memory_space<vmem_shared>>)
      %lt3A = arith.constant 61 : i32
      %lt3A_57 = arith.cmpi slt, %scan3A_31, %lt3A : i32
      %convert_element_type3A = arith.extui %lt3A_57 : i1 to i32
      %cond3A = arith.constant 0 : i32
      %cond3A_58 = arith.cmpi ne, %convert_element_type3A, %cond3A : i32
      scf.if %cond3A_58 {
        %add3A_59 = arith.constant 3 : i32
        %add3A_60 = arith.addi %mul3A_33, %add3A_59 : i32
        %mul3A_61 = arith.constant 80 : i32
        %mul3A_62 = arith.muli %add3A_60, %mul3A_61 : i32
        %add3A_63 = arith.addi %mul3A_2, %mul3A_62 : i32
        %dma_start3A_64 = tpu.memref_slice %arg2[%add3A_63] : memref<320000xi32, #tpu.memory_space<hbm>> -> memref<80xi32, #tpu.memory_space<hbm>>
        %dma_start3A_65 = tpu.memref_slice %arg2[%add3A_63] : memref<320000xi32, #tpu.memory_space<hbm>> -> memref<80xi32, #tpu.memory_space<hbm>>
        tpu.enqueue_dma source(%dma_start3A_65 : memref<80xi32, #tpu.memory_space<hbm>>) target(%arg7 : memref<80xi32, #tpu.memory_space<vmem>>) target_semaphore(%arg12 : memref<!tpu.dma_semaphore, #tpu.memory_space<semaphore_mem>>)
      } else {
      }
    }
    %scan3A_16 = arith.constant 62 : i32
    %dma_wait3A = tpu.memref_slice %arg2[%mul3A_2] : memref<320000xi32, #tpu.memory_space<hbm>> -> memref<80xi32, #tpu.memory_space<hbm>>
    %dma_wait3A_17 = tpu.memref_slice %arg2[%mul3A_2] : memref<320000xi32, #tpu.memory_space<hbm>> -> memref<80xi32, #tpu.memory_space<hbm>>
    tpu.wait_dma2 semaphore(%arg11 : memref<!tpu.dma_semaphore, #tpu.memory_space<semaphore_mem>>) src(%dma_wait3A_17 : memref<80xi32, #tpu.memory_space<hbm>>) dst(%arg6 : memref<80xi32, #tpu.memory_space<vmem>>)
    %dma_start3A_18 = arith.constant 0 : i32
    %dma_start3A_19 = arith.constant 0 : i32
    %dma_start3A_20 = tpu.memref_slice %arg10[%dma_start3A_18, %dma_start3A_19] : memref<10240x128xf32, #tpu.memory_space<vmem_shared>> -> memref<10240x128xf32, #tpu.memory_space<vmem_shared>>
    tpu.enqueue_indirect_dma source(%arg8 : memref<80x128xf32, #tpu.memory_space<vmem>>) target(%dma_start3A_20 : memref<10240x128xf32, #tpu.memory_space<vmem_shared>>) offsets(%arg6 : memref<80xi32, #tpu.memory_space<vmem>>) semaphore(%arg13 : memref<!tpu.dma_semaphore, #tpu.memory_space<semaphore_mem>>) {add = true}
    %dma_wait3A_21 = arith.constant 0 : i32
    %dma_wait3A_22 = arith.constant 0 : i32
    %dma_wait3A_23 = tpu.memref_slice %arg10[%dma_wait3A_21, %dma_wait3A_22] : memref<10240x128xf32, #tpu.memory_space<vmem_shared>> -> memref<10240x128xf32, #tpu.memory_space<vmem_shared>>
    tpu.wait_indirect_dma semaphore(%arg13 : memref<!tpu.dma_semaphore, #tpu.memory_space<semaphore_mem>>) src(%arg8 : memref<80x128xf32, #tpu.memory_space<vmem>>) dst(%dma_wait3A_23 : memref<10240x128xf32, #tpu.memory_space<vmem_shared>>)
    %barrier3A_24 = arith.constant 0 : index
    tpu.barrier barrier_id(%barrier3A_24)
    %scan3A_25 = arith.constant 0 : i32
    %scan3A_26 = arith.constant 0 : i32
    %scan3A_27 = arith.constant 8 : i32
    %scan3A_28 = arith.addi %scan3A_26, %scan3A_27 : i32
    %scan3A_29 = arith.constant 1 : i32
    scf.for %scan3A_31 = %scan3A_26 to %scan3A_28 step %scan3A_29  : i32 {
      %mul3A_32 = arith.constant 80 : i32
      %mul3A_33 = arith.muli %scan3A_31, %mul3A_32 : i32
      %add3A_34 = arith.addi %mul3A_4, %mul3A_33 : i32
      "tpu.region"() ({
        %run_scoped3A = tpu.sem_alloc : memref<!tpu.dma_semaphore, #tpu.memory_space<semaphore_mem>>
        %dma_start3A_35 = arith.constant 0 : i32
        %dma_start3A_36 = tpu.memref_slice %arg10[%add3A_34, %dma_start3A_35] : memref<10240x128xf32, #tpu.memory_space<vmem_shared>> -> memref<80x128xf32, #tpu.memory_space<vmem_shared>>
        %dma_start3A_37 = arith.constant 0 : i32
        %dma_start3A_38 = tpu.memref_slice %arg10[%add3A_34, %dma_start3A_37] : memref<10240x128xf32, #tpu.memory_space<vmem_shared>> -> memref<80x128xf32, #tpu.memory_space<vmem_shared>>
        tpu.enqueue_dma source(%dma_start3A_38 : memref<80x128xf32, #tpu.memory_space<vmem_shared>>) target(%arg9 : memref<80x128xf32, #tpu.memory_space<vmem>>) target_semaphore(%run_scoped3A : memref<!tpu.dma_semaphore, #tpu.memory_space<semaphore_mem>>)
        %dma_wait3A_39 = arith.constant 0 : i32
        %dma_wait3A_40 = tpu.memref_slice %arg10[%add3A_34, %dma_wait3A_39] : memref<10240x128xf32, #tpu.memory_space<vmem_shared>> -> memref<80x128xf32, #tpu.memory_space<vmem_shared>>
        %dma_wait3A_41 = arith.constant 0 : i32
        %dma_wait3A_42 = tpu.memref_slice %arg10[%add3A_34, %dma_wait3A_41] : memref<10240x128xf32, #tpu.memory_space<vmem_shared>> -> memref<80x128xf32, #tpu.memory_space<vmem_shared>>
        tpu.wait_dma2 semaphore(%run_scoped3A : memref<!tpu.dma_semaphore, #tpu.memory_space<semaphore_mem>>) src(%dma_wait3A_42 : memref<80x128xf32, #tpu.memory_space<vmem_shared>>) dst(%arg9 : memref<80x128xf32, #tpu.memory_space<vmem>>)
        tpu.yield
      }) : () -> ()
      "tpu.region"() ({
        %run_scoped3A = tpu.sem_alloc : memref<!tpu.dma_semaphore, #tpu.memory_space<semaphore_mem>>
        %dma_start3A_35 = arith.constant 0 : i32
        %dma_start3A_36 = tpu.memref_slice %arg5[%arg0, %add3A_34, %dma_start3A_35] : memref<2x10240x128xf32, #tpu.memory_space<hbm>> -> memref<1x80x128xf32, #tpu.memory_space<hbm>>
        %dma_start3A_37 = tpu.memref_squeeze %dma_start3A_36 : memref<1x80x128xf32, #tpu.memory_space<hbm>> -> memref<80x128xf32, #tpu.memory_space<hbm>>
        %dma_start3A_38 = arith.constant 0 : i32
        %dma_start3A_39 = tpu.memref_slice %arg5[%arg0, %add3A_34, %dma_start3A_38] : memref<2x10240x128xf32, #tpu.memory_space<hbm>> -> memref<1x80x128xf32, #tpu.memory_space<hbm>>
        %dma_start3A_40 = tpu.memref_squeeze %dma_start3A_39 : memref<1x80x128xf32, #tpu.memory_space<hbm>> -> memref<80x128xf32, #tpu.memory_space<hbm>>
        tpu.enqueue_dma source(%arg9 : memref<80x128xf32, #tpu.memory_space<vmem>>) target(%dma_start3A_40 : memref<80x128xf32, #tpu.memory_space<hbm>>) target_semaphore(%run_scoped3A : memref<!tpu.dma_semaphore, #tpu.memory_space<semaphore_mem>>)
        %dma_wait3A_41 = arith.constant 0 : i32
        %dma_wait3A_42 = tpu.memref_slice %arg5[%arg0, %add3A_34, %dma_wait3A_41] : memref<2x10240x128xf32, #tpu.memory_space<hbm>> -> memref<1x80x128xf32, #tpu.memory_space<hbm>>
        %dma_wait3A_43 = tpu.memref_squeeze %dma_wait3A_42 : memref<1x80x128xf32, #tpu.memory_space<hbm>> -> memref<80x128xf32, #tpu.memory_space<hbm>>
        %dma_wait3A_44 = arith.constant 0 : i32
        %dma_wait3A_45 = tpu.memref_slice %arg5[%arg0, %add3A_34, %dma_wait3A_44] : memref<2x10240x128xf32, #tpu.memory_space<hbm>> -> memref<1x80x128xf32, #tpu.memory_space<hbm>>
        %dma_wait3A_46 = tpu.memref_squeeze %dma_wait3A_45 : memref<1x80x128xf32, #tpu.memory_space<hbm>> -> memref<80x128xf32, #tpu.memory_space<hbm>>
        tpu.wait_dma2 semaphore(%run_scoped3A : memref<!tpu.dma_semaphore, #tpu.memory_space<semaphore_mem>>) src(%arg9 : memref<80x128xf32, #tpu.memory_space<vmem>>) dst(%dma_wait3A_46 : memref<80x128xf32, #tpu.memory_space<hbm>>)
        tpu.yield
      }) : () -> ()
    }
    %scan3A_30 = arith.constant 8 : i32
    return
  }
}

#map = affine_map<(d0, d1) -> (0, 0)>
#map1 = affine_map<(d0, d1) -> (0)>
#map2 = affine_map<(d0, d1) -> (0, 0, 0)>
module attributes {stable_mosaic.version = 14 : i64} {
  func.func @_sc_scatter_body(%arg0: i32, %arg1: i32, %arg2: memref<64000x128xf32, #tpu.memory_space<hbm>>, %arg3: memref<64000x128xf32, #tpu.memory_space<hbm>>, %arg4: memref<320000xi32, #tpu.memory_space<hbm>>, %arg5: memref<640x128xf32, #tpu.memory_space<hbm>>, %arg6: memref<2x10240x128xf32, #tpu.memory_space<hbm>>, %arg7: memref<80xi32, #tpu.memory_space<vmem>>, %arg8: memref<80xi32, #tpu.memory_space<vmem>>, %arg9: memref<80x128xf32, #tpu.memory_space<vmem>>, %arg10: memref<80x128xf32, #tpu.memory_space<vmem>>, %arg11: memref<80x128xf32, #tpu.memory_space<vmem>>, %arg12: memref<10240x128xf32, #tpu.memory_space<vmem_shared>>, %arg13: memref<!tpu.dma_semaphore, #tpu.memory_space<semaphore_mem>>, %arg14: memref<!tpu.dma_semaphore, #tpu.memory_space<semaphore_mem>>, %arg15: memref<!tpu.dma_semaphore, #tpu.memory_space<semaphore_mem>>, %arg16: memref<!tpu.dma_semaphore, #tpu.memory_space<semaphore_mem>>) attributes {dimension_semantics = [#tpu.dimension_semantics<core_parallel>, #tpu.dimension_semantics<subcore_parallel>], iteration_bounds = array<i64: 2, 16>, scalar_prefetch = 0 : i64, scratch_operands = 10 : i64, tpu.core_type = #tpu.core_type<sc_vector_subcore>, window_params = [{transform_indices = #map}, {transform_indices = #map}, {transform_indices = #map1}, {transform_indices = #map}, {transform_indices = #map2}]} {
    %mul3A = arith.constant 16 : i32
    %mul3A_0 = arith.muli %arg0, %mul3A : i32
    %add3A = arith.addi %mul3A_0, %arg1 : i32
    %mul3A_1 = arith.constant 640 : i32
    %mul3A_2 = arith.muli %arg1, %mul3A_1 : i32
    "tpu.region"() ({
      %run_scoped3A = tpu.sem_alloc : memref<!tpu.dma_semaphore, #tpu.memory_space<semaphore_mem>>
      %dma_start3A_95 = arith.constant 0 : i32
      %dma_start3A_96 = tpu.memref_slice %arg12[%mul3A_2, %dma_start3A_95] : memref<10240x128xf32, #tpu.memory_space<vmem_shared>> -> memref<640x128xf32, #tpu.memory_space<vmem_shared>>
      tpu.enqueue_dma source(%arg5 : memref<640x128xf32, #tpu.memory_space<hbm>>) target(%dma_start3A_96 : memref<640x128xf32, #tpu.memory_space<vmem_shared>>) target_semaphore(%run_scoped3A : memref<!tpu.dma_semaphore, #tpu.memory_space<semaphore_mem>>)
      %dma_wait3A_97 = arith.constant 0 : i32
      %dma_wait3A_98 = tpu.memref_slice %arg12[%mul3A_2, %dma_wait3A_97] : memref<10240x128xf32, #tpu.memory_space<vmem_shared>> -> memref<640x128xf32, #tpu.memory_space<vmem_shared>>
      tpu.wait_dma2 semaphore(%run_scoped3A : memref<!tpu.dma_semaphore, #tpu.memory_space<semaphore_mem>>) src(%arg5 : memref<640x128xf32, #tpu.memory_space<hbm>>) dst(%dma_wait3A_98 : memref<640x128xf32, #tpu.memory_space<vmem_shared>>)
      tpu.yield
    }) : () -> ()
    %barrier3A = arith.constant 0 : index
    tpu.barrier barrier_id(%barrier3A)
    %mul3A_3 = arith.constant 2000 : i32
    %mul3A_4 = arith.muli %add3A, %mul3A_3 : i32
    %add3A_5 = arith.constant 192000 : i32
    %add3A_6 = arith.addi %add3A_5, %mul3A_4 : i32
    %mul3A_7 = arith.constant 2000 : i32
    %mul3A_8 = arith.muli %add3A, %mul3A_7 : i32
    %add3A_9 = arith.constant 0 : i32
    %add3A_10 = arith.addi %add3A_6, %add3A_9 : i32
    %dma_start3A = tpu.memref_slice %arg4[%add3A_10] : memref<320000xi32, #tpu.memory_space<hbm>> -> memref<80xi32, #tpu.memory_space<hbm>>
    %dma_start3A_11 = tpu.memref_slice %arg4[%add3A_10] : memref<320000xi32, #tpu.memory_space<hbm>> -> memref<80xi32, #tpu.memory_space<hbm>>
    tpu.enqueue_dma source(%dma_start3A_11 : memref<80xi32, #tpu.memory_space<hbm>>) target(%arg7 : memref<80xi32, #tpu.memory_space<vmem>>) target_semaphore(%arg13 : memref<!tpu.dma_semaphore, #tpu.memory_space<semaphore_mem>>)
    %add3A_12 = arith.constant 0 : i32
    %add3A_13 = arith.addi %mul3A_8, %add3A_12 : i32
    %dma_start3A_14 = arith.constant 0 : i32
    %dma_start3A_15 = tpu.memref_slice %arg2[%add3A_13, %dma_start3A_14] : memref<64000x128xf32, #tpu.memory_space<hbm>> -> memref<80x128xf32, #tpu.memory_space<hbm>>
    %dma_start3A_16 = arith.constant 0 : i32
    %dma_start3A_17 = tpu.memref_slice %arg2[%add3A_13, %dma_start3A_16] : memref<64000x128xf32, #tpu.memory_space<hbm>> -> memref<80x128xf32, #tpu.memory_space<hbm>>
    tpu.enqueue_dma source(%dma_start3A_17 : memref<80x128xf32, #tpu.memory_space<hbm>>) target(%arg9 : memref<80x128xf32, #tpu.memory_space<vmem>>) target_semaphore(%arg13 : memref<!tpu.dma_semaphore, #tpu.memory_space<semaphore_mem>>)
    %add3A_18 = arith.constant 80 : i32
    %add3A_19 = arith.addi %add3A_6, %add3A_18 : i32
    %dma_start3A_20 = tpu.memref_slice %arg4[%add3A_19] : memref<320000xi32, #tpu.memory_space<hbm>> -> memref<80xi32, #tpu.memory_space<hbm>>
    %dma_start3A_21 = tpu.memref_slice %arg4[%add3A_19] : memref<320000xi32, #tpu.memory_space<hbm>> -> memref<80xi32, #tpu.memory_space<hbm>>
    tpu.enqueue_dma source(%dma_start3A_21 : memref<80xi32, #tpu.memory_space<hbm>>) target(%arg8 : memref<80xi32, #tpu.memory_space<vmem>>) target_semaphore(%arg14 : memref<!tpu.dma_semaphore, #tpu.memory_space<semaphore_mem>>)
    %add3A_22 = arith.constant 80 : i32
    %add3A_23 = arith.addi %mul3A_8, %add3A_22 : i32
    %dma_start3A_24 = arith.constant 0 : i32
    %dma_start3A_25 = tpu.memref_slice %arg2[%add3A_23, %dma_start3A_24] : memref<64000x128xf32, #tpu.memory_space<hbm>> -> memref<80x128xf32, #tpu.memory_space<hbm>>
    %dma_start3A_26 = arith.constant 0 : i32
    %dma_start3A_27 = tpu.memref_slice %arg2[%add3A_23, %dma_start3A_26] : memref<64000x128xf32, #tpu.memory_space<hbm>> -> memref<80x128xf32, #tpu.memory_space<hbm>>
    tpu.enqueue_dma source(%dma_start3A_27 : memref<80x128xf32, #tpu.memory_space<hbm>>) target(%arg10 : memref<80x128xf32, #tpu.memory_space<vmem>>) target_semaphore(%arg14 : memref<!tpu.dma_semaphore, #tpu.memory_space<semaphore_mem>>)
    %scan3A = arith.constant 0 : i32
    %scan3A_28 = arith.constant 0 : i32
    %scan3A_29 = arith.constant 12 : i32
    %scan3A_30 = arith.addi %scan3A_28, %scan3A_29 : i32
    %scan3A_31 = arith.constant 1 : i32
    scf.for %scan3A_95 = %scan3A_28 to %scan3A_30 step %scan3A_31  : i32 {
      %mul3A_96 = arith.constant 2 : i32
      %mul3A_97 = arith.muli %mul3A_96, %scan3A_95 : i32
      %dma_wait3A_98 = tpu.memref_slice %arg4[%add3A_6] : memref<320000xi32, #tpu.memory_space<hbm>> -> memref<80xi32, #tpu.memory_space<hbm>>
      %dma_wait3A_99 = tpu.memref_slice %arg4[%add3A_6] : memref<320000xi32, #tpu.memory_space<hbm>> -> memref<80xi32, #tpu.memory_space<hbm>>
      tpu.wait_dma2 semaphore(%arg13 : memref<!tpu.dma_semaphore, #tpu.memory_space<semaphore_mem>>) src(%dma_wait3A_99 : memref<80xi32, #tpu.memory_space<hbm>>) dst(%arg7 : memref<80xi32, #tpu.memory_space<vmem>>)
      %dma_wait3A_100 = arith.constant 0 : i32
      %dma_wait3A_101 = tpu.memref_slice %arg2[%mul3A_8, %dma_wait3A_100] : memref<64000x128xf32, #tpu.memory_space<hbm>> -> memref<80x128xf32, #tpu.memory_space<hbm>>
      %dma_wait3A_102 = arith.constant 0 : i32
      %dma_wait3A_103 = tpu.memref_slice %arg2[%mul3A_8, %dma_wait3A_102] : memref<64000x128xf32, #tpu.memory_space<hbm>> -> memref<80x128xf32, #tpu.memory_space<hbm>>
      tpu.wait_dma2 semaphore(%arg13 : memref<!tpu.dma_semaphore, #tpu.memory_space<semaphore_mem>>) src(%dma_wait3A_103 : memref<80x128xf32, #tpu.memory_space<hbm>>) dst(%arg9 : memref<80x128xf32, #tpu.memory_space<vmem>>)
      %dma_start3A_104 = arith.constant 0 : i32
      %dma_start3A_105 = arith.constant 0 : i32
      %dma_start3A_106 = tpu.memref_slice %arg12[%dma_start3A_104, %dma_start3A_105] : memref<10240x128xf32, #tpu.memory_space<vmem_shared>> -> memref<10240x128xf32, #tpu.memory_space<vmem_shared>>
      tpu.enqueue_indirect_dma source(%arg9 : memref<80x128xf32, #tpu.memory_space<vmem>>) target(%dma_start3A_106 : memref<10240x128xf32, #tpu.memory_space<vmem_shared>>) offsets(%arg7 : memref<80xi32, #tpu.memory_space<vmem>>) semaphore(%arg15 : memref<!tpu.dma_semaphore, #tpu.memory_space<semaphore_mem>>) {add = true}
      %dma_wait3A_107 = tpu.memref_slice %arg4[%add3A_6] : memref<320000xi32, #tpu.memory_space<hbm>> -> memref<80xi32, #tpu.memory_space<hbm>>
      %dma_wait3A_108 = tpu.memref_slice %arg4[%add3A_6] : memref<320000xi32, #tpu.memory_space<hbm>> -> memref<80xi32, #tpu.memory_space<hbm>>
      tpu.wait_dma2 semaphore(%arg14 : memref<!tpu.dma_semaphore, #tpu.memory_space<semaphore_mem>>) src(%dma_wait3A_108 : memref<80xi32, #tpu.memory_space<hbm>>) dst(%arg8 : memref<80xi32, #tpu.memory_space<vmem>>)
      %dma_wait3A_109 = arith.constant 0 : i32
      %dma_wait3A_110 = tpu.memref_slice %arg2[%mul3A_8, %dma_wait3A_109] : memref<64000x128xf32, #tpu.memory_space<hbm>> -> memref<80x128xf32, #tpu.memory_space<hbm>>
      %dma_wait3A_111 = arith.constant 0 : i32
      %dma_wait3A_112 = tpu.memref_slice %arg2[%mul3A_8, %dma_wait3A_111] : memref<64000x128xf32, #tpu.memory_space<hbm>> -> memref<80x128xf32, #tpu.memory_space<hbm>>
      tpu.wait_dma2 semaphore(%arg14 : memref<!tpu.dma_semaphore, #tpu.memory_space<semaphore_mem>>) src(%dma_wait3A_112 : memref<80x128xf32, #tpu.memory_space<hbm>>) dst(%arg10 : memref<80x128xf32, #tpu.memory_space<vmem>>)
      %dma_start3A_113 = arith.constant 0 : i32
      %dma_start3A_114 = arith.constant 0 : i32
      %dma_start3A_115 = tpu.memref_slice %arg12[%dma_start3A_113, %dma_start3A_114] : memref<10240x128xf32, #tpu.memory_space<vmem_shared>> -> memref<10240x128xf32, #tpu.memory_space<vmem_shared>>
      tpu.enqueue_indirect_dma source(%arg10 : memref<80x128xf32, #tpu.memory_space<vmem>>) target(%dma_start3A_115 : memref<10240x128xf32, #tpu.memory_space<vmem_shared>>) offsets(%arg8 : memref<80xi32, #tpu.memory_space<vmem>>) semaphore(%arg16 : memref<!tpu.dma_semaphore, #tpu.memory_space<semaphore_mem>>) {add = true}
      %dma_wait3A_116 = arith.constant 0 : i32
      %dma_wait3A_117 = arith.constant 0 : i32
      %dma_wait3A_118 = tpu.memref_slice %arg12[%dma_wait3A_116, %dma_wait3A_117] : memref<10240x128xf32, #tpu.memory_space<vmem_shared>> -> memref<10240x128xf32, #tpu.memory_space<vmem_shared>>
      tpu.wait_indirect_dma semaphore(%arg15 : memref<!tpu.dma_semaphore, #tpu.memory_space<semaphore_mem>>) src(%arg9 : memref<80x128xf32, #tpu.memory_space<vmem>>) dst(%dma_wait3A_118 : memref<10240x128xf32, #tpu.memory_space<vmem_shared>>)
      %add3A_119 = arith.constant 2 : i32
      %add3A_120 = arith.addi %mul3A_97, %add3A_119 : i32
      %mul3A_121 = arith.constant 80 : i32
      %mul3A_122 = arith.muli %add3A_120, %mul3A_121 : i32
      %add3A_123 = arith.addi %add3A_6, %mul3A_122 : i32
      %dma_start3A_124 = tpu.memref_slice %arg4[%add3A_123] : memref<320000xi32, #tpu.memory_space<hbm>> -> memref<80xi32, #tpu.memory_space<hbm>>
      %dma_start3A_125 = tpu.memref_slice %arg4[%add3A_123] : memref<320000xi32, #tpu.memory_space<hbm>> -> memref<80xi32, #tpu.memory_space<hbm>>
      tpu.enqueue_dma source(%dma_start3A_125 : memref<80xi32, #tpu.memory_space<hbm>>) target(%arg7 : memref<80xi32, #tpu.memory_space<vmem>>) target_semaphore(%arg13 : memref<!tpu.dma_semaphore, #tpu.memory_space<semaphore_mem>>)
      %mul3A_126 = arith.constant 80 : i32
      %mul3A_127 = arith.muli %add3A_120, %mul3A_126 : i32
      %add3A_128 = arith.addi %mul3A_8, %mul3A_127 : i32
      %dma_start3A_129 = arith.constant 0 : i32
      %dma_start3A_130 = tpu.memref_slice %arg2[%add3A_128, %dma_start3A_129] : memref<64000x128xf32, #tpu.memory_space<hbm>> -> memref<80x128xf32, #tpu.memory_space<hbm>>
      %dma_start3A_131 = arith.constant 0 : i32
      %dma_start3A_132 = tpu.memref_slice %arg2[%add3A_128, %dma_start3A_131] : memref<64000x128xf32, #tpu.memory_space<hbm>> -> memref<80x128xf32, #tpu.memory_space<hbm>>
      tpu.enqueue_dma source(%dma_start3A_132 : memref<80x128xf32, #tpu.memory_space<hbm>>) target(%arg9 : memref<80x128xf32, #tpu.memory_space<vmem>>) target_semaphore(%arg13 : memref<!tpu.dma_semaphore, #tpu.memory_space<semaphore_mem>>)
      %dma_wait3A_133 = arith.constant 0 : i32
      %dma_wait3A_134 = arith.constant 0 : i32
      %dma_wait3A_135 = tpu.memref_slice %arg12[%dma_wait3A_133, %dma_wait3A_134] : memref<10240x128xf32, #tpu.memory_space<vmem_shared>> -> memref<10240x128xf32, #tpu.memory_space<vmem_shared>>
      tpu.wait_indirect_dma semaphore(%arg16 : memref<!tpu.dma_semaphore, #tpu.memory_space<semaphore_mem>>) src(%arg10 : memref<80x128xf32, #tpu.memory_space<vmem>>) dst(%dma_wait3A_135 : memref<10240x128xf32, #tpu.memory_space<vmem_shared>>)
      %lt3A = arith.constant 11 : i32
      %lt3A_136 = arith.cmpi slt, %scan3A_95, %lt3A : i32
      %convert_element_type3A = arith.extui %lt3A_136 : i1 to i32
      %cond3A = arith.constant 0 : i32
      %cond3A_137 = arith.cmpi ne, %convert_element_type3A, %cond3A : i32
      scf.if %cond3A_137 {
        %add3A_138 = arith.constant 3 : i32
        %add3A_139 = arith.addi %mul3A_97, %add3A_138 : i32
        %mul3A_140 = arith.constant 80 : i32
        %mul3A_141 = arith.muli %add3A_139, %mul3A_140 : i32
        %add3A_142 = arith.addi %add3A_6, %mul3A_141 : i32
        %dma_start3A_143 = tpu.memref_slice %arg4[%add3A_142] : memref<320000xi32, #tpu.memory_space<hbm>> -> memref<80xi32, #tpu.memory_space<hbm>>
        %dma_start3A_144 = tpu.memref_slice %arg4[%add3A_142] : memref<320000xi32, #tpu.memory_space<hbm>> -> memref<80xi32, #tpu.memory_space<hbm>>
        tpu.enqueue_dma source(%dma_start3A_144 : memref<80xi32, #tpu.memory_space<hbm>>) target(%arg8 : memref<80xi32, #tpu.memory_space<vmem>>) target_semaphore(%arg14 : memref<!tpu.dma_semaphore, #tpu.memory_space<semaphore_mem>>)
        %mul3A_145 = arith.constant 80 : i32
        %mul3A_146 = arith.muli %add3A_139, %mul3A_145 : i32
        %add3A_147 = arith.addi %mul3A_8, %mul3A_146 : i32
        %dma_start3A_148 = arith.constant 0 : i32
        %dma_start3A_149 = tpu.memref_slice %arg2[%add3A_147, %dma_start3A_148] : memref<64000x128xf32, #tpu.memory_space<hbm>> -> memref<80x128xf32, #tpu.memory_space<hbm>>
        %dma_start3A_150 = arith.constant 0 : i32
        %dma_start3A_151 = tpu.memref_slice %arg2[%add3A_147, %dma_start3A_150] : memref<64000x128xf32, #tpu.memory_space<hbm>> -> memref<80x128xf32, #tpu.memory_space<hbm>>
        tpu.enqueue_dma source(%dma_start3A_151 : memref<80x128xf32, #tpu.memory_space<hbm>>) target(%arg10 : memref<80x128xf32, #tpu.memory_space<vmem>>) target_semaphore(%arg14 : memref<!tpu.dma_semaphore, #tpu.memory_space<semaphore_mem>>)
      } else {
      }
    }
    %scan3A_32 = arith.constant 12 : i32
    %dma_wait3A = tpu.memref_slice %arg4[%add3A_6] : memref<320000xi32, #tpu.memory_space<hbm>> -> memref<80xi32, #tpu.memory_space<hbm>>
    %dma_wait3A_33 = tpu.memref_slice %arg4[%add3A_6] : memref<320000xi32, #tpu.memory_space<hbm>> -> memref<80xi32, #tpu.memory_space<hbm>>
    tpu.wait_dma2 semaphore(%arg13 : memref<!tpu.dma_semaphore, #tpu.memory_space<semaphore_mem>>) src(%dma_wait3A_33 : memref<80xi32, #tpu.memory_space<hbm>>) dst(%arg7 : memref<80xi32, #tpu.memory_space<vmem>>)
    %dma_wait3A_34 = arith.constant 0 : i32
    %dma_wait3A_35 = tpu.memref_slice %arg2[%mul3A_8, %dma_wait3A_34] : memref<64000x128xf32, #tpu.memory_space<hbm>> -> memref<80x128xf32, #tpu.memory_space<hbm>>
    %dma_wait3A_36 = arith.constant 0 : i32
    %dma_wait3A_37 = tpu.memref_slice %arg2[%mul3A_8, %dma_wait3A_36] : memref<64000x128xf32, #tpu.memory_space<hbm>> -> memref<80x128xf32, #tpu.memory_space<hbm>>
    tpu.wait_dma2 semaphore(%arg13 : memref<!tpu.dma_semaphore, #tpu.memory_space<semaphore_mem>>) src(%dma_wait3A_37 : memref<80x128xf32, #tpu.memory_space<hbm>>) dst(%arg9 : memref<80x128xf32, #tpu.memory_space<vmem>>)
    %dma_start3A_38 = arith.constant 0 : i32
    %dma_start3A_39 = arith.constant 0 : i32
    %dma_start3A_40 = tpu.memref_slice %arg12[%dma_start3A_38, %dma_start3A_39] : memref<10240x128xf32, #tpu.memory_space<vmem_shared>> -> memref<10240x128xf32, #tpu.memory_space<vmem_shared>>
    tpu.enqueue_indirect_dma source(%arg9 : memref<80x128xf32, #tpu.memory_space<vmem>>) target(%dma_start3A_40 : memref<10240x128xf32, #tpu.memory_space<vmem_shared>>) offsets(%arg7 : memref<80xi32, #tpu.memory_space<vmem>>) semaphore(%arg15 : memref<!tpu.dma_semaphore, #tpu.memory_space<semaphore_mem>>) {add = true}
    %dma_wait3A_41 = arith.constant 0 : i32
    %dma_wait3A_42 = arith.constant 0 : i32
    %dma_wait3A_43 = tpu.memref_slice %arg12[%dma_wait3A_41, %dma_wait3A_42] : memref<10240x128xf32, #tpu.memory_space<vmem_shared>> -> memref<10240x128xf32, #tpu.memory_space<vmem_shared>>
    tpu.wait_indirect_dma semaphore(%arg15 : memref<!tpu.dma_semaphore, #tpu.memory_space<semaphore_mem>>) src(%arg9 : memref<80x128xf32, #tpu.memory_space<vmem>>) dst(%dma_wait3A_43 : memref<10240x128xf32, #tpu.memory_space<vmem_shared>>)
    %mul3A_44 = arith.constant 2000 : i32
    %mul3A_45 = arith.muli %add3A, %mul3A_44 : i32
    %add3A_46 = arith.constant 256000 : i32
    %add3A_47 = arith.addi %add3A_46, %mul3A_45 : i32
    %mul3A_48 = arith.constant 2000 : i32
    %mul3A_49 = arith.muli %add3A, %mul3A_48 : i32
    %add3A_50 = arith.constant 0 : i32
    %add3A_51 = arith.addi %add3A_47, %add3A_50 : i32
    %dma_start3A_52 = tpu.memref_slice %arg4[%add3A_51] : memref<320000xi32, #tpu.memory_space<hbm>> -> memref<80xi32, #tpu.memory_space<hbm>>
    %dma_start3A_53 = tpu.memref_slice %arg4[%add3A_51] : memref<320000xi32, #tpu.memory_space<hbm>> -> memref<80xi32, #tpu.memory_space<hbm>>
    tpu.enqueue_dma source(%dma_start3A_53 : memref<80xi32, #tpu.memory_space<hbm>>) target(%arg7 : memref<80xi32, #tpu.memory_space<vmem>>) target_semaphore(%arg13 : memref<!tpu.dma_semaphore, #tpu.memory_space<semaphore_mem>>)
    %add3A_54 = arith.constant 0 : i32
    %add3A_55 = arith.addi %mul3A_49, %add3A_54 : i32
    %dma_start3A_56 = arith.constant 0 : i32
    %dma_start3A_57 = tpu.memref_slice %arg3[%add3A_55, %dma_start3A_56] : memref<64000x128xf32, #tpu.memory_space<hbm>> -> memref<80x128xf32, #tpu.memory_space<hbm>>
    %dma_start3A_58 = arith.constant 0 : i32
    %dma_start3A_59 = tpu.memref_slice %arg3[%add3A_55, %dma_start3A_58] : memref<64000x128xf32, #tpu.memory_space<hbm>> -> memref<80x128xf32, #tpu.memory_space<hbm>>
    tpu.enqueue_dma source(%dma_start3A_59 : memref<80x128xf32, #tpu.memory_space<hbm>>) target(%arg9 : memref<80x128xf32, #tpu.memory_space<vmem>>) target_semaphore(%arg13 : memref<!tpu.dma_semaphore, #tpu.memory_space<semaphore_mem>>)
    %add3A_60 = arith.constant 80 : i32
    %add3A_61 = arith.addi %add3A_47, %add3A_60 : i32
    %dma_start3A_62 = tpu.memref_slice %arg4[%add3A_61] : memref<320000xi32, #tpu.memory_space<hbm>> -> memref<80xi32, #tpu.memory_space<hbm>>
    %dma_start3A_63 = tpu.memref_slice %arg4[%add3A_61] : memref<320000xi32, #tpu.memory_space<hbm>> -> memref<80xi32, #tpu.memory_space<hbm>>
    tpu.enqueue_dma source(%dma_start3A_63 : memref<80xi32, #tpu.memory_space<hbm>>) target(%arg8 : memref<80xi32, #tpu.memory_space<vmem>>) target_semaphore(%arg14 : memref<!tpu.dma_semaphore, #tpu.memory_space<semaphore_mem>>)
    %add3A_64 = arith.constant 80 : i32
    %add3A_65 = arith.addi %mul3A_49, %add3A_64 : i32
    %dma_start3A_66 = arith.constant 0 : i32
    %dma_start3A_67 = tpu.memref_slice %arg3[%add3A_65, %dma_start3A_66] : memref<64000x128xf32, #tpu.memory_space<hbm>> -> memref<80x128xf32, #tpu.memory_space<hbm>>
    %dma_start3A_68 = arith.constant 0 : i32
    %dma_start3A_69 = tpu.memref_slice %arg3[%add3A_65, %dma_start3A_68] : memref<64000x128xf32, #tpu.memory_space<hbm>> -> memref<80x128xf32, #tpu.memory_space<hbm>>
    tpu.enqueue_dma source(%dma_start3A_69 : memref<80x128xf32, #tpu.memory_space<hbm>>) target(%arg10 : memref<80x128xf32, #tpu.memory_space<vmem>>) target_semaphore(%arg14 : memref<!tpu.dma_semaphore, #tpu.memory_space<semaphore_mem>>)
    %scan3A_70 = arith.constant 0 : i32
    %scan3A_71 = arith.constant 0 : i32
    %scan3A_72 = arith.constant 12 : i32
    %scan3A_73 = arith.addi %scan3A_71, %scan3A_72 : i32
    %scan3A_74 = arith.constant 1 : i32
    scf.for %scan3A_95 = %scan3A_71 to %scan3A_73 step %scan3A_74  : i32 {
      %mul3A_96 = arith.constant 2 : i32
      %mul3A_97 = arith.muli %mul3A_96, %scan3A_95 : i32
      %dma_wait3A_98 = tpu.memref_slice %arg4[%add3A_47] : memref<320000xi32, #tpu.memory_space<hbm>> -> memref<80xi32, #tpu.memory_space<hbm>>
      %dma_wait3A_99 = tpu.memref_slice %arg4[%add3A_47] : memref<320000xi32, #tpu.memory_space<hbm>> -> memref<80xi32, #tpu.memory_space<hbm>>
      tpu.wait_dma2 semaphore(%arg13 : memref<!tpu.dma_semaphore, #tpu.memory_space<semaphore_mem>>) src(%dma_wait3A_99 : memref<80xi32, #tpu.memory_space<hbm>>) dst(%arg7 : memref<80xi32, #tpu.memory_space<vmem>>)
      %dma_wait3A_100 = arith.constant 0 : i32
      %dma_wait3A_101 = tpu.memref_slice %arg3[%mul3A_49, %dma_wait3A_100] : memref<64000x128xf32, #tpu.memory_space<hbm>> -> memref<80x128xf32, #tpu.memory_space<hbm>>
      %dma_wait3A_102 = arith.constant 0 : i32
      %dma_wait3A_103 = tpu.memref_slice %arg3[%mul3A_49, %dma_wait3A_102] : memref<64000x128xf32, #tpu.memory_space<hbm>> -> memref<80x128xf32, #tpu.memory_space<hbm>>
      tpu.wait_dma2 semaphore(%arg13 : memref<!tpu.dma_semaphore, #tpu.memory_space<semaphore_mem>>) src(%dma_wait3A_103 : memref<80x128xf32, #tpu.memory_space<hbm>>) dst(%arg9 : memref<80x128xf32, #tpu.memory_space<vmem>>)
      %dma_start3A_104 = arith.constant 0 : i32
      %dma_start3A_105 = arith.constant 0 : i32
      %dma_start3A_106 = tpu.memref_slice %arg12[%dma_start3A_104, %dma_start3A_105] : memref<10240x128xf32, #tpu.memory_space<vmem_shared>> -> memref<10240x128xf32, #tpu.memory_space<vmem_shared>>
      tpu.enqueue_indirect_dma source(%arg9 : memref<80x128xf32, #tpu.memory_space<vmem>>) target(%dma_start3A_106 : memref<10240x128xf32, #tpu.memory_space<vmem_shared>>) offsets(%arg7 : memref<80xi32, #tpu.memory_space<vmem>>) semaphore(%arg15 : memref<!tpu.dma_semaphore, #tpu.memory_space<semaphore_mem>>) {add = true}
      %dma_wait3A_107 = tpu.memref_slice %arg4[%add3A_47] : memref<320000xi32, #tpu.memory_space<hbm>> -> memref<80xi32, #tpu.memory_space<hbm>>
      %dma_wait3A_108 = tpu.memref_slice %arg4[%add3A_47] : memref<320000xi32, #tpu.memory_space<hbm>> -> memref<80xi32, #tpu.memory_space<hbm>>
      tpu.wait_dma2 semaphore(%arg14 : memref<!tpu.dma_semaphore, #tpu.memory_space<semaphore_mem>>) src(%dma_wait3A_108 : memref<80xi32, #tpu.memory_space<hbm>>) dst(%arg8 : memref<80xi32, #tpu.memory_space<vmem>>)
      %dma_wait3A_109 = arith.constant 0 : i32
      %dma_wait3A_110 = tpu.memref_slice %arg3[%mul3A_49, %dma_wait3A_109] : memref<64000x128xf32, #tpu.memory_space<hbm>> -> memref<80x128xf32, #tpu.memory_space<hbm>>
      %dma_wait3A_111 = arith.constant 0 : i32
      %dma_wait3A_112 = tpu.memref_slice %arg3[%mul3A_49, %dma_wait3A_111] : memref<64000x128xf32, #tpu.memory_space<hbm>> -> memref<80x128xf32, #tpu.memory_space<hbm>>
      tpu.wait_dma2 semaphore(%arg14 : memref<!tpu.dma_semaphore, #tpu.memory_space<semaphore_mem>>) src(%dma_wait3A_112 : memref<80x128xf32, #tpu.memory_space<hbm>>) dst(%arg10 : memref<80x128xf32, #tpu.memory_space<vmem>>)
      %dma_start3A_113 = arith.constant 0 : i32
      %dma_start3A_114 = arith.constant 0 : i32
      %dma_start3A_115 = tpu.memref_slice %arg12[%dma_start3A_113, %dma_start3A_114] : memref<10240x128xf32, #tpu.memory_space<vmem_shared>> -> memref<10240x128xf32, #tpu.memory_space<vmem_shared>>
      tpu.enqueue_indirect_dma source(%arg10 : memref<80x128xf32, #tpu.memory_space<vmem>>) target(%dma_start3A_115 : memref<10240x128xf32, #tpu.memory_space<vmem_shared>>) offsets(%arg8 : memref<80xi32, #tpu.memory_space<vmem>>) semaphore(%arg16 : memref<!tpu.dma_semaphore, #tpu.memory_space<semaphore_mem>>) {add = true}
      %dma_wait3A_116 = arith.constant 0 : i32
      %dma_wait3A_117 = arith.constant 0 : i32
      %dma_wait3A_118 = tpu.memref_slice %arg12[%dma_wait3A_116, %dma_wait3A_117] : memref<10240x128xf32, #tpu.memory_space<vmem_shared>> -> memref<10240x128xf32, #tpu.memory_space<vmem_shared>>
      tpu.wait_indirect_dma semaphore(%arg15 : memref<!tpu.dma_semaphore, #tpu.memory_space<semaphore_mem>>) src(%arg9 : memref<80x128xf32, #tpu.memory_space<vmem>>) dst(%dma_wait3A_118 : memref<10240x128xf32, #tpu.memory_space<vmem_shared>>)
      %add3A_119 = arith.constant 2 : i32
      %add3A_120 = arith.addi %mul3A_97, %add3A_119 : i32
      %mul3A_121 = arith.constant 80 : i32
      %mul3A_122 = arith.muli %add3A_120, %mul3A_121 : i32
      %add3A_123 = arith.addi %add3A_47, %mul3A_122 : i32
      %dma_start3A_124 = tpu.memref_slice %arg4[%add3A_123] : memref<320000xi32, #tpu.memory_space<hbm>> -> memref<80xi32, #tpu.memory_space<hbm>>
      %dma_start3A_125 = tpu.memref_slice %arg4[%add3A_123] : memref<320000xi32, #tpu.memory_space<hbm>> -> memref<80xi32, #tpu.memory_space<hbm>>
      tpu.enqueue_dma source(%dma_start3A_125 : memref<80xi32, #tpu.memory_space<hbm>>) target(%arg7 : memref<80xi32, #tpu.memory_space<vmem>>) target_semaphore(%arg13 : memref<!tpu.dma_semaphore, #tpu.memory_space<semaphore_mem>>)
      %mul3A_126 = arith.constant 80 : i32
      %mul3A_127 = arith.muli %add3A_120, %mul3A_126 : i32
      %add3A_128 = arith.addi %mul3A_49, %mul3A_127 : i32
      %dma_start3A_129 = arith.constant 0 : i32
      %dma_start3A_130 = tpu.memref_slice %arg3[%add3A_128, %dma_start3A_129] : memref<64000x128xf32, #tpu.memory_space<hbm>> -> memref<80x128xf32, #tpu.memory_space<hbm>>
      %dma_start3A_131 = arith.constant 0 : i32
      %dma_start3A_132 = tpu.memref_slice %arg3[%add3A_128, %dma_start3A_131] : memref<64000x128xf32, #tpu.memory_space<hbm>> -> memref<80x128xf32, #tpu.memory_space<hbm>>
      tpu.enqueue_dma source(%dma_start3A_132 : memref<80x128xf32, #tpu.memory_space<hbm>>) target(%arg9 : memref<80x128xf32, #tpu.memory_space<vmem>>) target_semaphore(%arg13 : memref<!tpu.dma_semaphore, #tpu.memory_space<semaphore_mem>>)
      %dma_wait3A_133 = arith.constant 0 : i32
      %dma_wait3A_134 = arith.constant 0 : i32
      %dma_wait3A_135 = tpu.memref_slice %arg12[%dma_wait3A_133, %dma_wait3A_134] : memref<10240x128xf32, #tpu.memory_space<vmem_shared>> -> memref<10240x128xf32, #tpu.memory_space<vmem_shared>>
      tpu.wait_indirect_dma semaphore(%arg16 : memref<!tpu.dma_semaphore, #tpu.memory_space<semaphore_mem>>) src(%arg10 : memref<80x128xf32, #tpu.memory_space<vmem>>) dst(%dma_wait3A_135 : memref<10240x128xf32, #tpu.memory_space<vmem_shared>>)
      %lt3A = arith.constant 11 : i32
      %lt3A_136 = arith.cmpi slt, %scan3A_95, %lt3A : i32
      %convert_element_type3A = arith.extui %lt3A_136 : i1 to i32
      %cond3A = arith.constant 0 : i32
      %cond3A_137 = arith.cmpi ne, %convert_element_type3A, %cond3A : i32
      scf.if %cond3A_137 {
        %add3A_138 = arith.constant 3 : i32
        %add3A_139 = arith.addi %mul3A_97, %add3A_138 : i32
        %mul3A_140 = arith.constant 80 : i32
        %mul3A_141 = arith.muli %add3A_139, %mul3A_140 : i32
        %add3A_142 = arith.addi %add3A_47, %mul3A_141 : i32
        %dma_start3A_143 = tpu.memref_slice %arg4[%add3A_142] : memref<320000xi32, #tpu.memory_space<hbm>> -> memref<80xi32, #tpu.memory_space<hbm>>
        %dma_start3A_144 = tpu.memref_slice %arg4[%add3A_142] : memref<320000xi32, #tpu.memory_space<hbm>> -> memref<80xi32, #tpu.memory_space<hbm>>
        tpu.enqueue_dma source(%dma_start3A_144 : memref<80xi32, #tpu.memory_space<hbm>>) target(%arg8 : memref<80xi32, #tpu.memory_space<vmem>>) target_semaphore(%arg14 : memref<!tpu.dma_semaphore, #tpu.memory_space<semaphore_mem>>)
        %mul3A_145 = arith.constant 80 : i32
        %mul3A_146 = arith.muli %add3A_139, %mul3A_145 : i32
        %add3A_147 = arith.addi %mul3A_49, %mul3A_146 : i32
        %dma_start3A_148 = arith.constant 0 : i32
        %dma_start3A_149 = tpu.memref_slice %arg3[%add3A_147, %dma_start3A_148] : memref<64000x128xf32, #tpu.memory_space<hbm>> -> memref<80x128xf32, #tpu.memory_space<hbm>>
        %dma_start3A_150 = arith.constant 0 : i32
        %dma_start3A_151 = tpu.memref_slice %arg3[%add3A_147, %dma_start3A_150] : memref<64000x128xf32, #tpu.memory_space<hbm>> -> memref<80x128xf32, #tpu.memory_space<hbm>>
        tpu.enqueue_dma source(%dma_start3A_151 : memref<80x128xf32, #tpu.memory_space<hbm>>) target(%arg10 : memref<80x128xf32, #tpu.memory_space<vmem>>) target_semaphore(%arg14 : memref<!tpu.dma_semaphore, #tpu.memory_space<semaphore_mem>>)
      } else {
      }
    }
    %scan3A_75 = arith.constant 12 : i32
    %dma_wait3A_76 = tpu.memref_slice %arg4[%add3A_47] : memref<320000xi32, #tpu.memory_space<hbm>> -> memref<80xi32, #tpu.memory_space<hbm>>
    %dma_wait3A_77 = tpu.memref_slice %arg4[%add3A_47] : memref<320000xi32, #tpu.memory_space<hbm>> -> memref<80xi32, #tpu.memory_space<hbm>>
    tpu.wait_dma2 semaphore(%arg13 : memref<!tpu.dma_semaphore, #tpu.memory_space<semaphore_mem>>) src(%dma_wait3A_77 : memref<80xi32, #tpu.memory_space<hbm>>) dst(%arg7 : memref<80xi32, #tpu.memory_space<vmem>>)
    %dma_wait3A_78 = arith.constant 0 : i32
    %dma_wait3A_79 = tpu.memref_slice %arg3[%mul3A_49, %dma_wait3A_78] : memref<64000x128xf32, #tpu.memory_space<hbm>> -> memref<80x128xf32, #tpu.memory_space<hbm>>
    %dma_wait3A_80 = arith.constant 0 : i32
    %dma_wait3A_81 = tpu.memref_slice %arg3[%mul3A_49, %dma_wait3A_80] : memref<64000x128xf32, #tpu.memory_space<hbm>> -> memref<80x128xf32, #tpu.memory_space<hbm>>
    tpu.wait_dma2 semaphore(%arg13 : memref<!tpu.dma_semaphore, #tpu.memory_space<semaphore_mem>>) src(%dma_wait3A_81 : memref<80x128xf32, #tpu.memory_space<hbm>>) dst(%arg9 : memref<80x128xf32, #tpu.memory_space<vmem>>)
    %dma_start3A_82 = arith.constant 0 : i32
    %dma_start3A_83 = arith.constant 0 : i32
    %dma_start3A_84 = tpu.memref_slice %arg12[%dma_start3A_82, %dma_start3A_83] : memref<10240x128xf32, #tpu.memory_space<vmem_shared>> -> memref<10240x128xf32, #tpu.memory_space<vmem_shared>>
    tpu.enqueue_indirect_dma source(%arg9 : memref<80x128xf32, #tpu.memory_space<vmem>>) target(%dma_start3A_84 : memref<10240x128xf32, #tpu.memory_space<vmem_shared>>) offsets(%arg7 : memref<80xi32, #tpu.memory_space<vmem>>) semaphore(%arg15 : memref<!tpu.dma_semaphore, #tpu.memory_space<semaphore_mem>>) {add = true}
    %dma_wait3A_85 = arith.constant 0 : i32
    %dma_wait3A_86 = arith.constant 0 : i32
    %dma_wait3A_87 = tpu.memref_slice %arg12[%dma_wait3A_85, %dma_wait3A_86] : memref<10240x128xf32, #tpu.memory_space<vmem_shared>> -> memref<10240x128xf32, #tpu.memory_space<vmem_shared>>
    tpu.wait_indirect_dma semaphore(%arg15 : memref<!tpu.dma_semaphore, #tpu.memory_space<semaphore_mem>>) src(%arg9 : memref<80x128xf32, #tpu.memory_space<vmem>>) dst(%dma_wait3A_87 : memref<10240x128xf32, #tpu.memory_space<vmem_shared>>)
    %barrier3A_88 = arith.constant 0 : index
    tpu.barrier barrier_id(%barrier3A_88)
    %scan3A_89 = arith.constant 0 : i32
    %scan3A_90 = arith.constant 0 : i32
    %scan3A_91 = arith.constant 8 : i32
    %scan3A_92 = arith.addi %scan3A_90, %scan3A_91 : i32
    %scan3A_93 = arith.constant 1 : i32
    scf.for %scan3A_95 = %scan3A_90 to %scan3A_92 step %scan3A_93  : i32 {
      %mul3A_96 = arith.constant 80 : i32
      %mul3A_97 = arith.muli %scan3A_95, %mul3A_96 : i32
      %add3A_98 = arith.addi %mul3A_2, %mul3A_97 : i32
      "tpu.region"() ({
        %run_scoped3A = tpu.sem_alloc : memref<!tpu.dma_semaphore, #tpu.memory_space<semaphore_mem>>
        %dma_start3A_99 = arith.constant 0 : i32
        %dma_start3A_100 = tpu.memref_slice %arg12[%add3A_98, %dma_start3A_99] : memref<10240x128xf32, #tpu.memory_space<vmem_shared>> -> memref<80x128xf32, #tpu.memory_space<vmem_shared>>
        %dma_start3A_101 = arith.constant 0 : i32
        %dma_start3A_102 = tpu.memref_slice %arg12[%add3A_98, %dma_start3A_101] : memref<10240x128xf32, #tpu.memory_space<vmem_shared>> -> memref<80x128xf32, #tpu.memory_space<vmem_shared>>
        tpu.enqueue_dma source(%dma_start3A_102 : memref<80x128xf32, #tpu.memory_space<vmem_shared>>) target(%arg11 : memref<80x128xf32, #tpu.memory_space<vmem>>) target_semaphore(%run_scoped3A : memref<!tpu.dma_semaphore, #tpu.memory_space<semaphore_mem>>)
        %dma_wait3A_103 = arith.constant 0 : i32
        %dma_wait3A_104 = tpu.memref_slice %arg12[%add3A_98, %dma_wait3A_103] : memref<10240x128xf32, #tpu.memory_space<vmem_shared>> -> memref<80x128xf32, #tpu.memory_space<vmem_shared>>
        %dma_wait3A_105 = arith.constant 0 : i32
        %dma_wait3A_106 = tpu.memref_slice %arg12[%add3A_98, %dma_wait3A_105] : memref<10240x128xf32, #tpu.memory_space<vmem_shared>> -> memref<80x128xf32, #tpu.memory_space<vmem_shared>>
        tpu.wait_dma2 semaphore(%run_scoped3A : memref<!tpu.dma_semaphore, #tpu.memory_space<semaphore_mem>>) src(%dma_wait3A_106 : memref<80x128xf32, #tpu.memory_space<vmem_shared>>) dst(%arg11 : memref<80x128xf32, #tpu.memory_space<vmem>>)
        tpu.yield
      }) : () -> ()
      "tpu.region"() ({
        %run_scoped3A = tpu.sem_alloc : memref<!tpu.dma_semaphore, #tpu.memory_space<semaphore_mem>>
        %dma_start3A_99 = arith.constant 0 : i32
        %dma_start3A_100 = tpu.memref_slice %arg6[%arg0, %add3A_98, %dma_start3A_99] : memref<2x10240x128xf32, #tpu.memory_space<hbm>> -> memref<1x80x128xf32, #tpu.memory_space<hbm>>
        %dma_start3A_101 = tpu.memref_squeeze %dma_start3A_100 : memref<1x80x128xf32, #tpu.memory_space<hbm>> -> memref<80x128xf32, #tpu.memory_space<hbm>>
        %dma_start3A_102 = arith.constant 0 : i32
        %dma_start3A_103 = tpu.memref_slice %arg6[%arg0, %add3A_98, %dma_start3A_102] : memref<2x10240x128xf32, #tpu.memory_space<hbm>> -> memref<1x80x128xf32, #tpu.memory_space<hbm>>
        %dma_start3A_104 = tpu.memref_squeeze %dma_start3A_103 : memref<1x80x128xf32, #tpu.memory_space<hbm>> -> memref<80x128xf32, #tpu.memory_space<hbm>>
        tpu.enqueue_dma source(%arg11 : memref<80x128xf32, #tpu.memory_space<vmem>>) target(%dma_start3A_104 : memref<80x128xf32, #tpu.memory_space<hbm>>) target_semaphore(%run_scoped3A : memref<!tpu.dma_semaphore, #tpu.memory_space<semaphore_mem>>)
        %dma_wait3A_105 = arith.constant 0 : i32
        %dma_wait3A_106 = tpu.memref_slice %arg6[%arg0, %add3A_98, %dma_wait3A_105] : memref<2x10240x128xf32, #tpu.memory_space<hbm>> -> memref<1x80x128xf32, #tpu.memory_space<hbm>>
        %dma_wait3A_107 = tpu.memref_squeeze %dma_wait3A_106 : memref<1x80x128xf32, #tpu.memory_space<hbm>> -> memref<80x128xf32, #tpu.memory_space<hbm>>
        %dma_wait3A_108 = arith.constant 0 : i32
        %dma_wait3A_109 = tpu.memref_slice %arg6[%arg0, %add3A_98, %dma_wait3A_108] : memref<2x10240x128xf32, #tpu.memory_space<hbm>> -> memref<1x80x128xf32, #tpu.memory_space<hbm>>
        %dma_wait3A_110 = tpu.memref_squeeze %dma_wait3A_109 : memref<1x80x128xf32, #tpu.memory_space<hbm>> -> memref<80x128xf32, #tpu.memory_space<hbm>>
        tpu.wait_dma2 semaphore(%run_scoped3A : memref<!tpu.dma_semaphore, #tpu.memory_space<semaphore_mem>>) src(%arg11 : memref<80x128xf32, #tpu.memory_space<vmem>>) dst(%dma_wait3A_110 : memref<80x128xf32, #tpu.memory_space<hbm>>)
        tpu.yield
      }) : () -> ()
    }
    %scan3A_94 = arith.constant 8 : i32
    return
  }
}

#map = affine_map<(d0, d1) -> (0, 0)>
#map1 = affine_map<(d0, d1) -> (0)>
#map2 = affine_map<(d0, d1) -> (0, 0, 0)>
module attributes {stable_mosaic.version = 14 : i64} {
  func.func @_sc_scatter_body(%arg0: i32, %arg1: i32, %arg2: memref<64000x128xf32, #tpu.memory_space<hbm>>, %arg3: memref<64000x128xf32, #tpu.memory_space<hbm>>, %arg4: memref<64000x128xf32, #tpu.memory_space<hbm>>, %arg5: memref<320000xi32, #tpu.memory_space<hbm>>, %arg6: memref<640x128xf32, #tpu.memory_space<hbm>>, %arg7: memref<2x10240x128xf32, #tpu.memory_space<hbm>>, %arg8: memref<80xi32, #tpu.memory_space<vmem>>, %arg9: memref<80xi32, #tpu.memory_space<vmem>>, %arg10: memref<80x128xf32, #tpu.memory_space<vmem>>, %arg11: memref<80x128xf32, #tpu.memory_space<vmem>>, %arg12: memref<80x128xf32, #tpu.memory_space<vmem>>, %arg13: memref<10240x128xf32, #tpu.memory_space<vmem_shared>>, %arg14: memref<!tpu.dma_semaphore, #tpu.memory_space<semaphore_mem>>, %arg15: memref<!tpu.dma_semaphore, #tpu.memory_space<semaphore_mem>>, %arg16: memref<!tpu.dma_semaphore, #tpu.memory_space<semaphore_mem>>, %arg17: memref<!tpu.dma_semaphore, #tpu.memory_space<semaphore_mem>>) attributes {dimension_semantics = [#tpu.dimension_semantics<core_parallel>, #tpu.dimension_semantics<subcore_parallel>], iteration_bounds = array<i64: 2, 16>, scalar_prefetch = 0 : i64, scratch_operands = 10 : i64, tpu.core_type = #tpu.core_type<sc_vector_subcore>, window_params = [{transform_indices = #map}, {transform_indices = #map}, {transform_indices = #map}, {transform_indices = #map1}, {transform_indices = #map}, {transform_indices = #map2}]} {
    %mul3A = arith.constant 16 : i32
    %mul3A_0 = arith.muli %arg0, %mul3A : i32
    %add3A = arith.addi %mul3A_0, %arg1 : i32
    %mul3A_1 = arith.constant 640 : i32
    %mul3A_2 = arith.muli %arg1, %mul3A_1 : i32
    "tpu.region"() ({
      %run_scoped3A = tpu.sem_alloc : memref<!tpu.dma_semaphore, #tpu.memory_space<semaphore_mem>>
      %dma_start3A_139 = arith.constant 0 : i32
      %dma_start3A_140 = tpu.memref_slice %arg13[%mul3A_2, %dma_start3A_139] : memref<10240x128xf32, #tpu.memory_space<vmem_shared>> -> memref<640x128xf32, #tpu.memory_space<vmem_shared>>
      tpu.enqueue_dma source(%arg6 : memref<640x128xf32, #tpu.memory_space<hbm>>) target(%dma_start3A_140 : memref<640x128xf32, #tpu.memory_space<vmem_shared>>) target_semaphore(%run_scoped3A : memref<!tpu.dma_semaphore, #tpu.memory_space<semaphore_mem>>)
      %dma_wait3A_141 = arith.constant 0 : i32
      %dma_wait3A_142 = tpu.memref_slice %arg13[%mul3A_2, %dma_wait3A_141] : memref<10240x128xf32, #tpu.memory_space<vmem_shared>> -> memref<640x128xf32, #tpu.memory_space<vmem_shared>>
      tpu.wait_dma2 semaphore(%run_scoped3A : memref<!tpu.dma_semaphore, #tpu.memory_space<semaphore_mem>>) src(%arg6 : memref<640x128xf32, #tpu.memory_space<hbm>>) dst(%dma_wait3A_142 : memref<640x128xf32, #tpu.memory_space<vmem_shared>>)
      tpu.yield
    }) : () -> ()
    %barrier3A = arith.constant 0 : index
    tpu.barrier barrier_id(%barrier3A)
    %mul3A_3 = arith.constant 2000 : i32
    %mul3A_4 = arith.muli %add3A, %mul3A_3 : i32
    %add3A_5 = arith.constant 0 : i32
    %add3A_6 = arith.addi %add3A_5, %mul3A_4 : i32
    %mul3A_7 = arith.constant 2000 : i32
    %mul3A_8 = arith.muli %add3A, %mul3A_7 : i32
    %add3A_9 = arith.constant 0 : i32
    %add3A_10 = arith.addi %add3A_6, %add3A_9 : i32
    %dma_start3A = tpu.memref_slice %arg5[%add3A_10] : memref<320000xi32, #tpu.memory_space<hbm>> -> memref<80xi32, #tpu.memory_space<hbm>>
    %dma_start3A_11 = tpu.memref_slice %arg5[%add3A_10] : memref<320000xi32, #tpu.memory_space<hbm>> -> memref<80xi32, #tpu.memory_space<hbm>>
    tpu.enqueue_dma source(%dma_start3A_11 : memref<80xi32, #tpu.memory_space<hbm>>) target(%arg8 : memref<80xi32, #tpu.memory_space<vmem>>) target_semaphore(%arg14 : memref<!tpu.dma_semaphore, #tpu.memory_space<semaphore_mem>>)
    %add3A_12 = arith.constant 0 : i32
    %add3A_13 = arith.addi %mul3A_8, %add3A_12 : i32
    %dma_start3A_14 = arith.constant 0 : i32
    %dma_start3A_15 = tpu.memref_slice %arg2[%add3A_13, %dma_start3A_14] : memref<64000x128xf32, #tpu.memory_space<hbm>> -> memref<80x128xf32, #tpu.memory_space<hbm>>
    %dma_start3A_16 = arith.constant 0 : i32
    %dma_start3A_17 = tpu.memref_slice %arg2[%add3A_13, %dma_start3A_16] : memref<64000x128xf32, #tpu.memory_space<hbm>> -> memref<80x128xf32, #tpu.memory_space<hbm>>
    tpu.enqueue_dma source(%dma_start3A_17 : memref<80x128xf32, #tpu.memory_space<hbm>>) target(%arg10 : memref<80x128xf32, #tpu.memory_space<vmem>>) target_semaphore(%arg14 : memref<!tpu.dma_semaphore, #tpu.memory_space<semaphore_mem>>)
    %add3A_18 = arith.constant 80 : i32
    %add3A_19 = arith.addi %add3A_6, %add3A_18 : i32
    %dma_start3A_20 = tpu.memref_slice %arg5[%add3A_19] : memref<320000xi32, #tpu.memory_space<hbm>> -> memref<80xi32, #tpu.memory_space<hbm>>
    %dma_start3A_21 = tpu.memref_slice %arg5[%add3A_19] : memref<320000xi32, #tpu.memory_space<hbm>> -> memref<80xi32, #tpu.memory_space<hbm>>
    tpu.enqueue_dma source(%dma_start3A_21 : memref<80xi32, #tpu.memory_space<hbm>>) target(%arg9 : memref<80xi32, #tpu.memory_space<vmem>>) target_semaphore(%arg15 : memref<!tpu.dma_semaphore, #tpu.memory_space<semaphore_mem>>)
    %add3A_22 = arith.constant 80 : i32
    %add3A_23 = arith.addi %mul3A_8, %add3A_22 : i32
    %dma_start3A_24 = arith.constant 0 : i32
    %dma_start3A_25 = tpu.memref_slice %arg2[%add3A_23, %dma_start3A_24] : memref<64000x128xf32, #tpu.memory_space<hbm>> -> memref<80x128xf32, #tpu.memory_space<hbm>>
    %dma_start3A_26 = arith.constant 0 : i32
    %dma_start3A_27 = tpu.memref_slice %arg2[%add3A_23, %dma_start3A_26] : memref<64000x128xf32, #tpu.memory_space<hbm>> -> memref<80x128xf32, #tpu.memory_space<hbm>>
    tpu.enqueue_dma source(%dma_start3A_27 : memref<80x128xf32, #tpu.memory_space<hbm>>) target(%arg11 : memref<80x128xf32, #tpu.memory_space<vmem>>) target_semaphore(%arg15 : memref<!tpu.dma_semaphore, #tpu.memory_space<semaphore_mem>>)
    %scan3A = arith.constant 0 : i32
    %scan3A_28 = arith.constant 0 : i32
    %scan3A_29 = arith.constant 12 : i32
    %scan3A_30 = arith.addi %scan3A_28, %scan3A_29 : i32
    %scan3A_31 = arith.constant 1 : i32
    scf.for %scan3A_139 = %scan3A_28 to %scan3A_30 step %scan3A_31  : i32 {
      %mul3A_140 = arith.constant 2 : i32
      %mul3A_141 = arith.muli %mul3A_140, %scan3A_139 : i32
      %dma_wait3A_142 = tpu.memref_slice %arg5[%add3A_6] : memref<320000xi32, #tpu.memory_space<hbm>> -> memref<80xi32, #tpu.memory_space<hbm>>
      %dma_wait3A_143 = tpu.memref_slice %arg5[%add3A_6] : memref<320000xi32, #tpu.memory_space<hbm>> -> memref<80xi32, #tpu.memory_space<hbm>>
      tpu.wait_dma2 semaphore(%arg14 : memref<!tpu.dma_semaphore, #tpu.memory_space<semaphore_mem>>) src(%dma_wait3A_143 : memref<80xi32, #tpu.memory_space<hbm>>) dst(%arg8 : memref<80xi32, #tpu.memory_space<vmem>>)
      %dma_wait3A_144 = arith.constant 0 : i32
      %dma_wait3A_145 = tpu.memref_slice %arg2[%mul3A_8, %dma_wait3A_144] : memref<64000x128xf32, #tpu.memory_space<hbm>> -> memref<80x128xf32, #tpu.memory_space<hbm>>
      %dma_wait3A_146 = arith.constant 0 : i32
      %dma_wait3A_147 = tpu.memref_slice %arg2[%mul3A_8, %dma_wait3A_146] : memref<64000x128xf32, #tpu.memory_space<hbm>> -> memref<80x128xf32, #tpu.memory_space<hbm>>
      tpu.wait_dma2 semaphore(%arg14 : memref<!tpu.dma_semaphore, #tpu.memory_space<semaphore_mem>>) src(%dma_wait3A_147 : memref<80x128xf32, #tpu.memory_space<hbm>>) dst(%arg10 : memref<80x128xf32, #tpu.memory_space<vmem>>)
      %dma_start3A_148 = arith.constant 0 : i32
      %dma_start3A_149 = arith.constant 0 : i32
      %dma_start3A_150 = tpu.memref_slice %arg13[%dma_start3A_148, %dma_start3A_149] : memref<10240x128xf32, #tpu.memory_space<vmem_shared>> -> memref<10240x128xf32, #tpu.memory_space<vmem_shared>>
      tpu.enqueue_indirect_dma source(%arg10 : memref<80x128xf32, #tpu.memory_space<vmem>>) target(%dma_start3A_150 : memref<10240x128xf32, #tpu.memory_space<vmem_shared>>) offsets(%arg8 : memref<80xi32, #tpu.memory_space<vmem>>) semaphore(%arg16 : memref<!tpu.dma_semaphore, #tpu.memory_space<semaphore_mem>>) {add = true}
      %dma_wait3A_151 = tpu.memref_slice %arg5[%add3A_6] : memref<320000xi32, #tpu.memory_space<hbm>> -> memref<80xi32, #tpu.memory_space<hbm>>
      %dma_wait3A_152 = tpu.memref_slice %arg5[%add3A_6] : memref<320000xi32, #tpu.memory_space<hbm>> -> memref<80xi32, #tpu.memory_space<hbm>>
      tpu.wait_dma2 semaphore(%arg15 : memref<!tpu.dma_semaphore, #tpu.memory_space<semaphore_mem>>) src(%dma_wait3A_152 : memref<80xi32, #tpu.memory_space<hbm>>) dst(%arg9 : memref<80xi32, #tpu.memory_space<vmem>>)
      %dma_wait3A_153 = arith.constant 0 : i32
      %dma_wait3A_154 = tpu.memref_slice %arg2[%mul3A_8, %dma_wait3A_153] : memref<64000x128xf32, #tpu.memory_space<hbm>> -> memref<80x128xf32, #tpu.memory_space<hbm>>
      %dma_wait3A_155 = arith.constant 0 : i32
      %dma_wait3A_156 = tpu.memref_slice %arg2[%mul3A_8, %dma_wait3A_155] : memref<64000x128xf32, #tpu.memory_space<hbm>> -> memref<80x128xf32, #tpu.memory_space<hbm>>
      tpu.wait_dma2 semaphore(%arg15 : memref<!tpu.dma_semaphore, #tpu.memory_space<semaphore_mem>>) src(%dma_wait3A_156 : memref<80x128xf32, #tpu.memory_space<hbm>>) dst(%arg11 : memref<80x128xf32, #tpu.memory_space<vmem>>)
      %dma_start3A_157 = arith.constant 0 : i32
      %dma_start3A_158 = arith.constant 0 : i32
      %dma_start3A_159 = tpu.memref_slice %arg13[%dma_start3A_157, %dma_start3A_158] : memref<10240x128xf32, #tpu.memory_space<vmem_shared>> -> memref<10240x128xf32, #tpu.memory_space<vmem_shared>>
      tpu.enqueue_indirect_dma source(%arg11 : memref<80x128xf32, #tpu.memory_space<vmem>>) target(%dma_start3A_159 : memref<10240x128xf32, #tpu.memory_space<vmem_shared>>) offsets(%arg9 : memref<80xi32, #tpu.memory_space<vmem>>) semaphore(%arg17 : memref<!tpu.dma_semaphore, #tpu.memory_space<semaphore_mem>>) {add = true}
      %dma_wait3A_160 = arith.constant 0 : i32
      %dma_wait3A_161 = arith.constant 0 : i32
      %dma_wait3A_162 = tpu.memref_slice %arg13[%dma_wait3A_160, %dma_wait3A_161] : memref<10240x128xf32, #tpu.memory_space<vmem_shared>> -> memref<10240x128xf32, #tpu.memory_space<vmem_shared>>
      tpu.wait_indirect_dma semaphore(%arg16 : memref<!tpu.dma_semaphore, #tpu.memory_space<semaphore_mem>>) src(%arg10 : memref<80x128xf32, #tpu.memory_space<vmem>>) dst(%dma_wait3A_162 : memref<10240x128xf32, #tpu.memory_space<vmem_shared>>)
      %add3A_163 = arith.constant 2 : i32
      %add3A_164 = arith.addi %mul3A_141, %add3A_163 : i32
      %mul3A_165 = arith.constant 80 : i32
      %mul3A_166 = arith.muli %add3A_164, %mul3A_165 : i32
      %add3A_167 = arith.addi %add3A_6, %mul3A_166 : i32
      %dma_start3A_168 = tpu.memref_slice %arg5[%add3A_167] : memref<320000xi32, #tpu.memory_space<hbm>> -> memref<80xi32, #tpu.memory_space<hbm>>
      %dma_start3A_169 = tpu.memref_slice %arg5[%add3A_167] : memref<320000xi32, #tpu.memory_space<hbm>> -> memref<80xi32, #tpu.memory_space<hbm>>
      tpu.enqueue_dma source(%dma_start3A_169 : memref<80xi32, #tpu.memory_space<hbm>>) target(%arg8 : memref<80xi32, #tpu.memory_space<vmem>>) target_semaphore(%arg14 : memref<!tpu.dma_semaphore, #tpu.memory_space<semaphore_mem>>)
      %mul3A_170 = arith.constant 80 : i32
      %mul3A_171 = arith.muli %add3A_164, %mul3A_170 : i32
      %add3A_172 = arith.addi %mul3A_8, %mul3A_171 : i32
      %dma_start3A_173 = arith.constant 0 : i32
      %dma_start3A_174 = tpu.memref_slice %arg2[%add3A_172, %dma_start3A_173] : memref<64000x128xf32, #tpu.memory_space<hbm>> -> memref<80x128xf32, #tpu.memory_space<hbm>>
      %dma_start3A_175 = arith.constant 0 : i32
      %dma_start3A_176 = tpu.memref_slice %arg2[%add3A_172, %dma_start3A_175] : memref<64000x128xf32, #tpu.memory_space<hbm>> -> memref<80x128xf32, #tpu.memory_space<hbm>>
      tpu.enqueue_dma source(%dma_start3A_176 : memref<80x128xf32, #tpu.memory_space<hbm>>) target(%arg10 : memref<80x128xf32, #tpu.memory_space<vmem>>) target_semaphore(%arg14 : memref<!tpu.dma_semaphore, #tpu.memory_space<semaphore_mem>>)
      %dma_wait3A_177 = arith.constant 0 : i32
      %dma_wait3A_178 = arith.constant 0 : i32
      %dma_wait3A_179 = tpu.memref_slice %arg13[%dma_wait3A_177, %dma_wait3A_178] : memref<10240x128xf32, #tpu.memory_space<vmem_shared>> -> memref<10240x128xf32, #tpu.memory_space<vmem_shared>>
      tpu.wait_indirect_dma semaphore(%arg17 : memref<!tpu.dma_semaphore, #tpu.memory_space<semaphore_mem>>) src(%arg11 : memref<80x128xf32, #tpu.memory_space<vmem>>) dst(%dma_wait3A_179 : memref<10240x128xf32, #tpu.memory_space<vmem_shared>>)
      %lt3A = arith.constant 11 : i32
      %lt3A_180 = arith.cmpi slt, %scan3A_139, %lt3A : i32
      %convert_element_type3A = arith.extui %lt3A_180 : i1 to i32
      %cond3A = arith.constant 0 : i32
      %cond3A_181 = arith.cmpi ne, %convert_element_type3A, %cond3A : i32
      scf.if %cond3A_181 {
        %add3A_182 = arith.constant 3 : i32
        %add3A_183 = arith.addi %mul3A_141, %add3A_182 : i32
        %mul3A_184 = arith.constant 80 : i32
        %mul3A_185 = arith.muli %add3A_183, %mul3A_184 : i32
        %add3A_186 = arith.addi %add3A_6, %mul3A_185 : i32
        %dma_start3A_187 = tpu.memref_slice %arg5[%add3A_186] : memref<320000xi32, #tpu.memory_space<hbm>> -> memref<80xi32, #tpu.memory_space<hbm>>
        %dma_start3A_188 = tpu.memref_slice %arg5[%add3A_186] : memref<320000xi32, #tpu.memory_space<hbm>> -> memref<80xi32, #tpu.memory_space<hbm>>
        tpu.enqueue_dma source(%dma_start3A_188 : memref<80xi32, #tpu.memory_space<hbm>>) target(%arg9 : memref<80xi32, #tpu.memory_space<vmem>>) target_semaphore(%arg15 : memref<!tpu.dma_semaphore, #tpu.memory_space<semaphore_mem>>)
        %mul3A_189 = arith.constant 80 : i32
        %mul3A_190 = arith.muli %add3A_183, %mul3A_189 : i32
        %add3A_191 = arith.addi %mul3A_8, %mul3A_190 : i32
        %dma_start3A_192 = arith.constant 0 : i32
        %dma_start3A_193 = tpu.memref_slice %arg2[%add3A_191, %dma_start3A_192] : memref<64000x128xf32, #tpu.memory_space<hbm>> -> memref<80x128xf32, #tpu.memory_space<hbm>>
        %dma_start3A_194 = arith.constant 0 : i32
        %dma_start3A_195 = tpu.memref_slice %arg2[%add3A_191, %dma_start3A_194] : memref<64000x128xf32, #tpu.memory_space<hbm>> -> memref<80x128xf32, #tpu.memory_space<hbm>>
        tpu.enqueue_dma source(%dma_start3A_195 : memref<80x128xf32, #tpu.memory_space<hbm>>) target(%arg11 : memref<80x128xf32, #tpu.memory_space<vmem>>) target_semaphore(%arg15 : memref<!tpu.dma_semaphore, #tpu.memory_space<semaphore_mem>>)
      } else {
      }
    }
    %scan3A_32 = arith.constant 12 : i32
    %dma_wait3A = tpu.memref_slice %arg5[%add3A_6] : memref<320000xi32, #tpu.memory_space<hbm>> -> memref<80xi32, #tpu.memory_space<hbm>>
    %dma_wait3A_33 = tpu.memref_slice %arg5[%add3A_6] : memref<320000xi32, #tpu.memory_space<hbm>> -> memref<80xi32, #tpu.memory_space<hbm>>
    tpu.wait_dma2 semaphore(%arg14 : memref<!tpu.dma_semaphore, #tpu.memory_space<semaphore_mem>>) src(%dma_wait3A_33 : memref<80xi32, #tpu.memory_space<hbm>>) dst(%arg8 : memref<80xi32, #tpu.memory_space<vmem>>)
    %dma_wait3A_34 = arith.constant 0 : i32
    %dma_wait3A_35 = tpu.memref_slice %arg2[%mul3A_8, %dma_wait3A_34] : memref<64000x128xf32, #tpu.memory_space<hbm>> -> memref<80x128xf32, #tpu.memory_space<hbm>>
    %dma_wait3A_36 = arith.constant 0 : i32
    %dma_wait3A_37 = tpu.memref_slice %arg2[%mul3A_8, %dma_wait3A_36] : memref<64000x128xf32, #tpu.memory_space<hbm>> -> memref<80x128xf32, #tpu.memory_space<hbm>>
    tpu.wait_dma2 semaphore(%arg14 : memref<!tpu.dma_semaphore, #tpu.memory_space<semaphore_mem>>) src(%dma_wait3A_37 : memref<80x128xf32, #tpu.memory_space<hbm>>) dst(%arg10 : memref<80x128xf32, #tpu.memory_space<vmem>>)
    %dma_start3A_38 = arith.constant 0 : i32
    %dma_start3A_39 = arith.constant 0 : i32
    %dma_start3A_40 = tpu.memref_slice %arg13[%dma_start3A_38, %dma_start3A_39] : memref<10240x128xf32, #tpu.memory_space<vmem_shared>> -> memref<10240x128xf32, #tpu.memory_space<vmem_shared>>
    tpu.enqueue_indirect_dma source(%arg10 : memref<80x128xf32, #tpu.memory_space<vmem>>) target(%dma_start3A_40 : memref<10240x128xf32, #tpu.memory_space<vmem_shared>>) offsets(%arg8 : memref<80xi32, #tpu.memory_space<vmem>>) semaphore(%arg16 : memref<!tpu.dma_semaphore, #tpu.memory_space<semaphore_mem>>) {add = true}
    %dma_wait3A_41 = arith.constant 0 : i32
    %dma_wait3A_42 = arith.constant 0 : i32
    %dma_wait3A_43 = tpu.memref_slice %arg13[%dma_wait3A_41, %dma_wait3A_42] : memref<10240x128xf32, #tpu.memory_space<vmem_shared>> -> memref<10240x128xf32, #tpu.memory_space<vmem_shared>>
    tpu.wait_indirect_dma semaphore(%arg16 : memref<!tpu.dma_semaphore, #tpu.memory_space<semaphore_mem>>) src(%arg10 : memref<80x128xf32, #tpu.memory_space<vmem>>) dst(%dma_wait3A_43 : memref<10240x128xf32, #tpu.memory_space<vmem_shared>>)
    %mul3A_44 = arith.constant 2000 : i32
    %mul3A_45 = arith.muli %add3A, %mul3A_44 : i32
    %add3A_46 = arith.constant 64000 : i32
    %add3A_47 = arith.addi %add3A_46, %mul3A_45 : i32
    %mul3A_48 = arith.constant 2000 : i32
    %mul3A_49 = arith.muli %add3A, %mul3A_48 : i32
    %add3A_50 = arith.constant 0 : i32
    %add3A_51 = arith.addi %add3A_47, %add3A_50 : i32
    %dma_start3A_52 = tpu.memref_slice %arg5[%add3A_51] : memref<320000xi32, #tpu.memory_space<hbm>> -> memref<80xi32, #tpu.memory_space<hbm>>
    %dma_start3A_53 = tpu.memref_slice %arg5[%add3A_51] : memref<320000xi32, #tpu.memory_space<hbm>> -> memref<80xi32, #tpu.memory_space<hbm>>
    tpu.enqueue_dma source(%dma_start3A_53 : memref<80xi32, #tpu.memory_space<hbm>>) target(%arg8 : memref<80xi32, #tpu.memory_space<vmem>>) target_semaphore(%arg14 : memref<!tpu.dma_semaphore, #tpu.memory_space<semaphore_mem>>)
    %add3A_54 = arith.constant 0 : i32
    %add3A_55 = arith.addi %mul3A_49, %add3A_54 : i32
    %dma_start3A_56 = arith.constant 0 : i32
    %dma_start3A_57 = tpu.memref_slice %arg3[%add3A_55, %dma_start3A_56] : memref<64000x128xf32, #tpu.memory_space<hbm>> -> memref<80x128xf32, #tpu.memory_space<hbm>>
    %dma_start3A_58 = arith.constant 0 : i32
    %dma_start3A_59 = tpu.memref_slice %arg3[%add3A_55, %dma_start3A_58] : memref<64000x128xf32, #tpu.memory_space<hbm>> -> memref<80x128xf32, #tpu.memory_space<hbm>>
    tpu.enqueue_dma source(%dma_start3A_59 : memref<80x128xf32, #tpu.memory_space<hbm>>) target(%arg10 : memref<80x128xf32, #tpu.memory_space<vmem>>) target_semaphore(%arg14 : memref<!tpu.dma_semaphore, #tpu.memory_space<semaphore_mem>>)
    %add3A_60 = arith.constant 80 : i32
    %add3A_61 = arith.addi %add3A_47, %add3A_60 : i32
    %dma_start3A_62 = tpu.memref_slice %arg5[%add3A_61] : memref<320000xi32, #tpu.memory_space<hbm>> -> memref<80xi32, #tpu.memory_space<hbm>>
    %dma_start3A_63 = tpu.memref_slice %arg5[%add3A_61] : memref<320000xi32, #tpu.memory_space<hbm>> -> memref<80xi32, #tpu.memory_space<hbm>>
    tpu.enqueue_dma source(%dma_start3A_63 : memref<80xi32, #tpu.memory_space<hbm>>) target(%arg9 : memref<80xi32, #tpu.memory_space<vmem>>) target_semaphore(%arg15 : memref<!tpu.dma_semaphore, #tpu.memory_space<semaphore_mem>>)
    %add3A_64 = arith.constant 80 : i32
    %add3A_65 = arith.addi %mul3A_49, %add3A_64 : i32
    %dma_start3A_66 = arith.constant 0 : i32
    %dma_start3A_67 = tpu.memref_slice %arg3[%add3A_65, %dma_start3A_66] : memref<64000x128xf32, #tpu.memory_space<hbm>> -> memref<80x128xf32, #tpu.memory_space<hbm>>
    %dma_start3A_68 = arith.constant 0 : i32
    %dma_start3A_69 = tpu.memref_slice %arg3[%add3A_65, %dma_start3A_68] : memref<64000x128xf32, #tpu.memory_space<hbm>> -> memref<80x128xf32, #tpu.memory_space<hbm>>
    tpu.enqueue_dma source(%dma_start3A_69 : memref<80x128xf32, #tpu.memory_space<hbm>>) target(%arg11 : memref<80x128xf32, #tpu.memory_space<vmem>>) target_semaphore(%arg15 : memref<!tpu.dma_semaphore, #tpu.memory_space<semaphore_mem>>)
    %scan3A_70 = arith.constant 0 : i32
    %scan3A_71 = arith.constant 0 : i32
    %scan3A_72 = arith.constant 12 : i32
    %scan3A_73 = arith.addi %scan3A_71, %scan3A_72 : i32
    %scan3A_74 = arith.constant 1 : i32
    scf.for %scan3A_139 = %scan3A_71 to %scan3A_73 step %scan3A_74  : i32 {
      %mul3A_140 = arith.constant 2 : i32
      %mul3A_141 = arith.muli %mul3A_140, %scan3A_139 : i32
      %dma_wait3A_142 = tpu.memref_slice %arg5[%add3A_47] : memref<320000xi32, #tpu.memory_space<hbm>> -> memref<80xi32, #tpu.memory_space<hbm>>
      %dma_wait3A_143 = tpu.memref_slice %arg5[%add3A_47] : memref<320000xi32, #tpu.memory_space<hbm>> -> memref<80xi32, #tpu.memory_space<hbm>>
      tpu.wait_dma2 semaphore(%arg14 : memref<!tpu.dma_semaphore, #tpu.memory_space<semaphore_mem>>) src(%dma_wait3A_143 : memref<80xi32, #tpu.memory_space<hbm>>) dst(%arg8 : memref<80xi32, #tpu.memory_space<vmem>>)
      %dma_wait3A_144 = arith.constant 0 : i32
      %dma_wait3A_145 = tpu.memref_slice %arg3[%mul3A_49, %dma_wait3A_144] : memref<64000x128xf32, #tpu.memory_space<hbm>> -> memref<80x128xf32, #tpu.memory_space<hbm>>
      %dma_wait3A_146 = arith.constant 0 : i32
      %dma_wait3A_147 = tpu.memref_slice %arg3[%mul3A_49, %dma_wait3A_146] : memref<64000x128xf32, #tpu.memory_space<hbm>> -> memref<80x128xf32, #tpu.memory_space<hbm>>
      tpu.wait_dma2 semaphore(%arg14 : memref<!tpu.dma_semaphore, #tpu.memory_space<semaphore_mem>>) src(%dma_wait3A_147 : memref<80x128xf32, #tpu.memory_space<hbm>>) dst(%arg10 : memref<80x128xf32, #tpu.memory_space<vmem>>)
      %dma_start3A_148 = arith.constant 0 : i32
      %dma_start3A_149 = arith.constant 0 : i32
      %dma_start3A_150 = tpu.memref_slice %arg13[%dma_start3A_148, %dma_start3A_149] : memref<10240x128xf32, #tpu.memory_space<vmem_shared>> -> memref<10240x128xf32, #tpu.memory_space<vmem_shared>>
      tpu.enqueue_indirect_dma source(%arg10 : memref<80x128xf32, #tpu.memory_space<vmem>>) target(%dma_start3A_150 : memref<10240x128xf32, #tpu.memory_space<vmem_shared>>) offsets(%arg8 : memref<80xi32, #tpu.memory_space<vmem>>) semaphore(%arg16 : memref<!tpu.dma_semaphore, #tpu.memory_space<semaphore_mem>>) {add = true}
      %dma_wait3A_151 = tpu.memref_slice %arg5[%add3A_47] : memref<320000xi32, #tpu.memory_space<hbm>> -> memref<80xi32, #tpu.memory_space<hbm>>
      %dma_wait3A_152 = tpu.memref_slice %arg5[%add3A_47] : memref<320000xi32, #tpu.memory_space<hbm>> -> memref<80xi32, #tpu.memory_space<hbm>>
      tpu.wait_dma2 semaphore(%arg15 : memref<!tpu.dma_semaphore, #tpu.memory_space<semaphore_mem>>) src(%dma_wait3A_152 : memref<80xi32, #tpu.memory_space<hbm>>) dst(%arg9 : memref<80xi32, #tpu.memory_space<vmem>>)
      %dma_wait3A_153 = arith.constant 0 : i32
      %dma_wait3A_154 = tpu.memref_slice %arg3[%mul3A_49, %dma_wait3A_153] : memref<64000x128xf32, #tpu.memory_space<hbm>> -> memref<80x128xf32, #tpu.memory_space<hbm>>
      %dma_wait3A_155 = arith.constant 0 : i32
      %dma_wait3A_156 = tpu.memref_slice %arg3[%mul3A_49, %dma_wait3A_155] : memref<64000x128xf32, #tpu.memory_space<hbm>> -> memref<80x128xf32, #tpu.memory_space<hbm>>
      tpu.wait_dma2 semaphore(%arg15 : memref<!tpu.dma_semaphore, #tpu.memory_space<semaphore_mem>>) src(%dma_wait3A_156 : memref<80x128xf32, #tpu.memory_space<hbm>>) dst(%arg11 : memref<80x128xf32, #tpu.memory_space<vmem>>)
      %dma_start3A_157 = arith.constant 0 : i32
      %dma_start3A_158 = arith.constant 0 : i32
      %dma_start3A_159 = tpu.memref_slice %arg13[%dma_start3A_157, %dma_start3A_158] : memref<10240x128xf32, #tpu.memory_space<vmem_shared>> -> memref<10240x128xf32, #tpu.memory_space<vmem_shared>>
      tpu.enqueue_indirect_dma source(%arg11 : memref<80x128xf32, #tpu.memory_space<vmem>>) target(%dma_start3A_159 : memref<10240x128xf32, #tpu.memory_space<vmem_shared>>) offsets(%arg9 : memref<80xi32, #tpu.memory_space<vmem>>) semaphore(%arg17 : memref<!tpu.dma_semaphore, #tpu.memory_space<semaphore_mem>>) {add = true}
      %dma_wait3A_160 = arith.constant 0 : i32
      %dma_wait3A_161 = arith.constant 0 : i32
      %dma_wait3A_162 = tpu.memref_slice %arg13[%dma_wait3A_160, %dma_wait3A_161] : memref<10240x128xf32, #tpu.memory_space<vmem_shared>> -> memref<10240x128xf32, #tpu.memory_space<vmem_shared>>
      tpu.wait_indirect_dma semaphore(%arg16 : memref<!tpu.dma_semaphore, #tpu.memory_space<semaphore_mem>>) src(%arg10 : memref<80x128xf32, #tpu.memory_space<vmem>>) dst(%dma_wait3A_162 : memref<10240x128xf32, #tpu.memory_space<vmem_shared>>)
      %add3A_163 = arith.constant 2 : i32
      %add3A_164 = arith.addi %mul3A_141, %add3A_163 : i32
      %mul3A_165 = arith.constant 80 : i32
      %mul3A_166 = arith.muli %add3A_164, %mul3A_165 : i32
      %add3A_167 = arith.addi %add3A_47, %mul3A_166 : i32
      %dma_start3A_168 = tpu.memref_slice %arg5[%add3A_167] : memref<320000xi32, #tpu.memory_space<hbm>> -> memref<80xi32, #tpu.memory_space<hbm>>
      %dma_start3A_169 = tpu.memref_slice %arg5[%add3A_167] : memref<320000xi32, #tpu.memory_space<hbm>> -> memref<80xi32, #tpu.memory_space<hbm>>
      tpu.enqueue_dma source(%dma_start3A_169 : memref<80xi32, #tpu.memory_space<hbm>>) target(%arg8 : memref<80xi32, #tpu.memory_space<vmem>>) target_semaphore(%arg14 : memref<!tpu.dma_semaphore, #tpu.memory_space<semaphore_mem>>)
      %mul3A_170 = arith.constant 80 : i32
      %mul3A_171 = arith.muli %add3A_164, %mul3A_170 : i32
      %add3A_172 = arith.addi %mul3A_49, %mul3A_171 : i32
      %dma_start3A_173 = arith.constant 0 : i32
      %dma_start3A_174 = tpu.memref_slice %arg3[%add3A_172, %dma_start3A_173] : memref<64000x128xf32, #tpu.memory_space<hbm>> -> memref<80x128xf32, #tpu.memory_space<hbm>>
      %dma_start3A_175 = arith.constant 0 : i32
      %dma_start3A_176 = tpu.memref_slice %arg3[%add3A_172, %dma_start3A_175] : memref<64000x128xf32, #tpu.memory_space<hbm>> -> memref<80x128xf32, #tpu.memory_space<hbm>>
      tpu.enqueue_dma source(%dma_start3A_176 : memref<80x128xf32, #tpu.memory_space<hbm>>) target(%arg10 : memref<80x128xf32, #tpu.memory_space<vmem>>) target_semaphore(%arg14 : memref<!tpu.dma_semaphore, #tpu.memory_space<semaphore_mem>>)
      %dma_wait3A_177 = arith.constant 0 : i32
      %dma_wait3A_178 = arith.constant 0 : i32
      %dma_wait3A_179 = tpu.memref_slice %arg13[%dma_wait3A_177, %dma_wait3A_178] : memref<10240x128xf32, #tpu.memory_space<vmem_shared>> -> memref<10240x128xf32, #tpu.memory_space<vmem_shared>>
      tpu.wait_indirect_dma semaphore(%arg17 : memref<!tpu.dma_semaphore, #tpu.memory_space<semaphore_mem>>) src(%arg11 : memref<80x128xf32, #tpu.memory_space<vmem>>) dst(%dma_wait3A_179 : memref<10240x128xf32, #tpu.memory_space<vmem_shared>>)
      %lt3A = arith.constant 11 : i32
      %lt3A_180 = arith.cmpi slt, %scan3A_139, %lt3A : i32
      %convert_element_type3A = arith.extui %lt3A_180 : i1 to i32
      %cond3A = arith.constant 0 : i32
      %cond3A_181 = arith.cmpi ne, %convert_element_type3A, %cond3A : i32
      scf.if %cond3A_181 {
        %add3A_182 = arith.constant 3 : i32
        %add3A_183 = arith.addi %mul3A_141, %add3A_182 : i32
        %mul3A_184 = arith.constant 80 : i32
        %mul3A_185 = arith.muli %add3A_183, %mul3A_184 : i32
        %add3A_186 = arith.addi %add3A_47, %mul3A_185 : i32
        %dma_start3A_187 = tpu.memref_slice %arg5[%add3A_186] : memref<320000xi32, #tpu.memory_space<hbm>> -> memref<80xi32, #tpu.memory_space<hbm>>
        %dma_start3A_188 = tpu.memref_slice %arg5[%add3A_186] : memref<320000xi32, #tpu.memory_space<hbm>> -> memref<80xi32, #tpu.memory_space<hbm>>
        tpu.enqueue_dma source(%dma_start3A_188 : memref<80xi32, #tpu.memory_space<hbm>>) target(%arg9 : memref<80xi32, #tpu.memory_space<vmem>>) target_semaphore(%arg15 : memref<!tpu.dma_semaphore, #tpu.memory_space<semaphore_mem>>)
        %mul3A_189 = arith.constant 80 : i32
        %mul3A_190 = arith.muli %add3A_183, %mul3A_189 : i32
        %add3A_191 = arith.addi %mul3A_49, %mul3A_190 : i32
        %dma_start3A_192 = arith.constant 0 : i32
        %dma_start3A_193 = tpu.memref_slice %arg3[%add3A_191, %dma_start3A_192] : memref<64000x128xf32, #tpu.memory_space<hbm>> -> memref<80x128xf32, #tpu.memory_space<hbm>>
        %dma_start3A_194 = arith.constant 0 : i32
        %dma_start3A_195 = tpu.memref_slice %arg3[%add3A_191, %dma_start3A_194] : memref<64000x128xf32, #tpu.memory_space<hbm>> -> memref<80x128xf32, #tpu.memory_space<hbm>>
        tpu.enqueue_dma source(%dma_start3A_195 : memref<80x128xf32, #tpu.memory_space<hbm>>) target(%arg11 : memref<80x128xf32, #tpu.memory_space<vmem>>) target_semaphore(%arg15 : memref<!tpu.dma_semaphore, #tpu.memory_space<semaphore_mem>>)
      } else {
      }
    }
    %scan3A_75 = arith.constant 12 : i32
    %dma_wait3A_76 = tpu.memref_slice %arg5[%add3A_47] : memref<320000xi32, #tpu.memory_space<hbm>> -> memref<80xi32, #tpu.memory_space<hbm>>
    %dma_wait3A_77 = tpu.memref_slice %arg5[%add3A_47] : memref<320000xi32, #tpu.memory_space<hbm>> -> memref<80xi32, #tpu.memory_space<hbm>>
    tpu.wait_dma2 semaphore(%arg14 : memref<!tpu.dma_semaphore, #tpu.memory_space<semaphore_mem>>) src(%dma_wait3A_77 : memref<80xi32, #tpu.memory_space<hbm>>) dst(%arg8 : memref<80xi32, #tpu.memory_space<vmem>>)
    %dma_wait3A_78 = arith.constant 0 : i32
    %dma_wait3A_79 = tpu.memref_slice %arg3[%mul3A_49, %dma_wait3A_78] : memref<64000x128xf32, #tpu.memory_space<hbm>> -> memref<80x128xf32, #tpu.memory_space<hbm>>
    %dma_wait3A_80 = arith.constant 0 : i32
    %dma_wait3A_81 = tpu.memref_slice %arg3[%mul3A_49, %dma_wait3A_80] : memref<64000x128xf32, #tpu.memory_space<hbm>> -> memref<80x128xf32, #tpu.memory_space<hbm>>
    tpu.wait_dma2 semaphore(%arg14 : memref<!tpu.dma_semaphore, #tpu.memory_space<semaphore_mem>>) src(%dma_wait3A_81 : memref<80x128xf32, #tpu.memory_space<hbm>>) dst(%arg10 : memref<80x128xf32, #tpu.memory_space<vmem>>)
    %dma_start3A_82 = arith.constant 0 : i32
    %dma_start3A_83 = arith.constant 0 : i32
    %dma_start3A_84 = tpu.memref_slice %arg13[%dma_start3A_82, %dma_start3A_83] : memref<10240x128xf32, #tpu.memory_space<vmem_shared>> -> memref<10240x128xf32, #tpu.memory_space<vmem_shared>>
    tpu.enqueue_indirect_dma source(%arg10 : memref<80x128xf32, #tpu.memory_space<vmem>>) target(%dma_start3A_84 : memref<10240x128xf32, #tpu.memory_space<vmem_shared>>) offsets(%arg8 : memref<80xi32, #tpu.memory_space<vmem>>) semaphore(%arg16 : memref<!tpu.dma_semaphore, #tpu.memory_space<semaphore_mem>>) {add = true}
    %dma_wait3A_85 = arith.constant 0 : i32
    %dma_wait3A_86 = arith.constant 0 : i32
    %dma_wait3A_87 = tpu.memref_slice %arg13[%dma_wait3A_85, %dma_wait3A_86] : memref<10240x128xf32, #tpu.memory_space<vmem_shared>> -> memref<10240x128xf32, #tpu.memory_space<vmem_shared>>
    tpu.wait_indirect_dma semaphore(%arg16 : memref<!tpu.dma_semaphore, #tpu.memory_space<semaphore_mem>>) src(%arg10 : memref<80x128xf32, #tpu.memory_space<vmem>>) dst(%dma_wait3A_87 : memref<10240x128xf32, #tpu.memory_space<vmem_shared>>)
    %mul3A_88 = arith.constant 2000 : i32
    %mul3A_89 = arith.muli %add3A, %mul3A_88 : i32
    %add3A_90 = arith.constant 128000 : i32
    %add3A_91 = arith.addi %add3A_90, %mul3A_89 : i32
    %mul3A_92 = arith.constant 2000 : i32
    %mul3A_93 = arith.muli %add3A, %mul3A_92 : i32
    %add3A_94 = arith.constant 0 : i32
    %add3A_95 = arith.addi %add3A_91, %add3A_94 : i32
    %dma_start3A_96 = tpu.memref_slice %arg5[%add3A_95] : memref<320000xi32, #tpu.memory_space<hbm>> -> memref<80xi32, #tpu.memory_space<hbm>>
    %dma_start3A_97 = tpu.memref_slice %arg5[%add3A_95] : memref<320000xi32, #tpu.memory_space<hbm>> -> memref<80xi32, #tpu.memory_space<hbm>>
    tpu.enqueue_dma source(%dma_start3A_97 : memref<80xi32, #tpu.memory_space<hbm>>) target(%arg8 : memref<80xi32, #tpu.memory_space<vmem>>) target_semaphore(%arg14 : memref<!tpu.dma_semaphore, #tpu.memory_space<semaphore_mem>>)
    %add3A_98 = arith.constant 0 : i32
    %add3A_99 = arith.addi %mul3A_93, %add3A_98 : i32
    %dma_start3A_100 = arith.constant 0 : i32
    %dma_start3A_101 = tpu.memref_slice %arg4[%add3A_99, %dma_start3A_100] : memref<64000x128xf32, #tpu.memory_space<hbm>> -> memref<80x128xf32, #tpu.memory_space<hbm>>
    %dma_start3A_102 = arith.constant 0 : i32
    %dma_start3A_103 = tpu.memref_slice %arg4[%add3A_99, %dma_start3A_102] : memref<64000x128xf32, #tpu.memory_space<hbm>> -> memref<80x128xf32, #tpu.memory_space<hbm>>
    tpu.enqueue_dma source(%dma_start3A_103 : memref<80x128xf32, #tpu.memory_space<hbm>>) target(%arg10 : memref<80x128xf32, #tpu.memory_space<vmem>>) target_semaphore(%arg14 : memref<!tpu.dma_semaphore, #tpu.memory_space<semaphore_mem>>)
    %add3A_104 = arith.constant 80 : i32
    %add3A_105 = arith.addi %add3A_91, %add3A_104 : i32
    %dma_start3A_106 = tpu.memref_slice %arg5[%add3A_105] : memref<320000xi32, #tpu.memory_space<hbm>> -> memref<80xi32, #tpu.memory_space<hbm>>
    %dma_start3A_107 = tpu.memref_slice %arg5[%add3A_105] : memref<320000xi32, #tpu.memory_space<hbm>> -> memref<80xi32, #tpu.memory_space<hbm>>
    tpu.enqueue_dma source(%dma_start3A_107 : memref<80xi32, #tpu.memory_space<hbm>>) target(%arg9 : memref<80xi32, #tpu.memory_space<vmem>>) target_semaphore(%arg15 : memref<!tpu.dma_semaphore, #tpu.memory_space<semaphore_mem>>)
    %add3A_108 = arith.constant 80 : i32
    %add3A_109 = arith.addi %mul3A_93, %add3A_108 : i32
    %dma_start3A_110 = arith.constant 0 : i32
    %dma_start3A_111 = tpu.memref_slice %arg4[%add3A_109, %dma_start3A_110] : memref<64000x128xf32, #tpu.memory_space<hbm>> -> memref<80x128xf32, #tpu.memory_space<hbm>>
    %dma_start3A_112 = arith.constant 0 : i32
    %dma_start3A_113 = tpu.memref_slice %arg4[%add3A_109, %dma_start3A_112] : memref<64000x128xf32, #tpu.memory_space<hbm>> -> memref<80x128xf32, #tpu.memory_space<hbm>>
    tpu.enqueue_dma source(%dma_start3A_113 : memref<80x128xf32, #tpu.memory_space<hbm>>) target(%arg11 : memref<80x128xf32, #tpu.memory_space<vmem>>) target_semaphore(%arg15 : memref<!tpu.dma_semaphore, #tpu.memory_space<semaphore_mem>>)
    %scan3A_114 = arith.constant 0 : i32
    %scan3A_115 = arith.constant 0 : i32
    %scan3A_116 = arith.constant 12 : i32
    %scan3A_117 = arith.addi %scan3A_115, %scan3A_116 : i32
    %scan3A_118 = arith.constant 1 : i32
    scf.for %scan3A_139 = %scan3A_115 to %scan3A_117 step %scan3A_118  : i32 {
      %mul3A_140 = arith.constant 2 : i32
      %mul3A_141 = arith.muli %mul3A_140, %scan3A_139 : i32
      %dma_wait3A_142 = tpu.memref_slice %arg5[%add3A_91] : memref<320000xi32, #tpu.memory_space<hbm>> -> memref<80xi32, #tpu.memory_space<hbm>>
      %dma_wait3A_143 = tpu.memref_slice %arg5[%add3A_91] : memref<320000xi32, #tpu.memory_space<hbm>> -> memref<80xi32, #tpu.memory_space<hbm>>
      tpu.wait_dma2 semaphore(%arg14 : memref<!tpu.dma_semaphore, #tpu.memory_space<semaphore_mem>>) src(%dma_wait3A_143 : memref<80xi32, #tpu.memory_space<hbm>>) dst(%arg8 : memref<80xi32, #tpu.memory_space<vmem>>)
      %dma_wait3A_144 = arith.constant 0 : i32
      %dma_wait3A_145 = tpu.memref_slice %arg4[%mul3A_93, %dma_wait3A_144] : memref<64000x128xf32, #tpu.memory_space<hbm>> -> memref<80x128xf32, #tpu.memory_space<hbm>>
      %dma_wait3A_146 = arith.constant 0 : i32
      %dma_wait3A_147 = tpu.memref_slice %arg4[%mul3A_93, %dma_wait3A_146] : memref<64000x128xf32, #tpu.memory_space<hbm>> -> memref<80x128xf32, #tpu.memory_space<hbm>>
      tpu.wait_dma2 semaphore(%arg14 : memref<!tpu.dma_semaphore, #tpu.memory_space<semaphore_mem>>) src(%dma_wait3A_147 : memref<80x128xf32, #tpu.memory_space<hbm>>) dst(%arg10 : memref<80x128xf32, #tpu.memory_space<vmem>>)
      %dma_start3A_148 = arith.constant 0 : i32
      %dma_start3A_149 = arith.constant 0 : i32
      %dma_start3A_150 = tpu.memref_slice %arg13[%dma_start3A_148, %dma_start3A_149] : memref<10240x128xf32, #tpu.memory_space<vmem_shared>> -> memref<10240x128xf32, #tpu.memory_space<vmem_shared>>
      tpu.enqueue_indirect_dma source(%arg10 : memref<80x128xf32, #tpu.memory_space<vmem>>) target(%dma_start3A_150 : memref<10240x128xf32, #tpu.memory_space<vmem_shared>>) offsets(%arg8 : memref<80xi32, #tpu.memory_space<vmem>>) semaphore(%arg16 : memref<!tpu.dma_semaphore, #tpu.memory_space<semaphore_mem>>) {add = true}
      %dma_wait3A_151 = tpu.memref_slice %arg5[%add3A_91] : memref<320000xi32, #tpu.memory_space<hbm>> -> memref<80xi32, #tpu.memory_space<hbm>>
      %dma_wait3A_152 = tpu.memref_slice %arg5[%add3A_91] : memref<320000xi32, #tpu.memory_space<hbm>> -> memref<80xi32, #tpu.memory_space<hbm>>
      tpu.wait_dma2 semaphore(%arg15 : memref<!tpu.dma_semaphore, #tpu.memory_space<semaphore_mem>>) src(%dma_wait3A_152 : memref<80xi32, #tpu.memory_space<hbm>>) dst(%arg9 : memref<80xi32, #tpu.memory_space<vmem>>)
      %dma_wait3A_153 = arith.constant 0 : i32
      %dma_wait3A_154 = tpu.memref_slice %arg4[%mul3A_93, %dma_wait3A_153] : memref<64000x128xf32, #tpu.memory_space<hbm>> -> memref<80x128xf32, #tpu.memory_space<hbm>>
      %dma_wait3A_155 = arith.constant 0 : i32
      %dma_wait3A_156 = tpu.memref_slice %arg4[%mul3A_93, %dma_wait3A_155] : memref<64000x128xf32, #tpu.memory_space<hbm>> -> memref<80x128xf32, #tpu.memory_space<hbm>>
      tpu.wait_dma2 semaphore(%arg15 : memref<!tpu.dma_semaphore, #tpu.memory_space<semaphore_mem>>) src(%dma_wait3A_156 : memref<80x128xf32, #tpu.memory_space<hbm>>) dst(%arg11 : memref<80x128xf32, #tpu.memory_space<vmem>>)
      %dma_start3A_157 = arith.constant 0 : i32
      %dma_start3A_158 = arith.constant 0 : i32
      %dma_start3A_159 = tpu.memref_slice %arg13[%dma_start3A_157, %dma_start3A_158] : memref<10240x128xf32, #tpu.memory_space<vmem_shared>> -> memref<10240x128xf32, #tpu.memory_space<vmem_shared>>
      tpu.enqueue_indirect_dma source(%arg11 : memref<80x128xf32, #tpu.memory_space<vmem>>) target(%dma_start3A_159 : memref<10240x128xf32, #tpu.memory_space<vmem_shared>>) offsets(%arg9 : memref<80xi32, #tpu.memory_space<vmem>>) semaphore(%arg17 : memref<!tpu.dma_semaphore, #tpu.memory_space<semaphore_mem>>) {add = true}
      %dma_wait3A_160 = arith.constant 0 : i32
      %dma_wait3A_161 = arith.constant 0 : i32
      %dma_wait3A_162 = tpu.memref_slice %arg13[%dma_wait3A_160, %dma_wait3A_161] : memref<10240x128xf32, #tpu.memory_space<vmem_shared>> -> memref<10240x128xf32, #tpu.memory_space<vmem_shared>>
      tpu.wait_indirect_dma semaphore(%arg16 : memref<!tpu.dma_semaphore, #tpu.memory_space<semaphore_mem>>) src(%arg10 : memref<80x128xf32, #tpu.memory_space<vmem>>) dst(%dma_wait3A_162 : memref<10240x128xf32, #tpu.memory_space<vmem_shared>>)
      %add3A_163 = arith.constant 2 : i32
      %add3A_164 = arith.addi %mul3A_141, %add3A_163 : i32
      %mul3A_165 = arith.constant 80 : i32
      %mul3A_166 = arith.muli %add3A_164, %mul3A_165 : i32
      %add3A_167 = arith.addi %add3A_91, %mul3A_166 : i32
      %dma_start3A_168 = tpu.memref_slice %arg5[%add3A_167] : memref<320000xi32, #tpu.memory_space<hbm>> -> memref<80xi32, #tpu.memory_space<hbm>>
      %dma_start3A_169 = tpu.memref_slice %arg5[%add3A_167] : memref<320000xi32, #tpu.memory_space<hbm>> -> memref<80xi32, #tpu.memory_space<hbm>>
      tpu.enqueue_dma source(%dma_start3A_169 : memref<80xi32, #tpu.memory_space<hbm>>) target(%arg8 : memref<80xi32, #tpu.memory_space<vmem>>) target_semaphore(%arg14 : memref<!tpu.dma_semaphore, #tpu.memory_space<semaphore_mem>>)
      %mul3A_170 = arith.constant 80 : i32
      %mul3A_171 = arith.muli %add3A_164, %mul3A_170 : i32
      %add3A_172 = arith.addi %mul3A_93, %mul3A_171 : i32
      %dma_start3A_173 = arith.constant 0 : i32
      %dma_start3A_174 = tpu.memref_slice %arg4[%add3A_172, %dma_start3A_173] : memref<64000x128xf32, #tpu.memory_space<hbm>> -> memref<80x128xf32, #tpu.memory_space<hbm>>
      %dma_start3A_175 = arith.constant 0 : i32
      %dma_start3A_176 = tpu.memref_slice %arg4[%add3A_172, %dma_start3A_175] : memref<64000x128xf32, #tpu.memory_space<hbm>> -> memref<80x128xf32, #tpu.memory_space<hbm>>
      tpu.enqueue_dma source(%dma_start3A_176 : memref<80x128xf32, #tpu.memory_space<hbm>>) target(%arg10 : memref<80x128xf32, #tpu.memory_space<vmem>>) target_semaphore(%arg14 : memref<!tpu.dma_semaphore, #tpu.memory_space<semaphore_mem>>)
      %dma_wait3A_177 = arith.constant 0 : i32
      %dma_wait3A_178 = arith.constant 0 : i32
      %dma_wait3A_179 = tpu.memref_slice %arg13[%dma_wait3A_177, %dma_wait3A_178] : memref<10240x128xf32, #tpu.memory_space<vmem_shared>> -> memref<10240x128xf32, #tpu.memory_space<vmem_shared>>
      tpu.wait_indirect_dma semaphore(%arg17 : memref<!tpu.dma_semaphore, #tpu.memory_space<semaphore_mem>>) src(%arg11 : memref<80x128xf32, #tpu.memory_space<vmem>>) dst(%dma_wait3A_179 : memref<10240x128xf32, #tpu.memory_space<vmem_shared>>)
      %lt3A = arith.constant 11 : i32
      %lt3A_180 = arith.cmpi slt, %scan3A_139, %lt3A : i32
      %convert_element_type3A = arith.extui %lt3A_180 : i1 to i32
      %cond3A = arith.constant 0 : i32
      %cond3A_181 = arith.cmpi ne, %convert_element_type3A, %cond3A : i32
      scf.if %cond3A_181 {
        %add3A_182 = arith.constant 3 : i32
        %add3A_183 = arith.addi %mul3A_141, %add3A_182 : i32
        %mul3A_184 = arith.constant 80 : i32
        %mul3A_185 = arith.muli %add3A_183, %mul3A_184 : i32
        %add3A_186 = arith.addi %add3A_91, %mul3A_185 : i32
        %dma_start3A_187 = tpu.memref_slice %arg5[%add3A_186] : memref<320000xi32, #tpu.memory_space<hbm>> -> memref<80xi32, #tpu.memory_space<hbm>>
        %dma_start3A_188 = tpu.memref_slice %arg5[%add3A_186] : memref<320000xi32, #tpu.memory_space<hbm>> -> memref<80xi32, #tpu.memory_space<hbm>>
        tpu.enqueue_dma source(%dma_start3A_188 : memref<80xi32, #tpu.memory_space<hbm>>) target(%arg9 : memref<80xi32, #tpu.memory_space<vmem>>) target_semaphore(%arg15 : memref<!tpu.dma_semaphore, #tpu.memory_space<semaphore_mem>>)
        %mul3A_189 = arith.constant 80 : i32
        %mul3A_190 = arith.muli %add3A_183, %mul3A_189 : i32
        %add3A_191 = arith.addi %mul3A_93, %mul3A_190 : i32
        %dma_start3A_192 = arith.constant 0 : i32
        %dma_start3A_193 = tpu.memref_slice %arg4[%add3A_191, %dma_start3A_192] : memref<64000x128xf32, #tpu.memory_space<hbm>> -> memref<80x128xf32, #tpu.memory_space<hbm>>
        %dma_start3A_194 = arith.constant 0 : i32
        %dma_start3A_195 = tpu.memref_slice %arg4[%add3A_191, %dma_start3A_194] : memref<64000x128xf32, #tpu.memory_space<hbm>> -> memref<80x128xf32, #tpu.memory_space<hbm>>
        tpu.enqueue_dma source(%dma_start3A_195 : memref<80x128xf32, #tpu.memory_space<hbm>>) target(%arg11 : memref<80x128xf32, #tpu.memory_space<vmem>>) target_semaphore(%arg15 : memref<!tpu.dma_semaphore, #tpu.memory_space<semaphore_mem>>)
      } else {
      }
    }
    %scan3A_119 = arith.constant 12 : i32
    %dma_wait3A_120 = tpu.memref_slice %arg5[%add3A_91] : memref<320000xi32, #tpu.memory_space<hbm>> -> memref<80xi32, #tpu.memory_space<hbm>>
    %dma_wait3A_121 = tpu.memref_slice %arg5[%add3A_91] : memref<320000xi32, #tpu.memory_space<hbm>> -> memref<80xi32, #tpu.memory_space<hbm>>
    tpu.wait_dma2 semaphore(%arg14 : memref<!tpu.dma_semaphore, #tpu.memory_space<semaphore_mem>>) src(%dma_wait3A_121 : memref<80xi32, #tpu.memory_space<hbm>>) dst(%arg8 : memref<80xi32, #tpu.memory_space<vmem>>)
    %dma_wait3A_122 = arith.constant 0 : i32
    %dma_wait3A_123 = tpu.memref_slice %arg4[%mul3A_93, %dma_wait3A_122] : memref<64000x128xf32, #tpu.memory_space<hbm>> -> memref<80x128xf32, #tpu.memory_space<hbm>>
    %dma_wait3A_124 = arith.constant 0 : i32
    %dma_wait3A_125 = tpu.memref_slice %arg4[%mul3A_93, %dma_wait3A_124] : memref<64000x128xf32, #tpu.memory_space<hbm>> -> memref<80x128xf32, #tpu.memory_space<hbm>>
    tpu.wait_dma2 semaphore(%arg14 : memref<!tpu.dma_semaphore, #tpu.memory_space<semaphore_mem>>) src(%dma_wait3A_125 : memref<80x128xf32, #tpu.memory_space<hbm>>) dst(%arg10 : memref<80x128xf32, #tpu.memory_space<vmem>>)
    %dma_start3A_126 = arith.constant 0 : i32
    %dma_start3A_127 = arith.constant 0 : i32
    %dma_start3A_128 = tpu.memref_slice %arg13[%dma_start3A_126, %dma_start3A_127] : memref<10240x128xf32, #tpu.memory_space<vmem_shared>> -> memref<10240x128xf32, #tpu.memory_space<vmem_shared>>
    tpu.enqueue_indirect_dma source(%arg10 : memref<80x128xf32, #tpu.memory_space<vmem>>) target(%dma_start3A_128 : memref<10240x128xf32, #tpu.memory_space<vmem_shared>>) offsets(%arg8 : memref<80xi32, #tpu.memory_space<vmem>>) semaphore(%arg16 : memref<!tpu.dma_semaphore, #tpu.memory_space<semaphore_mem>>) {add = true}
    %dma_wait3A_129 = arith.constant 0 : i32
    %dma_wait3A_130 = arith.constant 0 : i32
    %dma_wait3A_131 = tpu.memref_slice %arg13[%dma_wait3A_129, %dma_wait3A_130] : memref<10240x128xf32, #tpu.memory_space<vmem_shared>> -> memref<10240x128xf32, #tpu.memory_space<vmem_shared>>
    tpu.wait_indirect_dma semaphore(%arg16 : memref<!tpu.dma_semaphore, #tpu.memory_space<semaphore_mem>>) src(%arg10 : memref<80x128xf32, #tpu.memory_space<vmem>>) dst(%dma_wait3A_131 : memref<10240x128xf32, #tpu.memory_space<vmem_shared>>)
    %barrier3A_132 = arith.constant 0 : index
    tpu.barrier barrier_id(%barrier3A_132)
    %scan3A_133 = arith.constant 0 : i32
    %scan3A_134 = arith.constant 0 : i32
    %scan3A_135 = arith.constant 8 : i32
    %scan3A_136 = arith.addi %scan3A_134, %scan3A_135 : i32
    %scan3A_137 = arith.constant 1 : i32
    scf.for %scan3A_139 = %scan3A_134 to %scan3A_136 step %scan3A_137  : i32 {
      %mul3A_140 = arith.constant 80 : i32
      %mul3A_141 = arith.muli %scan3A_139, %mul3A_140 : i32
      %add3A_142 = arith.addi %mul3A_2, %mul3A_141 : i32
      "tpu.region"() ({
        %run_scoped3A = tpu.sem_alloc : memref<!tpu.dma_semaphore, #tpu.memory_space<semaphore_mem>>
        %dma_start3A_143 = arith.constant 0 : i32
        %dma_start3A_144 = tpu.memref_slice %arg13[%add3A_142, %dma_start3A_143] : memref<10240x128xf32, #tpu.memory_space<vmem_shared>> -> memref<80x128xf32, #tpu.memory_space<vmem_shared>>
        %dma_start3A_145 = arith.constant 0 : i32
        %dma_start3A_146 = tpu.memref_slice %arg13[%add3A_142, %dma_start3A_145] : memref<10240x128xf32, #tpu.memory_space<vmem_shared>> -> memref<80x128xf32, #tpu.memory_space<vmem_shared>>
        tpu.enqueue_dma source(%dma_start3A_146 : memref<80x128xf32, #tpu.memory_space<vmem_shared>>) target(%arg12 : memref<80x128xf32, #tpu.memory_space<vmem>>) target_semaphore(%run_scoped3A : memref<!tpu.dma_semaphore, #tpu.memory_space<semaphore_mem>>)
        %dma_wait3A_147 = arith.constant 0 : i32
        %dma_wait3A_148 = tpu.memref_slice %arg13[%add3A_142, %dma_wait3A_147] : memref<10240x128xf32, #tpu.memory_space<vmem_shared>> -> memref<80x128xf32, #tpu.memory_space<vmem_shared>>
        %dma_wait3A_149 = arith.constant 0 : i32
        %dma_wait3A_150 = tpu.memref_slice %arg13[%add3A_142, %dma_wait3A_149] : memref<10240x128xf32, #tpu.memory_space<vmem_shared>> -> memref<80x128xf32, #tpu.memory_space<vmem_shared>>
        tpu.wait_dma2 semaphore(%run_scoped3A : memref<!tpu.dma_semaphore, #tpu.memory_space<semaphore_mem>>) src(%dma_wait3A_150 : memref<80x128xf32, #tpu.memory_space<vmem_shared>>) dst(%arg12 : memref<80x128xf32, #tpu.memory_space<vmem>>)
        tpu.yield
      }) : () -> ()
      "tpu.region"() ({
        %run_scoped3A = tpu.sem_alloc : memref<!tpu.dma_semaphore, #tpu.memory_space<semaphore_mem>>
        %dma_start3A_143 = arith.constant 0 : i32
        %dma_start3A_144 = tpu.memref_slice %arg7[%arg0, %add3A_142, %dma_start3A_143] : memref<2x10240x128xf32, #tpu.memory_space<hbm>> -> memref<1x80x128xf32, #tpu.memory_space<hbm>>
        %dma_start3A_145 = tpu.memref_squeeze %dma_start3A_144 : memref<1x80x128xf32, #tpu.memory_space<hbm>> -> memref<80x128xf32, #tpu.memory_space<hbm>>
        %dma_start3A_146 = arith.constant 0 : i32
        %dma_start3A_147 = tpu.memref_slice %arg7[%arg0, %add3A_142, %dma_start3A_146] : memref<2x10240x128xf32, #tpu.memory_space<hbm>> -> memref<1x80x128xf32, #tpu.memory_space<hbm>>
        %dma_start3A_148 = tpu.memref_squeeze %dma_start3A_147 : memref<1x80x128xf32, #tpu.memory_space<hbm>> -> memref<80x128xf32, #tpu.memory_space<hbm>>
        tpu.enqueue_dma source(%arg12 : memref<80x128xf32, #tpu.memory_space<vmem>>) target(%dma_start3A_148 : memref<80x128xf32, #tpu.memory_space<hbm>>) target_semaphore(%run_scoped3A : memref<!tpu.dma_semaphore, #tpu.memory_space<semaphore_mem>>)
        %dma_wait3A_149 = arith.constant 0 : i32
        %dma_wait3A_150 = tpu.memref_slice %arg7[%arg0, %add3A_142, %dma_wait3A_149] : memref<2x10240x128xf32, #tpu.memory_space<hbm>> -> memref<1x80x128xf32, #tpu.memory_space<hbm>>
        %dma_wait3A_151 = tpu.memref_squeeze %dma_wait3A_150 : memref<1x80x128xf32, #tpu.memory_space<hbm>> -> memref<80x128xf32, #tpu.memory_space<hbm>>
        %dma_wait3A_152 = arith.constant 0 : i32
        %dma_wait3A_153 = tpu.memref_slice %arg7[%arg0, %add3A_142, %dma_wait3A_152] : memref<2x10240x128xf32, #tpu.memory_space<hbm>> -> memref<1x80x128xf32, #tpu.memory_space<hbm>>
        %dma_wait3A_154 = tpu.memref_squeeze %dma_wait3A_153 : memref<1x80x128xf32, #tpu.memory_space<hbm>> -> memref<80x128xf32, #tpu.memory_space<hbm>>
        tpu.wait_dma2 semaphore(%run_scoped3A : memref<!tpu.dma_semaphore, #tpu.memory_space<semaphore_mem>>) src(%arg12 : memref<80x128xf32, #tpu.memory_space<vmem>>) dst(%dma_wait3A_154 : memref<80x128xf32, #tpu.memory_space<hbm>>)
        tpu.yield
      }) : () -> ()
    }
    %scan3A_138 = arith.constant 8 : i32
    return
  }
}

module attributes {stable_mosaic.version = 14 : i64} {
  func.func @_mlp_body(%arg0: i32, %arg1: memref<1280x128xf32, #tpu.memory_space<vmem>>, %arg2: memref<1280x128xf32, #tpu.memory_space<vmem>>, %arg3: memref<1280x16xf32, #tpu.memory_space<vmem>>, %arg4: memref<272x256xbf16, #tpu.memory_space<vmem>>, %arg5: memref<1x256xf32, #tpu.memory_space<vmem>>, %arg6: memref<256x128xbf16, #tpu.memory_space<vmem>>, %arg7: memref<1x128xf32, #tpu.memory_space<vmem>>, %arg8: memref<128x16xbf16, #tpu.memory_space<vmem>>, %arg9: memref<1x16xf32, #tpu.memory_space<vmem>>, %arg10: memref<1280x128xf32, #tpu.memory_space<vmem>>, %arg11: memref<1280x16xf32, #tpu.memory_space<vmem>>) attributes {dimension_semantics = [#tpu.dimension_semantics<arbitrary>], iteration_bounds = array<i64: 50>, scalar_prefetch = 0 : i64, scratch_operands = 0 : i64, tpu.core_type = #tpu.core_type<tc>, window_params = [{transform_indices = @transform_0, window_bounds = array<i64: 1280, 128>}, {transform_indices = @transform_1, window_bounds = array<i64: 1280, 128>}, {transform_indices = @transform_2, window_bounds = array<i64: 1280, 16>}, {pipeline_mode = #tpu.pipeline_mode<synchronous>, transform_indices = @transform_3, window_bounds = array<i64: 272, 256>}, {pipeline_mode = #tpu.pipeline_mode<synchronous>, transform_indices = @transform_4, window_bounds = array<i64: 1, 256>}, {pipeline_mode = #tpu.pipeline_mode<synchronous>, transform_indices = @transform_5, window_bounds = array<i64: 256, 128>}, {pipeline_mode = #tpu.pipeline_mode<synchronous>, transform_indices = @transform_6, window_bounds = array<i64: 1, 128>}, {pipeline_mode = #tpu.pipeline_mode<synchronous>, transform_indices = @transform_7, window_bounds = array<i64: 128, 16>}, {pipeline_mode = #tpu.pipeline_mode<synchronous>, transform_indices = @transform_8, window_bounds = array<i64: 1, 16>}, {transform_indices = @transform_9, window_bounds = array<i64: 1280, 128>}, {transform_indices = @transform_10, window_bounds = array<i64: 1280, 16>}]} {
    %get3A = arith.constant 0 : index
    %get3A_0 = arith.constant 0 : index
    %get3A_1 = vector.load %arg4[%get3A, %get3A_0] : memref<272x256xbf16, #tpu.memory_space<vmem>>, vector<272x256xbf16>
    %get3A_2 = arith.constant 0 : index
    %get3A_3 = arith.constant 0 : index
    %get3A_4 = vector.load %arg1[%get3A_2, %get3A_3] : memref<1280x128xf32, #tpu.memory_space<vmem>>, vector<1280x128xf32>
    %convert_element_type3A = arith.truncf %get3A_4 : vector<1280x128xf32> to vector<1280x128xbf16>
    %slice3A = vector.extract_strided_slice %get3A_1 {offsets = [0, 0], sizes = [128, 256], strides = [1, 1]} : vector<272x256xbf16> to vector<128x256xbf16>
    %dot_general3A = arith.constant dense<0.000000e+00> : vector<1280x256xf32>
    %dot_general3A_5 = tpu.matmul %convert_element_type3A, %slice3A, %dot_general3A {dimension_numbers = #tpu.dot_dimension_numbers<[1], [0], [0], [1], [0, 0, 1, 1], [], []>, transpose_lhs_hint = false} : vector<1280x128xbf16>, vector<128x256xbf16>, vector<1280x256xf32> -> vector<1280x256xf32>
    %get3A_6 = arith.constant 0 : index
    %get3A_7 = arith.constant 0 : index
    %get3A_8 = vector.load %arg3[%get3A_6, %get3A_7] : memref<1280x16xf32, #tpu.memory_space<vmem>>, vector<1280x16xf32>
    %convert_element_type3A_9 = arith.truncf %get3A_8 : vector<1280x16xf32> to vector<1280x16xbf16>
    %slice3A_10 = vector.extract_strided_slice %get3A_1 {offsets = [128, 0], sizes = [16, 256], strides = [1, 1]} : vector<272x256xbf16> to vector<16x256xbf16>
    %dot_general3A_11 = arith.constant dense<0.000000e+00> : vector<1280x256xf32>
    %dot_general3A_12 = tpu.matmul %convert_element_type3A_9, %slice3A_10, %dot_general3A_11 {dimension_numbers = #tpu.dot_dimension_numbers<[1], [0], [0], [1], [0, 0, 1, 1], [], []>, transpose_lhs_hint = false} : vector<1280x16xbf16>, vector<16x256xbf16>, vector<1280x256xf32> -> vector<1280x256xf32>
    %add3A = arith.addf %dot_general3A_5, %dot_general3A_12 : vector<1280x256xf32>
    %get3A_13 = arith.constant 0 : index
    %get3A_14 = arith.constant 0 : index
    %get3A_15 = vector.load %arg2[%get3A_13, %get3A_14] : memref<1280x128xf32, #tpu.memory_space<vmem>>, vector<1280x128xf32>
    %convert_element_type3A_16 = arith.truncf %get3A_15 : vector<1280x128xf32> to vector<1280x128xbf16>
    %slice3A_17 = vector.extract_strided_slice %get3A_1 {offsets = [144, 0], sizes = [128, 256], strides = [1, 1]} : vector<272x256xbf16> to vector<128x256xbf16>
    %dot_general3A_18 = arith.constant dense<0.000000e+00> : vector<1280x256xf32>
    %dot_general3A_19 = tpu.matmul %convert_element_type3A_16, %slice3A_17, %dot_general3A_18 {dimension_numbers = #tpu.dot_dimension_numbers<[1], [0], [0], [1], [0, 0, 1, 1], [], []>, transpose_lhs_hint = false} : vector<1280x128xbf16>, vector<128x256xbf16>, vector<1280x256xf32> -> vector<1280x256xf32>
    %add3A_20 = arith.addf %add3A, %dot_general3A_19 : vector<1280x256xf32>
    %get3A_21 = arith.constant 0 : index
    %get3A_22 = arith.constant 0 : index
    %get3A_23 = vector.load %arg5[%get3A_21, %get3A_22] : memref<1x256xf32, #tpu.memory_space<vmem>>, vector<1x256xf32>
    %add3A_24 = vector.broadcast %get3A_23 : vector<1x256xf32> to vector<1280x256xf32>
    %add3A_25 = arith.addf %add3A_20, %add3A_24 : vector<1280x256xf32>
    %max3A = arith.constant 0.000000e+00 : f32
    %max3A_26 = vector.broadcast %max3A : f32 to vector<1280x256xf32>
    %max3A_27 = arith.maximumf %add3A_25, %max3A_26 : vector<1280x256xf32>
    %convert_element_type3A_28 = arith.truncf %max3A_27 : vector<1280x256xf32> to vector<1280x256xbf16>
    %get3A_29 = arith.constant 0 : index
    %get3A_30 = arith.constant 0 : index
    %get3A_31 = vector.load %arg6[%get3A_29, %get3A_30] : memref<256x128xbf16, #tpu.memory_space<vmem>>, vector<256x128xbf16>
    %dot_general3A_32 = arith.constant dense<0.000000e+00> : vector<1280x128xf32>
    %dot_general3A_33 = tpu.matmul %convert_element_type3A_28, %get3A_31, %dot_general3A_32 {dimension_numbers = #tpu.dot_dimension_numbers<[1], [0], [0], [1], [0, 0, 1, 1], [], []>, transpose_lhs_hint = false} : vector<1280x256xbf16>, vector<256x128xbf16>, vector<1280x128xf32> -> vector<1280x128xf32>
    %get3A_34 = arith.constant 0 : index
    %get3A_35 = arith.constant 0 : index
    %get3A_36 = vector.load %arg7[%get3A_34, %get3A_35] : memref<1x128xf32, #tpu.memory_space<vmem>>, vector<1x128xf32>
    %add3A_37 = vector.broadcast %get3A_36 : vector<1x128xf32> to vector<1280x128xf32>
    %add3A_38 = arith.addf %dot_general3A_33, %add3A_37 : vector<1280x128xf32>
    %max3A_39 = arith.constant 0.000000e+00 : f32
    %max3A_40 = vector.broadcast %max3A_39 : f32 to vector<1280x128xf32>
    %max3A_41 = arith.maximumf %add3A_38, %max3A_40 : vector<1280x128xf32>
    %swap3A = arith.constant 0 : index
    %swap3A_42 = arith.constant 0 : index
    %swap3A_43 = vector.load %arg10[%swap3A, %swap3A_42] : memref<1280x128xf32, #tpu.memory_space<vmem>>, vector<1280x128xf32>
    tpu.vector_store %arg10[%swap3A, %swap3A_42], %max3A_41 {strides = array<i32>} : memref<1280x128xf32, #tpu.memory_space<vmem>>, vector<1280x128xf32>,
    %convert_element_type3A_44 = arith.truncf %max3A_41 : vector<1280x128xf32> to vector<1280x128xbf16>
    %get3A_45 = arith.constant 0 : index
    %get3A_46 = arith.constant 0 : index
    %get3A_47 = vector.load %arg8[%get3A_45, %get3A_46] : memref<128x16xbf16, #tpu.memory_space<vmem>>, vector<128x16xbf16>
    %dot_general3A_48 = arith.constant dense<0.000000e+00> : vector<1280x16xf32>
    %dot_general3A_49 = tpu.matmul %convert_element_type3A_44, %get3A_47, %dot_general3A_48 {dimension_numbers = #tpu.dot_dimension_numbers<[1], [0], [0], [1], [0, 0, 1, 1], [], []>, transpose_lhs_hint = false} : vector<1280x128xbf16>, vector<128x16xbf16>, vector<1280x16xf32> -> vector<1280x16xf32>
    %get3A_50 = arith.constant 0 : index
    %get3A_51 = arith.constant 0 : index
    %get3A_52 = vector.load %arg9[%get3A_50, %get3A_51] : memref<1x16xf32, #tpu.memory_space<vmem>>, vector<1x16xf32>
    %add3A_53 = vector.broadcast %get3A_52 : vector<1x16xf32> to vector<1280x16xf32>
    %add3A_54 = arith.addf %dot_general3A_49, %add3A_53 : vector<1280x16xf32>
    %max3A_55 = arith.constant 0.000000e+00 : f32
    %max3A_56 = vector.broadcast %max3A_55 : f32 to vector<1280x16xf32>
    %max3A_57 = arith.maximumf %add3A_54, %max3A_56 : vector<1280x16xf32>
    %swap3A_58 = arith.constant 0 : index
    %swap3A_59 = arith.constant 0 : index
    %swap3A_60 = vector.load %arg11[%swap3A_58, %swap3A_59] : memref<1280x16xf32, #tpu.memory_space<vmem>>, vector<1280x16xf32>
    tpu.vector_store %arg11[%swap3A_58, %swap3A_59], %max3A_57 {strides = array<i32>} : memref<1280x16xf32, #tpu.memory_space<vmem>>, vector<1280x16xf32>,
    return
  }
  func.func @transform_0(%arg0: i32) -> (i32, i32) {
    %c0_i32 = arith.constant 0 : i32
    %c0_i32_0 = arith.constant 0 : i32
    return %arg0, %c0_i32 : i32, i32
  }
  func.func @transform_1(%arg0: i32) -> (i32, i32) {
    %c0_i32 = arith.constant 0 : i32
    %c0_i32_0 = arith.constant 0 : i32
    return %arg0, %c0_i32 : i32, i32
  }
  func.func @transform_2(%arg0: i32) -> (i32, i32) {
    %c0_i32 = arith.constant 0 : i32
    %c0_i32_0 = arith.constant 0 : i32
    return %arg0, %c0_i32 : i32, i32
  }
  func.func @transform_3(%arg0: i32) -> (i32, i32) {
    %c0_i32 = arith.constant 0 : i32
    %c0_i32_0 = arith.constant 0 : i32
    %c0_i32_1 = arith.constant 0 : i32
    return %c0_i32, %c0_i32_0 : i32, i32
  }
  func.func @transform_4(%arg0: i32) -> (i32, i32) {
    %c0_i32 = arith.constant 0 : i32
    %c0_i32_0 = arith.constant 0 : i32
    %c0_i32_1 = arith.constant 0 : i32
    return %c0_i32, %c0_i32_0 : i32, i32
  }
  func.func @transform_5(%arg0: i32) -> (i32, i32) {
    %c0_i32 = arith.constant 0 : i32
    %c0_i32_0 = arith.constant 0 : i32
    %c0_i32_1 = arith.constant 0 : i32
    return %c0_i32, %c0_i32_0 : i32, i32
  }
  func.func @transform_6(%arg0: i32) -> (i32, i32) {
    %c0_i32 = arith.constant 0 : i32
    %c0_i32_0 = arith.constant 0 : i32
    %c0_i32_1 = arith.constant 0 : i32
    return %c0_i32, %c0_i32_0 : i32, i32
  }
  func.func @transform_7(%arg0: i32) -> (i32, i32) {
    %c0_i32 = arith.constant 0 : i32
    %c0_i32_0 = arith.constant 0 : i32
    %c0_i32_1 = arith.constant 0 : i32
    return %c0_i32, %c0_i32_0 : i32, i32
  }
  func.func @transform_8(%arg0: i32) -> (i32, i32) {
    %c0_i32 = arith.constant 0 : i32
    %c0_i32_0 = arith.constant 0 : i32
    %c0_i32_1 = arith.constant 0 : i32
    return %c0_i32, %c0_i32_0 : i32, i32
  }
  func.func @transform_9(%arg0: i32) -> (i32, i32) {
    %c0_i32 = arith.constant 0 : i32
    %c0_i32_0 = arith.constant 0 : i32
    return %arg0, %c0_i32 : i32, i32
  }
  func.func @transform_10(%arg0: i32) -> (i32, i32) {
    %c0_i32 = arith.constant 0 : i32
    %c0_i32_0 = arith.constant 0 : i32
    return %arg0, %c0_i32 : i32, i32
  }
}

module attributes {stable_mosaic.version = 14 : i64} {
  func.func @_combine_body(%arg0: memref<2x10240x128xf32, #tpu.memory_space<vmem>>, %arg1: memref<2x10240x128xf32, #tpu.memory_space<vmem>>, %arg2: memref<2x10240x128xf32, #tpu.memory_space<vmem>>, %arg3: memref<10000x128xf32, #tpu.memory_space<vmem>>) attributes {dimension_semantics = [], scalar_prefetch = 0 : i64, scratch_operands = 0 : i64, tpu.core_type = #tpu.core_type<tc>} {
    %get3A = arith.constant 0 : index
    %get3A_0 = arith.constant 0 : index
    %get3A_1 = arith.constant 0 : index
    %get3A_2 = vector.load %arg0[%get3A, %get3A_0, %get3A_1] : memref<2x10240x128xf32, #tpu.memory_space<vmem>>, vector<1x10000x128xf32>
    %get3A_3 = vector.shape_cast %get3A_2 : vector<1x10000x128xf32> to vector<10000x128xf32>
    %get3A_4 = arith.constant 1 : index
    %get3A_5 = arith.constant 0 : index
    %get3A_6 = arith.constant 0 : index
    %get3A_7 = vector.load %arg0[%get3A_4, %get3A_5, %get3A_6] : memref<2x10240x128xf32, #tpu.memory_space<vmem>>, vector<1x10000x128xf32>
    %get3A_8 = vector.shape_cast %get3A_7 : vector<1x10000x128xf32> to vector<10000x128xf32>
    %add3A = arith.addf %get3A_3, %get3A_8 : vector<10000x128xf32>
    %get3A_9 = arith.constant 0 : index
    %get3A_10 = arith.constant 0 : index
    %get3A_11 = arith.constant 0 : index
    %get3A_12 = vector.load %arg1[%get3A_9, %get3A_10, %get3A_11] : memref<2x10240x128xf32, #tpu.memory_space<vmem>>, vector<1x10000x128xf32>
    %get3A_13 = vector.shape_cast %get3A_12 : vector<1x10000x128xf32> to vector<10000x128xf32>
    %add3A_14 = arith.addf %add3A, %get3A_13 : vector<10000x128xf32>
    %get3A_15 = arith.constant 1 : index
    %get3A_16 = arith.constant 0 : index
    %get3A_17 = arith.constant 0 : index
    %get3A_18 = vector.load %arg1[%get3A_15, %get3A_16, %get3A_17] : memref<2x10240x128xf32, #tpu.memory_space<vmem>>, vector<1x10000x128xf32>
    %get3A_19 = vector.shape_cast %get3A_18 : vector<1x10000x128xf32> to vector<10000x128xf32>
    %add3A_20 = arith.addf %add3A_14, %get3A_19 : vector<10000x128xf32>
    %get3A_21 = arith.constant 0 : index
    %get3A_22 = arith.constant 0 : index
    %get3A_23 = arith.constant 0 : index
    %get3A_24 = vector.load %arg2[%get3A_21, %get3A_22, %get3A_23] : memref<2x10240x128xf32, #tpu.memory_space<vmem>>, vector<1x10000x1xf32>
    %get3A_25 = vector.shape_cast %get3A_24 : vector<1x10000x1xf32> to vector<10000x1xf32>
    %get3A_26 = arith.constant 1 : index
    %get3A_27 = arith.constant 0 : index
    %get3A_28 = arith.constant 0 : index
    %get3A_29 = vector.load %arg2[%get3A_26, %get3A_27, %get3A_28] : memref<2x10240x128xf32, #tpu.memory_space<vmem>>, vector<1x10000x1xf32>
    %get3A_30 = vector.shape_cast %get3A_29 : vector<1x10000x1xf32> to vector<10000x1xf32>
    %add3A_31 = arith.addf %get3A_25, %get3A_30 : vector<10000x1xf32>
    %max3A = arith.constant 1.000000e+00 : f32
    %max3A_32 = vector.broadcast %max3A : f32 to vector<10000x1xf32>
    %max3A_33 = arith.maximumf %add3A_31, %max3A_32 : vector<10000x1xf32>
    %div3A = vector.broadcast %max3A_33 : vector<10000x1xf32> to vector<10000x128xf32>
    %div3A_34 = arith.divf %add3A_20, %div3A : vector<10000x128xf32>
    %swap3A = arith.constant 0 : index
    %swap3A_35 = arith.constant 0 : index
    %swap3A_36 = vector.load %arg3[%swap3A, %swap3A_35] : memref<10000x128xf32, #tpu.memory_space<vmem>>, vector<10000x128xf32>
    tpu.vector_store %arg3[%swap3A, %swap3A_35], %div3A_34 {strides = array<i32>} : memref<10000x128xf32, #tpu.memory_space<vmem>>, vector<10000x128xf32>,
    return
  }
}

</mosaic_0001>

<sc_bundles>
// kernel: kernel.16.cloned.1.call-start
scs
__scs_entry_jumppad:
0x0: {  	(pc) =	sbr.rel $0x88, $3  }
0x1: {  	(tag) =	ssettag $0x0;
	lr =	simm.s32 $0x1  }
0x2: {  	[smem:$0x3F97] =	sst lr;
	_ =	strace $0xD0000000  }
0x3: {  	_ = 	snop  }
0x4: {  	_ = 	snop  }
0x5: {  	_ = 	snop  }
0x6: {  	_ = 	snop  }
0x7: {  	_ = 	snop  }
__scs_overlays_trampoline_lowered:
0x8: {  	[smem:$0x3FA6] =	sst s0  }
0x9: {  	[smem:$0x3FA7] =	sst s1  }
0xa: {  	[smem:$0x3FA8] =	sst s2  }
0xb: {  	[smem:$0x3FA9] =	sst s3  }
0xc: {  	[smem:$0x3FAA] =	sst s4  }
0xd: {  	[smem:$0x3FAB] =	sst s5  }
0xe: {  	[smem:$0x3FAC] =	sst s6  }
0xf: {  	[smem:$0x3FAD] =	sst s7  }
0x10: {  	[smem:$0x3FAE] =	sst s8  }
0x11: {  	[smem:$0x3FAF] =	sst s9;
	s0 =	simm.s32 @!p0 $0x0  }
0x12: {  	s1 =	sld [smem:$0x3F95];
	s0 =	simm.s32 @p0 $0x1  }
0x13: {  	[smem:$0x3FB0] =	sst s0;
	s0 =	simm.s32 @!p1 $0x0  }
0x14: {  	s2 =	sld [smem:$0x3F94];
	s0 =	simm.s32 @p1 $0x1  }
0x15: {  	[smem:$0x3FB1] =	sst s0;
	s0 =	simm.s32 @!p2 $0x0  }
0x16: {  	s3 =	sld [smem:$0x3FDB];
	s0 =	simm.s32 @p2 $0x1  }
0x17: {  	s4 =	simm.s32 $0x1BF5;
	[smem:$0x3FB3] =	sst s0  }
0x18: {  	s0 =	sld [smem:$0x3F96];
	_ =	swait.ge [sflag:s4], $0x0  }
0x19: {  	s7 =	sld [smem:$0x3F97]  }
0x1a: {  	s8 =	sadd.s32 $0xFFFFE003, lr  }
0x1b: {  	s9 =	sadd.s32 $0xFFFFFEF7, lr;
	s5 =	simm.s32 $0xFFFFFFFF;
	p2 =	slt.u32 s8, $0xFFFFF086  }
0x1c: {  	p1 =	slt.u32 s9, $0xF7A;
	s5 =	simm.s32 @!p2 $0x0  }
0x1d: {  	s5 =	simm.s32 @p1 $0x1;
	p0 =	seq.s32 s7, s2  }
0x1e: {  	s7 =	smul.u32 @!p0 $0xF7A, s2;
	p2 =	seq.s32 @!p0 s5, $0x0  }
0x1f: {  	s9 =	smul.u32 $0xF7A, s1;
	s8 =	simm.s32 @!p0 $0x1BF5;
	p2 =	por !p2, p0  }
0x20: {  	[sflag:s8] =	ssyncset.s32 @!p0 $0xFFFFF086;
	s6 =	sadd.s32 @!p0 s3, s7;
	s7 =	simm.s32 @!p0 $0x108  }
0x21: {  	s3 =	sadd.s32 s3, s9;
	s6 =	sadd.s32 @!p0 $0x88, s6;
	s7 =	simm.s32 @p2 $0x1082  }
0x22: {  	[simem:s7], [sflag:s8] =	dma.local @!p0 [hbm:s6], $0xF7A  }
0x23: {  	s9 =	sor.u32 $0xD0000000, s2;
	s6 =	simm.s32 $0x108;
	_ =	swait.ge @!p0 [sflag:s8], $0x0  }
0x24: {  	s3 =	sadd.s32 $0x88, s3;
	s6 =	simm.s32 @!p1 $0x1082;
	[sflag:s4] =	ssyncset.s32 $0xFFFFF086  }
0x25: {  	[simem:s6], [sflag:s4] =	dma.local [hbm:s3], $0xF7A  }
0x26: {  	[smem:$0x3F97] =	sst s1;
	(tag) =	ssettag s2;
	_ =	strace s9  }
0x27: {  	s1 =	sld [smem:$0x3FA7]  }
0x28: {  	s2 =	sld [smem:$0x3FA8]  }
0x29: {  	s4 =	sld [smem:$0x3FAA]  }
0x2a: {  	p0 =	seq.s32 s5, $0x0;
	s5 =	sld [smem:$0x3FAB]  }
0x2b: {  	s6 =	sld [smem:$0x3FAC]  }
0x2c: {  	s7 =	sld [smem:$0x3FAD]  }
0x2d: {  	s3 =	simm.s32 $0x108;
	s8 =	sld [smem:$0x3FAE]  }
0x2e: {  	s3 =	simm.s32 @!p0 $0x1082;
	s9 =	sld [smem:$0x3FAF]  }
0x2f: {  	lr =	sadd.s32 s0, s3;
	s0 =	sld [smem:$0x3FA6]  }
0x30: {  	s3 =	sld [smem:$0x3FA9]  }
0x31: {  	[smem:$0x3FB2] =	sst s10  }
0x32: {  	s10 =	sld [smem:$0x3FB0];
	_ =	sdelay $0x3  }
0x33: {  	p0 =	seq.s32 s10, $0x1;
	s10 =	sld [smem:$0x3FB2];
	_ =	sdelay $0x3  }
0x34: {  	[smem:$0x3FB2] =	sst s10  }
0x35: {  	s10 =	sld [smem:$0x3FB1];
	_ =	sdelay $0x3  }
0x36: {  	p1 =	seq.s32 s10, $0x1;
	s10 =	sld [smem:$0x3FB2];
	_ =	sdelay $0x3  }
0x37: {  	[smem:$0x3FB2] =	sst s10  }
0x38: {  	s10 =	sld [smem:$0x3FB3]  }
0x39: {  	_ = 	snop;
	(pc) =	sbr.ind lr, $3  }
0x3a: {  	_ = 	snop  }
0x3b: {  	_ = 	snop  }
0x3c: {  	p2 =	seq.s32 s10, $0x1;
	s10 =	sld [smem:$0x3FB2]  }
0x3d: {  	_ =	shalt  }
0x3e: {  	_ =	shalt  }
0x3f: {  	_ =	shalt  }
0x40: {  	_ =	shalt  }
0x41: {  	_ =	shalt  }
0x42: {  	_ =	shalt  }
0x43: {  	_ =	shalt  }
0x44: {  	_ =	shalt  }
0x45: {  	_ =	shalt  }
0x46: {  	_ =	shalt  }
0x47: {  	_ =	shalt  }
0x48: {  	_ =	shalt  }
0x49: {  	_ =	shalt  }
0x4a: {  	_ =	shalt  }
0x4b: {  	_ =	shalt  }
0x4c: {  	_ =	shalt  }
0x4d: {  	_ =	shalt  }
0x4e: {  	_ =	shalt  }
0x4f: {  	_ =	shalt  }
0x50: {  	_ =	shalt  }
0x51: {  	_ =	shalt  }
0x52: {  	_ =	shalt  }
0x53: {  	_ =	shalt  }
0x54: {  	_ =	shalt  }
0x55: {  	_ =	shalt  }
0x56: {  	_ =	shalt  }
0x57: {  	_ =	shalt  }
0x58: {  	_ =	shalt  }
0x59: {  	_ =	shalt  }
0x5a: {  	_ =	shalt  }
0x5b: {  	_ =	shalt  }
0x5c: {  	_ =	shalt  }
0x5d: {  	_ =	shalt  }
0x5e: {  	_ =	shalt  }
0x5f: {  	_ =	shalt  }
0x60: {  	_ =	shalt  }
0x61: {  	_ =	shalt  }
0x62: {  	_ =	shalt  }
0x63: {  	_ =	shalt  }
0x64: {  	_ =	shalt  }
0x65: {  	_ =	shalt  }
0x66: {  	_ =	shalt  }
0x67: {  	_ =	shalt  }
0x68: {  	_ =	shalt  }
0x69: {  	_ =	shalt  }
0x6a: {  	_ =	shalt  }
0x6b: {  	_ =	shalt  }
0x6c: {  	_ =	shalt  }
0x6d: {  	_ =	shalt  }
0x6e: {  	_ =	shalt  }
0x6f: {  	_ =	shalt  }
0x70: {  	_ =	shalt  }
0x71: {  	_ =	shalt  }
0x72: {  	_ =	shalt  }
0x73: {  	_ =	shalt  }
0x74: {  	_ =	shalt  }
0x75: {  	_ =	shalt  }
0x76: {  	_ =	shalt  }
0x77: {  	_ =	shalt  }
0x78: {  	_ =	shalt  }
0x79: {  	_ =	shalt  }
0x7a: {  	_ =	shalt  }
0x7b: {  	_ =	shalt  }
0x7c: {  	_ =	shalt  }
0x7d: {  	_ =	shalt  }
0x7e: {  	_ =	shalt  }
0x7f: {  	_ =	shalt  }
0x80: {  	_ =	shalt  }
0x81: {  	_ =	shalt  }
0x82: {  	_ =	shalt  }
0x83: {  	_ =	shalt  }
0x84: {  	_ =	shalt  }
0x85: {  	_ =	shalt  }
0x86: {  	_ =	shalt  }
0x87: {  	_ =	shalt  }
.Lfunc_end0:
.L_simem_size_0:
called_computation_lowered:
.L_overlay_start_0:
0x88: {  	s2 =	sld [smem:$0x3FD9]  }
0x89: {  	s3 =	sld [smem:$0x3FFE];
	_ =	sdelay $0x1  }
0x8a: {  	s1 =	srdreg.scid  }
0x8b: {  	s0 =	sand.u32 $0x1, s1  }
0x8c: {  	s15 =	sshll.u32 s0, $0xA;
	s2 =	sadd.s32 s3, s2  }
0x8d: {  	s2 =	sadd.s32 s2, s15  }
0x8e: {  	[smem:$0x3FBE] =	sst s2  }
0x8f: {  	_ = 	snop  }
0x90: {  	s2 =	sld [smem:$0x3FD0];
	_ =	sdelay $0x2  }
0x91: {  	s16 =	simm.s32 $0xF;
	s4 =	simm.s32 $0x10  }
0x92: {  	[smem:s4], [sflag:s16] =	dma.local [hbm:s2], $0x1  }
0x93: {  	_ =	swait.eq [sflag:s16], $0x1  }
0x94: {  	[sflag:s16] =	ssyncset.done $0x0  }
0x95: {  	[sflag:s16] =	ssyncadd.s32 $0xFFFFFFFF  }
0x96: {  	s17 =	sld [smem:$0x13];
	(tm) =	ssettm $0x1  }
0x97: {  	s18 =	sld [smem:$0x3FFB];
	_ =	sdelay $0x3  }
0x98: {  	_ =	strace s18  }
0x99: {  	s2 =	sld [smem:$0x3FFC];
	_ =	sdelay $0x3  }
0x9a: {  	_ =	strace s2  }
0x9b: {  	s2 =	sld [smem:$0x3FFD];
	_ =	sdelay $0x3  }
0x9c: {  	_ =	strace s2  }
0x9d: {  	_ =	strace $0x8FFFFFFF  }
0x9e: {  	s19 =	sld [smem:$0x3FDB];
	_ =	sdelay $0x1  }
0x9f: {  	s20 =	simm.s32 $_scs_section_size  }
0xa0: {  	s5 =	simm.s32 $_size__tile_overlayer_lowered;
	s6 =	simm.s32 $_tile_overlayer_lowered  }
0xa1: {  	s7 =	simm.s32 $0x1BFF;
	s21 =	sshll.u32 s6, $0x1;
	s4 =	sadd.s32 s20, s19  }
0xa2: {  	s22 =	simm.s32 $0x0;
	s5 =	sshll.u32 s5, $0x1;
	s6 =	sadd.s32 s21, s4  }
0xa3: {  	[timem:s22], [sflag:s7] =	dma.local [hbm:s6], s5  }
0xa4: {  	_ =	swait.ge [sflag:s7], s5  }
0xa5: {  	s5 =	ssub.s32 $0x0, s5;
	[sflag:s7] =	ssyncset.done $0x0  }
0xa6: {  	[sflag:s7] =	ssyncadd.s32 s5;
	_ =	sdelay $0x1  }
0xa7: {  	s23 =	simm.s32 $0x1B8B  }
0xa8: {  	_ =	swait.ge [sflag:s23], $0x1  }
0xa9: {  	[sflag:s23] =	ssyncset.done $0x0  }
0xaa: {  	[sflag:s23] =	ssyncadd.s32 $0xFFFFFFFF  }
0xab: {  	s5 =	sld [smem:$0x0]  }
0xac: {  	s6 =	sand.u32 $0xFFFFFFFE, s1  }
0xad: {  	p0 =	sne.s32 s1, s6  }
0xae: {  	s6 =	sshll.u32 @p0 s6, $0xE  }
0xaf: {  	s6 =	sadd.s32 @p0 $0x11B8D, s6;
	s7 =	sshll.u32 @p0 s5, $0x11  }
0xb0: {  	s6 =	sor.u32 @p0 s7, s6  }
0xb1: {  	[sflag:s6] =	ssyncadd.remote.s32 @p0 $0x1;
	_ =	sdelay $0x1  }
0xb2: {  	s6 =	simm.s32 @p0 $0x1B8D  }
0xb3: {  	_ =	swait.eq @p0 [sflag:s6], $0x1  }
0xb4: {  	[sflag:s6] =	ssyncadd.s32 @p0 $0xFFFFFFFF  }
0xb5: {  	s7 =	sshll.u32 @!p0 s1, $0xE  }
0xb6: {  	s7 =	sor.u32 @!p0 $0x4000, s7;
	s6 =	simm.s32 @!p0 $0x1B8D  }
0xb7: {  	s5 =	sshll.u32 @!p0 s5, $0x11;
	s7 =	sadd.s32 @!p0 $0x11B8D, s7;
	_ =	swait.eq @!p0 [sflag:s6], $0x1  }
0xb8: {  	s5 =	sor.u32 @!p0 s5, s7;
	[sflag:s6] =	ssyncadd.s32 @!p0 $0xFFFFFFFF  }
0xb9: {  	s25 =	simm.s32 $0x1B8E;
	s24 =	sld [smem:$0x3FFE];
	[sflag:s5] =	ssyncadd.remote.s32 @!p0 $0x1  }
0xba: {  	s26 =	simm.s32 $execute0_lowered;
	[smem:$0x3FD2] =	sst s25  }
0xbb: {  	s6 =	sshll.u32 s26, $0x1;
	_ =	strace $0x80000055;
	[dreg:$0x1] =	wrdreg $0xFFFFFFFF  }
0xbc: {  	s28 =	simm.s32 $_size_execute0_lowered;
	s4 =	sadd.s32 s4, s6;
	[dreg:$0x0] =	wrdreg $0x0  }
0xbd: {  	s6 =	sshll.u32 s28, $0x1;
	[dreg:$0x2] =	wrdreg s4  }
0xbe: {  	[dreg:$0x3] =	wrdreg s6  }
0xbf: {  	[dreg:$0x4] =	wrdreg $0xC0  }
0xc0: {  	_ =	task [dreg:s22], $0x5FFFF  }
0xc1: {  	[dreg:$0x1] =	wrdreg $0xFFFFFFFF  }
0xc2: {  	[dreg:$0x0] =	wrdreg $0x60  }
0xc3: {  	[dreg:$0x2] =	wrdreg s24  }
0xc4: {  	[dreg:$0x3] =	wrdreg s17  }
0xc5: {  	[dreg:$0x4] =	wrdreg $0x51000  }
0xc6: {  	[dreg:$0x5] =	wrdreg $0x9  }
0xc7: {  	_ =	task.clear_ibuf [dreg:s22], $0x6FFFF;
	_ =	strace $0x90000055  }
0xc8: {  	s29 =	simm.s32 $0x9;
	_ =	strace $0x80000057  }
0xc9: {  	_ =	swait.ge [sflag:s29], $0x1  }
0xca: {  	[sflag:s29] =	ssyncadd.s32 $0xFFFFFFFF  }
0xcb: {  	_ =	strace $0x90000057  }
0xcc: {  	_ =	sfence  }
0xcd: {  	s30 =	sld [smem:$0x0];
	_ =	sdelay $0x2  }
0xce: {  	s31 =	sshll.u32 s1, $0xD;
	s1 =	sshrl.u32 s1, $0x2  }
0xcf: {  	s4 =	sand.u32 $0x4000, s31;
	s1 =	sadd.s32 s1, s30  }
0xd0: {  	s0 =	sor.u32 s4, s0;
	s1 =	sshll.u32 s1, $0x11  }
0xd1: {  	s0 =	sor.u32 s1, s0  }
0xd2: {  	s0 =	sadd.s32 $0x8F2B, s0  }
0xd3: {  	[sflag:s0] =	ssyncadd.remote.s32 $0x1  }
0xd4: {  	_ =	sfence.sel $0xFFFF  }
0xd5: {  	[dreg:$0x0] =	wrdreg $0xFFFFFFFF;
	(pc) =	sbr.abs _section_cstart, $3  }
0xd6: {  	[dreg:$0x1] =	wrdreg $0xFFFFFFFF  }
0xd7: {  	_ =	task.clear_ibuf [dreg:s22], $0x2FFFF;
	_ =	strace $0x9FFFFFFF  }
0xd8: {  	(tm) =	ssettm $0x7FFFFFFF  }
0xd9: {  	_ =	shalt  }
tec
execute0_lowered:
.L_overlay_start_1:
0x0: {  	(tag) =	ssettag $0x1  }
0x1: {  	s0 =	rddreg [dreg:$0x0]  }
0x2: {  	s2 =	rddreg [dreg:$0x2];
	s3 =	simm.s32 $0x0;
	s16 =	stileid.u32  }
0x3: {  	s1 =	srdreg.scid;
	s31 =	simm.s32 $0x5;
	s7 =	smul.u32 $0x14000, s16  }
0x4: {  	[smem:$0x7FF] =	sst s3;
	s4 =	sadd.s32 $0x9E6400, s0;
	s19 =	smul.u32 $0x2710, s16  }
0x5: {  	s1 =	sand.u32 $0x1, s1;
	s20 =	smul.u32 $0x50000, s16;
	_ =	strace $0x80000056  }
0x6: {  	s5 =	ssub.s32 $0x2, s1;
	s6 =	sshll.u32 s1, $0x4;
	s9 =	smul.u32 $0x140000, s1  }
0x7: {  	s1 =	smul.u32 $0x27100, s1;
	s8 =	sshrl.u32 s5, $0x1;
	s6 =	sor.u32 s16, s6  }
0x8: {  	s12 =	sadd.s32 $0x5000, s7;
	s23 =	sadd.s32 $0xC800, s7;
	s21 =	sshrl.u32 s20, $0x2  }
0x9: {  	s5 =	ssub.s32 s5, s8;
	s6 =	smul.u32 $0x2710, s6;
	s8 =	sor.u32 $0x2800, s7  }
0xa: {  	s10 =	sadd.s32 s9, s7;
	s13 =	sadd.s32 s9, s12;
	s15 =	sadd.s32 s9, s23  }
0xb: {  	s1 =	sadd.s32 s19, s1;
	s20 =	sadd.s32 s12, s2;
	s23 =	sadd.s32 s23, s2  }
0xc: {  	s11 =	sadd.s32 s9, s8;
	s10 =	sshrl.u32 s10, $0x3;
	s25 =	sshrl.u32 s13, $0x3  }
0xd: {  	s17 =	sshrl.u32 s15, $0x3;
	s15 =	sadd.s32 s21, s2;
	s19 =	sadd.s32 s8, s2  }
0xe: {  	s28 =	sadd.s32 $0xA0, s1;
	s11 =	sshrl.u32 s11, $0x3;
	s10 =	sadd.s32 s4, s10  }
0xf: {  	s8 =	simm.s32 $0x4;
	[dreg:$0x4] =	wrdreg s10;
	s24 =	sadd.s32 s4, s11  }
0x10: {  	s22 =	sshrl.u32 s6, $0x3;
	s10 =	sadd.s32 s4, s25;
	[dreg:$0x5] =	wrdreg s24  }
0x11: {  	s6 =	simm.s32 $0x2;
	s11 =	sadd.s32 $0xA000, s7;
	[dreg:$0x6] =	wrdreg s10  }
0x12: {  	s10 =	sadd.s32 $0x7800, s7;
	s14 =	sadd.s32 s9, s11;
	s24 =	sshll.u32 s16, $0x6  }
0x13: {  	s26 =	sadd.s32 s9, s10;
	s14 =	sshrl.u32 s14, $0x3;
	s25 =	sor.u32 $0x1C05, s24  }
0x14: {  	s21 =	sadd.s32 s10, s2;
	s10 =	simm.s32 $0x0;
	s13 =	sshrl.u32 s26, $0x3  }
0x15: {  	s14 =	sadd.s32 s4, s14;
	[dreg:$0xd] =	wrdreg s25;
	s26 =	sadd.s32 $0xF0, s1  }
0x16: {  	s1 =	simm.s32 $0x1;
	s13 =	sadd.s32 s4, s13;
	[dreg:$0x8] =	wrdreg s14  }
0x17: {  	s14 =	sadd.s32 $0xF000, s7;
	s7 =	sadd.s32 $0x11800, s7;
	[dreg:$0x7] =	wrdreg s13  }
0x18: {  	s13 =	sadd.s32 s4, s17;
	s18 =	sadd.s32 s9, s14;
	s9 =	sadd.s32 s9, s7  }
0x19: {  	s24 =	sadd.s32 s14, s2;
	s25 =	sadd.s32 s7, s2;
	s7 =	simm.s32 $0x3  }
0x1a: {  	[dreg:$0x9] =	wrdreg s13;
	s13 =	sshrl.u32 s18, $0x3;
	s9 =	sshrl.u32 s9, $0x3  }
0x1b: {  	s18 =	smax.u32 s5, $0x1;
	s5 =	simm.s32 $0x50;
	s13 =	sadd.s32 s4, s13  }
0x1c: {  	s4 =	sadd.s32 s4, s9;
	s9 =	simm.s32 $0x2900;
	[dreg:$0xa] =	wrdreg s13  }
0x1d: {  	[dreg:$0xb] =	wrdreg s4;
	s13 =	sadd.s32 $0xA000, s0;
	s0 =	sadd.s32 $0x9E5E00, s0  }
0x1e: {  	s4 =	simm.s32 $0x80;
	[dreg:$0xc] =	wrdreg s0;
	s0 =	sshrl.u32 s26, $0x3  }
0x1f: {  	s17 =	sadd.s32 s13, s22;
	s22 =	sadd.s32 s11, s2;
	s26 =	sadd.s32 s0, s13  }
0x20: {  	s29 =	sadd.s32 $0xA, s17;
	s30 =	sadd.s32 $0x4D8, s17;
	s0 =	simm.s32 $0x100  }
.LBB2_1:
0x21: {  	s12 =	rddreg [dreg:$0x1]  }
0x22: {  	s11 =	sshrl.u32 s15, $0x3;
	s14 =	rddreg [dreg:$0xd]  }
0x23: {  	[spmem:s11], [sflag:s14] =	dma.local [hbm:s12], $0x2800  }
0x24: {  	_ =	swait.ge [sflag:s31], $0x2800  }
0x25: {  	[sflag:s31] =	ssyncset.done $0x0  }
0x26: {  	s14 =	rddreg [dreg:$0xc];
	[sflag:s31] =	ssyncadd.s32 $0xFFFFD800  }
0x27: {  	[tilespmem:s0], [sflag:$0x5] =	stream.linear.gather [hbm4b:s14+s3], $0x2800, $0x38;
	[tilespmem:$0x19100] =	vst v63  }
0x28: {  	_ =	swait.ge [sflag:s31], $0x2800  }
0x29: {  	[sflag:s31] =	ssyncset.done $0x0  }
0x2a: {  	[sflag:s31] =	ssyncadd.s32 $0xFFFFD800  }
0x2b: {  	[bflag:$0x0] =	sbarrier.arrive $0xFFFF  }
0x2c: {  	[tilespmem:s3], [sflag:$0x1] =	stream.linear.gather [hbm4b:s17+s3], $0x50, $0x38;
	[tilespmem:$0x19100] =	vst v63  }
0x2d: {  	_ = 	snop  }
0x2e: {  	[tilespmem:s4], [sflag:$0x2] =	stream.linear.gather [hbm4b:s29+s3], $0x50, $0x38;
	[tilespmem:$0x19100] =	vst v63  }
0x2f: {  	_ =	swait.ge [sflag:s1], $0x50  }
0x30: {  	[sflag:s1] =	ssyncset.done $0x0  }
0x31: {  	[sflag:s1] =	ssyncadd.s32 $0xFFFFFFB0  }
0x32: {  	[spmem:s2] =	stream.indirect.scatter.add.f32 [tilespmem:s0], [sflag:$0x3], $0x80, s3, s5, $0xb8;
	[tilespmem:$0x19100] =	vst v63  }
0x33: {  	_ =	swait.ge [sflag:s6], $0x50  }
0x34: {  	[sflag:s6] =	ssyncset.done $0x0  }
0x35: {  	[sflag:s6] =	ssyncadd.s32 $0xFFFFFFB0  }
0x36: {  	[spmem:s2] =	stream.indirect.scatter.add.f32 [tilespmem:s0], [sflag:$0x4], $0x80, s4, s5, $0xb8;
	[tilespmem:$0x19100] =	vst v63  }
0x37: {  	_ =	swait.ge [sflag:s7], $0x2800  }
0x38: {  	s16 =	sshrl.u32 s28, $0x3;
	[sflag:s7] =	ssyncset.done $0x0  }
0x39: {  	s11 =	sadd.s32 s13, s16;
	[sflag:s7] =	ssyncadd.s32 $0xFFFFD800  }
0x3a: {  	[tilespmem:s3], [sflag:$0x1] =	stream.linear.gather [hbm4b:s11+s3], $0x50, $0x38;
	[tilespmem:$0x19100] =	vst v63  }
0x3b: {  	_ =	swait.ge [sflag:s8], $0x2800  }
0x3c: {  	s12 =	sadd.s32 $0xA0, s28;
	[sflag:s8] =	ssyncset.done $0x0  }
0x3d: {  	s14 =	sadd.s32 $0x0, s26;
	s11 =	simm.s32 $0x14;
	[sflag:s8] =	ssyncadd.s32 $0xFFFFD800  }
.LBB2_2:
0x3e: {  	[tilespmem:s4], [sflag:$0x2] =	stream.linear.gather [hbm4b:s14+s3], $0x50, $0x38;
	[tilespmem:$0x19100] =	vst v63  }
0x3f: {  	s14 =	smov.u32 s11  }
0x40: {  	p0 =	sne.s32 s11, $0x4B0;
	s11 =	sadd.s32 $0x14, s11;
	_ =	swait.ge [sflag:s1], $0x50  }
0x41: {  	[sflag:s1] =	ssyncset.done $0x0  }
0x42: {  	[sflag:s1] =	ssyncadd.s32 $0xFFFFFFB0  }
0x43: {  	[spmem:s2] =	stream.indirect.scatter.add.f32 [tilespmem:s0], [sflag:$0x3], $0x80, s3, s5, $0xb8;
	[tilespmem:$0x19100] =	vst v63  }
0x44: {  	_ =	swait.ge [sflag:s6], $0x50  }
0x45: {  	[sflag:s6] =	ssyncset.done $0x0  }
0x46: {  	[sflag:s6] =	ssyncadd.s32 $0xFFFFFFB0  }
0x47: {  	[spmem:s2] =	stream.indirect.scatter.add.f32 [tilespmem:s0], [sflag:$0x4], $0x80, s4, s5, $0xb8;
	[tilespmem:$0x19100] =	vst v63  }
0x48: {  	_ =	swait.ge [sflag:s7], $0x2800  }
0x49: {  	s16 =	sshrl.u32 s12, $0x3;
	[sflag:s7] =	ssyncset.done $0x0  }
.Ltmp0:
0x4a: {  	s16 =	sadd.s32 s13, s16;
	[sflag:s7] =	ssyncadd.s32 $0xFFFFD800;
	(pc) =	sbr.rel @p0 .LBB2_2-.Ltmp0, $4  }
0x4b: {  	[tilespmem:s3], [sflag:$0x1] =	stream.linear.gather [hbm4b:s16+s3], $0x50, $0x38;
	[tilespmem:$0x19100] =	vst v63  }
0x4c: {  	_ =	swait.ge [sflag:s8], $0x2800  }
0x4d: {  	[sflag:s8] =	ssyncset.done $0x0  }
0x4e: {  	s12 =	sadd.s32 $0xA0, s12;
	s14 =	sadd.s32 s14, s26;
	[sflag:s8] =	ssyncadd.s32 $0xFFFFD800  }
0x4f: {  	[tilespmem:s4], [sflag:$0x2] =	stream.linear.gather [hbm4b:s14+s3], $0x50, $0x38;
	[tilespmem:$0x19100] =	vst v63  }
0x50: {  	_ =	swait.ge [sflag:s1], $0x50  }
0x51: {  	[sflag:s1] =	ssyncset.done $0x0  }
0x52: {  	[sflag:s1] =	ssyncadd.s32 $0xFFFFFFB0  }
0x53: {  	[spmem:s2] =	stream.indirect.scatter.add.f32 [tilespmem:s0], [sflag:$0x3], $0x80, s3, s5, $0xb8;
	[tilespmem:$0x19100] =	vst v63  }
0x54: {  	_ =	swait.ge [sflag:s6], $0x50  }
0x55: {  	[sflag:s6] =	ssyncset.done $0x0  }
0x56: {  	[sflag:s6] =	ssyncadd.s32 $0xFFFFFFB0  }
0x57: {  	[spmem:s2] =	stream.indirect.scatter.add.f32 [tilespmem:s0], [sflag:$0x4], $0x80, s4, s5, $0xb8;
	[tilespmem:$0x19100] =	vst v63  }
0x58: {  	_ =	swait.ge [sflag:s7], $0x2800  }
0x59: {  	[sflag:s7] =	ssyncset.done $0x0  }
0x5a: {  	[sflag:s7] =	ssyncadd.s32 $0xFFFFD800  }
0x5b: {  	[tilespmem:s3], [sflag:$0x1] =	stream.linear.gather [hbm4b:s30+s3], $0x50, $0x38;
	[tilespmem:$0x19100] =	vst v63  }
0x5c: {  	_ =	swait.ge [sflag:s8], $0x2800  }
0x5d: {  	[sflag:s8] =	ssyncset.done $0x0  }
0x5e: {  	[sflag:s8] =	ssyncadd.s32 $0xFFFFD800  }
0x5f: {  	_ =	swait.ge [sflag:s1], $0x50  }
0x60: {  	[sflag:s1] =	ssyncset.done $0x0  }
0x61: {  	[sflag:s1] =	ssyncadd.s32 $0xFFFFFFB0  }
0x62: {  	[spmem:s2] =	stream.indirect.scatter.add.f32 [tilespmem:s0], [sflag:$0x3], $0x80, s3, s5, $0xb8;
	[tilespmem:$0x19100] =	vst v63  }
0x63: {  	_ =	swait.ge [sflag:s7], $0x2800  }
0x64: {  	[sflag:s7] =	ssyncset.done $0x0  }
0x65: {  	[sflag:s7] =	ssyncadd.s32 $0xFFFFD800  }
0x66: {  	[bflag:$0x0] =	sbarrier.arrive $0xFFFF  }
0x67: {  	[tilespmem:s9], [sflag:$0x5] =	stream.linear.gather [spmem:s15], $0x2800, $0x38;
	[tilespmem:$0x19100] =	vst v63  }
0x68: {  	_ =	swait.ge [sflag:s31], $0x2800  }
0x69: {  	[sflag:s31] =	ssyncset.done $0x0  }
0x6a: {  	s11 =	rddreg [dreg:$0x4];
	[sflag:s31] =	ssyncadd.s32 $0xFFFFD800  }
0x6b: {  	[hbm4b:s11+s3] =	stream.linear.scatter [tilespmem:s9], [sflag:$0x5], $0x2800, $0x38;
	[tilespmem:$0x19100] =	vst v63  }
0x6c: {  	_ =	swait.ge [sflag:s31], $0x2800  }
0x6d: {  	[sflag:s31] =	ssyncset.done $0x0  }
0x6e: {  	[sflag:s31] =	ssyncadd.s32 $0xFFFFD800  }
0x6f: {  	[tilespmem:s9], [sflag:$0x5] =	stream.linear.gather [spmem:s19], $0x2800, $0x38;
	[tilespmem:$0x19100] =	vst v63  }
0x70: {  	_ =	swait.ge [sflag:s31], $0x2800  }
0x71: {  	[sflag:s31] =	ssyncset.done $0x0  }
0x72: {  	s16 =	rddreg [dreg:$0x5];
	[sflag:s31] =	ssyncadd.s32 $0xFFFFD800  }
0x73: {  	[hbm4b:s16+s3] =	stream.linear.scatter [tilespmem:s9], [sflag:$0x5], $0x2800, $0x38;
	[tilespmem:$0x19100] =	vst v63  }
0x74: {  	_ =	swait.ge [sflag:s31], $0x2800  }
0x75: {  	[sflag:s31] =	ssyncset.done $0x0  }
0x76: {  	[sflag:s31] =	ssyncadd.s32 $0xFFFFD800  }
0x77: {  	[tilespmem:s9], [sflag:$0x5] =	stream.linear.gather [spmem:s20], $0x2800, $0x38;
	[tilespmem:$0x19100] =	vst v63  }
0x78: {  	_ =	swait.ge [sflag:s31], $0x2800  }
0x79: {  	[sflag:s31] =	ssyncset.done $0x0  }
0x7a: {  	s12 =	rddreg [dreg:$0x6];
	[sflag:s31] =	ssyncadd.s32 $0xFFFFD800  }
0x7b: {  	[hbm4b:s12+s3] =	stream.linear.scatter [tilespmem:s9], [sflag:$0x5], $0x2800, $0x38;
	[tilespmem:$0x19100] =	vst v63  }
0x7c: {  	_ =	swait.ge [sflag:s31], $0x2800  }
0x7d: {  	[sflag:s31] =	ssyncset.done $0x0  }
0x7e: {  	[sflag:s31] =	ssyncadd.s32 $0xFFFFD800  }
0x7f: {  	[tilespmem:s9], [sflag:$0x5] =	stream.linear.gather [spmem:s21], $0x2800, $0x38;
	[tilespmem:$0x19100] =	vst v63  }
0x80: {  	_ =	swait.ge [sflag:s31], $0x2800  }
0x81: {  	[sflag:s31] =	ssyncset.done $0x0  }
0x82: {  	s14 =	rddreg [dreg:$0x7];
	[sflag:s31] =	ssyncadd.s32 $0xFFFFD800  }
0x83: {  	[hbm4b:s14+s3] =	stream.linear.scatter [tilespmem:s9], [sflag:$0x5], $0x2800, $0x38;
	[tilespmem:$0x19100] =	vst v63  }
0x84: {  	_ =	swait.ge [sflag:s31], $0x2800  }
0x85: {  	[sflag:s31] =	ssyncset.done $0x0  }
0x86: {  	[sflag:s31] =	ssyncadd.s32 $0xFFFFD800  }
0x87: {  	[tilespmem:s9], [sflag:$0x5] =	stream.linear.gather [spmem:s22], $0x2800, $0x38;
	[tilespmem:$0x19100] =	vst v63  }
0x88: {  	_ =	swait.ge [sflag:s31], $0x2800  }
0x89: {  	[sflag:s31] =	ssyncset.done $0x0  }
0x8a: {  	s16 =	rddreg [dreg:$0x8];
	[sflag:s31] =	ssyncadd.s32 $0xFFFFD800  }
0x8b: {  	[hbm4b:s16+s3] =	stream.linear.scatter [tilespmem:s9], [sflag:$0x5], $0x2800, $0x38;
	[tilespmem:$0x19100] =	vst v63  }
0x8c: {  	_ =	swait.ge [sflag:s31], $0x2800  }
0x8d: {  	[sflag:s31] =	ssyncset.done $0x0  }
0x8e: {  	[sflag:s31] =	ssyncadd.s32 $0xFFFFD800  }
0x8f: {  	[tilespmem:s9], [sflag:$0x5] =	stream.linear.gather [spmem:s23], $0x2800, $0x38;
	[tilespmem:$0x19100] =	vst v63  }
0x90: {  	_ =	swait.ge [sflag:s31], $0x2800  }
0x91: {  	[sflag:s31] =	ssyncset.done $0x0  }
0x92: {  	s12 =	rddreg [dreg:$0x9];
	[sflag:s31] =	ssyncadd.s32 $0xFFFFD800  }
0x93: {  	[hbm4b:s12+s3] =	stream.linear.scatter [tilespmem:s9], [sflag:$0x5], $0x2800, $0x38;
	[tilespmem:$0x19100] =	vst v63  }
0x94: {  	_ =	swait.ge [sflag:s31], $0x2800  }
0x95: {  	[sflag:s31] =	ssyncset.done $0x0  }
0x96: {  	[sflag:s31] =	ssyncadd.s32 $0xFFFFD800  }
0x97: {  	[tilespmem:s9], [sflag:$0x5] =	stream.linear.gather [spmem:s24], $0x2800, $0x38;
	[tilespmem:$0x19100] =	vst v63  }
0x98: {  	_ =	swait.ge [sflag:s31], $0x2800  }
0x99: {  	[sflag:s31] =	ssyncset.done $0x0  }
0x9a: {  	s14 =	rddreg [dreg:$0xa];
	[sflag:s31] =	ssyncadd.s32 $0xFFFFD800  }
0x9b: {  	[hbm4b:s14+s3] =	stream.linear.scatter [tilespmem:s9], [sflag:$0x5], $0x2800, $0x38;
	[tilespmem:$0x19100] =	vst v63  }
0x9c: {  	_ =	swait.ge [sflag:s31], $0x2800  }
0x9d: {  	[sflag:s31] =	ssyncset.done $0x0  }
0x9e: {  	[sflag:s31] =	ssyncadd.s32 $0xFFFFD800  }
0x9f: {  	[tilespmem:s9], [sflag:$0x5] =	stream.linear.gather [spmem:s25], $0x2800, $0x38;
	[tilespmem:$0x19100] =	vst v63  }
0xa0: {  	s10 =	sadd.s32 $0x1, s10;
	_ =	swait.ge [sflag:s31], $0x2800  }
0xa1: {  	p0 =	sne.s32 s10, s18;
	[sflag:s31] =	ssyncset.done $0x0  }
.Ltmp1:
0xa2: {  	s16 =	rddreg [dreg:$0xb];
	[sflag:s31] =	ssyncadd.s32 $0xFFFFD800;
	(pc) =	sbr.rel @p0 .LBB2_1-.Ltmp1, $4  }
0xa3: {  	[hbm4b:s16+s3] =	stream.linear.scatter [tilespmem:s9], [sflag:$0x5], $0x2800, $0x38;
	[tilespmem:$0x19100] =	vst v63  }
0xa4: {  	_ =	swait.ge [sflag:s31], $0x2800  }
0xa5: {  	[sflag:s31] =	ssyncset.done $0x0  }
0xa6: {  	[sflag:s31] =	ssyncadd.s32 $0xFFFFD800  }
0xa7: {  	_ =	sfence.sel $0x180000  }
0xa8: {  	[bflag:$0x0] =	sbarrier.arrive $0xFFFF  }
0xa9: {  	_ =	strace $0x90000056  }
0xaa: {  	s0 =	stileid.u32;
	[bflag:$0x2] =	sbarrier.arrive $0xFFFF  }
0xab: {  	p0 =	sne.s32 s0, $0x0;
	s0 =	rddreg [dreg:$0x3]  }
0xac: {  	s0 =	sadd.s32 @!p0 $0x100000, s0  }
0xad: {  	[sflag:s0] =	ssyncadd.tile.s32 @!p0 $0x1;
	_ =	shalt  }
.Lfunc_end2:
_tile_overlayer_lowered:
.L_overlay_start_2:
0xae: {  	(tag) =	ssettag $0x2  }
0xaf: {  	s0 =	rddreg [dreg:$0x0];
	s2 =	stileid.u32  }
0xb0: {  	s1 =	rddreg [dreg:$0x1];
	p0 =	sne.s32 s2, $0x0  }
0xb1: {  	s3 =	rddreg [dreg:$0x2];
	[bflag:$0x3] =	sbarrier.arrive $0xFFFF;
	s2 =	simm.s32 @!p0 $0x1C05  }
0xb2: {  	[timem:s3], [sflag:s2] =	dma.local @!p0 [hbm:s0], s1  }
0xb3: {  	s0 =	simm.s32 @!p0 $0x5  }
0xb4: {  	_ =	swait.ge @!p0 [sflag:s0], s1  }
0xb5: {  	s1 =	ssub.s32 @!p0 $0x0, s1;
	[sflag:s0] =	ssyncset.done @!p0 $0x0  }
0xb6: {  	[sflag:s0] =	ssyncadd.s32 @!p0 s1  }
0xb7: {  	[bflag:$0x3] =	sbarrier.arrive $0xFFFF  }
0xb8: {  	_ =	shalt  }

// kernel: kernel.19.cloned.1.call-start
scs
__scs_entry_jumppad:
0x0: {  	(pc) =	sbr.rel $0x88, $3  }
0x1: {  	(tag) =	ssettag $0x0;
	lr =	simm.s32 $0x1  }
0x2: {  	[smem:$0x3F97] =	sst lr;
	_ =	strace $0xD0000000  }
0x3: {  	_ = 	snop  }
0x4: {  	_ = 	snop  }
0x5: {  	_ = 	snop  }
0x6: {  	_ = 	snop  }
0x7: {  	_ = 	snop  }
__scs_overlays_trampoline_lowered:
0x8: {  	[smem:$0x3FA6] =	sst s0  }
0x9: {  	[smem:$0x3FA7] =	sst s1  }
0xa: {  	[smem:$0x3FA8] =	sst s2  }
0xb: {  	[smem:$0x3FA9] =	sst s3  }
0xc: {  	[smem:$0x3FAA] =	sst s4  }
0xd: {  	[smem:$0x3FAB] =	sst s5  }
0xe: {  	[smem:$0x3FAC] =	sst s6  }
0xf: {  	[smem:$0x3FAD] =	sst s7  }
0x10: {  	[smem:$0x3FAE] =	sst s8  }
0x11: {  	[smem:$0x3FAF] =	sst s9;
	s0 =	simm.s32 @!p0 $0x0  }
0x12: {  	s1 =	sld [smem:$0x3F95];
	s0 =	simm.s32 @p0 $0x1  }
0x13: {  	[smem:$0x3FB0] =	sst s0;
	s0 =	simm.s32 @!p1 $0x0  }
0x14: {  	s2 =	sld [smem:$0x3F94];
	s0 =	simm.s32 @p1 $0x1  }
0x15: {  	[smem:$0x3FB1] =	sst s0;
	s0 =	simm.s32 @!p2 $0x0  }
0x16: {  	s3 =	sld [smem:$0x3FDB];
	s0 =	simm.s32 @p2 $0x1  }
0x17: {  	s4 =	simm.s32 $0x1BF5;
	[smem:$0x3FB3] =	sst s0  }
0x18: {  	s0 =	sld [smem:$0x3F96];
	_ =	swait.ge [sflag:s4], $0x0  }
0x19: {  	s7 =	sld [smem:$0x3F97]  }
0x1a: {  	s8 =	sadd.s32 $0xFFFFE003, lr  }
0x1b: {  	s9 =	sadd.s32 $0xFFFFFEF7, lr;
	s5 =	simm.s32 $0xFFFFFFFF;
	p2 =	slt.u32 s8, $0xFFFFF086  }
0x1c: {  	p1 =	slt.u32 s9, $0xF7A;
	s5 =	simm.s32 @!p2 $0x0  }
0x1d: {  	s5 =	simm.s32 @p1 $0x1;
	p0 =	seq.s32 s7, s2  }
0x1e: {  	s7 =	smul.u32 @!p0 $0xF7A, s2;
	p2 =	seq.s32 @!p0 s5, $0x0  }
0x1f: {  	s9 =	smul.u32 $0xF7A, s1;
	s8 =	simm.s32 @!p0 $0x1BF5;
	p2 =	por !p2, p0  }
0x20: {  	[sflag:s8] =	ssyncset.s32 @!p0 $0xFFFFF086;
	s6 =	sadd.s32 @!p0 s3, s7;
	s7 =	simm.s32 @!p0 $0x108  }
0x21: {  	s3 =	sadd.s32 s3, s9;
	s6 =	sadd.s32 @!p0 $0x88, s6;
	s7 =	simm.s32 @p2 $0x1082  }
0x22: {  	[simem:s7], [sflag:s8] =	dma.local @!p0 [hbm:s6], $0xF7A  }
0x23: {  	s9 =	sor.u32 $0xD0000000, s2;
	s6 =	simm.s32 $0x108;
	_ =	swait.ge @!p0 [sflag:s8], $0x0  }
0x24: {  	s3 =	sadd.s32 $0x88, s3;
	s6 =	simm.s32 @!p1 $0x1082;
	[sflag:s4] =	ssyncset.s32 $0xFFFFF086  }
0x25: {  	[simem:s6], [sflag:s4] =	dma.local [hbm:s3], $0xF7A  }
0x26: {  	[smem:$0x3F97] =	sst s1;
	(tag) =	ssettag s2;
	_ =	strace s9  }
0x27: {  	s1 =	sld [smem:$0x3FA7]  }
0x28: {  	s2 =	sld [smem:$0x3FA8]  }
0x29: {  	s4 =	sld [smem:$0x3FAA]  }
0x2a: {  	p0 =	seq.s32 s5, $0x0;
	s5 =	sld [smem:$0x3FAB]  }
0x2b: {  	s6 =	sld [smem:$0x3FAC]  }
0x2c: {  	s7 =	sld [smem:$0x3FAD]  }
0x2d: {  	s3 =	simm.s32 $0x108;
	s8 =	sld [smem:$0x3FAE]  }
0x2e: {  	s3 =	simm.s32 @!p0 $0x1082;
	s9 =	sld [smem:$0x3FAF]  }
0x2f: {  	lr =	sadd.s32 s0, s3;
	s0 =	sld [smem:$0x3FA6]  }
0x30: {  	s3 =	sld [smem:$0x3FA9]  }
0x31: {  	[smem:$0x3FB2] =	sst s10  }
0x32: {  	s10 =	sld [smem:$0x3FB0];
	_ =	sdelay $0x3  }
0x33: {  	p0 =	seq.s32 s10, $0x1;
	s10 =	sld [smem:$0x3FB2];
	_ =	sdelay $0x3  }
0x34: {  	[smem:$0x3FB2] =	sst s10  }
0x35: {  	s10 =	sld [smem:$0x3FB1];
	_ =	sdelay $0x3  }
0x36: {  	p1 =	seq.s32 s10, $0x1;
	s10 =	sld [smem:$0x3FB2];
	_ =	sdelay $0x3  }
0x37: {  	[smem:$0x3FB2] =	sst s10  }
0x38: {  	s10 =	sld [smem:$0x3FB3]  }
0x39: {  	_ = 	snop;
	(pc) =	sbr.ind lr, $3  }
0x3a: {  	_ = 	snop  }
0x3b: {  	_ = 	snop  }
0x3c: {  	p2 =	seq.s32 s10, $0x1;
	s10 =	sld [smem:$0x3FB2]  }
0x3d: {  	_ =	shalt  }
0x3e: {  	_ =	shalt  }
0x3f: {  	_ =	shalt  }
0x40: {  	_ =	shalt  }
0x41: {  	_ =	shalt  }
0x42: {  	_ =	shalt  }
0x43: {  	_ =	shalt  }
0x44: {  	_ =	shalt  }
0x45: {  	_ =	shalt  }
0x46: {  	_ =	shalt  }
0x47: {  	_ =	shalt  }
0x48: {  	_ =	shalt  }
0x49: {  	_ =	shalt  }
0x4a: {  	_ =	shalt  }
0x4b: {  	_ =	shalt  }
0x4c: {  	_ =	shalt  }
0x4d: {  	_ =	shalt  }
0x4e: {  	_ =	shalt  }
0x4f: {  	_ =	shalt  }
0x50: {  	_ =	shalt  }
0x51: {  	_ =	shalt  }
0x52: {  	_ =	shalt  }
0x53: {  	_ =	shalt  }
0x54: {  	_ =	shalt  }
0x55: {  	_ =	shalt  }
0x56: {  	_ =	shalt  }
0x57: {  	_ =	shalt  }
0x58: {  	_ =	shalt  }
0x59: {  	_ =	shalt  }
0x5a: {  	_ =	shalt  }
0x5b: {  	_ =	shalt  }
0x5c: {  	_ =	shalt  }
0x5d: {  	_ =	shalt  }
0x5e: {  	_ =	shalt  }
0x5f: {  	_ =	shalt  }
0x60: {  	_ =	shalt  }
0x61: {  	_ =	shalt  }
0x62: {  	_ =	shalt  }
0x63: {  	_ =	shalt  }
0x64: {  	_ =	shalt  }
0x65: {  	_ =	shalt  }
0x66: {  	_ =	shalt  }
0x67: {  	_ =	shalt  }
0x68: {  	_ =	shalt  }
0x69: {  	_ =	shalt  }
0x6a: {  	_ =	shalt  }
0x6b: {  	_ =	shalt  }
0x6c: {  	_ =	shalt  }
0x6d: {  	_ =	shalt  }
0x6e: {  	_ =	shalt  }
0x6f: {  	_ =	shalt  }
0x70: {  	_ =	shalt  }
0x71: {  	_ =	shalt  }
0x72: {  	_ =	shalt  }
0x73: {  	_ =	shalt  }
0x74: {  	_ =	shalt  }
0x75: {  	_ =	shalt  }
0x76: {  	_ =	shalt  }
0x77: {  	_ =	shalt  }
0x78: {  	_ =	shalt  }
0x79: {  	_ =	shalt  }
0x7a: {  	_ =	shalt  }
0x7b: {  	_ =	shalt  }
0x7c: {  	_ =	shalt  }
0x7d: {  	_ =	shalt  }
0x7e: {  	_ =	shalt  }
0x7f: {  	_ =	shalt  }
0x80: {  	_ =	shalt  }
0x81: {  	_ =	shalt  }
0x82: {  	_ =	shalt  }
0x83: {  	_ =	shalt  }
0x84: {  	_ =	shalt  }
0x85: {  	_ =	shalt  }
0x86: {  	_ =	shalt  }
0x87: {  	_ =	shalt  }
.Lfunc_end0:
.L_simem_size_0:
called_computation.1_lowered:
.L_overlay_start_0:
0x88: {  	s2 =	sld [smem:$0x3FD9]  }
0x89: {  	s3 =	sld [smem:$0x3FFE];
	_ =	sdelay $0x1  }
0x8a: {  	s1 =	srdreg.scid  }
0x8b: {  	s0 =	sand.u32 $0x1, s1  }
0x8c: {  	s15 =	sshll.u32 s0, $0xA;
	s2 =	sadd.s32 s3, s2  }
0x8d: {  	s2 =	sadd.s32 s2, s15  }
0x8e: {  	[smem:$0x3FBE] =	sst s2  }
0x8f: {  	_ = 	snop  }
0x90: {  	s16 =	sld [smem:$0x3FD0];
	_ =	sdelay $0x2  }
0x91: {  	s5 =	simm.s32 $0xF;
	s4 =	simm.s32 $0x10;
	s2 =	sld [smem:$0x3FC9]  }
0x92: {  	[smem:s4], [sflag:s5] =	dma.local [hbm:s16], $0x1  }
0x93: {  	_ =	swait.eq [sflag:s5], $0x1  }
0x94: {  	[sflag:s5] =	ssyncset.done $0x0  }
0x95: {  	s17 =	sld [smem:$0x10];
	[sflag:s5] =	ssyncadd.s32 $0xFFFFFFFF  }
0x96: {  	s18 =	sld [smem:$0x12];
	(tm) =	ssettm $0x1  }
0x97: {  	s19 =	sld [smem:$0x3FFB];
	_ =	sdelay $0x3  }
0x98: {  	_ =	strace s19  }
0x99: {  	s3 =	sld [smem:$0x3FFC];
	_ =	sdelay $0x3  }
0x9a: {  	_ =	strace s3  }
0x9b: {  	s3 =	sld [smem:$0x3FFD];
	_ =	sdelay $0x3  }
0x9c: {  	_ =	strace s3  }
0x9d: {  	_ =	strace $0x8FFFFFFF  }
0x9e: {  	s20 =	sld [smem:$0x3FDB];
	_ =	sdelay $0x1  }
0x9f: {  	s6 =	simm.s32 $_scs_section_size  }
0xa0: {  	s7 =	simm.s32 $_size__tile_overlayer_lowered;
	s8 =	simm.s32 $_tile_overlayer_lowered  }
0xa1: {  	s9 =	simm.s32 $0x1BFF;
	s21 =	sshll.u32 s8, $0x1;
	s6 =	sadd.s32 s6, s20  }
0xa2: {  	s22 =	simm.s32 $0x0;
	s7 =	sshll.u32 s7, $0x1;
	s8 =	sadd.s32 s21, s6  }
0xa3: {  	[timem:s22], [sflag:s9] =	dma.local [hbm:s8], s7  }
0xa4: {  	_ =	swait.ge [sflag:s9], s7  }
0xa5: {  	s7 =	ssub.s32 $0x0, s7;
	[sflag:s9] =	ssyncset.done $0x0  }
0xa6: {  	[sflag:s9] =	ssyncadd.s32 s7;
	_ =	sdelay $0x1  }
0xa7: {  	s23 =	simm.s32 $0x1B8B  }
0xa8: {  	_ =	swait.ge [sflag:s23], $0x1  }
0xa9: {  	[sflag:s23] =	ssyncset.done $0x0  }
0xaa: {  	[sflag:s23] =	ssyncadd.s32 $0xFFFFFFFF  }
0xab: {  	s7 =	sld [smem:$0x0]  }
0xac: {  	s8 =	sand.u32 $0xFFFFFFFE, s1  }
0xad: {  	p0 =	sne.s32 s1, s8  }
0xae: {  	s8 =	sshll.u32 @p0 s8, $0xE  }
0xaf: {  	s8 =	sadd.s32 @p0 $0x11B8D, s8;
	s9 =	sshll.u32 @p0 s7, $0x11  }
0xb0: {  	s8 =	sor.u32 @p0 s9, s8  }
0xb1: {  	[sflag:s8] =	ssyncadd.remote.s32 @p0 $0x1;
	_ =	sdelay $0x1  }
0xb2: {  	s8 =	simm.s32 @p0 $0x1B8D  }
0xb3: {  	_ =	swait.eq @p0 [sflag:s8], $0x1  }
0xb4: {  	[sflag:s8] =	ssyncadd.s32 @p0 $0xFFFFFFFF  }
0xb5: {  	s9 =	sshll.u32 @!p0 s1, $0xE  }
0xb6: {  	s9 =	sor.u32 @!p0 $0x4000, s9;
	s8 =	simm.s32 @!p0 $0x1B8D  }
0xb7: {  	s7 =	sshll.u32 @!p0 s7, $0x11;
	s9 =	sadd.s32 @!p0 $0x11B8D, s9;
	_ =	swait.eq @!p0 [sflag:s8], $0x1  }
0xb8: {  	s7 =	sor.u32 @!p0 s7, s9;
	[sflag:s8] =	ssyncadd.s32 @!p0 $0xFFFFFFFF  }
0xb9: {  	s25 =	simm.s32 $0x1B8E;
	s24 =	sld [smem:$0x3FFE];
	[sflag:s7] =	ssyncadd.remote.s32 @!p0 $0x1  }
0xba: {  	s26 =	simm.s32 $execute0_lowered;
	[smem:$0x3FD2] =	sst s25  }
0xbb: {  	s8 =	sshll.u32 s26, $0x1;
	_ =	strace $0x8000004F;
	[dreg:$0x1] =	wrdreg $0xFFFFFFFF  }
0xbc: {  	s28 =	simm.s32 $_size_execute0_lowered;
	s6 =	sadd.s32 s6, s8;
	[dreg:$0x0] =	wrdreg $0x0  }
0xbd: {  	s8 =	sshll.u32 s28, $0x1;
	[dreg:$0x2] =	wrdreg s6  }
0xbe: {  	[dreg:$0x3] =	wrdreg s8  }
0xbf: {  	[dreg:$0x4] =	wrdreg $0xC0  }
0xc0: {  	_ =	task [dreg:s22], $0x5FFFF  }
0xc1: {  	[dreg:$0x1] =	wrdreg $0xFFFFFFFF  }
0xc2: {  	[dreg:$0x0] =	wrdreg $0x60  }
0xc3: {  	[dreg:$0x2] =	wrdreg s2  }
0xc4: {  	[dreg:$0x3] =	wrdreg s17  }
0xc5: {  	[dreg:$0x4] =	wrdreg s18  }
0xc6: {  	[dreg:$0x5] =	wrdreg s24  }
0xc7: {  	[dreg:$0x6] =	wrdreg $0xA  }
0xc8: {  	_ =	task.clear_ibuf [dreg:s22], $0x7FFFF;
	_ =	strace $0x9000004F  }
0xc9: {  	s29 =	simm.s32 $0xA;
	_ =	strace $0x80000051  }
0xca: {  	_ =	swait.ge [sflag:s29], $0x1  }
0xcb: {  	[sflag:s29] =	ssyncadd.s32 $0xFFFFFFFF  }
0xcc: {  	_ =	strace $0x90000051  }
0xcd: {  	_ =	sfence  }
0xce: {  	s30 =	sld [smem:$0x0];
	_ =	sdelay $0x2  }
0xcf: {  	s31 =	sshll.u32 s1, $0xD;
	s1 =	sshrl.u32 s1, $0x2  }
0xd0: {  	s4 =	sand.u32 $0x4000, s31;
	s1 =	sadd.s32 s1, s30  }
0xd1: {  	s0 =	sor.u32 s4, s0;
	s1 =	sshll.u32 s1, $0x11  }
0xd2: {  	s0 =	sor.u32 s1, s0  }
0xd3: {  	s0 =	sadd.s32 $0x8F2B, s0  }
0xd4: {  	[sflag:s0] =	ssyncadd.remote.s32 $0x1  }
0xd5: {  	_ =	sfence.sel $0xFFFF  }
0xd6: {  	[dreg:$0x0] =	wrdreg $0xFFFFFFFF;
	(pc) =	sbr.abs _section_cstart, $3  }
0xd7: {  	[dreg:$0x1] =	wrdreg $0xFFFFFFFF  }
0xd8: {  	_ =	task.clear_ibuf [dreg:s22], $0x2FFFF;
	_ =	strace $0x9FFFFFFF  }
0xd9: {  	(tm) =	ssettm $0x7FFFFFFF  }
tec
execute0_lowered:
.L_overlay_start_1:
0x0: {  	(tag) =	ssettag $0x1  }
0x1: {  	s1 =	rddreg [dreg:$0x0]  }
0x2: {  	s2 =	rddreg [dreg:$0x1]  }
0x3: {  	s3 =	rddreg [dreg:$0x2]  }
0x4: {  	s0 =	rddreg [dreg:$0x3]  }
0x5: {  	s4 =	srdreg.scid;
	s5 =	simm.s32 $0x0;
	s15 =	stileid.u32  }
0x6: {  	s18 =	simm.s32 $0x5;
	s19 =	simm.s32 $0x80;
	s28 =	simm.s32 $0x1  }
0x7: {  	s29 =	simm.s32 $0x2;
	s30 =	simm.s32 $0x3;
	s31 =	simm.s32 $0x4  }
0x8: {  	s4 =	sand.u32 $0x1, s4;
	s8 =	sadd.s32 $0x5FDE00, s0;
	s13 =	smul.u32 $0x7D0, s15  }
0x9: {  	[smem:$0x7FF] =	sst s5;
	s0 =	sadd.s32 $0x6F7E00, s0;
	s11 =	smul.u32 $0x7D00, s4  }
0xa: {  	s6 =	sshll.u32 s4, $0x4;
	_ =	strace $0x80000050;
	s14 =	smul.u32 $0x7D000, s4  }
0xb: {  	s9 =	ssub.s32 $0x2, s4;
	s6 =	sor.u32 s15, s6;
	s15 =	smul.u32 $0x7D00, s15  }
0xc: {  	s10 =	sshrl.u32 s9, $0x1;
	s7 =	smul.u32 $0x7D0, s6;
	s13 =	sadd.s32 s13, s11  }
0xd: {  	s6 =	smul.u32 $0x3E800, s6;
	s12 =	ssub.s32 s9, s10;
	s25 =	sadd.s32 $0xF0, s13  }
0xe: {  	s12 =	smax.u32 s12, $0x1;
	s4 =	sadd.s32 $0xA0, s13;
	s7 =	sshrl.u32 s7, $0x3  }
0xf: {  	s6 =	sshrl.u32 s6, $0x3;
	s26 =	sshrl.u32 s25, $0x3;
	s20 =	sadd.s32 s2, s7  }
0x10: {  	s21 =	sadd.s32 $0xA, s7;
	s7 =	sadd.s32 s3, s7;
	[dreg:$0x5] =	wrdreg s20  }
0x11: {  	s25 =	simm.s32 $0x5200;
	s6 =	sadd.s32 $0x7800, s6;
	[dreg:$0x6] =	wrdreg s7  }
0x12: {  	s22 =	sadd.s32 s2, s21;
	s23 =	sadd.s32 s3, s21;
	s24 =	sadd.s32 s8, s6  }
0x13: {  	s11 =	sadd.s32 s0, s6;
	s7 =	sadd.s32 s26, s3;
	s6 =	sadd.s32 s26, s2  }
.Ltmp0:
0x14: {  	s8 =	sadd.s32 s14, s8;
	[dreg:$0x7] =	wrdreg s22;
	(pc) =	sbr.rel .LBB2_1-.Ltmp0, $4  }
0x15: {  	s0 =	sadd.s32 s14, s0;
	s20 =	simm.s32 $0x50;
	[dreg:$0x8] =	wrdreg s23  }
0x16: {  	s21 =	simm.s32 $0x200;
	s26 =	simm.s32 $0x7A00;
	[dreg:$0x9] =	wrdreg s24  }
0x17: {  	s16 =	sadd.s32 s15, s8;
	s17 =	sadd.s32 s15, s0;
	s22 =	simm.s32 $0x2A00  }
0x18: {  	s23 =	simm.s32 $0x100;
	s24 =	simm.s32 $0x180;
	s0 =	simm.s32 $0x0  }
.LBB2_4:
0x19: {  	_ =	swait.ge [sflag:s28], $0x2800  }
0x1a: {  	[sflag:s28] =	ssyncset.done $0x0  }
0x1b: {  	[sflag:s28] =	ssyncadd.s32 $0xFFFFD800  }
0x1c: {  	_ =	swait.ge [sflag:s28], $0x2800  }
0x1d: {  	[sflag:s28] =	ssyncset.done $0x0  }
0x1e: {  	s8 =	rddreg [dreg:$0x9];
	[sflag:s28] =	ssyncadd.s32 $0xFFFFD800  }
0x1f: {  	[hbm4b:s8+s5] =	stream.linear.scatter [tilespmem:s21], [sflag:$0x3], $0x2800, $0x38;
	[tilespmem:$0xA200] =	vst v63  }
0x20: {  	s0 =	sadd.s32 $0x1, s0  }
0x21: {  	[hbm4b:s11+s5] =	stream.linear.scatter [tilespmem:s22], [sflag:$0x3], $0x2800, $0x38;
	[tilespmem:$0xA200] =	vst v63  }
0x22: {  	p0 =	sne.s32 s0, s12;
	_ =	swait.ge [sflag:s30], $0x2800  }
.Ltmp1:
0x23: {  	[sflag:s30] =	ssyncset.done $0x0;
	(pc) =	sbr.rel @!p0 .LBB2_5-.Ltmp1, $4  }
0x24: {  	[sflag:s30] =	ssyncadd.s32 $0xFFFFD800  }
0x25: {  	_ =	swait.ge [sflag:s30], $0x2800  }
0x26: {  	[sflag:s30] =	ssyncset.done $0x0  }
0x27: {  	[sflag:s30] =	ssyncadd.s32 $0xFFFFD800  }
.LBB2_1:
0x28: {  	s8 =	rddreg [dreg:$0x5]  }
0x29: {  	[tilespmem:s5], [sflag:$0x5] =	stream.linear.gather [hbm4b:s8+s5], $0x50, $0x38;
	[tilespmem:$0xA200] =	vst v63  }
0x2a: {  	_ =	swait.ge [sflag:s18], $0x50  }
0x2b: {  	[sflag:s18] =	ssyncset.done $0x0  }
0x2c: {  	s13 =	rddreg [dreg:$0x6];
	[sflag:s18] =	ssyncadd.s32 $0xFFFFFFB0  }
0x2d: {  	[tilespmem:s19], [sflag:$0x5] =	stream.linear.gather [hbm4b:s13+s5], $0x50, $0x38;
	[tilespmem:$0xA200] =	vst v63  }
0x2e: {  	_ =	swait.ge [sflag:s18], $0x50  }
0x2f: {  	[sflag:s18] =	ssyncset.done $0x0  }
0x30: {  	[sflag:s18] =	ssyncadd.s32 $0xFFFFFFB0  }
0x31: {  	[tilespmem:s21], [sflag:$0x1] =	stream.indirect.gather [hbm4b:s1+s20], $0x80, s5, s20, $0xb8;
	[tilespmem:$0xA200] =	vst v63  }
0x32: {  	_ = 	snop  }
0x33: {  	[tilespmem:s22], [sflag:$0x1] =	stream.indirect.gather [hbm4b:s1+s20], $0x80, s19, s20, $0xb8;
	[tilespmem:$0xA200] =	vst v63  }
0x34: {  	s14 =	rddreg [dreg:$0x7]  }
0x35: {  	[tilespmem:s23], [sflag:$0x5] =	stream.linear.gather [hbm4b:s14+s5], $0x50, $0x38;
	[tilespmem:$0xA200] =	vst v63  }
0x36: {  	_ =	swait.ge [sflag:s18], $0x50  }
0x37: {  	[sflag:s18] =	ssyncset.done $0x0  }
0x38: {  	s15 =	rddreg [dreg:$0x8];
	[sflag:s18] =	ssyncadd.s32 $0xFFFFFFB0  }
0x39: {  	[tilespmem:s24], [sflag:$0x5] =	stream.linear.gather [hbm4b:s15+s5], $0x50, $0x38;
	[tilespmem:$0xA200] =	vst v63  }
0x3a: {  	_ =	swait.ge [sflag:s18], $0x50  }
0x3b: {  	[sflag:s18] =	ssyncset.done $0x0  }
0x3c: {  	s8 =	simm.s32 $0x0;
	[sflag:s18] =	ssyncadd.s32 $0xFFFFFFB0  }
0x3d: {  	[tilespmem:s25], [sflag:$0x2] =	stream.indirect.gather [hbm4b:s1+s20], $0x80, s23, s20, $0xb8;
	[tilespmem:$0xA200] =	vst v63  }
0x3e: {  	s13 =	smov.u32 s7;
	s14 =	smov.u32 s6;
	s15 =	smov.u32 s4  }
0x3f: {  	[tilespmem:s26], [sflag:$0x2] =	stream.indirect.gather [hbm4b:s1+s20], $0x80, s24, s20, $0xb8;
	[tilespmem:$0xA200] =	vst v63  }
.LBB2_2:
0x40: {  	_ =	swait.ge [sflag:s28], $0x2800  }
0x41: {  	[sflag:s28] =	ssyncset.done $0x0  }
0x42: {  	[sflag:s28] =	ssyncadd.s32 $0xFFFFD800  }
0x43: {  	_ =	swait.ge [sflag:s28], $0x2800  }
0x44: {  	[sflag:s28] =	ssyncset.done $0x0  }
0x45: {  	s9 =	sadd.s32 s8, s16;
	[sflag:s28] =	ssyncadd.s32 $0xFFFFD800  }
0x46: {  	[hbm4b:s9+s5] =	stream.linear.scatter [tilespmem:s21], [sflag:$0x3], $0x2800, $0x38;
	[tilespmem:$0xA200] =	vst v63  }
0x47: {  	s10 =	sadd.s32 s8, s17  }
0x48: {  	[hbm4b:s10+s5] =	stream.linear.scatter [tilespmem:s22], [sflag:$0x3], $0x2800, $0x38;
	[tilespmem:$0xA200] =	vst v63  }
0x49: {  	_ =	swait.ge [sflag:s29], $0x2800  }
0x4a: {  	[sflag:s29] =	ssyncset.done $0x0  }
0x4b: {  	[sflag:s29] =	ssyncadd.s32 $0xFFFFD800  }
0x4c: {  	_ =	swait.ge [sflag:s29], $0x2800  }
0x4d: {  	[sflag:s29] =	ssyncset.done $0x0  }
0x4e: {  	s9 =	sadd.s32 $0x500, s9;
	[sflag:s29] =	ssyncadd.s32 $0xFFFFD800  }
0x4f: {  	[hbm4b:s9+s5] =	stream.linear.scatter [tilespmem:s25], [sflag:$0x4], $0x2800, $0x38;
	[tilespmem:$0xA200] =	vst v63  }
0x50: {  	s10 =	sadd.s32 $0x500, s10  }
0x51: {  	[hbm4b:s10+s5] =	stream.linear.scatter [tilespmem:s26], [sflag:$0x4], $0x2800, $0x38;
	[tilespmem:$0xA200] =	vst v63  }
0x52: {  	_ =	swait.ge [sflag:s30], $0x2800  }
0x53: {  	[sflag:s30] =	ssyncset.done $0x0  }
0x54: {  	[sflag:s30] =	ssyncadd.s32 $0xFFFFD800  }
0x55: {  	_ =	swait.ge [sflag:s30], $0x2800  }
0x56: {  	s9 =	sshrl.u32 s15, $0x3;
	[sflag:s30] =	ssyncset.done $0x0  }
0x57: {  	s10 =	sadd.s32 s2, s9;
	[sflag:s30] =	ssyncadd.s32 $0xFFFFD800  }
0x58: {  	[tilespmem:s5], [sflag:$0x5] =	stream.linear.gather [hbm4b:s10+s5], $0x50, $0x38;
	[tilespmem:$0xA200] =	vst v63  }
0x59: {  	_ =	swait.ge [sflag:s18], $0x50  }
0x5a: {  	[sflag:s18] =	ssyncset.done $0x0  }
0x5b: {  	s9 =	sadd.s32 s3, s9;
	[sflag:s18] =	ssyncadd.s32 $0xFFFFFFB0  }
0x5c: {  	[tilespmem:s19], [sflag:$0x5] =	stream.linear.gather [hbm4b:s9+s5], $0x50, $0x38;
	[tilespmem:$0xA200] =	vst v63  }
0x5d: {  	_ =	swait.ge [sflag:s18], $0x50  }
0x5e: {  	[sflag:s18] =	ssyncset.done $0x0  }
0x5f: {  	[sflag:s18] =	ssyncadd.s32 $0xFFFFFFB0  }
0x60: {  	[tilespmem:s21], [sflag:$0x1] =	stream.indirect.gather [hbm4b:s1+s20], $0x80, s5, s20, $0xb8;
	[tilespmem:$0xA200] =	vst v63  }
0x61: {  	_ = 	snop  }
0x62: {  	[tilespmem:s22], [sflag:$0x1] =	stream.indirect.gather [hbm4b:s1+s20], $0x80, s19, s20, $0xb8;
	[tilespmem:$0xA200] =	vst v63  }
0x63: {  	p0 =	seq.s32 s8, $0x6E00;
	_ =	swait.ge [sflag:s31], $0x2800  }
.Ltmp2:
0x64: {  	[sflag:s31] =	ssyncset.done $0x0;
	(pc) =	sbr.rel @p0 .LBB2_4-.Ltmp2, $4  }
0x65: {  	[sflag:s31] =	ssyncadd.s32 $0xFFFFD800  }
0x66: {  	_ =	swait.ge [sflag:s31], $0x2800  }
0x67: {  	[sflag:s31] =	ssyncset.done $0x0  }
0x68: {  	[sflag:s31] =	ssyncadd.s32 $0xFFFFD800  }
0x69: {  	[tilespmem:s23], [sflag:$0x5] =	stream.linear.gather [hbm4b:s14+s5], $0x50, $0x38;
	[tilespmem:$0xA200] =	vst v63  }
0x6a: {  	_ =	swait.ge [sflag:s18], $0x50  }
0x6b: {  	[sflag:s18] =	ssyncset.done $0x0  }
0x6c: {  	[sflag:s18] =	ssyncadd.s32 $0xFFFFFFB0  }
0x6d: {  	[tilespmem:s24], [sflag:$0x5] =	stream.linear.gather [hbm4b:s13+s5], $0x50, $0x38;
	[tilespmem:$0xA200] =	vst v63  }
0x6e: {  	_ =	swait.ge [sflag:s18], $0x50  }
.Ltmp3:
0x6f: {  	[sflag:s18] =	ssyncset.done $0x0;
	(pc) =	sbr.rel .LBB2_2-.Ltmp3, $4  }
0x70: {  	s8 =	sadd.s32 $0xA00, s8;
	[sflag:s18] =	ssyncadd.s32 $0xFFFFFFB0  }
0x71: {  	[tilespmem:s25], [sflag:$0x2] =	stream.indirect.gather [hbm4b:s1+s20], $0x80, s23, s20, $0xb8;
	[tilespmem:$0xA200] =	vst v63  }
0x72: {  	s14 =	sadd.s32 $0x14, s14;
	s15 =	sadd.s32 $0xA0, s15;
	s13 =	sadd.s32 $0x14, s13  }
0x73: {  	[tilespmem:s26], [sflag:$0x2] =	stream.indirect.gather [hbm4b:s1+s20], $0x80, s24, s20, $0xb8;
	[tilespmem:$0xA200] =	vst v63  }
.LBB2_5:
0x74: {  	_ =	sfence.sel $0x180000  }
0x75: {  	[bflag:$0x0] =	sbarrier.arrive $0xFFFF  }
0x76: {  	_ =	strace $0x90000050  }
0x77: {  	s0 =	stileid.u32;
	[bflag:$0x2] =	sbarrier.arrive $0xFFFF  }
0x78: {  	p0 =	sne.s32 s0, $0x0;
	s0 =	rddreg [dreg:$0x4]  }
0x79: {  	s0 =	sadd.s32 @!p0 $0x100000, s0  }
0x7a: {  	[sflag:s0] =	ssyncadd.tile.s32 @!p0 $0x1;
	_ =	shalt  }
.Lfunc_end2:
_tile_overlayer_lowered:
.L_overlay_start_2:
0x7b: {  	(tag) =	ssettag $0x2  }
0x7c: {  	s0 =	rddreg [dreg:$0x0];
	s2 =	stileid.u32  }
0x7d: {  	s1 =	rddreg [dreg:$0x1];
	p0 =	sne.s32 s2, $0x0  }
0x7e: {  	s3 =	rddreg [dreg:$0x2];
	[bflag:$0x3] =	sbarrier.arrive $0xFFFF;
	s2 =	simm.s32 @!p0 $0x1C05  }
0x7f: {  	[timem:s3], [sflag:s2] =	dma.local @!p0 [hbm:s0], s1  }
0x80: {  	s0 =	simm.s32 @!p0 $0x5  }
0x81: {  	_ =	swait.ge @!p0 [sflag:s0], s1  }
0x82: {  	s1 =	ssub.s32 @!p0 $0x0, s1;
	[sflag:s0] =	ssyncset.done @!p0 $0x0  }
0x83: {  	[sflag:s0] =	ssyncadd.s32 @!p0 s1  }
0x84: {  	[bflag:$0x3] =	sbarrier.arrive $0xFFFF  }
0x85: {  	_ =	shalt  }

// kernel: kernel.22.cloned.1.call-start
scs
__scs_entry_jumppad:
0x0: {  	(pc) =	sbr.rel $0x88, $3  }
0x1: {  	(tag) =	ssettag $0x0;
	lr =	simm.s32 $0x1  }
0x2: {  	[smem:$0x3F97] =	sst lr;
	_ =	strace $0xD0000000  }
0x3: {  	_ = 	snop  }
0x4: {  	_ = 	snop  }
0x5: {  	_ = 	snop  }
0x6: {  	_ = 	snop  }
0x7: {  	_ = 	snop  }
__scs_overlays_trampoline_lowered:
0x8: {  	[smem:$0x3FA6] =	sst s0  }
0x9: {  	[smem:$0x3FA7] =	sst s1  }
0xa: {  	[smem:$0x3FA8] =	sst s2  }
0xb: {  	[smem:$0x3FA9] =	sst s3  }
0xc: {  	[smem:$0x3FAA] =	sst s4  }
0xd: {  	[smem:$0x3FAB] =	sst s5  }
0xe: {  	[smem:$0x3FAC] =	sst s6  }
0xf: {  	[smem:$0x3FAD] =	sst s7  }
0x10: {  	[smem:$0x3FAE] =	sst s8  }
0x11: {  	[smem:$0x3FAF] =	sst s9;
	s0 =	simm.s32 @!p0 $0x0  }
0x12: {  	s1 =	sld [smem:$0x3F95];
	s0 =	simm.s32 @p0 $0x1  }
0x13: {  	[smem:$0x3FB0] =	sst s0;
	s0 =	simm.s32 @!p1 $0x0  }
0x14: {  	s2 =	sld [smem:$0x3F94];
	s0 =	simm.s32 @p1 $0x1  }
0x15: {  	[smem:$0x3FB1] =	sst s0;
	s0 =	simm.s32 @!p2 $0x0  }
0x16: {  	s3 =	sld [smem:$0x3FDB];
	s0 =	simm.s32 @p2 $0x1  }
0x17: {  	s4 =	simm.s32 $0x1BF5;
	[smem:$0x3FB3] =	sst s0  }
0x18: {  	s0 =	sld [smem:$0x3F96];
	_ =	swait.ge [sflag:s4], $0x0  }
0x19: {  	s7 =	sld [smem:$0x3F97]  }
0x1a: {  	s8 =	sadd.s32 $0xFFFFE003, lr  }
0x1b: {  	s9 =	sadd.s32 $0xFFFFFEF7, lr;
	s5 =	simm.s32 $0xFFFFFFFF;
	p2 =	slt.u32 s8, $0xFFFFF086  }
0x1c: {  	p1 =	slt.u32 s9, $0xF7A;
	s5 =	simm.s32 @!p2 $0x0  }
0x1d: {  	s5 =	simm.s32 @p1 $0x1;
	p0 =	seq.s32 s7, s2  }
0x1e: {  	s7 =	smul.u32 @!p0 $0xF7A, s2;
	p2 =	seq.s32 @!p0 s5, $0x0  }
0x1f: {  	s9 =	smul.u32 $0xF7A, s1;
	s8 =	simm.s32 @!p0 $0x1BF5;
	p2 =	por !p2, p0  }
0x20: {  	[sflag:s8] =	ssyncset.s32 @!p0 $0xFFFFF086;
	s6 =	sadd.s32 @!p0 s3, s7;
	s7 =	simm.s32 @!p0 $0x108  }
0x21: {  	s3 =	sadd.s32 s3, s9;
	s6 =	sadd.s32 @!p0 $0x88, s6;
	s7 =	simm.s32 @p2 $0x1082  }
0x22: {  	[simem:s7], [sflag:s8] =	dma.local @!p0 [hbm:s6], $0xF7A  }
0x23: {  	s9 =	sor.u32 $0xD0000000, s2;
	s6 =	simm.s32 $0x108;
	_ =	swait.ge @!p0 [sflag:s8], $0x0  }
0x24: {  	s3 =	sadd.s32 $0x88, s3;
	s6 =	simm.s32 @!p1 $0x1082;
	[sflag:s4] =	ssyncset.s32 $0xFFFFF086  }
0x25: {  	[simem:s6], [sflag:s4] =	dma.local [hbm:s3], $0xF7A  }
0x26: {  	[smem:$0x3F97] =	sst s1;
	(tag) =	ssettag s2;
	_ =	strace s9  }
0x27: {  	s1 =	sld [smem:$0x3FA7]  }
0x28: {  	s2 =	sld [smem:$0x3FA8]  }
0x29: {  	s4 =	sld [smem:$0x3FAA]  }
0x2a: {  	p0 =	seq.s32 s5, $0x0;
	s5 =	sld [smem:$0x3FAB]  }
0x2b: {  	s6 =	sld [smem:$0x3FAC]  }
0x2c: {  	s7 =	sld [smem:$0x3FAD]  }
0x2d: {  	s3 =	simm.s32 $0x108;
	s8 =	sld [smem:$0x3FAE]  }
0x2e: {  	s3 =	simm.s32 @!p0 $0x1082;
	s9 =	sld [smem:$0x3FAF]  }
0x2f: {  	lr =	sadd.s32 s0, s3;
	s0 =	sld [smem:$0x3FA6]  }
0x30: {  	s3 =	sld [smem:$0x3FA9]  }
0x31: {  	[smem:$0x3FB2] =	sst s10  }
0x32: {  	s10 =	sld [smem:$0x3FB0];
	_ =	sdelay $0x3  }
0x33: {  	p0 =	seq.s32 s10, $0x1;
	s10 =	sld [smem:$0x3FB2];
	_ =	sdelay $0x3  }
0x34: {  	[smem:$0x3FB2] =	sst s10  }
0x35: {  	s10 =	sld [smem:$0x3FB1];
	_ =	sdelay $0x3  }
0x36: {  	p1 =	seq.s32 s10, $0x1;
	s10 =	sld [smem:$0x3FB2];
	_ =	sdelay $0x3  }
0x37: {  	[smem:$0x3FB2] =	sst s10  }
0x38: {  	s10 =	sld [smem:$0x3FB3]  }
0x39: {  	_ = 	snop;
	(pc) =	sbr.ind lr, $3  }
0x3a: {  	_ = 	snop  }
0x3b: {  	_ = 	snop  }
0x3c: {  	p2 =	seq.s32 s10, $0x1;
	s10 =	sld [smem:$0x3FB2]  }
0x3d: {  	_ =	shalt  }
0x3e: {  	_ =	shalt  }
0x3f: {  	_ =	shalt  }
0x40: {  	_ =	shalt  }
0x41: {  	_ =	shalt  }
0x42: {  	_ =	shalt  }
0x43: {  	_ =	shalt  }
0x44: {  	_ =	shalt  }
0x45: {  	_ =	shalt  }
0x46: {  	_ =	shalt  }
0x47: {  	_ =	shalt  }
0x48: {  	_ =	shalt  }
0x49: {  	_ =	shalt  }
0x4a: {  	_ =	shalt  }
0x4b: {  	_ =	shalt  }
0x4c: {  	_ =	shalt  }
0x4d: {  	_ =	shalt  }
0x4e: {  	_ =	shalt  }
0x4f: {  	_ =	shalt  }
0x50: {  	_ =	shalt  }
0x51: {  	_ =	shalt  }
0x52: {  	_ =	shalt  }
0x53: {  	_ =	shalt  }
0x54: {  	_ =	shalt  }
0x55: {  	_ =	shalt  }
0x56: {  	_ =	shalt  }
0x57: {  	_ =	shalt  }
0x58: {  	_ =	shalt  }
0x59: {  	_ =	shalt  }
0x5a: {  	_ =	shalt  }
0x5b: {  	_ =	shalt  }
0x5c: {  	_ =	shalt  }
0x5d: {  	_ =	shalt  }
0x5e: {  	_ =	shalt  }
0x5f: {  	_ =	shalt  }
0x60: {  	_ =	shalt  }
0x61: {  	_ =	shalt  }
0x62: {  	_ =	shalt  }
0x63: {  	_ =	shalt  }
0x64: {  	_ =	shalt  }
0x65: {  	_ =	shalt  }
0x66: {  	_ =	shalt  }
0x67: {  	_ =	shalt  }
0x68: {  	_ =	shalt  }
0x69: {  	_ =	shalt  }
0x6a: {  	_ =	shalt  }
0x6b: {  	_ =	shalt  }
0x6c: {  	_ =	shalt  }
0x6d: {  	_ =	shalt  }
0x6e: {  	_ =	shalt  }
0x6f: {  	_ =	shalt  }
0x70: {  	_ =	shalt  }
0x71: {  	_ =	shalt  }
0x72: {  	_ =	shalt  }
0x73: {  	_ =	shalt  }
0x74: {  	_ =	shalt  }
0x75: {  	_ =	shalt  }
0x76: {  	_ =	shalt  }
0x77: {  	_ =	shalt  }
0x78: {  	_ =	shalt  }
0x79: {  	_ =	shalt  }
0x7a: {  	_ =	shalt  }
0x7b: {  	_ =	shalt  }
0x7c: {  	_ =	shalt  }
0x7d: {  	_ =	shalt  }
0x7e: {  	_ =	shalt  }
0x7f: {  	_ =	shalt  }
0x80: {  	_ =	shalt  }
0x81: {  	_ =	shalt  }
0x82: {  	_ =	shalt  }
0x83: {  	_ =	shalt  }
0x84: {  	_ =	shalt  }
0x85: {  	_ =	shalt  }
0x86: {  	_ =	shalt  }
0x87: {  	_ =	shalt  }
.Lfunc_end0:
.L_simem_size_0:
called_computation.2_lowered:
.L_overlay_start_0:
0x88: {  	s2 =	sld [smem:$0x3FD9]  }
0x89: {  	s3 =	sld [smem:$0x3FFE];
	_ =	sdelay $0x1  }
0x8a: {  	s1 =	srdreg.scid  }
0x8b: {  	s0 =	sand.u32 $0x1, s1  }
0x8c: {  	s17 =	sshll.u32 s0, $0xA;
	s2 =	sadd.s32 s3, s2  }
0x8d: {  	s2 =	sadd.s32 s2, s17  }
0x8e: {  	[smem:$0x3FBE] =	sst s2  }
0x8f: {  	_ = 	snop  }
0x90: {  	s18 =	sld [smem:$0x3FC9];
	(tm) =	ssettm $0x1  }
0x91: {  	s19 =	sld [smem:$0x3FFB];
	_ =	sdelay $0x3  }
0x92: {  	_ =	strace s19  }
0x93: {  	s2 =	sld [smem:$0x3FFC];
	_ =	sdelay $0x3  }
0x94: {  	_ =	strace s2  }
0x95: {  	s2 =	sld [smem:$0x3FFD];
	_ =	sdelay $0x3  }
0x96: {  	_ =	strace s2  }
0x97: {  	_ =	strace $0x8FFFFFFF  }
0x98: {  	s20 =	sld [smem:$0x3FDB];
	_ =	sdelay $0x1  }
0x99: {  	s4 =	simm.s32 $_scs_section_size  }
0x9a: {  	s5 =	simm.s32 $_size__tile_overlayer_lowered;
	s6 =	simm.s32 $_tile_overlayer_lowered  }
0x9b: {  	s7 =	simm.s32 $0x1BFF;
	s21 =	sshll.u32 s6, $0x1;
	s4 =	sadd.s32 s4, s20  }
0x9c: {  	s22 =	simm.s32 $0x0;
	s5 =	sshll.u32 s5, $0x1;
	s6 =	sadd.s32 s21, s4  }
0x9d: {  	[timem:s22], [sflag:s7] =	dma.local [hbm:s6], s5  }
0x9e: {  	_ =	swait.ge [sflag:s7], s5  }
0x9f: {  	s5 =	ssub.s32 $0x0, s5;
	[sflag:s7] =	ssyncset.done $0x0  }
0xa0: {  	[sflag:s7] =	ssyncadd.s32 s5;
	_ =	sdelay $0x1  }
0xa1: {  	s23 =	simm.s32 $0x1B8B  }
0xa2: {  	_ =	swait.ge [sflag:s23], $0x1  }
0xa3: {  	[sflag:s23] =	ssyncset.done $0x0  }
0xa4: {  	[sflag:s23] =	ssyncadd.s32 $0xFFFFFFFF  }
0xa5: {  	s5 =	sld [smem:$0x0]  }
0xa6: {  	s6 =	sand.u32 $0xFFFFFFFE, s1  }
0xa7: {  	p0 =	sne.s32 s1, s6  }
0xa8: {  	s6 =	sshll.u32 @p0 s6, $0xE  }
0xa9: {  	s6 =	sadd.s32 @p0 $0x11B8D, s6;
	s7 =	sshll.u32 @p0 s5, $0x11  }
0xaa: {  	s6 =	sor.u32 @p0 s7, s6  }
0xab: {  	[sflag:s6] =	ssyncadd.remote.s32 @p0 $0x1;
	_ =	sdelay $0x1  }
0xac: {  	s6 =	simm.s32 @p0 $0x1B8D  }
0xad: {  	_ =	swait.eq @p0 [sflag:s6], $0x1  }
0xae: {  	[sflag:s6] =	ssyncadd.s32 @p0 $0xFFFFFFFF  }
0xaf: {  	s7 =	sshll.u32 @!p0 s1, $0xE  }
0xb0: {  	s7 =	sor.u32 @!p0 $0x4000, s7;
	s6 =	simm.s32 @!p0 $0x1B8D  }
0xb1: {  	s5 =	sshll.u32 @!p0 s5, $0x11;
	s7 =	sadd.s32 @!p0 $0x11B8D, s7;
	_ =	swait.eq @!p0 [sflag:s6], $0x1  }
0xb2: {  	s5 =	sor.u32 @!p0 s5, s7;
	[sflag:s6] =	ssyncadd.s32 @!p0 $0xFFFFFFFF  }
0xb3: {  	s25 =	simm.s32 $0x1B8E;
	s24 =	sld [smem:$0x3FFE];
	[sflag:s5] =	ssyncadd.remote.s32 @!p0 $0x1  }
0xb4: {  	s26 =	simm.s32 $execute0_lowered;
	[smem:$0x3FD2] =	sst s25  }
0xb5: {  	s6 =	sshll.u32 s26, $0x1;
	_ =	strace $0x8000004C;
	[dreg:$0x1] =	wrdreg $0xFFFFFFFF  }
0xb6: {  	s28 =	simm.s32 $_size_execute0_lowered;
	s4 =	sadd.s32 s4, s6;
	[dreg:$0x0] =	wrdreg $0x0  }
0xb7: {  	s6 =	sshll.u32 s28, $0x1;
	[dreg:$0x2] =	wrdreg s4  }
0xb8: {  	[dreg:$0x3] =	wrdreg s6  }
0xb9: {  	[dreg:$0x4] =	wrdreg $0xC0  }
0xba: {  	_ =	task [dreg:s22], $0x5FFFF  }
0xbb: {  	[dreg:$0x1] =	wrdreg $0xFFFFFFFF  }
0xbc: {  	[dreg:$0x0] =	wrdreg $0x60  }
0xbd: {  	[dreg:$0x2] =	wrdreg s18  }
0xbe: {  	[dreg:$0x3] =	wrdreg s24  }
0xbf: {  	[dreg:$0x4] =	wrdreg $0xB  }
0xc0: {  	_ =	task.clear_ibuf [dreg:s22], $0x5FFFF;
	_ =	strace $0x9000004C  }
0xc1: {  	s29 =	simm.s32 $0xB;
	_ =	strace $0x8000004E  }
0xc2: {  	_ =	swait.ge [sflag:s29], $0x1  }
0xc3: {  	[sflag:s29] =	ssyncadd.s32 $0xFFFFFFFF  }
0xc4: {  	_ =	strace $0x9000004E  }
0xc5: {  	_ =	sfence  }
0xc6: {  	s30 =	sld [smem:$0x0];
	_ =	sdelay $0x2  }
0xc7: {  	s31 =	sshll.u32 s1, $0xD;
	s1 =	sshrl.u32 s1, $0x2  }
0xc8: {  	s4 =	sand.u32 $0x4000, s31;
	s1 =	sadd.s32 s1, s30  }
0xc9: {  	s0 =	sor.u32 s4, s0;
	s1 =	sshll.u32 s1, $0x11  }
0xca: {  	s0 =	sor.u32 s1, s0  }
0xcb: {  	s0 =	sadd.s32 $0x8F2B, s0  }
0xcc: {  	[sflag:s0] =	ssyncadd.remote.s32 $0x1  }
0xcd: {  	_ =	sfence.sel $0xFFFF  }
0xce: {  	[dreg:$0x0] =	wrdreg $0xFFFFFFFF;
	(pc) =	sbr.abs _section_cstart, $3  }
0xcf: {  	[dreg:$0x1] =	wrdreg $0xFFFFFFFF  }
0xd0: {  	_ =	task.clear_ibuf [dreg:s22], $0x2FFFF;
	_ =	strace $0x9FFFFFFF  }
0xd1: {  	(tm) =	ssettm $0x7FFFFFFF  }
tec
execute0_lowered:
.L_overlay_start_1:
0x0: {  	(tag) =	ssettag $0x1  }
0x1: {  	s1 =	rddreg [dreg:$0x0]  }
0x2: {  	s0 =	rddreg [dreg:$0x1];
	s2 =	srdreg.scid;
	s3 =	simm.s32 $0x0  }
0x3: {  	s15 =	stileid.u32;
	s18 =	simm.s32 $0x5;
	s19 =	simm.s32 $0x80  }
0x4: {  	s28 =	simm.s32 $0x1;
	s29 =	simm.s32 $0x2;
	s30 =	simm.s32 $0x3  }
0x5: {  	s31 =	simm.s32 $0x4;
	s2 =	sand.u32 $0x1, s2;
	[smem:$0x7FF] =	sst s3  }
0x6: {  	s5 =	sadd.s32 $0x19E00, s0;
	s8 =	sadd.s32 $0x409E00, s0;
	s13 =	smul.u32 $0x7D0, s15  }
0x7: {  	s4 =	sshll.u32 s2, $0x4;
	_ =	strace $0x8000004D;
	s11 =	smul.u32 $0x7D00, s2  }
0x8: {  	s9 =	ssub.s32 $0x2, s2;
	s14 =	smul.u32 $0x7D000, s2;
	s6 =	sor.u32 s15, s4  }
0x9: {  	s4 =	sadd.s32 $0x1BE00, s0;
	s0 =	sadd.s32 $0x503E00, s0;
	s15 =	smul.u32 $0x7D00, s15  }
0xa: {  	s10 =	sshrl.u32 s9, $0x1;
	s7 =	smul.u32 $0x7D0, s6;
	s13 =	sadd.s32 s13, s11  }
0xb: {  	s6 =	smul.u32 $0x3E800, s6;
	s12 =	ssub.s32 s9, s10;
	s25 =	sadd.s32 $0xF0, s13  }
0xc: {  	s12 =	smax.u32 s12, $0x1;
	s2 =	sadd.s32 $0xA0, s13;
	s7 =	sshrl.u32 s7, $0x3  }
0xd: {  	s6 =	sshrl.u32 s6, $0x3;
	s26 =	sshrl.u32 s25, $0x3;
	s20 =	sadd.s32 s4, s7  }
0xe: {  	s21 =	sadd.s32 $0xA, s7;
	s7 =	sadd.s32 s5, s7;
	[dreg:$0x3] =	wrdreg s20  }
0xf: {  	s25 =	simm.s32 $0x5200;
	s6 =	sadd.s32 $0x7800, s6;
	[dreg:$0x4] =	wrdreg s7  }
0x10: {  	s22 =	sadd.s32 s4, s21;
	s23 =	sadd.s32 s5, s21;
	s24 =	sadd.s32 s8, s6  }
0x11: {  	s11 =	sadd.s32 s0, s6;
	s7 =	sadd.s32 s26, s5;
	s6 =	sadd.s32 s26, s4  }
.Ltmp0:
0x12: {  	s8 =	sadd.s32 s14, s8;
	[dreg:$0x5] =	wrdreg s22;
	(pc) =	sbr.rel .LBB2_1-.Ltmp0, $4  }
0x13: {  	s0 =	sadd.s32 s14, s0;
	s20 =	simm.s32 $0x50;
	[dreg:$0x6] =	wrdreg s23  }
0x14: {  	s21 =	simm.s32 $0x200;
	s26 =	simm.s32 $0x7A00;
	[dreg:$0x7] =	wrdreg s24  }
0x15: {  	s16 =	sadd.s32 s15, s8;
	s17 =	sadd.s32 s15, s0;
	s22 =	simm.s32 $0x2A00  }
0x16: {  	s23 =	simm.s32 $0x100;
	s24 =	simm.s32 $0x180;
	s0 =	simm.s32 $0x0  }
.LBB2_4:
0x17: {  	_ =	swait.ge [sflag:s28], $0x2800  }
0x18: {  	[sflag:s28] =	ssyncset.done $0x0  }
0x19: {  	[sflag:s28] =	ssyncadd.s32 $0xFFFFD800  }
0x1a: {  	_ =	swait.ge [sflag:s28], $0x2800  }
0x1b: {  	[sflag:s28] =	ssyncset.done $0x0  }
0x1c: {  	s8 =	rddreg [dreg:$0x7];
	[sflag:s28] =	ssyncadd.s32 $0xFFFFD800  }
0x1d: {  	[hbm4b:s8+s3] =	stream.linear.scatter [tilespmem:s21], [sflag:$0x3], $0x2800, $0x38;
	[tilespmem:$0xA200] =	vst v63  }
0x1e: {  	s0 =	sadd.s32 $0x1, s0  }
0x1f: {  	[hbm4b:s11+s3] =	stream.linear.scatter [tilespmem:s22], [sflag:$0x3], $0x2800, $0x38;
	[tilespmem:$0xA200] =	vst v63  }
0x20: {  	p0 =	sne.s32 s0, s12;
	_ =	swait.ge [sflag:s30], $0x2800  }
.Ltmp1:
0x21: {  	[sflag:s30] =	ssyncset.done $0x0;
	(pc) =	sbr.rel @!p0 .LBB2_5-.Ltmp1, $4  }
0x22: {  	[sflag:s30] =	ssyncadd.s32 $0xFFFFD800  }
0x23: {  	_ =	swait.ge [sflag:s30], $0x2800  }
0x24: {  	[sflag:s30] =	ssyncset.done $0x0  }
0x25: {  	[sflag:s30] =	ssyncadd.s32 $0xFFFFD800  }
.LBB2_1:
0x26: {  	s8 =	rddreg [dreg:$0x3]  }
0x27: {  	[tilespmem:s3], [sflag:$0x5] =	stream.linear.gather [hbm4b:s8+s3], $0x50, $0x38;
	[tilespmem:$0xA200] =	vst v63  }
0x28: {  	_ =	swait.ge [sflag:s18], $0x50  }
0x29: {  	[sflag:s18] =	ssyncset.done $0x0  }
0x2a: {  	s13 =	rddreg [dreg:$0x4];
	[sflag:s18] =	ssyncadd.s32 $0xFFFFFFB0  }
0x2b: {  	[tilespmem:s19], [sflag:$0x5] =	stream.linear.gather [hbm4b:s13+s3], $0x50, $0x38;
	[tilespmem:$0xA200] =	vst v63  }
0x2c: {  	_ =	swait.ge [sflag:s18], $0x50  }
0x2d: {  	[sflag:s18] =	ssyncset.done $0x0  }
0x2e: {  	[sflag:s18] =	ssyncadd.s32 $0xFFFFFFB0  }
0x2f: {  	[tilespmem:s21], [sflag:$0x1] =	stream.indirect.gather [hbm4b:s1+s20], $0x80, s3, s20, $0xb8;
	[tilespmem:$0xA200] =	vst v63  }
0x30: {  	_ = 	snop  }
0x31: {  	[tilespmem:s22], [sflag:$0x1] =	stream.indirect.gather [hbm4b:s1+s20], $0x80, s19, s20, $0xb8;
	[tilespmem:$0xA200] =	vst v63  }
0x32: {  	s14 =	rddreg [dreg:$0x5]  }
0x33: {  	[tilespmem:s23], [sflag:$0x5] =	stream.linear.gather [hbm4b:s14+s3], $0x50, $0x38;
	[tilespmem:$0xA200] =	vst v63  }
0x34: {  	_ =	swait.ge [sflag:s18], $0x50  }
0x35: {  	[sflag:s18] =	ssyncset.done $0x0  }
0x36: {  	s15 =	rddreg [dreg:$0x6];
	[sflag:s18] =	ssyncadd.s32 $0xFFFFFFB0  }
0x37: {  	[tilespmem:s24], [sflag:$0x5] =	stream.linear.gather [hbm4b:s15+s3], $0x50, $0x38;
	[tilespmem:$0xA200] =	vst v63  }
0x38: {  	_ =	swait.ge [sflag:s18], $0x50  }
0x39: {  	[sflag:s18] =	ssyncset.done $0x0  }
0x3a: {  	s8 =	simm.s32 $0x0;
	[sflag:s18] =	ssyncadd.s32 $0xFFFFFFB0  }
0x3b: {  	[tilespmem:s25], [sflag:$0x2] =	stream.indirect.gather [hbm4b:s1+s20], $0x80, s23, s20, $0xb8;
	[tilespmem:$0xA200] =	vst v63  }
0x3c: {  	s13 =	smov.u32 s7;
	s14 =	smov.u32 s6;
	s15 =	smov.u32 s2  }
0x3d: {  	[tilespmem:s26], [sflag:$0x2] =	stream.indirect.gather [hbm4b:s1+s20], $0x80, s24, s20, $0xb8;
	[tilespmem:$0xA200] =	vst v63  }
.LBB2_2:
0x3e: {  	_ =	swait.ge [sflag:s28], $0x2800  }
0x3f: {  	[sflag:s28] =	ssyncset.done $0x0  }
0x40: {  	[sflag:s28] =	ssyncadd.s32 $0xFFFFD800  }
0x41: {  	_ =	swait.ge [sflag:s28], $0x2800  }
0x42: {  	[sflag:s28] =	ssyncset.done $0x0  }
0x43: {  	s9 =	sadd.s32 s8, s16;
	[sflag:s28] =	ssyncadd.s32 $0xFFFFD800  }
0x44: {  	[hbm4b:s9+s3] =	stream.linear.scatter [tilespmem:s21], [sflag:$0x3], $0x2800, $0x38;
	[tilespmem:$0xA200] =	vst v63  }
0x45: {  	s10 =	sadd.s32 s8, s17  }
0x46: {  	[hbm4b:s10+s3] =	stream.linear.scatter [tilespmem:s22], [sflag:$0x3], $0x2800, $0x38;
	[tilespmem:$0xA200] =	vst v63  }
0x47: {  	_ =	swait.ge [sflag:s29], $0x2800  }
0x48: {  	[sflag:s29] =	ssyncset.done $0x0  }
0x49: {  	[sflag:s29] =	ssyncadd.s32 $0xFFFFD800  }
0x4a: {  	_ =	swait.ge [sflag:s29], $0x2800  }
0x4b: {  	[sflag:s29] =	ssyncset.done $0x0  }
0x4c: {  	s9 =	sadd.s32 $0x500, s9;
	[sflag:s29] =	ssyncadd.s32 $0xFFFFD800  }
0x4d: {  	[hbm4b:s9+s3] =	stream.linear.scatter [tilespmem:s25], [sflag:$0x4], $0x2800, $0x38;
	[tilespmem:$0xA200] =	vst v63  }
0x4e: {  	s10 =	sadd.s32 $0x500, s10  }
0x4f: {  	[hbm4b:s10+s3] =	stream.linear.scatter [tilespmem:s26], [sflag:$0x4], $0x2800, $0x38;
	[tilespmem:$0xA200] =	vst v63  }
0x50: {  	_ =	swait.ge [sflag:s30], $0x2800  }
0x51: {  	[sflag:s30] =	ssyncset.done $0x0  }
0x52: {  	[sflag:s30] =	ssyncadd.s32 $0xFFFFD800  }
0x53: {  	_ =	swait.ge [sflag:s30], $0x2800  }
0x54: {  	s9 =	sshrl.u32 s15, $0x3;
	[sflag:s30] =	ssyncset.done $0x0  }
0x55: {  	s10 =	sadd.s32 s4, s9;
	[sflag:s30] =	ssyncadd.s32 $0xFFFFD800  }
0x56: {  	[tilespmem:s3], [sflag:$0x5] =	stream.linear.gather [hbm4b:s10+s3], $0x50, $0x38;
	[tilespmem:$0xA200] =	vst v63  }
0x57: {  	_ =	swait.ge [sflag:s18], $0x50  }
0x58: {  	[sflag:s18] =	ssyncset.done $0x0  }
0x59: {  	s9 =	sadd.s32 s5, s9;
	[sflag:s18] =	ssyncadd.s32 $0xFFFFFFB0  }
0x5a: {  	[tilespmem:s19], [sflag:$0x5] =	stream.linear.gather [hbm4b:s9+s3], $0x50, $0x38;
	[tilespmem:$0xA200] =	vst v63  }
0x5b: {  	_ =	swait.ge [sflag:s18], $0x50  }
0x5c: {  	[sflag:s18] =	ssyncset.done $0x0  }
0x5d: {  	[sflag:s18] =	ssyncadd.s32 $0xFFFFFFB0  }
0x5e: {  	[tilespmem:s21], [sflag:$0x1] =	stream.indirect.gather [hbm4b:s1+s20], $0x80, s3, s20, $0xb8;
	[tilespmem:$0xA200] =	vst v63  }
0x5f: {  	_ = 	snop  }
0x60: {  	[tilespmem:s22], [sflag:$0x1] =	stream.indirect.gather [hbm4b:s1+s20], $0x80, s19, s20, $0xb8;
	[tilespmem:$0xA200] =	vst v63  }
0x61: {  	p0 =	seq.s32 s8, $0x6E00;
	_ =	swait.ge [sflag:s31], $0x2800  }
.Ltmp2:
0x62: {  	[sflag:s31] =	ssyncset.done $0x0;
	(pc) =	sbr.rel @p0 .LBB2_4-.Ltmp2, $4  }
0x63: {  	[sflag:s31] =	ssyncadd.s32 $0xFFFFD800  }
0x64: {  	_ =	swait.ge [sflag:s31], $0x2800  }
0x65: {  	[sflag:s31] =	ssyncset.done $0x0  }
0x66: {  	[sflag:s31] =	ssyncadd.s32 $0xFFFFD800  }
0x67: {  	[tilespmem:s23], [sflag:$0x5] =	stream.linear.gather [hbm4b:s14+s3], $0x50, $0x38;
	[tilespmem:$0xA200] =	vst v63  }
0x68: {  	_ =	swait.ge [sflag:s18], $0x50  }
0x69: {  	[sflag:s18] =	ssyncset.done $0x0  }
0x6a: {  	[sflag:s18] =	ssyncadd.s32 $0xFFFFFFB0  }
0x6b: {  	[tilespmem:s24], [sflag:$0x5] =	stream.linear.gather [hbm4b:s13+s3], $0x50, $0x38;
	[tilespmem:$0xA200] =	vst v63  }
0x6c: {  	_ =	swait.ge [sflag:s18], $0x50  }
.Ltmp3:
0x6d: {  	[sflag:s18] =	ssyncset.done $0x0;
	(pc) =	sbr.rel .LBB2_2-.Ltmp3, $4  }
0x6e: {  	s8 =	sadd.s32 $0xA00, s8;
	[sflag:s18] =	ssyncadd.s32 $0xFFFFFFB0  }
0x6f: {  	[tilespmem:s25], [sflag:$0x2] =	stream.indirect.gather [hbm4b:s1+s20], $0x80, s23, s20, $0xb8;
	[tilespmem:$0xA200] =	vst v63  }
0x70: {  	s14 =	sadd.s32 $0x14, s14;
	s15 =	sadd.s32 $0xA0, s15;
	s13 =	sadd.s32 $0x14, s13  }
0x71: {  	[tilespmem:s26], [sflag:$0x2] =	stream.indirect.gather [hbm4b:s1+s20], $0x80, s24, s20, $0xb8;
	[tilespmem:$0xA200] =	vst v63  }
.LBB2_5:
0x72: {  	_ =	sfence.sel $0x180000  }
0x73: {  	[bflag:$0x0] =	sbarrier.arrive $0xFFFF  }
0x74: {  	_ =	strace $0x9000004D  }
0x75: {  	s0 =	stileid.u32;
	[bflag:$0x2] =	sbarrier.arrive $0xFFFF  }
0x76: {  	p0 =	sne.s32 s0, $0x0;
	s0 =	rddreg [dreg:$0x2]  }
0x77: {  	s0 =	sadd.s32 @!p0 $0x100000, s0  }
0x78: {  	[sflag:s0] =	ssyncadd.tile.s32 @!p0 $0x1;
	_ =	shalt  }
.Lfunc_end2:
_tile_overlayer_lowered:
.L_overlay_start_2:
0x79: {  	(tag) =	ssettag $0x2  }
0x7a: {  	s0 =	rddreg [dreg:$0x0];
	s2 =	stileid.u32  }
0x7b: {  	s1 =	rddreg [dreg:$0x1];
	p0 =	sne.s32 s2, $0x0  }
0x7c: {  	s3 =	rddreg [dreg:$0x2];
	[bflag:$0x3] =	sbarrier.arrive $0xFFFF;
	s2 =	simm.s32 @!p0 $0x1C05  }
0x7d: {  	[timem:s3], [sflag:s2] =	dma.local @!p0 [hbm:s0], s1  }
0x7e: {  	s0 =	simm.s32 @!p0 $0x5  }
0x7f: {  	_ =	swait.ge @!p0 [sflag:s0], s1  }
0x80: {  	s1 =	ssub.s32 @!p0 $0x0, s1;
	[sflag:s0] =	ssyncset.done @!p0 $0x0  }
0x81: {  	[sflag:s0] =	ssyncadd.s32 @!p0 s1  }
0x82: {  	[bflag:$0x3] =	sbarrier.arrive $0xFFFF  }
0x83: {  	_ =	shalt  }

// kernel: kernel.25.cloned.1.call-start
scs
__scs_entry_jumppad:
0x0: {  	(pc) =	sbr.rel $0x88, $3  }
0x1: {  	(tag) =	ssettag $0x0;
	lr =	simm.s32 $0x1  }
0x2: {  	[smem:$0x3F97] =	sst lr;
	_ =	strace $0xD0000000  }
0x3: {  	_ = 	snop  }
0x4: {  	_ = 	snop  }
0x5: {  	_ = 	snop  }
0x6: {  	_ = 	snop  }
0x7: {  	_ = 	snop  }
__scs_overlays_trampoline_lowered:
0x8: {  	[smem:$0x3FA6] =	sst s0  }
0x9: {  	[smem:$0x3FA7] =	sst s1  }
0xa: {  	[smem:$0x3FA8] =	sst s2  }
0xb: {  	[smem:$0x3FA9] =	sst s3  }
0xc: {  	[smem:$0x3FAA] =	sst s4  }
0xd: {  	[smem:$0x3FAB] =	sst s5  }
0xe: {  	[smem:$0x3FAC] =	sst s6  }
0xf: {  	[smem:$0x3FAD] =	sst s7  }
0x10: {  	[smem:$0x3FAE] =	sst s8  }
0x11: {  	[smem:$0x3FAF] =	sst s9;
	s0 =	simm.s32 @!p0 $0x0  }
0x12: {  	s1 =	sld [smem:$0x3F95];
	s0 =	simm.s32 @p0 $0x1  }
0x13: {  	[smem:$0x3FB0] =	sst s0;
	s0 =	simm.s32 @!p1 $0x0  }
0x14: {  	s2 =	sld [smem:$0x3F94];
	s0 =	simm.s32 @p1 $0x1  }
0x15: {  	[smem:$0x3FB1] =	sst s0;
	s0 =	simm.s32 @!p2 $0x0  }
0x16: {  	s3 =	sld [smem:$0x3FDB];
	s0 =	simm.s32 @p2 $0x1  }
0x17: {  	s4 =	simm.s32 $0x1BF5;
	[smem:$0x3FB3] =	sst s0  }
0x18: {  	s0 =	sld [smem:$0x3F96];
	_ =	swait.ge [sflag:s4], $0x0  }
0x19: {  	s7 =	sld [smem:$0x3F97]  }
0x1a: {  	s8 =	sadd.s32 $0xFFFFE003, lr  }
0x1b: {  	s9 =	sadd.s32 $0xFFFFFEF7, lr;
	s5 =	simm.s32 $0xFFFFFFFF;
	p2 =	slt.u32 s8, $0xFFFFF086  }
0x1c: {  	p1 =	slt.u32 s9, $0xF7A;
	s5 =	simm.s32 @!p2 $0x0  }
0x1d: {  	s5 =	simm.s32 @p1 $0x1;
	p0 =	seq.s32 s7, s2  }
0x1e: {  	s7 =	smul.u32 @!p0 $0xF7A, s2;
	p2 =	seq.s32 @!p0 s5, $0x0  }
0x1f: {  	s9 =	smul.u32 $0xF7A, s1;
	s8 =	simm.s32 @!p0 $0x1BF5;
	p2 =	por !p2, p0  }
0x20: {  	[sflag:s8] =	ssyncset.s32 @!p0 $0xFFFFF086;
	s6 =	sadd.s32 @!p0 s3, s7;
	s7 =	simm.s32 @!p0 $0x108  }
0x21: {  	s3 =	sadd.s32 s3, s9;
	s6 =	sadd.s32 @!p0 $0x88, s6;
	s7 =	simm.s32 @p2 $0x1082  }
0x22: {  	[simem:s7], [sflag:s8] =	dma.local @!p0 [hbm:s6], $0xF7A  }
0x23: {  	s9 =	sor.u32 $0xD0000000, s2;
	s6 =	simm.s32 $0x108;
	_ =	swait.ge @!p0 [sflag:s8], $0x0  }
0x24: {  	s3 =	sadd.s32 $0x88, s3;
	s6 =	simm.s32 @!p1 $0x1082;
	[sflag:s4] =	ssyncset.s32 $0xFFFFF086  }
0x25: {  	[simem:s6], [sflag:s4] =	dma.local [hbm:s3], $0xF7A  }
0x26: {  	[smem:$0x3F97] =	sst s1;
	(tag) =	ssettag s2;
	_ =	strace s9  }
0x27: {  	s1 =	sld [smem:$0x3FA7]  }
0x28: {  	s2 =	sld [smem:$0x3FA8]  }
0x29: {  	s4 =	sld [smem:$0x3FAA]  }
0x2a: {  	p0 =	seq.s32 s5, $0x0;
	s5 =	sld [smem:$0x3FAB]  }
0x2b: {  	s6 =	sld [smem:$0x3FAC]  }
0x2c: {  	s7 =	sld [smem:$0x3FAD]  }
0x2d: {  	s3 =	simm.s32 $0x108;
	s8 =	sld [smem:$0x3FAE]  }
0x2e: {  	s3 =	simm.s32 @!p0 $0x1082;
	s9 =	sld [smem:$0x3FAF]  }
0x2f: {  	lr =	sadd.s32 s0, s3;
	s0 =	sld [smem:$0x3FA6]  }
0x30: {  	s3 =	sld [smem:$0x3FA9]  }
0x31: {  	[smem:$0x3FB2] =	sst s10  }
0x32: {  	s10 =	sld [smem:$0x3FB0];
	_ =	sdelay $0x3  }
0x33: {  	p0 =	seq.s32 s10, $0x1;
	s10 =	sld [smem:$0x3FB2];
	_ =	sdelay $0x3  }
0x34: {  	[smem:$0x3FB2] =	sst s10  }
0x35: {  	s10 =	sld [smem:$0x3FB1];
	_ =	sdelay $0x3  }
0x36: {  	p1 =	seq.s32 s10, $0x1;
	s10 =	sld [smem:$0x3FB2];
	_ =	sdelay $0x3  }
0x37: {  	[smem:$0x3FB2] =	sst s10  }
0x38: {  	s10 =	sld [smem:$0x3FB3]  }
0x39: {  	_ = 	snop;
	(pc) =	sbr.ind lr, $3  }
0x3a: {  	_ = 	snop  }
0x3b: {  	_ = 	snop  }
0x3c: {  	p2 =	seq.s32 s10, $0x1;
	s10 =	sld [smem:$0x3FB2]  }
0x3d: {  	_ =	shalt  }
0x3e: {  	_ =	shalt  }
0x3f: {  	_ =	shalt  }
0x40: {  	_ =	shalt  }
0x41: {  	_ =	shalt  }
0x42: {  	_ =	shalt  }
0x43: {  	_ =	shalt  }
0x44: {  	_ =	shalt  }
0x45: {  	_ =	shalt  }
0x46: {  	_ =	shalt  }
0x47: {  	_ =	shalt  }
0x48: {  	_ =	shalt  }
0x49: {  	_ =	shalt  }
0x4a: {  	_ =	shalt  }
0x4b: {  	_ =	shalt  }
0x4c: {  	_ =	shalt  }
0x4d: {  	_ =	shalt  }
0x4e: {  	_ =	shalt  }
0x4f: {  	_ =	shalt  }
0x50: {  	_ =	shalt  }
0x51: {  	_ =	shalt  }
0x52: {  	_ =	shalt  }
0x53: {  	_ =	shalt  }
0x54: {  	_ =	shalt  }
0x55: {  	_ =	shalt  }
0x56: {  	_ =	shalt  }
0x57: {  	_ =	shalt  }
0x58: {  	_ =	shalt  }
0x59: {  	_ =	shalt  }
0x5a: {  	_ =	shalt  }
0x5b: {  	_ =	shalt  }
0x5c: {  	_ =	shalt  }
0x5d: {  	_ =	shalt  }
0x5e: {  	_ =	shalt  }
0x5f: {  	_ =	shalt  }
0x60: {  	_ =	shalt  }
0x61: {  	_ =	shalt  }
0x62: {  	_ =	shalt  }
0x63: {  	_ =	shalt  }
0x64: {  	_ =	shalt  }
0x65: {  	_ =	shalt  }
0x66: {  	_ =	shalt  }
0x67: {  	_ =	shalt  }
0x68: {  	_ =	shalt  }
0x69: {  	_ =	shalt  }
0x6a: {  	_ =	shalt  }
0x6b: {  	_ =	shalt  }
0x6c: {  	_ =	shalt  }
0x6d: {  	_ =	shalt  }
0x6e: {  	_ =	shalt  }
0x6f: {  	_ =	shalt  }
0x70: {  	_ =	shalt  }
0x71: {  	_ =	shalt  }
0x72: {  	_ =	shalt  }
0x73: {  	_ =	shalt  }
0x74: {  	_ =	shalt  }
0x75: {  	_ =	shalt  }
0x76: {  	_ =	shalt  }
0x77: {  	_ =	shalt  }
0x78: {  	_ =	shalt  }
0x79: {  	_ =	shalt  }
0x7a: {  	_ =	shalt  }
0x7b: {  	_ =	shalt  }
0x7c: {  	_ =	shalt  }
0x7d: {  	_ =	shalt  }
0x7e: {  	_ =	shalt  }
0x7f: {  	_ =	shalt  }
0x80: {  	_ =	shalt  }
0x81: {  	_ =	shalt  }
0x82: {  	_ =	shalt  }
0x83: {  	_ =	shalt  }
0x84: {  	_ =	shalt  }
0x85: {  	_ =	shalt  }
0x86: {  	_ =	shalt  }
0x87: {  	_ =	shalt  }
.Lfunc_end0:
.L_simem_size_0:
called_computation.3_lowered:
.L_overlay_start_0:
0x88: {  	s2 =	sld [smem:$0x3FD9]  }
0x89: {  	s3 =	sld [smem:$0x3FFE];
	_ =	sdelay $0x1  }
0x8a: {  	s1 =	srdreg.scid  }
0x8b: {  	s0 =	sand.u32 $0x1, s1  }
0x8c: {  	s17 =	sshll.u32 s0, $0xA;
	s2 =	sadd.s32 s3, s2  }
0x8d: {  	s2 =	sadd.s32 s2, s17  }
0x8e: {  	[smem:$0x3FBE] =	sst s2  }
0x8f: {  	_ = 	snop  }
0x90: {  	s18 =	sld [smem:$0x3FC9];
	(tm) =	ssettm $0x1  }
0x91: {  	s19 =	sld [smem:$0x3FFB];
	_ =	sdelay $0x3  }
0x92: {  	_ =	strace s19  }
0x93: {  	s2 =	sld [smem:$0x3FFC];
	_ =	sdelay $0x3  }
0x94: {  	_ =	strace s2  }
0x95: {  	s2 =	sld [smem:$0x3FFD];
	_ =	sdelay $0x3  }
0x96: {  	_ =	strace s2  }
0x97: {  	_ =	strace $0x8FFFFFFF  }
0x98: {  	s20 =	sld [smem:$0x3FDB];
	_ =	sdelay $0x1  }
0x99: {  	s4 =	simm.s32 $_scs_section_size  }
0x9a: {  	s5 =	simm.s32 $_size__tile_overlayer_lowered;
	s6 =	simm.s32 $_tile_overlayer_lowered  }
0x9b: {  	s7 =	simm.s32 $0x1BFF;
	s21 =	sshll.u32 s6, $0x1;
	s4 =	sadd.s32 s4, s20  }
0x9c: {  	s22 =	simm.s32 $0x0;
	s5 =	sshll.u32 s5, $0x1;
	s6 =	sadd.s32 s21, s4  }
0x9d: {  	[timem:s22], [sflag:s7] =	dma.local [hbm:s6], s5  }
0x9e: {  	_ =	swait.ge [sflag:s7], s5  }
0x9f: {  	s5 =	ssub.s32 $0x0, s5;
	[sflag:s7] =	ssyncset.done $0x0  }
0xa0: {  	[sflag:s7] =	ssyncadd.s32 s5;
	_ =	sdelay $0x1  }
0xa1: {  	s23 =	simm.s32 $0x1B8B  }
0xa2: {  	_ =	swait.ge [sflag:s23], $0x1  }
0xa3: {  	[sflag:s23] =	ssyncset.done $0x0  }
0xa4: {  	[sflag:s23] =	ssyncadd.s32 $0xFFFFFFFF  }
0xa5: {  	s5 =	sld [smem:$0x0]  }
0xa6: {  	s6 =	sand.u32 $0xFFFFFFFE, s1  }
0xa7: {  	p0 =	sne.s32 s1, s6  }
0xa8: {  	s6 =	sshll.u32 @p0 s6, $0xE  }
0xa9: {  	s6 =	sadd.s32 @p0 $0x11B8D, s6;
	s7 =	sshll.u32 @p0 s5, $0x11  }
0xaa: {  	s6 =	sor.u32 @p0 s7, s6  }
0xab: {  	[sflag:s6] =	ssyncadd.remote.s32 @p0 $0x1;
	_ =	sdelay $0x1  }
0xac: {  	s6 =	simm.s32 @p0 $0x1B8D  }
0xad: {  	_ =	swait.eq @p0 [sflag:s6], $0x1  }
0xae: {  	[sflag:s6] =	ssyncadd.s32 @p0 $0xFFFFFFFF  }
0xaf: {  	s7 =	sshll.u32 @!p0 s1, $0xE  }
0xb0: {  	s7 =	sor.u32 @!p0 $0x4000, s7;
	s6 =	simm.s32 @!p0 $0x1B8D  }
0xb1: {  	s5 =	sshll.u32 @!p0 s5, $0x11;
	s7 =	sadd.s32 @!p0 $0x11B8D, s7;
	_ =	swait.eq @!p0 [sflag:s6], $0x1  }
0xb2: {  	s5 =	sor.u32 @!p0 s5, s7;
	[sflag:s6] =	ssyncadd.s32 @!p0 $0xFFFFFFFF  }
0xb3: {  	s25 =	simm.s32 $0x1B8E;
	s24 =	sld [smem:$0x3FFE];
	[sflag:s5] =	ssyncadd.remote.s32 @!p0 $0x1  }
0xb4: {  	s26 =	simm.s32 $execute0_lowered;
	[smem:$0x3FD2] =	sst s25  }
0xb5: {  	s6 =	sshll.u32 s26, $0x1;
	_ =	strace $0x80000052;
	[dreg:$0x1] =	wrdreg $0xFFFFFFFF  }
0xb6: {  	s28 =	simm.s32 $_size_execute0_lowered;
	s4 =	sadd.s32 s4, s6;
	[dreg:$0x0] =	wrdreg $0x0  }
0xb7: {  	s6 =	sshll.u32 s28, $0x1;
	[dreg:$0x2] =	wrdreg s4  }
0xb8: {  	[dreg:$0x3] =	wrdreg s6  }
0xb9: {  	[dreg:$0x4] =	wrdreg $0xC0  }
0xba: {  	_ =	task [dreg:s22], $0x5FFFF  }
0xbb: {  	[dreg:$0x1] =	wrdreg $0xFFFFFFFF  }
0xbc: {  	[dreg:$0x0] =	wrdreg $0x60  }
0xbd: {  	[dreg:$0x2] =	wrdreg s18  }
0xbe: {  	[dreg:$0x3] =	wrdreg s24  }
0xbf: {  	[dreg:$0x4] =	wrdreg $0xC  }
0xc0: {  	_ =	task.clear_ibuf [dreg:s22], $0x5FFFF;
	_ =	strace $0x90000052  }
0xc1: {  	s29 =	simm.s32 $0xC;
	_ =	strace $0x80000054  }
0xc2: {  	_ =	swait.ge [sflag:s29], $0x1  }
0xc3: {  	[sflag:s29] =	ssyncadd.s32 $0xFFFFFFFF  }
0xc4: {  	_ =	strace $0x90000054  }
0xc5: {  	_ =	sfence  }
0xc6: {  	s30 =	sld [smem:$0x0];
	_ =	sdelay $0x2  }
0xc7: {  	s31 =	sshll.u32 s1, $0xD;
	s1 =	sshrl.u32 s1, $0x2  }
0xc8: {  	s4 =	sand.u32 $0x4000, s31;
	s1 =	sadd.s32 s1, s30  }
0xc9: {  	s0 =	sor.u32 s4, s0;
	s1 =	sshll.u32 s1, $0x11  }
0xca: {  	s0 =	sor.u32 s1, s0  }
0xcb: {  	s0 =	sadd.s32 $0x8F2B, s0  }
0xcc: {  	[sflag:s0] =	ssyncadd.remote.s32 $0x1  }
0xcd: {  	_ =	sfence.sel $0xFFFF  }
0xce: {  	[dreg:$0x0] =	wrdreg $0xFFFFFFFF;
	(pc) =	sbr.abs _section_cstart, $3  }
0xcf: {  	[dreg:$0x1] =	wrdreg $0xFFFFFFFF  }
0xd0: {  	_ =	task.clear_ibuf [dreg:s22], $0x2FFFF;
	_ =	strace $0x9FFFFFFF  }
0xd1: {  	(tm) =	ssettm $0x7FFFFFFF  }
tec
execute0_lowered:
.L_overlay_start_1:
0x0: {  	(tag) =	ssettag $0x1  }
0x1: {  	s1 =	rddreg [dreg:$0x0]  }
0x2: {  	s0 =	rddreg [dreg:$0x1];
	s2 =	srdreg.scid;
	s3 =	simm.s32 $0x0  }
0x3: {  	s15 =	stileid.u32;
	s18 =	simm.s32 $0x5;
	s19 =	simm.s32 $0x80  }
0x4: {  	s28 =	simm.s32 $0x1;
	s29 =	simm.s32 $0x2;
	s30 =	simm.s32 $0x3  }
0x5: {  	s31 =	simm.s32 $0x4;
	s2 =	sand.u32 $0x1, s2;
	[smem:$0x7FF] =	sst s3  }
0x6: {  	s5 =	sadd.s32 $0x1DE00, s0;
	s8 =	sadd.s32 $0x7F1E00, s0;
	s13 =	smul.u32 $0x7D0, s15  }
0x7: {  	s4 =	sshll.u32 s2, $0x4;
	_ =	strace $0x80000053;
	s11 =	smul.u32 $0x7D00, s2  }
0x8: {  	s9 =	ssub.s32 $0x2, s2;
	s14 =	smul.u32 $0x7D000, s2;
	s6 =	sor.u32 s15, s4  }
0x9: {  	s4 =	sadd.s32 $0x1FE00, s0;
	s0 =	sadd.s32 $0x8EBE00, s0;
	s15 =	smul.u32 $0x7D00, s15  }
0xa: {  	s10 =	sshrl.u32 s9, $0x1;
	s7 =	smul.u32 $0x7D0, s6;
	s13 =	sadd.s32 s13, s11  }
0xb: {  	s6 =	smul.u32 $0x3E800, s6;
	s12 =	ssub.s32 s9, s10;
	s25 =	sadd.s32 $0xF0, s13  }
0xc: {  	s12 =	smax.u32 s12, $0x1;
	s2 =	sadd.s32 $0xA0, s13;
	s7 =	sshrl.u32 s7, $0x3  }
0xd: {  	s6 =	sshrl.u32 s6, $0x3;
	s26 =	sshrl.u32 s25, $0x3;
	s20 =	sadd.s32 s4, s7  }
0xe: {  	s21 =	sadd.s32 $0xA, s7;
	s7 =	sadd.s32 s5, s7;
	[dreg:$0x3] =	wrdreg s20  }
0xf: {  	s25 =	simm.s32 $0x5200;
	s6 =	sadd.s32 $0x7800, s6;
	[dreg:$0x4] =	wrdreg s7  }
0x10: {  	s22 =	sadd.s32 s4, s21;
	s23 =	sadd.s32 s5, s21;
	s24 =	sadd.s32 s8, s6  }
0x11: {  	s11 =	sadd.s32 s0, s6;
	s7 =	sadd.s32 s26, s5;
	s6 =	sadd.s32 s26, s4  }
.Ltmp0:
0x12: {  	s8 =	sadd.s32 s14, s8;
	[dreg:$0x5] =	wrdreg s22;
	(pc) =	sbr.rel .LBB2_1-.Ltmp0, $4  }
0x13: {  	s0 =	sadd.s32 s14, s0;
	s20 =	simm.s32 $0x50;
	[dreg:$0x6] =	wrdreg s23  }
0x14: {  	s21 =	simm.s32 $0x200;
	s26 =	simm.s32 $0x7A00;
	[dreg:$0x7] =	wrdreg s24  }
0x15: {  	s16 =	sadd.s32 s15, s8;
	s17 =	sadd.s32 s15, s0;
	s22 =	simm.s32 $0x2A00  }
0x16: {  	s23 =	simm.s32 $0x100;
	s24 =	simm.s32 $0x180;
	s0 =	simm.s32 $0x0  }
.LBB2_4:
0x17: {  	_ =	swait.ge [sflag:s28], $0x2800  }
0x18: {  	[sflag:s28] =	ssyncset.done $0x0  }
0x19: {  	[sflag:s28] =	ssyncadd.s32 $0xFFFFD800  }
0x1a: {  	_ =	swait.ge [sflag:s28], $0x2800  }
0x1b: {  	[sflag:s28] =	ssyncset.done $0x0  }
0x1c: {  	s8 =	rddreg [dreg:$0x7];
	[sflag:s28] =	ssyncadd.s32 $0xFFFFD800  }
0x1d: {  	[hbm4b:s8+s3] =	stream.linear.scatter [tilespmem:s21], [sflag:$0x3], $0x2800, $0x38;
	[tilespmem:$0xA200] =	vst v63  }
0x1e: {  	s0 =	sadd.s32 $0x1, s0  }
0x1f: {  	[hbm4b:s11+s3] =	stream.linear.scatter [tilespmem:s22], [sflag:$0x3], $0x2800, $0x38;
	[tilespmem:$0xA200] =	vst v63  }
0x20: {  	p0 =	sne.s32 s0, s12;
	_ =	swait.ge [sflag:s30], $0x2800  }
.Ltmp1:
0x21: {  	[sflag:s30] =	ssyncset.done $0x0;
	(pc) =	sbr.rel @!p0 .LBB2_5-.Ltmp1, $4  }
0x22: {  	[sflag:s30] =	ssyncadd.s32 $0xFFFFD800  }
0x23: {  	_ =	swait.ge [sflag:s30], $0x2800  }
0x24: {  	[sflag:s30] =	ssyncset.done $0x0  }
0x25: {  	[sflag:s30] =	ssyncadd.s32 $0xFFFFD800  }
.LBB2_1:
0x26: {  	s8 =	rddreg [dreg:$0x3]  }
0x27: {  	[tilespmem:s3], [sflag:$0x5] =	stream.linear.gather [hbm4b:s8+s3], $0x50, $0x38;
	[tilespmem:$0xA200] =	vst v63  }
0x28: {  	_ =	swait.ge [sflag:s18], $0x50  }
0x29: {  	[sflag:s18] =	ssyncset.done $0x0  }
0x2a: {  	s13 =	rddreg [dreg:$0x4];
	[sflag:s18] =	ssyncadd.s32 $0xFFFFFFB0  }
0x2b: {  	[tilespmem:s19], [sflag:$0x5] =	stream.linear.gather [hbm4b:s13+s3], $0x50, $0x38;
	[tilespmem:$0xA200] =	vst v63  }
0x2c: {  	_ =	swait.ge [sflag:s18], $0x50  }
0x2d: {  	[sflag:s18] =	ssyncset.done $0x0  }
0x2e: {  	[sflag:s18] =	ssyncadd.s32 $0xFFFFFFB0  }
0x2f: {  	[tilespmem:s21], [sflag:$0x1] =	stream.indirect.gather [hbm4b:s1+s20], $0x80, s3, s20, $0xb8;
	[tilespmem:$0xA200] =	vst v63  }
0x30: {  	_ = 	snop  }
0x31: {  	[tilespmem:s22], [sflag:$0x1] =	stream.indirect.gather [hbm4b:s1+s20], $0x80, s19, s20, $0xb8;
	[tilespmem:$0xA200] =	vst v63  }
0x32: {  	s14 =	rddreg [dreg:$0x5]  }
0x33: {  	[tilespmem:s23], [sflag:$0x5] =	stream.linear.gather [hbm4b:s14+s3], $0x50, $0x38;
	[tilespmem:$0xA200] =	vst v63  }
0x34: {  	_ =	swait.ge [sflag:s18], $0x50  }
0x35: {  	[sflag:s18] =	ssyncset.done $0x0  }
0x36: {  	s15 =	rddreg [dreg:$0x6];
	[sflag:s18] =	ssyncadd.s32 $0xFFFFFFB0  }
0x37: {  	[tilespmem:s24], [sflag:$0x5] =	stream.linear.gather [hbm4b:s15+s3], $0x50, $0x38;
	[tilespmem:$0xA200] =	vst v63  }
0x38: {  	_ =	swait.ge [sflag:s18], $0x50  }
0x39: {  	[sflag:s18] =	ssyncset.done $0x0  }
0x3a: {  	s8 =	simm.s32 $0x0;
	[sflag:s18] =	ssyncadd.s32 $0xFFFFFFB0  }
0x3b: {  	[tilespmem:s25], [sflag:$0x2] =	stream.indirect.gather [hbm4b:s1+s20], $0x80, s23, s20, $0xb8;
	[tilespmem:$0xA200] =	vst v63  }
0x3c: {  	s13 =	smov.u32 s7;
	s14 =	smov.u32 s6;
	s15 =	smov.u32 s2  }
0x3d: {  	[tilespmem:s26], [sflag:$0x2] =	stream.indirect.gather [hbm4b:s1+s20], $0x80, s24, s20, $0xb8;
	[tilespmem:$0xA200] =	vst v63  }
.LBB2_2:
0x3e: {  	_ =	swait.ge [sflag:s28], $0x2800  }
0x3f: {  	[sflag:s28] =	ssyncset.done $0x0  }
0x40: {  	[sflag:s28] =	ssyncadd.s32 $0xFFFFD800  }
0x41: {  	_ =	swait.ge [sflag:s28], $0x2800  }
0x42: {  	[sflag:s28] =	ssyncset.done $0x0  }
0x43: {  	s9 =	sadd.s32 s8, s16;
	[sflag:s28] =	ssyncadd.s32 $0xFFFFD800  }
0x44: {  	[hbm4b:s9+s3] =	stream.linear.scatter [tilespmem:s21], [sflag:$0x3], $0x2800, $0x38;
	[tilespmem:$0xA200] =	vst v63  }
0x45: {  	s10 =	sadd.s32 s8, s17  }
0x46: {  	[hbm4b:s10+s3] =	stream.linear.scatter [tilespmem:s22], [sflag:$0x3], $0x2800, $0x38;
	[tilespmem:$0xA200] =	vst v63  }
0x47: {  	_ =	swait.ge [sflag:s29], $0x2800  }
0x48: {  	[sflag:s29] =	ssyncset.done $0x0  }
0x49: {  	[sflag:s29] =	ssyncadd.s32 $0xFFFFD800  }
0x4a: {  	_ =	swait.ge [sflag:s29], $0x2800  }
0x4b: {  	[sflag:s29] =	ssyncset.done $0x0  }
0x4c: {  	s9 =	sadd.s32 $0x500, s9;
	[sflag:s29] =	ssyncadd.s32 $0xFFFFD800  }
0x4d: {  	[hbm4b:s9+s3] =	stream.linear.scatter [tilespmem:s25], [sflag:$0x4], $0x2800, $0x38;
	[tilespmem:$0xA200] =	vst v63  }
0x4e: {  	s10 =	sadd.s32 $0x500, s10  }
0x4f: {  	[hbm4b:s10+s3] =	stream.linear.scatter [tilespmem:s26], [sflag:$0x4], $0x2800, $0x38;
	[tilespmem:$0xA200] =	vst v63  }
0x50: {  	_ =	swait.ge [sflag:s30], $0x2800  }
0x51: {  	[sflag:s30] =	ssyncset.done $0x0  }
0x52: {  	[sflag:s30] =	ssyncadd.s32 $0xFFFFD800  }
0x53: {  	_ =	swait.ge [sflag:s30], $0x2800  }
0x54: {  	s9 =	sshrl.u32 s15, $0x3;
	[sflag:s30] =	ssyncset.done $0x0  }
0x55: {  	s10 =	sadd.s32 s4, s9;
	[sflag:s30] =	ssyncadd.s32 $0xFFFFD800  }
0x56: {  	[tilespmem:s3], [sflag:$0x5] =	stream.linear.gather [hbm4b:s10+s3], $0x50, $0x38;
	[tilespmem:$0xA200] =	vst v63  }
0x57: {  	_ =	swait.ge [sflag:s18], $0x50  }
0x58: {  	[sflag:s18] =	ssyncset.done $0x0  }
0x59: {  	s9 =	sadd.s32 s5, s9;
	[sflag:s18] =	ssyncadd.s32 $0xFFFFFFB0  }
0x5a: {  	[tilespmem:s19], [sflag:$0x5] =	stream.linear.gather [hbm4b:s9+s3], $0x50, $0x38;
	[tilespmem:$0xA200] =	vst v63  }
0x5b: {  	_ =	swait.ge [sflag:s18], $0x50  }
0x5c: {  	[sflag:s18] =	ssyncset.done $0x0  }
0x5d: {  	[sflag:s18] =	ssyncadd.s32 $0xFFFFFFB0  }
0x5e: {  	[tilespmem:s21], [sflag:$0x1] =	stream.indirect.gather [hbm4b:s1+s20], $0x80, s3, s20, $0xb8;
	[tilespmem:$0xA200] =	vst v63  }
0x5f: {  	_ = 	snop  }
0x60: {  	[tilespmem:s22], [sflag:$0x1] =	stream.indirect.gather [hbm4b:s1+s20], $0x80, s19, s20, $0xb8;
	[tilespmem:$0xA200] =	vst v63  }
0x61: {  	p0 =	seq.s32 s8, $0x6E00;
	_ =	swait.ge [sflag:s31], $0x2800  }
.Ltmp2:
0x62: {  	[sflag:s31] =	ssyncset.done $0x0;
	(pc) =	sbr.rel @p0 .LBB2_4-.Ltmp2, $4  }
0x63: {  	[sflag:s31] =	ssyncadd.s32 $0xFFFFD800  }
0x64: {  	_ =	swait.ge [sflag:s31], $0x2800  }
0x65: {  	[sflag:s31] =	ssyncset.done $0x0  }
0x66: {  	[sflag:s31] =	ssyncadd.s32 $0xFFFFD800  }
0x67: {  	[tilespmem:s23], [sflag:$0x5] =	stream.linear.gather [hbm4b:s14+s3], $0x50, $0x38;
	[tilespmem:$0xA200] =	vst v63  }
0x68: {  	_ =	swait.ge [sflag:s18], $0x50  }
0x69: {  	[sflag:s18] =	ssyncset.done $0x0  }
0x6a: {  	[sflag:s18] =	ssyncadd.s32 $0xFFFFFFB0  }
0x6b: {  	[tilespmem:s24], [sflag:$0x5] =	stream.linear.gather [hbm4b:s13+s3], $0x50, $0x38;
	[tilespmem:$0xA200] =	vst v63  }
0x6c: {  	_ =	swait.ge [sflag:s18], $0x50  }
.Ltmp3:
0x6d: {  	[sflag:s18] =	ssyncset.done $0x0;
	(pc) =	sbr.rel .LBB2_2-.Ltmp3, $4  }
0x6e: {  	s8 =	sadd.s32 $0xA00, s8;
	[sflag:s18] =	ssyncadd.s32 $0xFFFFFFB0  }
0x6f: {  	[tilespmem:s25], [sflag:$0x2] =	stream.indirect.gather [hbm4b:s1+s20], $0x80, s23, s20, $0xb8;
	[tilespmem:$0xA200] =	vst v63  }
0x70: {  	s14 =	sadd.s32 $0x14, s14;
	s15 =	sadd.s32 $0xA0, s15;
	s13 =	sadd.s32 $0x14, s13  }
0x71: {  	[tilespmem:s26], [sflag:$0x2] =	stream.indirect.gather [hbm4b:s1+s20], $0x80, s24, s20, $0xb8;
	[tilespmem:$0xA200] =	vst v63  }
.LBB2_5:
0x72: {  	_ =	sfence.sel $0x180000  }
0x73: {  	[bflag:$0x0] =	sbarrier.arrive $0xFFFF  }
0x74: {  	_ =	strace $0x90000053  }
0x75: {  	s0 =	stileid.u32;
	[bflag:$0x2] =	sbarrier.arrive $0xFFFF  }
0x76: {  	p0 =	sne.s32 s0, $0x0;
	s0 =	rddreg [dreg:$0x2]  }
0x77: {  	s0 =	sadd.s32 @!p0 $0x100000, s0  }
0x78: {  	[sflag:s0] =	ssyncadd.tile.s32 @!p0 $0x1;
	_ =	shalt  }
.Lfunc_end2:
_tile_overlayer_lowered:
.L_overlay_start_2:
0x79: {  	(tag) =	ssettag $0x2  }
0x7a: {  	s0 =	rddreg [dreg:$0x0];
	s2 =	stileid.u32  }
0x7b: {  	s1 =	rddreg [dreg:$0x1];
	p0 =	sne.s32 s2, $0x0  }
0x7c: {  	s3 =	rddreg [dreg:$0x2];
	[bflag:$0x3] =	sbarrier.arrive $0xFFFF;
	s2 =	simm.s32 @!p0 $0x1C05  }
0x7d: {  	[timem:s3], [sflag:s2] =	dma.local @!p0 [hbm:s0], s1  }
0x7e: {  	s0 =	simm.s32 @!p0 $0x5  }
0x7f: {  	_ =	swait.ge @!p0 [sflag:s0], s1  }
0x80: {  	s1 =	ssub.s32 @!p0 $0x0, s1;
	[sflag:s0] =	ssyncset.done @!p0 $0x0  }
0x81: {  	[sflag:s0] =	ssyncadd.s32 @!p0 s1  }
0x82: {  	[bflag:$0x3] =	sbarrier.arrive $0xFFFF  }
0x83: {  	_ =	shalt  }

// kernel: kernel.28.cloned.1.call-start
scs
__scs_entry_jumppad:
0x0: {  	(pc) =	sbr.rel $0x88, $3  }
0x1: {  	(tag) =	ssettag $0x0;
	lr =	simm.s32 $0x1  }
0x2: {  	[smem:$0x3F97] =	sst lr;
	_ =	strace $0xD0000000  }
0x3: {  	_ = 	snop  }
0x4: {  	_ = 	snop  }
0x5: {  	_ = 	snop  }
0x6: {  	_ = 	snop  }
0x7: {  	_ = 	snop  }
__scs_overlays_trampoline_lowered:
0x8: {  	[smem:$0x3FA6] =	sst s0  }
0x9: {  	[smem:$0x3FA7] =	sst s1  }
0xa: {  	[smem:$0x3FA8] =	sst s2  }
0xb: {  	[smem:$0x3FA9] =	sst s3  }
0xc: {  	[smem:$0x3FAA] =	sst s4  }
0xd: {  	[smem:$0x3FAB] =	sst s5  }
0xe: {  	[smem:$0x3FAC] =	sst s6  }
0xf: {  	[smem:$0x3FAD] =	sst s7  }
0x10: {  	[smem:$0x3FAE] =	sst s8  }
0x11: {  	[smem:$0x3FAF] =	sst s9;
	s0 =	simm.s32 @!p0 $0x0  }
0x12: {  	s1 =	sld [smem:$0x3F95];
	s0 =	simm.s32 @p0 $0x1  }
0x13: {  	[smem:$0x3FB0] =	sst s0;
	s0 =	simm.s32 @!p1 $0x0  }
0x14: {  	s2 =	sld [smem:$0x3F94];
	s0 =	simm.s32 @p1 $0x1  }
0x15: {  	[smem:$0x3FB1] =	sst s0;
	s0 =	simm.s32 @!p2 $0x0  }
0x16: {  	s3 =	sld [smem:$0x3FDB];
	s0 =	simm.s32 @p2 $0x1  }
0x17: {  	s4 =	simm.s32 $0x1BF5;
	[smem:$0x3FB3] =	sst s0  }
0x18: {  	s0 =	sld [smem:$0x3F96];
	_ =	swait.ge [sflag:s4], $0x0  }
0x19: {  	s7 =	sld [smem:$0x3F97]  }
0x1a: {  	s8 =	sadd.s32 $0xFFFFE003, lr  }
0x1b: {  	s9 =	sadd.s32 $0xFFFFFEF7, lr;
	s5 =	simm.s32 $0xFFFFFFFF;
	p2 =	slt.u32 s8, $0xFFFFF086  }
0x1c: {  	p1 =	slt.u32 s9, $0xF7A;
	s5 =	simm.s32 @!p2 $0x0  }
0x1d: {  	s5 =	simm.s32 @p1 $0x1;
	p0 =	seq.s32 s7, s2  }
0x1e: {  	s7 =	smul.u32 @!p0 $0xF7A, s2;
	p2 =	seq.s32 @!p0 s5, $0x0  }
0x1f: {  	s9 =	smul.u32 $0xF7A, s1;
	s8 =	simm.s32 @!p0 $0x1BF5;
	p2 =	por !p2, p0  }
0x20: {  	[sflag:s8] =	ssyncset.s32 @!p0 $0xFFFFF086;
	s6 =	sadd.s32 @!p0 s3, s7;
	s7 =	simm.s32 @!p0 $0x108  }
0x21: {  	s3 =	sadd.s32 s3, s9;
	s6 =	sadd.s32 @!p0 $0x88, s6;
	s7 =	simm.s32 @p2 $0x1082  }
0x22: {  	[simem:s7], [sflag:s8] =	dma.local @!p0 [hbm:s6], $0xF7A  }
0x23: {  	s9 =	sor.u32 $0xD0000000, s2;
	s6 =	simm.s32 $0x108;
	_ =	swait.ge @!p0 [sflag:s8], $0x0  }
0x24: {  	s3 =	sadd.s32 $0x88, s3;
	s6 =	simm.s32 @!p1 $0x1082;
	[sflag:s4] =	ssyncset.s32 $0xFFFFF086  }
0x25: {  	[simem:s6], [sflag:s4] =	dma.local [hbm:s3], $0xF7A  }
0x26: {  	[smem:$0x3F97] =	sst s1;
	(tag) =	ssettag s2;
	_ =	strace s9  }
0x27: {  	s1 =	sld [smem:$0x3FA7]  }
0x28: {  	s2 =	sld [smem:$0x3FA8]  }
0x29: {  	s4 =	sld [smem:$0x3FAA]  }
0x2a: {  	p0 =	seq.s32 s5, $0x0;
	s5 =	sld [smem:$0x3FAB]  }
0x2b: {  	s6 =	sld [smem:$0x3FAC]  }
0x2c: {  	s7 =	sld [smem:$0x3FAD]  }
0x2d: {  	s3 =	simm.s32 $0x108;
	s8 =	sld [smem:$0x3FAE]  }
0x2e: {  	s3 =	simm.s32 @!p0 $0x1082;
	s9 =	sld [smem:$0x3FAF]  }
0x2f: {  	lr =	sadd.s32 s0, s3;
	s0 =	sld [smem:$0x3FA6]  }
0x30: {  	s3 =	sld [smem:$0x3FA9]  }
0x31: {  	[smem:$0x3FB2] =	sst s10  }
0x32: {  	s10 =	sld [smem:$0x3FB0];
	_ =	sdelay $0x3  }
0x33: {  	p0 =	seq.s32 s10, $0x1;
	s10 =	sld [smem:$0x3FB2];
	_ =	sdelay $0x3  }
0x34: {  	[smem:$0x3FB2] =	sst s10  }
0x35: {  	s10 =	sld [smem:$0x3FB1];
	_ =	sdelay $0x3  }
0x36: {  	p1 =	seq.s32 s10, $0x1;
	s10 =	sld [smem:$0x3FB2];
	_ =	sdelay $0x3  }
0x37: {  	[smem:$0x3FB2] =	sst s10  }
0x38: {  	s10 =	sld [smem:$0x3FB3]  }
0x39: {  	_ = 	snop;
	(pc) =	sbr.ind lr, $3  }
0x3a: {  	_ = 	snop  }
0x3b: {  	_ = 	snop  }
0x3c: {  	p2 =	seq.s32 s10, $0x1;
	s10 =	sld [smem:$0x3FB2]  }
0x3d: {  	_ =	shalt  }
0x3e: {  	_ =	shalt  }
0x3f: {  	_ =	shalt  }
0x40: {  	_ =	shalt  }
0x41: {  	_ =	shalt  }
0x42: {  	_ =	shalt  }
0x43: {  	_ =	shalt  }
0x44: {  	_ =	shalt  }
0x45: {  	_ =	shalt  }
0x46: {  	_ =	shalt  }
0x47: {  	_ =	shalt  }
0x48: {  	_ =	shalt  }
0x49: {  	_ =	shalt  }
0x4a: {  	_ =	shalt  }
0x4b: {  	_ =	shalt  }
0x4c: {  	_ =	shalt  }
0x4d: {  	_ =	shalt  }
0x4e: {  	_ =	shalt  }
0x4f: {  	_ =	shalt  }
0x50: {  	_ =	shalt  }
0x51: {  	_ =	shalt  }
0x52: {  	_ =	shalt  }
0x53: {  	_ =	shalt  }
0x54: {  	_ =	shalt  }
0x55: {  	_ =	shalt  }
0x56: {  	_ =	shalt  }
0x57: {  	_ =	shalt  }
0x58: {  	_ =	shalt  }
0x59: {  	_ =	shalt  }
0x5a: {  	_ =	shalt  }
0x5b: {  	_ =	shalt  }
0x5c: {  	_ =	shalt  }
0x5d: {  	_ =	shalt  }
0x5e: {  	_ =	shalt  }
0x5f: {  	_ =	shalt  }
0x60: {  	_ =	shalt  }
0x61: {  	_ =	shalt  }
0x62: {  	_ =	shalt  }
0x63: {  	_ =	shalt  }
0x64: {  	_ =	shalt  }
0x65: {  	_ =	shalt  }
0x66: {  	_ =	shalt  }
0x67: {  	_ =	shalt  }
0x68: {  	_ =	shalt  }
0x69: {  	_ =	shalt  }
0x6a: {  	_ =	shalt  }
0x6b: {  	_ =	shalt  }
0x6c: {  	_ =	shalt  }
0x6d: {  	_ =	shalt  }
0x6e: {  	_ =	shalt  }
0x6f: {  	_ =	shalt  }
0x70: {  	_ =	shalt  }
0x71: {  	_ =	shalt  }
0x72: {  	_ =	shalt  }
0x73: {  	_ =	shalt  }
0x74: {  	_ =	shalt  }
0x75: {  	_ =	shalt  }
0x76: {  	_ =	shalt  }
0x77: {  	_ =	shalt  }
0x78: {  	_ =	shalt  }
0x79: {  	_ =	shalt  }
0x7a: {  	_ =	shalt  }
0x7b: {  	_ =	shalt  }
0x7c: {  	_ =	shalt  }
0x7d: {  	_ =	shalt  }
0x7e: {  	_ =	shalt  }
0x7f: {  	_ =	shalt  }
0x80: {  	_ =	shalt  }
0x81: {  	_ =	shalt  }
0x82: {  	_ =	shalt  }
0x83: {  	_ =	shalt  }
0x84: {  	_ =	shalt  }
0x85: {  	_ =	shalt  }
0x86: {  	_ =	shalt  }
0x87: {  	_ =	shalt  }
.Lfunc_end0:
.L_simem_size_0:
called_computation.4_lowered:
.L_overlay_start_0:
0x88: {  	s2 =	sld [smem:$0x3FD9]  }
0x89: {  	s3 =	sld [smem:$0x3FFE];
	_ =	sdelay $0x1  }
0x8a: {  	s1 =	srdreg.scid  }
0x8b: {  	s0 =	sand.u32 $0x1, s1  }
0x8c: {  	s17 =	sshll.u32 s0, $0xA;
	s2 =	sadd.s32 s3, s2  }
0x8d: {  	s2 =	sadd.s32 s2, s17  }
0x8e: {  	[smem:$0x3FBE] =	sst s2  }
0x8f: {  	_ = 	snop  }
0x90: {  	s2 =	sld [smem:$0x3FC9];
	(tm) =	ssettm $0x1  }
0x91: {  	s18 =	sld [smem:$0x3FFB];
	_ =	sdelay $0x3  }
0x92: {  	_ =	strace s18  }
0x93: {  	s3 =	sld [smem:$0x3FFC];
	_ =	sdelay $0x3  }
0x94: {  	_ =	strace s3  }
0x95: {  	s3 =	sld [smem:$0x3FFD];
	_ =	sdelay $0x3  }
0x96: {  	_ =	strace s3  }
0x97: {  	_ =	strace $0x8FFFFFFF  }
0x98: {  	s19 =	sld [smem:$0x3FDB];
	_ =	sdelay $0x1  }
0x99: {  	s4 =	simm.s32 $_scs_section_size  }
0x9a: {  	s5 =	simm.s32 $_size__tile_overlayer_lowered;
	s6 =	simm.s32 $_tile_overlayer_lowered  }
0x9b: {  	s22 =	simm.s32 $0x1BFF;
	s21 =	sshll.u32 s6, $0x1;
	s3 =	sadd.s32 s4, s19  }
0x9c: {  	s7 =	simm.s32 $0x0;
	s20 =	sshll.u32 s5, $0x1;
	s5 =	sadd.s32 s21, s3  }
0x9d: {  	[timem:s7], [sflag:s22] =	dma.local [hbm:s5], s20  }
0x9e: {  	_ =	swait.ge [sflag:s22], s20  }
0x9f: {  	s4 =	ssub.s32 $0x0, s20;
	[sflag:s22] =	ssyncset.done $0x0  }
0xa0: {  	[sflag:s22] =	ssyncadd.s32 s4;
	_ =	sdelay $0x1  }
0xa1: {  	s23 =	simm.s32 $0x1B8B  }
0xa2: {  	_ =	swait.ge [sflag:s23], $0x1  }
0xa3: {  	[sflag:s23] =	ssyncset.done $0x0  }
0xa4: {  	s25 =	simm.s32 $0x1B8E;
	s24 =	sld [smem:$0x3FFE];
	[sflag:s23] =	ssyncadd.s32 $0xFFFFFFFF  }
0xa5: {  	s26 =	simm.s32 $execute0_lowered;
	[smem:$0x3FD2] =	sst s25  }
0xa6: {  	s5 =	sshll.u32 s26, $0x1;
	_ =	strace $0x80000046;
	[dreg:$0x1] =	wrdreg $0xFFFFFFFF  }
0xa7: {  	s28 =	simm.s32 $_size_execute0_lowered;
	s3 =	sadd.s32 s3, s5;
	[dreg:$0x0] =	wrdreg $0x0  }
0xa8: {  	s5 =	sshll.u32 s28, $0x1;
	[dreg:$0x2] =	wrdreg s3  }
0xa9: {  	[dreg:$0x3] =	wrdreg s5  }
0xaa: {  	[dreg:$0x4] =	wrdreg $0xC0  }
0xab: {  	_ =	task [dreg:s7], $0x5FFFF  }
0xac: {  	[dreg:$0x1] =	wrdreg $0xFFFFFFFF  }
0xad: {  	[dreg:$0x0] =	wrdreg $0x60  }
0xae: {  	[dreg:$0x2] =	wrdreg s2  }
0xaf: {  	[dreg:$0x3] =	wrdreg s24  }
0xb0: {  	[dreg:$0x4] =	wrdreg $0xD  }
0xb1: {  	_ =	task.clear_ibuf [dreg:s7], $0x5FFFF;
	_ =	strace $0x90000046  }
0xb2: {  	s29 =	simm.s32 $0xD;
	_ =	strace $0x80000048  }
0xb3: {  	_ =	swait.ge [sflag:s29], $0x1  }
0xb4: {  	[sflag:s29] =	ssyncadd.s32 $0xFFFFFFFF  }
0xb5: {  	_ =	strace $0x90000048  }
0xb6: {  	_ =	sfence  }
0xb7: {  	s30 =	sld [smem:$0x0];
	_ =	sdelay $0x2  }
0xb8: {  	s31 =	sshll.u32 s1, $0xD;
	s1 =	sshrl.u32 s1, $0x2  }
0xb9: {  	s3 =	sand.u32 $0x4000, s31;
	s1 =	sadd.s32 s1, s30  }
0xba: {  	s0 =	sor.u32 s3, s0;
	s1 =	sshll.u32 s1, $0x11  }
0xbb: {  	s0 =	sor.u32 s1, s0  }
0xbc: {  	s0 =	sadd.s32 $0x8F2B, s0  }
0xbd: {  	[sflag:s0] =	ssyncadd.remote.s32 $0x1  }
0xbe: {  	_ =	sfence.sel $0xFFFF  }
0xbf: {  	[dreg:$0x0] =	wrdreg $0xFFFFFFFF;
	(pc) =	sbr.abs _section_cstart, $3  }
0xc0: {  	[dreg:$0x1] =	wrdreg $0xFFFFFFFF  }
0xc1: {  	_ =	task.clear_ibuf [dreg:s7], $0x2FFFF;
	_ =	strace $0x9FFFFFFF  }
0xc2: {  	(tm) =	ssettm $0x7FFFFFFF  }
0xc3: {  	_ =	shalt  }
tec
execute0_lowered:
.L_overlay_start_1:
0x0: {  	(tag) =	ssettag $0x1  }
0x1: {  	s1 =	rddreg [dreg:$0x0]  }
0x2: {  	s0 =	rddreg [dreg:$0x1];
	s2 =	srdreg.scid;
	s3 =	simm.s32 $0x0  }
0x3: {  	s15 =	stileid.u32;
	s18 =	simm.s32 $0x5;
	s19 =	simm.s32 $0x80  }
0x4: {  	s28 =	simm.s32 $0x1;
	s29 =	simm.s32 $0x2;
	s30 =	simm.s32 $0x3  }
0x5: {  	s31 =	simm.s32 $0x4;
	s2 =	sand.u32 $0x1, s2;
	[smem:$0x7FF] =	sst s3  }
0x6: {  	s5 =	sadd.s32 $0x13E00, s0;
	s8 =	sadd.s32 $0x21E00, s0;
	s13 =	smul.u32 $0x7D0, s15  }
0x7: {  	s4 =	sshll.u32 s2, $0x4;
	_ =	strace $0x80000047;
	s11 =	smul.u32 $0x7D00, s2  }
0x8: {  	s9 =	ssub.s32 $0x2, s2;
	s14 =	smul.u32 $0x7D000, s2;
	s6 =	sor.u32 s15, s4  }
0x9: {  	s4 =	sadd.s32 $0x15E00, s0;
	s0 =	sadd.s32 $0x11BE00, s0;
	s15 =	smul.u32 $0x7D00, s15  }
0xa: {  	s10 =	sshrl.u32 s9, $0x1;
	s7 =	smul.u32 $0x7D0, s6;
	s13 =	sadd.s32 s13, s11  }
0xb: {  	s6 =	smul.u32 $0x3E800, s6;
	s12 =	ssub.s32 s9, s10;
	s25 =	sadd.s32 $0xF0, s13  }
0xc: {  	s12 =	smax.u32 s12, $0x1;
	s2 =	sadd.s32 $0xA0, s13;
	s7 =	sshrl.u32 s7, $0x3  }
0xd: {  	s6 =	sshrl.u32 s6, $0x3;
	s26 =	sshrl.u32 s25, $0x3;
	s20 =	sadd.s32 s4, s7  }
0xe: {  	s21 =	sadd.s32 $0xA, s7;
	s7 =	sadd.s32 s5, s7;
	[dreg:$0x3] =	wrdreg s20  }
0xf: {  	s25 =	simm.s32 $0x5200;
	s6 =	sadd.s32 $0x7800, s6;
	[dreg:$0x4] =	wrdreg s7  }
0x10: {  	s22 =	sadd.s32 s4, s21;
	s23 =	sadd.s32 s5, s21;
	s24 =	sadd.s32 s8, s6  }
0x11: {  	s11 =	sadd.s32 s0, s6;
	s7 =	sadd.s32 s26, s5;
	s6 =	sadd.s32 s26, s4  }
.Ltmp0:
0x12: {  	s8 =	sadd.s32 s14, s8;
	[dreg:$0x5] =	wrdreg s22;
	(pc) =	sbr.rel .LBB2_1-.Ltmp0, $4  }
0x13: {  	s0 =	sadd.s32 s14, s0;
	s20 =	simm.s32 $0x50;
	[dreg:$0x6] =	wrdreg s23  }
0x14: {  	s21 =	simm.s32 $0x200;
	s26 =	simm.s32 $0x7A00;
	[dreg:$0x7] =	wrdreg s24  }
0x15: {  	s16 =	sadd.s32 s15, s8;
	s17 =	sadd.s32 s15, s0;
	s22 =	simm.s32 $0x2A00  }
0x16: {  	s23 =	simm.s32 $0x100;
	s24 =	simm.s32 $0x180;
	s0 =	simm.s32 $0x0  }
.LBB2_4:
0x17: {  	_ =	swait.ge [sflag:s28], $0x2800  }
0x18: {  	[sflag:s28] =	ssyncset.done $0x0  }
0x19: {  	[sflag:s28] =	ssyncadd.s32 $0xFFFFD800  }
0x1a: {  	_ =	swait.ge [sflag:s28], $0x2800  }
0x1b: {  	[sflag:s28] =	ssyncset.done $0x0  }
0x1c: {  	s8 =	rddreg [dreg:$0x7];
	[sflag:s28] =	ssyncadd.s32 $0xFFFFD800  }
0x1d: {  	[hbm4b:s8+s3] =	stream.linear.scatter [tilespmem:s21], [sflag:$0x3], $0x2800, $0x38;
	[tilespmem:$0xA200] =	vst v63  }
0x1e: {  	s0 =	sadd.s32 $0x1, s0  }
0x1f: {  	[hbm4b:s11+s3] =	stream.linear.scatter [tilespmem:s22], [sflag:$0x3], $0x2800, $0x38;
	[tilespmem:$0xA200] =	vst v63  }
0x20: {  	p0 =	sne.s32 s0, s12;
	_ =	swait.ge [sflag:s30], $0x2800  }
.Ltmp1:
0x21: {  	[sflag:s30] =	ssyncset.done $0x0;
	(pc) =	sbr.rel @!p0 .LBB2_5-.Ltmp1, $4  }
0x22: {  	[sflag:s30] =	ssyncadd.s32 $0xFFFFD800  }
0x23: {  	_ =	swait.ge [sflag:s30], $0x2800  }
0x24: {  	[sflag:s30] =	ssyncset.done $0x0  }
0x25: {  	[sflag:s30] =	ssyncadd.s32 $0xFFFFD800  }
.LBB2_1:
0x26: {  	s8 =	rddreg [dreg:$0x3]  }
0x27: {  	[tilespmem:s3], [sflag:$0x5] =	stream.linear.gather [hbm4b:s8+s3], $0x50, $0x38;
	[tilespmem:$0xA200] =	vst v63  }
0x28: {  	_ =	swait.ge [sflag:s18], $0x50  }
0x29: {  	[sflag:s18] =	ssyncset.done $0x0  }
0x2a: {  	s13 =	rddreg [dreg:$0x4];
	[sflag:s18] =	ssyncadd.s32 $0xFFFFFFB0  }
0x2b: {  	[tilespmem:s19], [sflag:$0x5] =	stream.linear.gather [hbm4b:s13+s3], $0x50, $0x38;
	[tilespmem:$0xA200] =	vst v63  }
0x2c: {  	_ =	swait.ge [sflag:s18], $0x50  }
0x2d: {  	[sflag:s18] =	ssyncset.done $0x0  }
0x2e: {  	[sflag:s18] =	ssyncadd.s32 $0xFFFFFFB0  }
0x2f: {  	[tilespmem:s21], [sflag:$0x1] =	stream.indirect.gather [hbm4b:s1+s20], $0x80, s3, s20, $0xb8;
	[tilespmem:$0xA200] =	vst v63  }
0x30: {  	_ = 	snop  }
0x31: {  	[tilespmem:s22], [sflag:$0x1] =	stream.indirect.gather [hbm4b:s1+s20], $0x80, s19, s20, $0xb8;
	[tilespmem:$0xA200] =	vst v63  }
0x32: {  	s14 =	rddreg [dreg:$0x5]  }
0x33: {  	[tilespmem:s23], [sflag:$0x5] =	stream.linear.gather [hbm4b:s14+s3], $0x50, $0x38;
	[tilespmem:$0xA200] =	vst v63  }
0x34: {  	_ =	swait.ge [sflag:s18], $0x50  }
0x35: {  	[sflag:s18] =	ssyncset.done $0x0  }
0x36: {  	s15 =	rddreg [dreg:$0x6];
	[sflag:s18] =	ssyncadd.s32 $0xFFFFFFB0  }
0x37: {  	[tilespmem:s24], [sflag:$0x5] =	stream.linear.gather [hbm4b:s15+s3], $0x50, $0x38;
	[tilespmem:$0xA200] =	vst v63  }
0x38: {  	_ =	swait.ge [sflag:s18], $0x50  }
0x39: {  	[sflag:s18] =	ssyncset.done $0x0  }
0x3a: {  	s8 =	simm.s32 $0x0;
	[sflag:s18] =	ssyncadd.s32 $0xFFFFFFB0  }
0x3b: {  	[tilespmem:s25], [sflag:$0x2] =	stream.indirect.gather [hbm4b:s1+s20], $0x80, s23, s20, $0xb8;
	[tilespmem:$0xA200] =	vst v63  }
0x3c: {  	s13 =	smov.u32 s7;
	s14 =	smov.u32 s6;
	s15 =	smov.u32 s2  }
0x3d: {  	[tilespmem:s26], [sflag:$0x2] =	stream.indirect.gather [hbm4b:s1+s20], $0x80, s24, s20, $0xb8;
	[tilespmem:$0xA200] =	vst v63  }
.LBB2_2:
0x3e: {  	_ =	swait.ge [sflag:s28], $0x2800  }
0x3f: {  	[sflag:s28] =	ssyncset.done $0x0  }
0x40: {  	[sflag:s28] =	ssyncadd.s32 $0xFFFFD800  }
0x41: {  	_ =	swait.ge [sflag:s28], $0x2800  }
0x42: {  	[sflag:s28] =	ssyncset.done $0x0  }
0x43: {  	s9 =	sadd.s32 s8, s16;
	[sflag:s28] =	ssyncadd.s32 $0xFFFFD800  }
0x44: {  	[hbm4b:s9+s3] =	stream.linear.scatter [tilespmem:s21], [sflag:$0x3], $0x2800, $0x38;
	[tilespmem:$0xA200] =	vst v63  }
0x45: {  	s10 =	sadd.s32 s8, s17  }
0x46: {  	[hbm4b:s10+s3] =	stream.linear.scatter [tilespmem:s22], [sflag:$0x3], $0x2800, $0x38;
	[tilespmem:$0xA200] =	vst v63  }
0x47: {  	_ =	swait.ge [sflag:s29], $0x2800  }
0x48: {  	[sflag:s29] =	ssyncset.done $0x0  }
0x49: {  	[sflag:s29] =	ssyncadd.s32 $0xFFFFD800  }
0x4a: {  	_ =	swait.ge [sflag:s29], $0x2800  }
0x4b: {  	[sflag:s29] =	ssyncset.done $0x0  }
0x4c: {  	s9 =	sadd.s32 $0x500, s9;
	[sflag:s29] =	ssyncadd.s32 $0xFFFFD800  }
0x4d: {  	[hbm4b:s9+s3] =	stream.linear.scatter [tilespmem:s25], [sflag:$0x4], $0x2800, $0x38;
	[tilespmem:$0xA200] =	vst v63  }
0x4e: {  	s10 =	sadd.s32 $0x500, s10  }
0x4f: {  	[hbm4b:s10+s3] =	stream.linear.scatter [tilespmem:s26], [sflag:$0x4], $0x2800, $0x38;
	[tilespmem:$0xA200] =	vst v63  }
0x50: {  	_ =	swait.ge [sflag:s30], $0x2800  }
0x51: {  	[sflag:s30] =	ssyncset.done $0x0  }
0x52: {  	[sflag:s30] =	ssyncadd.s32 $0xFFFFD800  }
0x53: {  	_ =	swait.ge [sflag:s30], $0x2800  }
0x54: {  	s9 =	sshrl.u32 s15, $0x3;
	[sflag:s30] =	ssyncset.done $0x0  }
0x55: {  	s10 =	sadd.s32 s4, s9;
	[sflag:s30] =	ssyncadd.s32 $0xFFFFD800  }
0x56: {  	[tilespmem:s3], [sflag:$0x5] =	stream.linear.gather [hbm4b:s10+s3], $0x50, $0x38;
	[tilespmem:$0xA200] =	vst v63  }
0x57: {  	_ =	swait.ge [sflag:s18], $0x50  }
0x58: {  	[sflag:s18] =	ssyncset.done $0x0  }
0x59: {  	s9 =	sadd.s32 s5, s9;
	[sflag:s18] =	ssyncadd.s32 $0xFFFFFFB0  }
0x5a: {  	[tilespmem:s19], [sflag:$0x5] =	stream.linear.gather [hbm4b:s9+s3], $0x50, $0x38;
	[tilespmem:$0xA200] =	vst v63  }
0x5b: {  	_ =	swait.ge [sflag:s18], $0x50  }
0x5c: {  	[sflag:s18] =	ssyncset.done $0x0  }
0x5d: {  	[sflag:s18] =	ssyncadd.s32 $0xFFFFFFB0  }
0x5e: {  	[tilespmem:s21], [sflag:$0x1] =	stream.indirect.gather [hbm4b:s1+s20], $0x80, s3, s20, $0xb8;
	[tilespmem:$0xA200] =	vst v63  }
0x5f: {  	_ = 	snop  }
0x60: {  	[tilespmem:s22], [sflag:$0x1] =	stream.indirect.gather [hbm4b:s1+s20], $0x80, s19, s20, $0xb8;
	[tilespmem:$0xA200] =	vst v63  }
0x61: {  	p0 =	seq.s32 s8, $0x6E00;
	_ =	swait.ge [sflag:s31], $0x2800  }
.Ltmp2:
0x62: {  	[sflag:s31] =	ssyncset.done $0x0;
	(pc) =	sbr.rel @p0 .LBB2_4-.Ltmp2, $4  }
0x63: {  	[sflag:s31] =	ssyncadd.s32 $0xFFFFD800  }
0x64: {  	_ =	swait.ge [sflag:s31], $0x2800  }
0x65: {  	[sflag:s31] =	ssyncset.done $0x0  }
0x66: {  	[sflag:s31] =	ssyncadd.s32 $0xFFFFD800  }
0x67: {  	[tilespmem:s23], [sflag:$0x5] =	stream.linear.gather [hbm4b:s14+s3], $0x50, $0x38;
	[tilespmem:$0xA200] =	vst v63  }
0x68: {  	_ =	swait.ge [sflag:s18], $0x50  }
0x69: {  	[sflag:s18] =	ssyncset.done $0x0  }
0x6a: {  	[sflag:s18] =	ssyncadd.s32 $0xFFFFFFB0  }
0x6b: {  	[tilespmem:s24], [sflag:$0x5] =	stream.linear.gather [hbm4b:s13+s3], $0x50, $0x38;
	[tilespmem:$0xA200] =	vst v63  }
0x6c: {  	_ =	swait.ge [sflag:s18], $0x50  }
.Ltmp3:
0x6d: {  	[sflag:s18] =	ssyncset.done $0x0;
	(pc) =	sbr.rel .LBB2_2-.Ltmp3, $4  }
0x6e: {  	s8 =	sadd.s32 $0xA00, s8;
	[sflag:s18] =	ssyncadd.s32 $0xFFFFFFB0  }
0x6f: {  	[tilespmem:s25], [sflag:$0x2] =	stream.indirect.gather [hbm4b:s1+s20], $0x80, s23, s20, $0xb8;
	[tilespmem:$0xA200] =	vst v63  }
0x70: {  	s14 =	sadd.s32 $0x14, s14;
	s15 =	sadd.s32 $0xA0, s15;
	s13 =	sadd.s32 $0x14, s13  }
0x71: {  	[tilespmem:s26], [sflag:$0x2] =	stream.indirect.gather [hbm4b:s1+s20], $0x80, s24, s20, $0xb8;
	[tilespmem:$0xA200] =	vst v63  }
.LBB2_5:
0x72: {  	_ =	sfence.sel $0x180000  }
0x73: {  	[bflag:$0x0] =	sbarrier.arrive $0xFFFF  }
0x74: {  	_ =	strace $0x90000047  }
0x75: {  	s0 =	stileid.u32;
	[bflag:$0x2] =	sbarrier.arrive $0xFFFF  }
0x76: {  	p0 =	sne.s32 s0, $0x0;
	s0 =	rddreg [dreg:$0x2]  }
0x77: {  	s0 =	sadd.s32 @!p0 $0x100000, s0  }
0x78: {  	[sflag:s0] =	ssyncadd.tile.s32 @!p0 $0x1;
	_ =	shalt  }
.Lfunc_end2:
_tile_overlayer_lowered:
.L_overlay_start_2:
0x79: {  	(tag) =	ssettag $0x2  }
0x7a: {  	s0 =	rddreg [dreg:$0x0];
	s2 =	stileid.u32  }
0x7b: {  	s1 =	rddreg [dreg:$0x1];
	p0 =	sne.s32 s2, $0x0  }
0x7c: {  	s3 =	rddreg [dreg:$0x2];
	[bflag:$0x3] =	sbarrier.arrive $0xFFFF;
	s2 =	simm.s32 @!p0 $0x1C05  }
0x7d: {  	[timem:s3], [sflag:s2] =	dma.local @!p0 [hbm:s0], s1  }
0x7e: {  	s0 =	simm.s32 @!p0 $0x5  }
0x7f: {  	_ =	swait.ge @!p0 [sflag:s0], s1  }
0x80: {  	s1 =	ssub.s32 @!p0 $0x0, s1;
	[sflag:s0] =	ssyncset.done @!p0 $0x0  }
0x81: {  	[sflag:s0] =	ssyncadd.s32 @!p0 s1  }
0x82: {  	[bflag:$0x3] =	sbarrier.arrive $0xFFFF  }
0x83: {  	_ =	shalt  }

// kernel: kernel.31.cloned.1.call-start
scs
__scs_entry_jumppad:
0x0: {  	(pc) =	sbr.rel $0x88, $3  }
0x1: {  	(tag) =	ssettag $0x0;
	lr =	simm.s32 $0x1  }
0x2: {  	[smem:$0x3F97] =	sst lr;
	_ =	strace $0xD0000000  }
0x3: {  	_ = 	snop  }
0x4: {  	_ = 	snop  }
0x5: {  	_ = 	snop  }
0x6: {  	_ = 	snop  }
0x7: {  	_ = 	snop  }
__scs_overlays_trampoline_lowered:
0x8: {  	[smem:$0x3FA6] =	sst s0  }
0x9: {  	[smem:$0x3FA7] =	sst s1  }
0xa: {  	[smem:$0x3FA8] =	sst s2  }
0xb: {  	[smem:$0x3FA9] =	sst s3  }
0xc: {  	[smem:$0x3FAA] =	sst s4  }
0xd: {  	[smem:$0x3FAB] =	sst s5  }
0xe: {  	[smem:$0x3FAC] =	sst s6  }
0xf: {  	[smem:$0x3FAD] =	sst s7  }
0x10: {  	[smem:$0x3FAE] =	sst s8  }
0x11: {  	[smem:$0x3FAF] =	sst s9;
	s0 =	simm.s32 @!p0 $0x0  }
0x12: {  	s1 =	sld [smem:$0x3F95];
	s0 =	simm.s32 @p0 $0x1  }
0x13: {  	[smem:$0x3FB0] =	sst s0;
	s0 =	simm.s32 @!p1 $0x0  }
0x14: {  	s2 =	sld [smem:$0x3F94];
	s0 =	simm.s32 @p1 $0x1  }
0x15: {  	[smem:$0x3FB1] =	sst s0;
	s0 =	simm.s32 @!p2 $0x0  }
0x16: {  	s3 =	sld [smem:$0x3FDB];
	s0 =	simm.s32 @p2 $0x1  }
0x17: {  	s4 =	simm.s32 $0x1BF5;
	[smem:$0x3FB3] =	sst s0  }
0x18: {  	s0 =	sld [smem:$0x3F96];
	_ =	swait.ge [sflag:s4], $0x0  }
0x19: {  	s7 =	sld [smem:$0x3F97]  }
0x1a: {  	s8 =	sadd.s32 $0xFFFFE003, lr  }
0x1b: {  	s9 =	sadd.s32 $0xFFFFFEF7, lr;
	s5 =	simm.s32 $0xFFFFFFFF;
	p2 =	slt.u32 s8, $0xFFFFF086  }
0x1c: {  	p1 =	slt.u32 s9, $0xF7A;
	s5 =	simm.s32 @!p2 $0x0  }
0x1d: {  	s5 =	simm.s32 @p1 $0x1;
	p0 =	seq.s32 s7, s2  }
0x1e: {  	s7 =	smul.u32 @!p0 $0xF7A, s2;
	p2 =	seq.s32 @!p0 s5, $0x0  }
0x1f: {  	s9 =	smul.u32 $0xF7A, s1;
	s8 =	simm.s32 @!p0 $0x1BF5;
	p2 =	por !p2, p0  }
0x20: {  	[sflag:s8] =	ssyncset.s32 @!p0 $0xFFFFF086;
	s6 =	sadd.s32 @!p0 s3, s7;
	s7 =	simm.s32 @!p0 $0x108  }
0x21: {  	s3 =	sadd.s32 s3, s9;
	s6 =	sadd.s32 @!p0 $0x88, s6;
	s7 =	simm.s32 @p2 $0x1082  }
0x22: {  	[simem:s7], [sflag:s8] =	dma.local @!p0 [hbm:s6], $0xF7A  }
0x23: {  	s9 =	sor.u32 $0xD0000000, s2;
	s6 =	simm.s32 $0x108;
	_ =	swait.ge @!p0 [sflag:s8], $0x0  }
0x24: {  	s3 =	sadd.s32 $0x88, s3;
	s6 =	simm.s32 @!p1 $0x1082;
	[sflag:s4] =	ssyncset.s32 $0xFFFFF086  }
0x25: {  	[simem:s6], [sflag:s4] =	dma.local [hbm:s3], $0xF7A  }
0x26: {  	[smem:$0x3F97] =	sst s1;
	(tag) =	ssettag s2;
	_ =	strace s9  }
0x27: {  	s1 =	sld [smem:$0x3FA7]  }
0x28: {  	s2 =	sld [smem:$0x3FA8]  }
0x29: {  	s4 =	sld [smem:$0x3FAA]  }
0x2a: {  	p0 =	seq.s32 s5, $0x0;
	s5 =	sld [smem:$0x3FAB]  }
0x2b: {  	s6 =	sld [smem:$0x3FAC]  }
0x2c: {  	s7 =	sld [smem:$0x3FAD]  }
0x2d: {  	s3 =	simm.s32 $0x108;
	s8 =	sld [smem:$0x3FAE]  }
0x2e: {  	s3 =	simm.s32 @!p0 $0x1082;
	s9 =	sld [smem:$0x3FAF]  }
0x2f: {  	lr =	sadd.s32 s0, s3;
	s0 =	sld [smem:$0x3FA6]  }
0x30: {  	s3 =	sld [smem:$0x3FA9]  }
0x31: {  	[smem:$0x3FB2] =	sst s10  }
0x32: {  	s10 =	sld [smem:$0x3FB0];
	_ =	sdelay $0x3  }
0x33: {  	p0 =	seq.s32 s10, $0x1;
	s10 =	sld [smem:$0x3FB2];
	_ =	sdelay $0x3  }
0x34: {  	[smem:$0x3FB2] =	sst s10  }
0x35: {  	s10 =	sld [smem:$0x3FB1];
	_ =	sdelay $0x3  }
0x36: {  	p1 =	seq.s32 s10, $0x1;
	s10 =	sld [smem:$0x3FB2];
	_ =	sdelay $0x3  }
0x37: {  	[smem:$0x3FB2] =	sst s10  }
0x38: {  	s10 =	sld [smem:$0x3FB3]  }
0x39: {  	_ = 	snop;
	(pc) =	sbr.ind lr, $3  }
0x3a: {  	_ = 	snop  }
0x3b: {  	_ = 	snop  }
0x3c: {  	p2 =	seq.s32 s10, $0x1;
	s10 =	sld [smem:$0x3FB2]  }
0x3d: {  	_ =	shalt  }
0x3e: {  	_ =	shalt  }
0x3f: {  	_ =	shalt  }
0x40: {  	_ =	shalt  }
0x41: {  	_ =	shalt  }
0x42: {  	_ =	shalt  }
0x43: {  	_ =	shalt  }
0x44: {  	_ =	shalt  }
0x45: {  	_ =	shalt  }
0x46: {  	_ =	shalt  }
0x47: {  	_ =	shalt  }
0x48: {  	_ =	shalt  }
0x49: {  	_ =	shalt  }
0x4a: {  	_ =	shalt  }
0x4b: {  	_ =	shalt  }
0x4c: {  	_ =	shalt  }
0x4d: {  	_ =	shalt  }
0x4e: {  	_ =	shalt  }
0x4f: {  	_ =	shalt  }
0x50: {  	_ =	shalt  }
0x51: {  	_ =	shalt  }
0x52: {  	_ =	shalt  }
0x53: {  	_ =	shalt  }
0x54: {  	_ =	shalt  }
0x55: {  	_ =	shalt  }
0x56: {  	_ =	shalt  }
0x57: {  	_ =	shalt  }
0x58: {  	_ =	shalt  }
0x59: {  	_ =	shalt  }
0x5a: {  	_ =	shalt  }
0x5b: {  	_ =	shalt  }
0x5c: {  	_ =	shalt  }
0x5d: {  	_ =	shalt  }
0x5e: {  	_ =	shalt  }
0x5f: {  	_ =	shalt  }
0x60: {  	_ =	shalt  }
0x61: {  	_ =	shalt  }
0x62: {  	_ =	shalt  }
0x63: {  	_ =	shalt  }
0x64: {  	_ =	shalt  }
0x65: {  	_ =	shalt  }
0x66: {  	_ =	shalt  }
0x67: {  	_ =	shalt  }
0x68: {  	_ =	shalt  }
0x69: {  	_ =	shalt  }
0x6a: {  	_ =	shalt  }
0x6b: {  	_ =	shalt  }
0x6c: {  	_ =	shalt  }
0x6d: {  	_ =	shalt  }
0x6e: {  	_ =	shalt  }
0x6f: {  	_ =	shalt  }
0x70: {  	_ =	shalt  }
0x71: {  	_ =	shalt  }
0x72: {  	_ =	shalt  }
0x73: {  	_ =	shalt  }
0x74: {  	_ =	shalt  }
0x75: {  	_ =	shalt  }
0x76: {  	_ =	shalt  }
0x77: {  	_ =	shalt  }
0x78: {  	_ =	shalt  }
0x79: {  	_ =	shalt  }
0x7a: {  	_ =	shalt  }
0x7b: {  	_ =	shalt  }
0x7c: {  	_ =	shalt  }
0x7d: {  	_ =	shalt  }
0x7e: {  	_ =	shalt  }
0x7f: {  	_ =	shalt  }
0x80: {  	_ =	shalt  }
0x81: {  	_ =	shalt  }
0x82: {  	_ =	shalt  }
0x83: {  	_ =	shalt  }
0x84: {  	_ =	shalt  }
0x85: {  	_ =	shalt  }
0x86: {  	_ =	shalt  }
0x87: {  	_ =	shalt  }
.Lfunc_end0:
.L_simem_size_0:
called_computation.5_lowered:
.L_overlay_start_0:
0x88: {  	s2 =	sld [smem:$0x3FD9]  }
0x89: {  	s3 =	sld [smem:$0x3FFE];
	_ =	sdelay $0x1  }
0x8a: {  	s1 =	srdreg.scid  }
0x8b: {  	s0 =	sand.u32 $0x1, s1  }
0x8c: {  	s15 =	sshll.u32 s0, $0xA;
	s2 =	sadd.s32 s3, s2  }
0x8d: {  	s2 =	sadd.s32 s2, s15  }
0x8e: {  	[smem:$0x3FBE] =	sst s2  }
0x8f: {  	_ = 	snop  }
0x90: {  	s16 =	sld [smem:$0x3FD0];
	_ =	sdelay $0x2  }
0x91: {  	s4 =	simm.s32 $0xF;
	s5 =	simm.s32 $0x10;
	s2 =	sld [smem:$0x3FC9]  }
0x92: {  	[smem:s5], [sflag:s4] =	dma.local [hbm:s16], $0x1  }
0x93: {  	_ =	swait.eq [sflag:s4], $0x1  }
0x94: {  	[sflag:s4] =	ssyncset.done $0x0  }
0x95: {  	[sflag:s4] =	ssyncadd.s32 $0xFFFFFFFF  }
0x96: {  	s17 =	sld [smem:$0x11];
	(tm) =	ssettm $0x1  }
0x97: {  	s18 =	sld [smem:$0x3FFB];
	_ =	sdelay $0x3  }
0x98: {  	_ =	strace s18  }
0x99: {  	s3 =	sld [smem:$0x3FFC];
	_ =	sdelay $0x3  }
0x9a: {  	_ =	strace s3  }
0x9b: {  	s3 =	sld [smem:$0x3FFD];
	_ =	sdelay $0x3  }
0x9c: {  	_ =	strace s3  }
0x9d: {  	_ =	strace $0x8FFFFFFF  }
0x9e: {  	s19 =	sld [smem:$0x3FDB];
	_ =	sdelay $0x1  }
0x9f: {  	s20 =	simm.s32 $_scs_section_size  }
0xa0: {  	s6 =	simm.s32 $_size__tile_overlayer_lowered;
	s7 =	simm.s32 $_tile_overlayer_lowered  }
0xa1: {  	s8 =	simm.s32 $0x1BFF;
	s21 =	sshll.u32 s7, $0x1;
	s5 =	sadd.s32 s20, s19  }
0xa2: {  	s22 =	simm.s32 $0x0;
	s6 =	sshll.u32 s6, $0x1;
	s7 =	sadd.s32 s21, s5  }
0xa3: {  	[timem:s22], [sflag:s8] =	dma.local [hbm:s7], s6  }
0xa4: {  	_ =	swait.ge [sflag:s8], s6  }
0xa5: {  	s6 =	ssub.s32 $0x0, s6;
	[sflag:s8] =	ssyncset.done $0x0  }
0xa6: {  	[sflag:s8] =	ssyncadd.s32 s6;
	_ =	sdelay $0x1  }
0xa7: {  	s23 =	simm.s32 $0x1B8B  }
0xa8: {  	_ =	swait.ge [sflag:s23], $0x1  }
0xa9: {  	[sflag:s23] =	ssyncset.done $0x0  }
0xaa: {  	[sflag:s23] =	ssyncadd.s32 $0xFFFFFFFF  }
0xab: {  	s6 =	sld [smem:$0x0]  }
0xac: {  	s7 =	sand.u32 $0xFFFFFFFE, s1  }
0xad: {  	p0 =	sne.s32 s1, s7  }
0xae: {  	s7 =	sshll.u32 @p0 s7, $0xE  }
0xaf: {  	s7 =	sadd.s32 @p0 $0x11B8D, s7;
	s8 =	sshll.u32 @p0 s6, $0x11  }
0xb0: {  	s7 =	sor.u32 @p0 s8, s7  }
0xb1: {  	[sflag:s7] =	ssyncadd.remote.s32 @p0 $0x1;
	_ =	sdelay $0x1  }
0xb2: {  	s7 =	simm.s32 @p0 $0x1B8D  }
0xb3: {  	_ =	swait.eq @p0 [sflag:s7], $0x1  }
0xb4: {  	[sflag:s7] =	ssyncadd.s32 @p0 $0xFFFFFFFF  }
0xb5: {  	s8 =	sshll.u32 @!p0 s1, $0xE  }
0xb6: {  	s8 =	sor.u32 @!p0 $0x4000, s8;
	s7 =	simm.s32 @!p0 $0x1B8D  }
0xb7: {  	s6 =	sshll.u32 @!p0 s6, $0x11;
	s8 =	sadd.s32 @!p0 $0x11B8D, s8;
	_ =	swait.eq @!p0 [sflag:s7], $0x1  }
0xb8: {  	s6 =	sor.u32 @!p0 s6, s8;
	[sflag:s7] =	ssyncadd.s32 @!p0 $0xFFFFFFFF  }
0xb9: {  	s25 =	simm.s32 $0x1B8E;
	s24 =	sld [smem:$0x3FFE];
	[sflag:s6] =	ssyncadd.remote.s32 @!p0 $0x1  }
0xba: {  	s26 =	simm.s32 $execute0_lowered;
	[smem:$0x3FD2] =	sst s25  }
0xbb: {  	s7 =	sshll.u32 s26, $0x1;
	_ =	strace $0x80000049;
	[dreg:$0x1] =	wrdreg $0xFFFFFFFF  }
0xbc: {  	s28 =	simm.s32 $_size_execute0_lowered;
	s5 =	sadd.s32 s5, s7;
	[dreg:$0x0] =	wrdreg $0x0  }
0xbd: {  	s7 =	sshll.u32 s28, $0x1;
	[dreg:$0x2] =	wrdreg s5  }
0xbe: {  	[dreg:$0x3] =	wrdreg s7  }
0xbf: {  	[dreg:$0x4] =	wrdreg $0xC0  }
0xc0: {  	_ =	task [dreg:s22], $0x5FFFF  }
0xc1: {  	[dreg:$0x1] =	wrdreg $0xFFFFFFFF  }
0xc2: {  	[dreg:$0x0] =	wrdreg $0x60  }
0xc3: {  	[dreg:$0x2] =	wrdreg s2  }
0xc4: {  	[dreg:$0x3] =	wrdreg s24  }
0xc5: {  	[dreg:$0x4] =	wrdreg s17  }
0xc6: {  	[dreg:$0x5] =	wrdreg $0xE  }
0xc7: {  	_ =	task.clear_ibuf [dreg:s22], $0x6FFFF;
	_ =	strace $0x90000049  }
0xc8: {  	s29 =	simm.s32 $0xE;
	_ =	strace $0x8000004B  }
0xc9: {  	_ =	swait.ge [sflag:s29], $0x1  }
0xca: {  	[sflag:s29] =	ssyncadd.s32 $0xFFFFFFFF  }
0xcb: {  	_ =	strace $0x9000004B  }
0xcc: {  	_ =	sfence  }
0xcd: {  	s30 =	sld [smem:$0x0];
	_ =	sdelay $0x2  }
0xce: {  	s31 =	sshll.u32 s1, $0xD;
	s1 =	sshrl.u32 s1, $0x2  }
0xcf: {  	s4 =	sand.u32 $0x4000, s31;
	s1 =	sadd.s32 s1, s30  }
0xd0: {  	s0 =	sor.u32 s4, s0;
	s1 =	sshll.u32 s1, $0x11  }
0xd1: {  	s0 =	sor.u32 s1, s0  }
0xd2: {  	s0 =	sadd.s32 $0x8F2B, s0  }
0xd3: {  	[sflag:s0] =	ssyncadd.remote.s32 $0x1  }
0xd4: {  	_ =	sfence.sel $0xFFFF  }
0xd5: {  	[dreg:$0x0] =	wrdreg $0xFFFFFFFF;
	(pc) =	sbr.abs _section_cstart, $3  }
0xd6: {  	[dreg:$0x1] =	wrdreg $0xFFFFFFFF  }
0xd7: {  	_ =	task.clear_ibuf [dreg:s22], $0x2FFFF;
	_ =	strace $0x9FFFFFFF  }
0xd8: {  	(tm) =	ssettm $0x7FFFFFFF  }
0xd9: {  	_ =	shalt  }
tec
execute0_lowered:
.L_overlay_start_1:
0x0: {  	(tag) =	ssettag $0x1  }
0x1: {  	s1 =	rddreg [dreg:$0x0]  }
0x2: {  	s0 =	rddreg [dreg:$0x1]  }
0x3: {  	s2 =	rddreg [dreg:$0x2];
	s3 =	srdreg.scid  }
0x4: {  	s4 =	simm.s32 $0x0;
	s15 =	stileid.u32;
	s18 =	simm.s32 $0x5  }
0x5: {  	s19 =	simm.s32 $0x80;
	s28 =	simm.s32 $0x1;
	s29 =	simm.s32 $0x2  }
0x6: {  	s30 =	simm.s32 $0x3;
	s31 =	simm.s32 $0x4;
	s3 =	sand.u32 $0x1, s3  }
0x7: {  	[smem:$0x7FF] =	sst s4;
	s8 =	sadd.s32 $0x215E00, s0;
	s13 =	smul.u32 $0x7D0, s15  }
0x8: {  	s5 =	sshll.u32 s3, $0x4;
	_ =	strace $0x8000004A;
	s11 =	smul.u32 $0x7D00, s3  }
0x9: {  	s9 =	ssub.s32 $0x2, s3;
	s14 =	smul.u32 $0x7D000, s3;
	s6 =	sor.u32 s15, s5  }
0xa: {  	s5 =	sadd.s32 $0x17E00, s0;
	s0 =	sadd.s32 $0x30FE00, s0;
	s15 =	smul.u32 $0x7D00, s15  }
0xb: {  	s10 =	sshrl.u32 s9, $0x1;
	s7 =	smul.u32 $0x7D0, s6;
	s13 =	sadd.s32 s13, s11  }
0xc: {  	s6 =	smul.u32 $0x3E800, s6;
	s12 =	ssub.s32 s9, s10;
	s25 =	sadd.s32 $0xF0, s13  }
0xd: {  	s12 =	smax.u32 s12, $0x1;
	s3 =	sadd.s32 $0xA0, s13;
	s7 =	sshrl.u32 s7, $0x3  }
0xe: {  	s6 =	sshrl.u32 s6, $0x3;
	s26 =	sshrl.u32 s25, $0x3;
	s20 =	sadd.s32 s5, s7  }
0xf: {  	s21 =	sadd.s32 $0xA, s7;
	s7 =	sadd.s32 s2, s7;
	[dreg:$0x4] =	wrdreg s20  }
0x10: {  	s25 =	simm.s32 $0x5200;
	s6 =	sadd.s32 $0x7800, s6;
	[dreg:$0x5] =	wrdreg s7  }
0x11: {  	s22 =	sadd.s32 s5, s21;
	s23 =	sadd.s32 s2, s21;
	s24 =	sadd.s32 s8, s6  }
0x12: {  	s11 =	sadd.s32 s0, s6;
	s7 =	sadd.s32 s26, s2;
	s6 =	sadd.s32 s26, s5  }
.Ltmp0:
0x13: {  	s8 =	sadd.s32 s14, s8;
	[dreg:$0x6] =	wrdreg s22;
	(pc) =	sbr.rel .LBB2_1-.Ltmp0, $4  }
0x14: {  	s0 =	sadd.s32 s14, s0;
	s20 =	simm.s32 $0x50;
	[dreg:$0x7] =	wrdreg s23  }
0x15: {  	s21 =	simm.s32 $0x200;
	s26 =	simm.s32 $0x7A00;
	[dreg:$0x8] =	wrdreg s24  }
0x16: {  	s16 =	sadd.s32 s15, s8;
	s17 =	sadd.s32 s15, s0;
	s22 =	simm.s32 $0x2A00  }
0x17: {  	s23 =	simm.s32 $0x100;
	s24 =	simm.s32 $0x180;
	s0 =	simm.s32 $0x0  }
.LBB2_4:
0x18: {  	_ =	swait.ge [sflag:s28], $0x2800  }
0x19: {  	[sflag:s28] =	ssyncset.done $0x0  }
0x1a: {  	[sflag:s28] =	ssyncadd.s32 $0xFFFFD800  }
0x1b: {  	_ =	swait.ge [sflag:s28], $0x2800  }
0x1c: {  	[sflag:s28] =	ssyncset.done $0x0  }
0x1d: {  	s8 =	rddreg [dreg:$0x8];
	[sflag:s28] =	ssyncadd.s32 $0xFFFFD800  }
0x1e: {  	[hbm4b:s8+s4] =	stream.linear.scatter [tilespmem:s21], [sflag:$0x3], $0x2800, $0x38;
	[tilespmem:$0xA200] =	vst v63  }
0x1f: {  	s0 =	sadd.s32 $0x1, s0  }
0x20: {  	[hbm4b:s11+s4] =	stream.linear.scatter [tilespmem:s22], [sflag:$0x3], $0x2800, $0x38;
	[tilespmem:$0xA200] =	vst v63  }
0x21: {  	p0 =	sne.s32 s0, s12;
	_ =	swait.ge [sflag:s30], $0x2800  }
.Ltmp1:
0x22: {  	[sflag:s30] =	ssyncset.done $0x0;
	(pc) =	sbr.rel @!p0 .LBB2_5-.Ltmp1, $4  }
0x23: {  	[sflag:s30] =	ssyncadd.s32 $0xFFFFD800  }
0x24: {  	_ =	swait.ge [sflag:s30], $0x2800  }
0x25: {  	[sflag:s30] =	ssyncset.done $0x0  }
0x26: {  	[sflag:s30] =	ssyncadd.s32 $0xFFFFD800  }
.LBB2_1:
0x27: {  	s8 =	rddreg [dreg:$0x4]  }
0x28: {  	[tilespmem:s4], [sflag:$0x5] =	stream.linear.gather [hbm4b:s8+s4], $0x50, $0x38;
	[tilespmem:$0xA200] =	vst v63  }
0x29: {  	_ =	swait.ge [sflag:s18], $0x50  }
0x2a: {  	[sflag:s18] =	ssyncset.done $0x0  }
0x2b: {  	s13 =	rddreg [dreg:$0x5];
	[sflag:s18] =	ssyncadd.s32 $0xFFFFFFB0  }
0x2c: {  	[tilespmem:s19], [sflag:$0x5] =	stream.linear.gather [hbm4b:s13+s4], $0x50, $0x38;
	[tilespmem:$0xA200] =	vst v63  }
0x2d: {  	_ =	swait.ge [sflag:s18], $0x50  }
0x2e: {  	[sflag:s18] =	ssyncset.done $0x0  }
0x2f: {  	[sflag:s18] =	ssyncadd.s32 $0xFFFFFFB0  }
0x30: {  	[tilespmem:s21], [sflag:$0x1] =	stream.indirect.gather [hbm4b:s1+s20], $0x80, s4, s20, $0xb8;
	[tilespmem:$0xA200] =	vst v63  }
0x31: {  	_ = 	snop  }
0x32: {  	[tilespmem:s22], [sflag:$0x1] =	stream.indirect.gather [hbm4b:s1+s20], $0x80, s19, s20, $0xb8;
	[tilespmem:$0xA200] =	vst v63  }
0x33: {  	s14 =	rddreg [dreg:$0x6]  }
0x34: {  	[tilespmem:s23], [sflag:$0x5] =	stream.linear.gather [hbm4b:s14+s4], $0x50, $0x38;
	[tilespmem:$0xA200] =	vst v63  }
0x35: {  	_ =	swait.ge [sflag:s18], $0x50  }
0x36: {  	[sflag:s18] =	ssyncset.done $0x0  }
0x37: {  	s15 =	rddreg [dreg:$0x7];
	[sflag:s18] =	ssyncadd.s32 $0xFFFFFFB0  }
0x38: {  	[tilespmem:s24], [sflag:$0x5] =	stream.linear.gather [hbm4b:s15+s4], $0x50, $0x38;
	[tilespmem:$0xA200] =	vst v63  }
0x39: {  	_ =	swait.ge [sflag:s18], $0x50  }
0x3a: {  	[sflag:s18] =	ssyncset.done $0x0  }
0x3b: {  	s8 =	simm.s32 $0x0;
	[sflag:s18] =	ssyncadd.s32 $0xFFFFFFB0  }
0x3c: {  	[tilespmem:s25], [sflag:$0x2] =	stream.indirect.gather [hbm4b:s1+s20], $0x80, s23, s20, $0xb8;
	[tilespmem:$0xA200] =	vst v63  }
0x3d: {  	s13 =	smov.u32 s7;
	s14 =	smov.u32 s6;
	s15 =	smov.u32 s3  }
0x3e: {  	[tilespmem:s26], [sflag:$0x2] =	stream.indirect.gather [hbm4b:s1+s20], $0x80, s24, s20, $0xb8;
	[tilespmem:$0xA200] =	vst v63  }
.LBB2_2:
0x3f: {  	_ =	swait.ge [sflag:s28], $0x2800  }
0x40: {  	[sflag:s28] =	ssyncset.done $0x0  }
0x41: {  	[sflag:s28] =	ssyncadd.s32 $0xFFFFD800  }
0x42: {  	_ =	swait.ge [sflag:s28], $0x2800  }
0x43: {  	[sflag:s28] =	ssyncset.done $0x0  }
0x44: {  	s9 =	sadd.s32 s8, s16;
	[sflag:s28] =	ssyncadd.s32 $0xFFFFD800  }
0x45: {  	[hbm4b:s9+s4] =	stream.linear.scatter [tilespmem:s21], [sflag:$0x3], $0x2800, $0x38;
	[tilespmem:$0xA200] =	vst v63  }
0x46: {  	s10 =	sadd.s32 s8, s17  }
0x47: {  	[hbm4b:s10+s4] =	stream.linear.scatter [tilespmem:s22], [sflag:$0x3], $0x2800, $0x38;
	[tilespmem:$0xA200] =	vst v63  }
0x48: {  	_ =	swait.ge [sflag:s29], $0x2800  }
0x49: {  	[sflag:s29] =	ssyncset.done $0x0  }
0x4a: {  	[sflag:s29] =	ssyncadd.s32 $0xFFFFD800  }
0x4b: {  	_ =	swait.ge [sflag:s29], $0x2800  }
0x4c: {  	[sflag:s29] =	ssyncset.done $0x0  }
0x4d: {  	s9 =	sadd.s32 $0x500, s9;
	[sflag:s29] =	ssyncadd.s32 $0xFFFFD800  }
0x4e: {  	[hbm4b:s9+s4] =	stream.linear.scatter [tilespmem:s25], [sflag:$0x4], $0x2800, $0x38;
	[tilespmem:$0xA200] =	vst v63  }
0x4f: {  	s10 =	sadd.s32 $0x500, s10  }
0x50: {  	[hbm4b:s10+s4] =	stream.linear.scatter [tilespmem:s26], [sflag:$0x4], $0x2800, $0x38;
	[tilespmem:$0xA200] =	vst v63  }
0x51: {  	_ =	swait.ge [sflag:s30], $0x2800  }
0x52: {  	[sflag:s30] =	ssyncset.done $0x0  }
0x53: {  	[sflag:s30] =	ssyncadd.s32 $0xFFFFD800  }
0x54: {  	_ =	swait.ge [sflag:s30], $0x2800  }
0x55: {  	s9 =	sshrl.u32 s15, $0x3;
	[sflag:s30] =	ssyncset.done $0x0  }
0x56: {  	s10 =	sadd.s32 s5, s9;
	[sflag:s30] =	ssyncadd.s32 $0xFFFFD800  }
0x57: {  	[tilespmem:s4], [sflag:$0x5] =	stream.linear.gather [hbm4b:s10+s4], $0x50, $0x38;
	[tilespmem:$0xA200] =	vst v63  }
0x58: {  	_ =	swait.ge [sflag:s18], $0x50  }
0x59: {  	[sflag:s18] =	ssyncset.done $0x0  }
0x5a: {  	s9 =	sadd.s32 s2, s9;
	[sflag:s18] =	ssyncadd.s32 $0xFFFFFFB0  }
0x5b: {  	[tilespmem:s19], [sflag:$0x5] =	stream.linear.gather [hbm4b:s9+s4], $0x50, $0x38;
	[tilespmem:$0xA200] =	vst v63  }
0x5c: {  	_ =	swait.ge [sflag:s18], $0x50  }
0x5d: {  	[sflag:s18] =	ssyncset.done $0x0  }
0x5e: {  	[sflag:s18] =	ssyncadd.s32 $0xFFFFFFB0  }
0x5f: {  	[tilespmem:s21], [sflag:$0x1] =	stream.indirect.gather [hbm4b:s1+s20], $0x80, s4, s20, $0xb8;
	[tilespmem:$0xA200] =	vst v63  }
0x60: {  	_ = 	snop  }
0x61: {  	[tilespmem:s22], [sflag:$0x1] =	stream.indirect.gather [hbm4b:s1+s20], $0x80, s19, s20, $0xb8;
	[tilespmem:$0xA200] =	vst v63  }
0x62: {  	p0 =	seq.s32 s8, $0x6E00;
	_ =	swait.ge [sflag:s31], $0x2800  }
.Ltmp2:
0x63: {  	[sflag:s31] =	ssyncset.done $0x0;
	(pc) =	sbr.rel @p0 .LBB2_4-.Ltmp2, $4  }
0x64: {  	[sflag:s31] =	ssyncadd.s32 $0xFFFFD800  }
0x65: {  	_ =	swait.ge [sflag:s31], $0x2800  }
0x66: {  	[sflag:s31] =	ssyncset.done $0x0  }
0x67: {  	[sflag:s31] =	ssyncadd.s32 $0xFFFFD800  }
0x68: {  	[tilespmem:s23], [sflag:$0x5] =	stream.linear.gather [hbm4b:s14+s4], $0x50, $0x38;
	[tilespmem:$0xA200] =	vst v63  }
0x69: {  	_ =	swait.ge [sflag:s18], $0x50  }
0x6a: {  	[sflag:s18] =	ssyncset.done $0x0  }
0x6b: {  	[sflag:s18] =	ssyncadd.s32 $0xFFFFFFB0  }
0x6c: {  	[tilespmem:s24], [sflag:$0x5] =	stream.linear.gather [hbm4b:s13+s4], $0x50, $0x38;
	[tilespmem:$0xA200] =	vst v63  }
0x6d: {  	_ =	swait.ge [sflag:s18], $0x50  }
.Ltmp3:
0x6e: {  	[sflag:s18] =	ssyncset.done $0x0;
	(pc) =	sbr.rel .LBB2_2-.Ltmp3, $4  }
0x6f: {  	s8 =	sadd.s32 $0xA00, s8;
	[sflag:s18] =	ssyncadd.s32 $0xFFFFFFB0  }
0x70: {  	[tilespmem:s25], [sflag:$0x2] =	stream.indirect.gather [hbm4b:s1+s20], $0x80, s23, s20, $0xb8;
	[tilespmem:$0xA200] =	vst v63  }
0x71: {  	s14 =	sadd.s32 $0x14, s14;
	s15 =	sadd.s32 $0xA0, s15;
	s13 =	sadd.s32 $0x14, s13  }
0x72: {  	[tilespmem:s26], [sflag:$0x2] =	stream.indirect.gather [hbm4b:s1+s20], $0x80, s24, s20, $0xb8;
	[tilespmem:$0xA200] =	vst v63  }
.LBB2_5:
0x73: {  	_ =	sfence.sel $0x180000  }
0x74: {  	[bflag:$0x0] =	sbarrier.arrive $0xFFFF  }
0x75: {  	_ =	strace $0x9000004A  }
0x76: {  	s0 =	stileid.u32;
	[bflag:$0x2] =	sbarrier.arrive $0xFFFF  }
0x77: {  	p0 =	sne.s32 s0, $0x0;
	s0 =	rddreg [dreg:$0x3]  }
0x78: {  	s0 =	sadd.s32 @!p0 $0x100000, s0  }
0x79: {  	[sflag:s0] =	ssyncadd.tile.s32 @!p0 $0x1;
	_ =	shalt  }
.Lfunc_end2:
_tile_overlayer_lowered:
.L_overlay_start_2:
0x7a: {  	(tag) =	ssettag $0x2  }
0x7b: {  	s0 =	rddreg [dreg:$0x0];
	s2 =	stileid.u32  }
0x7c: {  	s1 =	rddreg [dreg:$0x1];
	p0 =	sne.s32 s2, $0x0  }
0x7d: {  	s3 =	rddreg [dreg:$0x2];
	[bflag:$0x3] =	sbarrier.arrive $0xFFFF;
	s2 =	simm.s32 @!p0 $0x1C05  }
0x7e: {  	[timem:s3], [sflag:s2] =	dma.local @!p0 [hbm:s0], s1  }
0x7f: {  	s0 =	simm.s32 @!p0 $0x5  }
0x80: {  	_ =	swait.ge @!p0 [sflag:s0], s1  }
0x81: {  	s1 =	ssub.s32 @!p0 $0x0, s1;
	[sflag:s0] =	ssyncset.done @!p0 $0x0  }
0x82: {  	[sflag:s0] =	ssyncadd.s32 @!p0 s1  }
0x83: {  	[bflag:$0x3] =	sbarrier.arrive $0xFFFF  }
0x84: {  	_ =	shalt  }

// kernel: kernel.34.cloned.1.call-start
scs
__scs_entry_jumppad:
0x0: {  	(pc) =	sbr.rel $0x88, $3  }
0x1: {  	(tag) =	ssettag $0x0;
	lr =	simm.s32 $0x1  }
0x2: {  	[smem:$0x3F97] =	sst lr;
	_ =	strace $0xD0000000  }
0x3: {  	_ = 	snop  }
0x4: {  	_ = 	snop  }
0x5: {  	_ = 	snop  }
0x6: {  	_ = 	snop  }
0x7: {  	_ = 	snop  }
__scs_overlays_trampoline_lowered:
0x8: {  	[smem:$0x3FA6] =	sst s0  }
0x9: {  	[smem:$0x3FA7] =	sst s1  }
0xa: {  	[smem:$0x3FA8] =	sst s2  }
0xb: {  	[smem:$0x3FA9] =	sst s3  }
0xc: {  	[smem:$0x3FAA] =	sst s4  }
0xd: {  	[smem:$0x3FAB] =	sst s5  }
0xe: {  	[smem:$0x3FAC] =	sst s6  }
0xf: {  	[smem:$0x3FAD] =	sst s7  }
0x10: {  	[smem:$0x3FAE] =	sst s8  }
0x11: {  	[smem:$0x3FAF] =	sst s9;
	s0 =	simm.s32 @!p0 $0x0  }
0x12: {  	s1 =	sld [smem:$0x3F95];
	s0 =	simm.s32 @p0 $0x1  }
0x13: {  	[smem:$0x3FB0] =	sst s0;
	s0 =	simm.s32 @!p1 $0x0  }
0x14: {  	s2 =	sld [smem:$0x3F94];
	s0 =	simm.s32 @p1 $0x1  }
0x15: {  	[smem:$0x3FB1] =	sst s0;
	s0 =	simm.s32 @!p2 $0x0  }
0x16: {  	s3 =	sld [smem:$0x3FDB];
	s0 =	simm.s32 @p2 $0x1  }
0x17: {  	s4 =	simm.s32 $0x1BF5;
	[smem:$0x3FB3] =	sst s0  }
0x18: {  	s0 =	sld [smem:$0x3F96];
	_ =	swait.ge [sflag:s4], $0x0  }
0x19: {  	s7 =	sld [smem:$0x3F97]  }
0x1a: {  	s8 =	sadd.s32 $0xFFFFE003, lr  }
0x1b: {  	s9 =	sadd.s32 $0xFFFFFEF7, lr;
	s5 =	simm.s32 $0xFFFFFFFF;
	p2 =	slt.u32 s8, $0xFFFFF086  }
0x1c: {  	p1 =	slt.u32 s9, $0xF7A;
	s5 =	simm.s32 @!p2 $0x0  }
0x1d: {  	s5 =	simm.s32 @p1 $0x1;
	p0 =	seq.s32 s7, s2  }
0x1e: {  	s7 =	smul.u32 @!p0 $0xF7A, s2;
	p2 =	seq.s32 @!p0 s5, $0x0  }
0x1f: {  	s9 =	smul.u32 $0xF7A, s1;
	s8 =	simm.s32 @!p0 $0x1BF5;
	p2 =	por !p2, p0  }
0x20: {  	[sflag:s8] =	ssyncset.s32 @!p0 $0xFFFFF086;
	s6 =	sadd.s32 @!p0 s3, s7;
	s7 =	simm.s32 @!p0 $0x108  }
0x21: {  	s3 =	sadd.s32 s3, s9;
	s6 =	sadd.s32 @!p0 $0x88, s6;
	s7 =	simm.s32 @p2 $0x1082  }
0x22: {  	[simem:s7], [sflag:s8] =	dma.local @!p0 [hbm:s6], $0xF7A  }
0x23: {  	s9 =	sor.u32 $0xD0000000, s2;
	s6 =	simm.s32 $0x108;
	_ =	swait.ge @!p0 [sflag:s8], $0x0  }
0x24: {  	s3 =	sadd.s32 $0x88, s3;
	s6 =	simm.s32 @!p1 $0x1082;
	[sflag:s4] =	ssyncset.s32 $0xFFFFF086  }
0x25: {  	[simem:s6], [sflag:s4] =	dma.local [hbm:s3], $0xF7A  }
0x26: {  	[smem:$0x3F97] =	sst s1;
	(tag) =	ssettag s2;
	_ =	strace s9  }
0x27: {  	s1 =	sld [smem:$0x3FA7]  }
0x28: {  	s2 =	sld [smem:$0x3FA8]  }
0x29: {  	s4 =	sld [smem:$0x3FAA]  }
0x2a: {  	p0 =	seq.s32 s5, $0x0;
	s5 =	sld [smem:$0x3FAB]  }
0x2b: {  	s6 =	sld [smem:$0x3FAC]  }
0x2c: {  	s7 =	sld [smem:$0x3FAD]  }
0x2d: {  	s3 =	simm.s32 $0x108;
	s8 =	sld [smem:$0x3FAE]  }
0x2e: {  	s3 =	simm.s32 @!p0 $0x1082;
	s9 =	sld [smem:$0x3FAF]  }
0x2f: {  	lr =	sadd.s32 s0, s3;
	s0 =	sld [smem:$0x3FA6]  }
0x30: {  	s3 =	sld [smem:$0x3FA9]  }
0x31: {  	[smem:$0x3FB2] =	sst s10  }
0x32: {  	s10 =	sld [smem:$0x3FB0];
	_ =	sdelay $0x3  }
0x33: {  	p0 =	seq.s32 s10, $0x1;
	s10 =	sld [smem:$0x3FB2];
	_ =	sdelay $0x3  }
0x34: {  	[smem:$0x3FB2] =	sst s10  }
0x35: {  	s10 =	sld [smem:$0x3FB1];
	_ =	sdelay $0x3  }
0x36: {  	p1 =	seq.s32 s10, $0x1;
	s10 =	sld [smem:$0x3FB2];
	_ =	sdelay $0x3  }
0x37: {  	[smem:$0x3FB2] =	sst s10  }
0x38: {  	s10 =	sld [smem:$0x3FB3]  }
0x39: {  	_ = 	snop;
	(pc) =	sbr.ind lr, $3  }
0x3a: {  	_ = 	snop  }
0x3b: {  	_ = 	snop  }
0x3c: {  	p2 =	seq.s32 s10, $0x1;
	s10 =	sld [smem:$0x3FB2]  }
0x3d: {  	_ =	shalt  }
0x3e: {  	_ =	shalt  }
0x3f: {  	_ =	shalt  }
0x40: {  	_ =	shalt  }
0x41: {  	_ =	shalt  }
0x42: {  	_ =	shalt  }
0x43: {  	_ =	shalt  }
0x44: {  	_ =	shalt  }
0x45: {  	_ =	shalt  }
0x46: {  	_ =	shalt  }
0x47: {  	_ =	shalt  }
0x48: {  	_ =	shalt  }
0x49: {  	_ =	shalt  }
0x4a: {  	_ =	shalt  }
0x4b: {  	_ =	shalt  }
0x4c: {  	_ =	shalt  }
0x4d: {  	_ =	shalt  }
0x4e: {  	_ =	shalt  }
0x4f: {  	_ =	shalt  }
0x50: {  	_ =	shalt  }
0x51: {  	_ =	shalt  }
0x52: {  	_ =	shalt  }
0x53: {  	_ =	shalt  }
0x54: {  	_ =	shalt  }
0x55: {  	_ =	shalt  }
0x56: {  	_ =	shalt  }
0x57: {  	_ =	shalt  }
0x58: {  	_ =	shalt  }
0x59: {  	_ =	shalt  }
0x5a: {  	_ =	shalt  }
0x5b: {  	_ =	shalt  }
0x5c: {  	_ =	shalt  }
0x5d: {  	_ =	shalt  }
0x5e: {  	_ =	shalt  }
0x5f: {  	_ =	shalt  }
0x60: {  	_ =	shalt  }
0x61: {  	_ =	shalt  }
0x62: {  	_ =	shalt  }
0x63: {  	_ =	shalt  }
0x64: {  	_ =	shalt  }
0x65: {  	_ =	shalt  }
0x66: {  	_ =	shalt  }
0x67: {  	_ =	shalt  }
0x68: {  	_ =	shalt  }
0x69: {  	_ =	shalt  }
0x6a: {  	_ =	shalt  }
0x6b: {  	_ =	shalt  }
0x6c: {  	_ =	shalt  }
0x6d: {  	_ =	shalt  }
0x6e: {  	_ =	shalt  }
0x6f: {  	_ =	shalt  }
0x70: {  	_ =	shalt  }
0x71: {  	_ =	shalt  }
0x72: {  	_ =	shalt  }
0x73: {  	_ =	shalt  }
0x74: {  	_ =	shalt  }
0x75: {  	_ =	shalt  }
0x76: {  	_ =	shalt  }
0x77: {  	_ =	shalt  }
0x78: {  	_ =	shalt  }
0x79: {  	_ =	shalt  }
0x7a: {  	_ =	shalt  }
0x7b: {  	_ =	shalt  }
0x7c: {  	_ =	shalt  }
0x7d: {  	_ =	shalt  }
0x7e: {  	_ =	shalt  }
0x7f: {  	_ =	shalt  }
0x80: {  	_ =	shalt  }
0x81: {  	_ =	shalt  }
0x82: {  	_ =	shalt  }
0x83: {  	_ =	shalt  }
0x84: {  	_ =	shalt  }
0x85: {  	_ =	shalt  }
0x86: {  	_ =	shalt  }
0x87: {  	_ =	shalt  }
.Lfunc_end0:
.L_simem_size_0:
called_computation.6_lowered:
.L_overlay_start_0:
0x88: {  	s2 =	sld [smem:$0x3FD9]  }
0x89: {  	s3 =	sld [smem:$0x3FFE];
	_ =	sdelay $0x1  }
0x8a: {  	s1 =	srdreg.scid  }
0x8b: {  	s0 =	sand.u32 $0x1, s1  }
0x8c: {  	s15 =	sshll.u32 s0, $0xA;
	s2 =	sadd.s32 s3, s2  }
0x8d: {  	s2 =	sadd.s32 s2, s15  }
0x8e: {  	[smem:$0x3FBE] =	sst s2  }
0x8f: {  	_ = 	snop  }
0x90: {  	s2 =	sld [smem:$0x3FD0];
	_ =	sdelay $0x2  }
0x91: {  	s16 =	simm.s32 $0xF;
	s4 =	simm.s32 $0x10  }
0x92: {  	[smem:s4], [sflag:s16] =	dma.local [hbm:s2], $0x1  }
0x93: {  	_ =	swait.eq [sflag:s16], $0x1  }
0x94: {  	[sflag:s16] =	ssyncset.done $0x0  }
0x95: {  	[sflag:s16] =	ssyncadd.s32 $0xFFFFFFFF  }
0x96: {  	s17 =	sld [smem:$0x13];
	(tm) =	ssettm $0x1  }
0x97: {  	s18 =	sld [smem:$0x3FFB];
	_ =	sdelay $0x3  }
0x98: {  	_ =	strace s18  }
0x99: {  	s2 =	sld [smem:$0x3FFC];
	_ =	sdelay $0x3  }
0x9a: {  	_ =	strace s2  }
0x9b: {  	s2 =	sld [smem:$0x3FFD];
	_ =	sdelay $0x3  }
0x9c: {  	_ =	strace s2  }
0x9d: {  	_ =	strace $0x8FFFFFFF  }
0x9e: {  	s19 =	sld [smem:$0x3FDB];
	_ =	sdelay $0x1  }
0x9f: {  	s20 =	simm.s32 $_scs_section_size  }
0xa0: {  	s5 =	simm.s32 $_size__tile_overlayer_lowered;
	s6 =	simm.s32 $_tile_overlayer_lowered  }
0xa1: {  	s7 =	simm.s32 $0x1BFF;
	s21 =	sshll.u32 s6, $0x1;
	s4 =	sadd.s32 s20, s19  }
0xa2: {  	s22 =	simm.s32 $0x0;
	s5 =	sshll.u32 s5, $0x1;
	s6 =	sadd.s32 s21, s4  }
0xa3: {  	[timem:s22], [sflag:s7] =	dma.local [hbm:s6], s5  }
0xa4: {  	_ =	swait.ge [sflag:s7], s5  }
0xa5: {  	s5 =	ssub.s32 $0x0, s5;
	[sflag:s7] =	ssyncset.done $0x0  }
0xa6: {  	[sflag:s7] =	ssyncadd.s32 s5;
	_ =	sdelay $0x1  }
0xa7: {  	s23 =	simm.s32 $0x1B8B  }
0xa8: {  	_ =	swait.ge [sflag:s23], $0x1  }
0xa9: {  	[sflag:s23] =	ssyncset.done $0x0  }
0xaa: {  	[sflag:s23] =	ssyncadd.s32 $0xFFFFFFFF  }
0xab: {  	s5 =	sld [smem:$0x0]  }
0xac: {  	s6 =	sand.u32 $0xFFFFFFFE, s1  }
0xad: {  	p0 =	sne.s32 s1, s6  }
0xae: {  	s6 =	sshll.u32 @p0 s6, $0xE  }
0xaf: {  	s6 =	sadd.s32 @p0 $0x11B8D, s6;
	s7 =	sshll.u32 @p0 s5, $0x11  }
0xb0: {  	s6 =	sor.u32 @p0 s7, s6  }
0xb1: {  	[sflag:s6] =	ssyncadd.remote.s32 @p0 $0x1;
	_ =	sdelay $0x1  }
0xb2: {  	s6 =	simm.s32 @p0 $0x1B8D  }
0xb3: {  	_ =	swait.eq @p0 [sflag:s6], $0x1  }
0xb4: {  	[sflag:s6] =	ssyncadd.s32 @p0 $0xFFFFFFFF  }
0xb5: {  	s7 =	sshll.u32 @!p0 s1, $0xE  }
0xb6: {  	s7 =	sor.u32 @!p0 $0x4000, s7;
	s6 =	simm.s32 @!p0 $0x1B8D  }
0xb7: {  	s5 =	sshll.u32 @!p0 s5, $0x11;
	s7 =	sadd.s32 @!p0 $0x11B8D, s7;
	_ =	swait.eq @!p0 [sflag:s6], $0x1  }
0xb8: {  	s5 =	sor.u32 @!p0 s5, s7;
	[sflag:s6] =	ssyncadd.s32 @!p0 $0xFFFFFFFF  }
0xb9: {  	s25 =	simm.s32 $0x1B8E;
	s24 =	sld [smem:$0x3FFE];
	[sflag:s5] =	ssyncadd.remote.s32 @!p0 $0x1  }
0xba: {  	s26 =	simm.s32 $execute0_lowered;
	[smem:$0x3FD2] =	sst s25  }
0xbb: {  	s6 =	sshll.u32 s26, $0x1;
	_ =	strace $0x8000005B;
	[dreg:$0x1] =	wrdreg $0xFFFFFFFF  }
0xbc: {  	s28 =	simm.s32 $_size_execute0_lowered;
	s4 =	sadd.s32 s4, s6;
	[dreg:$0x0] =	wrdreg $0x0  }
0xbd: {  	s6 =	sshll.u32 s28, $0x1;
	[dreg:$0x2] =	wrdreg s4  }
0xbe: {  	[dreg:$0x3] =	wrdreg s6  }
0xbf: {  	[dreg:$0x4] =	wrdreg $0xC0  }
0xc0: {  	_ =	task [dreg:s22], $0x5FFFF  }
0xc1: {  	[dreg:$0x1] =	wrdreg $0xFFFFFFFF  }
0xc2: {  	[dreg:$0x0] =	wrdreg $0x60  }
0xc3: {  	[dreg:$0x2] =	wrdreg s24  }
0xc4: {  	[dreg:$0x3] =	wrdreg s17  }
0xc5: {  	[dreg:$0x4] =	wrdreg $0x79000  }
0xc6: {  	[dreg:$0x5] =	wrdreg $0xA  }
0xc7: {  	_ =	task.clear_ibuf [dreg:s22], $0x6FFFF;
	_ =	strace $0x9000005B  }
0xc8: {  	s29 =	simm.s32 $0xA;
	_ =	strace $0x8000005D  }
0xc9: {  	_ =	swait.ge [sflag:s29], $0x1  }
0xca: {  	[sflag:s29] =	ssyncadd.s32 $0xFFFFFFFF  }
0xcb: {  	_ =	strace $0x9000005D  }
0xcc: {  	_ =	sfence  }
0xcd: {  	s30 =	sld [smem:$0x0];
	_ =	sdelay $0x2  }
0xce: {  	s31 =	sshll.u32 s1, $0xD;
	s1 =	sshrl.u32 s1, $0x2  }
0xcf: {  	s4 =	sand.u32 $0x4000, s31;
	s1 =	sadd.s32 s1, s30  }
0xd0: {  	s0 =	sor.u32 s4, s0;
	s1 =	sshll.u32 s1, $0x11  }
0xd1: {  	s0 =	sor.u32 s1, s0  }
0xd2: {  	s0 =	sadd.s32 $0x8F2B, s0  }
0xd3: {  	[sflag:s0] =	ssyncadd.remote.s32 $0x1  }
0xd4: {  	_ =	sfence.sel $0xFFFF  }
0xd5: {  	[dreg:$0x0] =	wrdreg $0xFFFFFFFF;
	(pc) =	sbr.abs _section_cstart, $3  }
0xd6: {  	[dreg:$0x1] =	wrdreg $0xFFFFFFFF  }
0xd7: {  	_ =	task.clear_ibuf [dreg:s22], $0x2FFFF;
	_ =	strace $0x9FFFFFFF  }
0xd8: {  	(tm) =	ssettm $0x7FFFFFFF  }
0xd9: {  	_ =	shalt  }
tec
execute0_lowered:
.L_overlay_start_1:
0x0: {  	(tag) =	ssettag $0x1  }
0x1: {  	s1 =	rddreg [dreg:$0x0];
	s0 =	simm.s32 $0x0  }
0x2: {  	s2 =	srdreg.scid;
	s20 =	stileid.u32;
	s28 =	simm.s32 $0x80  }
0x3: {  	s29 =	simm.s32 $0x2900;
	s30 =	simm.s32 $0x1;
	s31 =	simm.s32 $0x50  }
0x4: {  	[smem:$0x7FF] =	sst s0;
	s8 =	sadd.s32 $0x409E00, s1;
	s11 =	sand.u32 $0x1, s2  }
0x5: {  	s12 =	smul.u32 $0x14000, s20;
	s13 =	sadd.s32 $0x115C400, s1;
	s4 =	sshll.u32 s11, $0x4  }
0x6: {  	s2 =	ssub.s32 $0x2, s11;
	s10 =	smul.u32 $0x140000, s11;
	s14 =	sor.u32 s20, s4  }
0x7: {  	s3 =	sshrl.u32 s2, $0x1;
	s4 =	sadd.s32 $0x5000, s12;
	s5 =	smul.u32 $0x7D0, s14  }
0x8: {  	s2 =	ssub.s32 s2, s3;
	s18 =	sadd.s32 s10, s12;
	s14 =	smul.u32 $0x7D00, s14  }
0x9: {  	s3 =	sor.u32 $0x2800, s12;
	s6 =	sshrl.u32 s18, $0x3;
	s18 =	smul.u32 $0x7D00, s11  }
0xa: {  	s21 =	sadd.s32 s10, s4;
	s7 =	sadd.s32 s10, s3;
	s11 =	smul.u32 $0x7D000, s11  }
0xb: {  	s2 =	smax.u32 s2, $0x1;
	s6 =	sadd.s32 s13, s6;
	s19 =	sshrl.u32 s7, $0x3  }
0xc: {  	s7 =	sshrl.u32 s21, $0x3;
	[dreg:$0x4] =	wrdreg s6;
	s6 =	sadd.s32 s13, s19  }
0xd: {  	s7 =	sadd.s32 s13, s7;
	[dreg:$0x5] =	wrdreg s6;
	s6 =	sadd.s32 $0x7800, s12  }
0xe: {  	[dreg:$0x6] =	wrdreg s7;
	s7 =	sadd.s32 $0xA000, s12;
	s9 =	sadd.s32 s10, s6  }
0xf: {  	s19 =	smul.u32 $0x7D0, s20;
	s16 =	sadd.s32 s10, s7;
	s15 =	sshrl.u32 s9, $0x3  }
0x10: {  	s9 =	sadd.s32 $0xC800, s12;
	s22 =	sshrl.u32 s16, $0x3;
	s16 =	sadd.s32 $0xF000, s12  }
0x11: {  	s12 =	sadd.s32 $0x11800, s12;
	s15 =	sadd.s32 s13, s15;
	s23 =	sadd.s32 s10, s9  }
0x12: {  	s17 =	sadd.s32 s10, s16;
	s10 =	sadd.s32 s10, s12;
	[dreg:$0x7] =	wrdreg s15  }
0x13: {  	s15 =	sadd.s32 s13, s22;
	s24 =	sshrl.u32 s23, $0x3;
	s17 =	sshrl.u32 s17, $0x3  }
0x14: {  	s10 =	sshrl.u32 s10, $0x3;
	[dreg:$0x8] =	wrdreg s15;
	s15 =	sadd.s32 s13, s24  }
0x15: {  	s25 =	sadd.s32 s13, s17;
	s10 =	sadd.s32 s13, s10;
	[dreg:$0x9] =	wrdreg s15  }
0x16: {  	s13 =	sadd.s32 $0x50, s5;
	s24 =	sadd.s32 s8, s14;
	[dreg:$0xa] =	wrdreg s25  }
0x17: {  	[dreg:$0xb] =	wrdreg s10;
	s10 =	sadd.s32 s19, s18;
	s26 =	sshll.u32 s13, $0x4  }
0x18: {  	s15 =	sadd.s32 $0x30FE00, s1;
	[dreg:$0x10] =	wrdreg s24;
	s22 =	sadd.s32 s8, s26  }
0x19: {  	s18 =	sadd.s32 $0x503E00, s1;
	s21 =	sadd.s32 s15, s26;
	[dreg:$0xc] =	wrdreg s22  }
0x1a: {  	s19 =	sadd.s32 $0x780, s5;
	s17 =	sadd.s32 s18, s26;
	[dreg:$0xd] =	wrdreg s21  }
0x1b: {  	s24 =	smul.u32 $0x50000, s20;
	s25 =	sadd.s32 s15, s14;
	[dreg:$0xe] =	wrdreg s17  }
0x1c: {  	s23 =	sshll.u32 s19, $0x4;
	s26 =	sadd.s32 s18, s14;
	[dreg:$0x11] =	wrdreg s25  }
0x1d: {  	s14 =	sadd.s32 $0x7800, s14;
	s17 =	sadd.s32 s8, s23;
	[dreg:$0x12] =	wrdreg s26  }
0x1e: {  	s21 =	sadd.s32 s15, s14;
	s14 =	sadd.s32 s18, s14;
	s8 =	sadd.s32 s11, s8  }
0x1f: {  	s22 =	sadd.s32 s11, s15;
	s23 =	smul.u32 $0x7D00, s20;
	[dreg:$0xf] =	wrdreg s17  }
0x20: {  	s11 =	sadd.s32 s11, s18;
	s25 =	sshrl.u32 s24, $0x2;
	[dreg:$0x13] =	wrdreg s21  }
0x21: {  	s26 =	sshll.u32 s20, $0x6;
	s15 =	sshrl.u32 s5, $0x3;
	[dreg:$0x14] =	wrdreg s14  }
0x22: {  	s20 =	sshrl.u32 s19, $0x3;
	s21 =	rddreg [dreg:$0x2];
	s17 =	sshrl.u32 s13, $0x3  }
0x23: {  	s13 =	sadd.s32 $0x1F4F0, s10;
	s14 =	sadd.s32 s23, s22;
	_ =	strace $0x8000005C  }
0x24: {  	s22 =	sadd.s32 $0xA000, s1;
	s1 =	sor.u32 $0x1C05, s26;
	[dreg:$0x17] =	wrdreg s2  }
0x25: {  	s8 =	sadd.s32 s23, s8;
	s24 =	sadd.s32 s3, s21;
	[dreg:$0x15] =	wrdreg s1  }
0x26: {  	s11 =	sadd.s32 s23, s11;
	s26 =	sadd.s32 s4, s21;
	[dreg:$0x19] =	wrdreg s24  }
0x27: {  	s23 =	sadd.s32 s25, s21;
	s2 =	sadd.s32 s6, s21;
	[dreg:$0x1a] =	wrdreg s26  }
0x28: {  	s3 =	sadd.s32 s7, s21;
	s4 =	sadd.s32 s9, s21;
	[dreg:$0x1b] =	wrdreg s2  }
0x29: {  	s5 =	sadd.s32 s16, s21;
	s6 =	sadd.s32 s12, s21;
	[dreg:$0x1c] =	wrdreg s3  }
0x2a: {  	s7 =	sadd.s32 $0xF0, s10;
	s9 =	sadd.s32 $0xFAA0, s10;
	[dreg:$0x1d] =	wrdreg s4  }
0x2b: {  	s25 =	sadd.s32 s22, s15;
	s18 =	sadd.s32 s22, s17;
	[dreg:$0x1e] =	wrdreg s5  }
0x2c: {  	s1 =	sadd.s32 s22, s20;
	[dreg:$0x1f] =	wrdreg s6;
	s16 =	sadd.s32 $0xF00, s8  }
0x2d: {  	s8 =	sadd.s32 $0xFAF0, s10;
	s12 =	sshrl.u32 s9, $0x3;
	s9 =	sadd.s32 $0xA0, s10  }
0x2e: {  	s11 =	sadd.s32 $0xF00, s11;
	s3 =	simm.s32 $0x0;
	[dreg:$0x16] =	wrdreg s18  }
0x2f: {  	[dreg:$0x18] =	wrdreg s1;
	s1 =	sshrl.u32 s7, $0x3;
	s2 =	sshrl.u32 s8, $0x3  }
0x30: {  	s7 =	sadd.s32 $0xF00, s14;
	s8 =	sadd.s32 s12, s22;
	s17 =	sadd.s32 $0x1F40, s25  }
0x31: {  	s14 =	sadd.s32 $0x1F4A0, s10;
	s18 =	sadd.s32 $0x1F4A, s25;
	[smem:$0x7F8] =	sst s17  }
0x32: {  	s19 =	sadd.s32 $0x3E80, s25;
	s20 =	sadd.s32 $0x3E8A, s25;
	[smem:$0x7F9] =	sst s18  }
0x33: {  	s24 =	sadd.s32 $0x2030, s25;
	s26 =	sadd.s32 $0x3F70, s25;
	[smem:$0x7FA] =	sst s19  }
0x34: {  	s5 =	sadd.s32 s1, s22;
	s6 =	sadd.s32 s2, s22;
	[smem:$0x7FB] =	sst s20  }
0x35: {  	s1 =	sshrl.u32 s13, $0x3;
	s15 =	sshrl.u32 s14, $0x3;
	[smem:$0x7FC] =	sst s24  }
0x36: {  	[smem:$0x7FD] =	sst s26;
	s24 =	simm.s32 $0x5;
	s26 =	simm.s32 $0x100  }
0x37: {  	s20 =	simm.s32 $0x2;
	s19 =	simm.s32 $0x4;
	s2 =	simm.s32 $0x5100  }
0x38: {  	s10 =	sadd.s32 s1, s22;
	s12 =	sadd.s32 s15, s22;
	s1 =	simm.s32 $0x3  }
.LBB2_1:
0x39: {  	s13 =	rddreg [dreg:$0x1]  }
0x3a: {  	s4 =	sshrl.u32 s23, $0x3;
	s14 =	rddreg [dreg:$0x15]  }
0x3b: {  	[spmem:s4], [sflag:s14] =	dma.local [hbm:s13], $0x2800  }
0x3c: {  	_ =	swait.ge [sflag:s24], $0x2800  }
0x3d: {  	[sflag:s24] =	ssyncset.done $0x0  }
0x3e: {  	[sflag:s24] =	ssyncadd.s32 $0xFFFFD800  }
0x3f: {  	[bflag:$0x0] =	sbarrier.arrive $0xFFFF  }
0x40: {  	[tilespmem:s0], [sflag:$0x1] =	stream.linear.gather [hbm4b:s25+s0], $0x50, $0x38;
	[tilespmem:$0x1B900] =	vst v63  }
0x41: {  	s18 =	rddreg [dreg:$0x10]  }
0x42: {  	[tilespmem:s26], [sflag:$0x1] =	stream.linear.gather [hbm4b:s18+s0], $0x2800, $0x38;
	[tilespmem:$0x1B900] =	vst v63  }
0x43: {  	s13 =	rddreg [dreg:$0x16]  }
0x44: {  	[tilespmem:s28], [sflag:$0x2] =	stream.linear.gather [hbm4b:s13+s0], $0x50, $0x38;
	[tilespmem:$0x1B900] =	vst v63  }
0x45: {  	s14 =	rddreg [dreg:$0xc]  }
0x46: {  	[tilespmem:s29], [sflag:$0x2] =	stream.linear.gather [hbm4b:s14+s0], $0x2800, $0x38;
	[tilespmem:$0x1B900] =	vst v63  }
0x47: {  	_ =	swait.ge [sflag:s30], $0x50  }
0x48: {  	[sflag:s30] =	ssyncset.done $0x0  }
0x49: {  	[sflag:s30] =	ssyncadd.s32 $0xFFFFFFB0  }
0x4a: {  	_ =	swait.ge [sflag:s30], $0x2800  }
0x4b: {  	[sflag:s30] =	ssyncset.done $0x0  }
0x4c: {  	[sflag:s30] =	ssyncadd.s32 $0xFFFFD800  }
0x4d: {  	[spmem:s21] =	stream.indirect.scatter.add.f32 [tilespmem:s26], [sflag:$0x3], $0x80, s0, s31, $0xb8;
	[tilespmem:$0x1B900] =	vst v63  }
0x4e: {  	_ =	swait.ge [sflag:s20], $0x50  }
0x4f: {  	[sflag:s20] =	ssyncset.done $0x0  }
0x50: {  	[sflag:s20] =	ssyncadd.s32 $0xFFFFFFB0  }
0x51: {  	_ =	swait.ge [sflag:s20], $0x2800  }
0x52: {  	[sflag:s20] =	ssyncset.done $0x0  }
0x53: {  	[sflag:s20] =	ssyncadd.s32 $0xFFFFD800  }
0x54: {  	[spmem:s21] =	stream.indirect.scatter.add.f32 [tilespmem:s29], [sflag:$0x4], $0x80, s28, s31, $0xb8;
	[tilespmem:$0x1B900] =	vst v63  }
0x55: {  	_ =	swait.ge [sflag:s1], $0x2800  }
0x56: {  	s15 =	sshrl.u32 s9, $0x3;
	[sflag:s1] =	ssyncset.done $0x0  }
0x57: {  	s4 =	sadd.s32 s22, s15;
	[sflag:s1] =	ssyncadd.s32 $0xFFFFD800  }
0x58: {  	[tilespmem:s0], [sflag:$0x1] =	stream.linear.gather [hbm4b:s4+s0], $0x50, $0x38;
	[tilespmem:$0x1B900] =	vst v63  }
0x59: {  	s17 =	sadd.s32 $0xFFFFFB00, s16  }
0x5a: {  	[tilespmem:s26], [sflag:$0x1] =	stream.linear.gather [hbm4b:s17+s0], $0x2800, $0x38;
	[tilespmem:$0x1B900] =	vst v63  }
0x5b: {  	s15 =	sadd.s32 $0xA0, s9;
	_ =	swait.ge [sflag:s19], $0x2800  }
0x5c: {  	s18 =	sadd.s32 $0x0, s5;
	s13 =	simm.s32 $0x14;
	[sflag:s19] =	ssyncset.done $0x0  }
0x5d: {  	s14 =	sadd.s32 $0xA00, s16;
	s4 =	smov.u32 s16;
	[sflag:s19] =	ssyncadd.s32 $0xFFFFD800  }
0x5e: {  	[tilespmem:s28], [sflag:$0x2] =	stream.linear.gather [hbm4b:s18+s0], $0x50, $0x38;
	[tilespmem:$0x1B900] =	vst v63  }
.LBB2_2:
0x5f: {  	[tilespmem:s29], [sflag:$0x2] =	stream.linear.gather [hbm4b:s4+s0], $0x2800, $0x38;
	[tilespmem:$0x1B900] =	vst v63  }
0x60: {  	s17 =	smov.u32 s13;
	s4 =	smov.u32 s14  }
0x61: {  	p0 =	sne.s32 s13, $0xC8;
	s13 =	sadd.s32 $0x14, s13;
	_ =	swait.ge [sflag:s30], $0x50  }
0x62: {  	[sflag:s30] =	ssyncset.done $0x0  }
0x63: {  	[sflag:s30] =	ssyncadd.s32 $0xFFFFFFB0  }
0x64: {  	_ =	swait.ge [sflag:s30], $0x2800  }
0x65: {  	[sflag:s30] =	ssyncset.done $0x0  }
0x66: {  	[sflag:s30] =	ssyncadd.s32 $0xFFFFD800  }
0x67: {  	[spmem:s21] =	stream.indirect.scatter.add.f32 [tilespmem:s26], [sflag:$0x3], $0x80, s0, s31, $0xb8;
	[tilespmem:$0x1B900] =	vst v63  }
0x68: {  	_ =	swait.ge [sflag:s20], $0x50  }
0x69: {  	[sflag:s20] =	ssyncset.done $0x0  }
0x6a: {  	[sflag:s20] =	ssyncadd.s32 $0xFFFFFFB0  }
0x6b: {  	_ =	swait.ge [sflag:s20], $0x2800  }
0x6c: {  	[sflag:s20] =	ssyncset.done $0x0  }
0x6d: {  	[sflag:s20] =	ssyncadd.s32 $0xFFFFD800  }
0x6e: {  	[spmem:s21] =	stream.indirect.scatter.add.f32 [tilespmem:s29], [sflag:$0x4], $0x80, s28, s31, $0xb8;
	[tilespmem:$0x1B900] =	vst v63  }
0x6f: {  	_ =	swait.ge [sflag:s1], $0x2800  }
0x70: {  	s18 =	sshrl.u32 s15, $0x3;
	[sflag:s1] =	ssyncset.done $0x0  }
0x71: {  	s18 =	sadd.s32 s22, s18;
	[sflag:s1] =	ssyncadd.s32 $0xFFFFD800  }
0x72: {  	[tilespmem:s0], [sflag:$0x1] =	stream.linear.gather [hbm4b:s18+s0], $0x50, $0x38;
	[tilespmem:$0x1B900] =	vst v63  }
0x73: {  	s18 =	sadd.s32 $0xFFFFFB00, s14  }
0x74: {  	[tilespmem:s26], [sflag:$0x1] =	stream.linear.gather [hbm4b:s18+s0], $0x2800, $0x38;
	[tilespmem:$0x1B900] =	vst v63  }
.Ltmp0:
0x75: {  	_ =	swait.ge [sflag:s19], $0x2800;
	(pc) =	sbr.rel @p0 .LBB2_2-.Ltmp0, $4  }
0x76: {  	[sflag:s19] =	ssyncset.done $0x0  }
0x77: {  	s17 =	sadd.s32 s17, s5;
	[sflag:s19] =	ssyncadd.s32 $0xFFFFD800  }
0x78: {  	[tilespmem:s28], [sflag:$0x2] =	stream.linear.gather [hbm4b:s17+s0], $0x50, $0x38;
	[tilespmem:$0x1B900] =	vst v63  }
0x79: {  	s15 =	sadd.s32 $0xA0, s15;
	s14 =	sadd.s32 $0xA00, s14  }
0x7a: {  	[tilespmem:s29], [sflag:$0x2] =	stream.linear.gather [hbm4b:s4+s0], $0x2800, $0x38;
	[tilespmem:$0x1B900] =	vst v63  }
0x7b: {  	_ =	swait.ge [sflag:s30], $0x50  }
0x7c: {  	[sflag:s30] =	ssyncset.done $0x0  }
0x7d: {  	[sflag:s30] =	ssyncadd.s32 $0xFFFFFFB0  }
0x7e: {  	_ =	swait.ge [sflag:s30], $0x2800  }
0x7f: {  	[sflag:s30] =	ssyncset.done $0x0  }
0x80: {  	s4 =	simm.s32 $0x0;
	[sflag:s30] =	ssyncadd.s32 $0xFFFFD800  }
0x81: {  	[spmem:s21] =	stream.indirect.scatter.add.f32 [tilespmem:s26], [sflag:$0x3], $0x80, s4, s31, $0xb8;
	[tilespmem:$0x1B900] =	vst v63  }
0x82: {  	_ =	swait.ge [sflag:s20], $0x50  }
0x83: {  	[sflag:s20] =	ssyncset.done $0x0  }
0x84: {  	[sflag:s20] =	ssyncadd.s32 $0xFFFFFFB0  }
0x85: {  	_ =	swait.ge [sflag:s20], $0x2800  }
0x86: {  	[sflag:s20] =	ssyncset.done $0x0  }
0x87: {  	[sflag:s20] =	ssyncadd.s32 $0xFFFFD800  }
0x88: {  	[spmem:s21] =	stream.indirect.scatter.add.f32 [tilespmem:s29], [sflag:$0x4], $0x80, s28, s31, $0xb8;
	[tilespmem:$0x1B900] =	vst v63  }
0x89: {  	_ =	swait.ge [sflag:s1], $0x2800  }
0x8a: {  	[sflag:s1] =	ssyncset.done $0x0  }
0x8b: {  	s13 =	rddreg [dreg:$0x18];
	[sflag:s1] =	ssyncadd.s32 $0xFFFFD800  }
0x8c: {  	[tilespmem:s4], [sflag:$0x1] =	stream.linear.gather [hbm4b:s13+s4], $0x50, $0x38;
	[tilespmem:$0x1B900] =	vst v63  }
0x8d: {  	s14 =	rddreg [dreg:$0xf]  }
0x8e: {  	[tilespmem:s26], [sflag:$0x1] =	stream.linear.gather [hbm4b:s14+s4], $0x2800, $0x38;
	[tilespmem:$0x1B900] =	vst v63  }
0x8f: {  	_ =	swait.ge [sflag:s19], $0x2800  }
0x90: {  	[sflag:s19] =	ssyncset.done $0x0  }
0x91: {  	[sflag:s19] =	ssyncadd.s32 $0xFFFFD800  }
0x92: {  	_ =	swait.ge [sflag:s30], $0x50  }
0x93: {  	[sflag:s30] =	ssyncset.done $0x0  }
0x94: {  	[sflag:s30] =	ssyncadd.s32 $0xFFFFFFB0  }
0x95: {  	_ =	swait.ge [sflag:s30], $0x2800  }
0x96: {  	[sflag:s30] =	ssyncset.done $0x0  }
0x97: {  	[sflag:s30] =	ssyncadd.s32 $0xFFFFD800  }
0x98: {  	[spmem:s21] =	stream.indirect.scatter.add.f32 [tilespmem:s26], [sflag:$0x3], $0x80, s4, s31, $0xb8;
	[tilespmem:$0x1B900] =	vst v63  }
0x99: {  	_ =	swait.ge [sflag:s1], $0x2800  }
0x9a: {  	s15 =	sld [smem:$0x7F8]  }
0x9b: {  	[sflag:s1] =	ssyncset.done $0x0  }
0x9c: {  	s17 =	rddreg [dreg:$0x11];
	[sflag:s1] =	ssyncadd.s32 $0xFFFFD800  }
0x9d: {  	[tilespmem:s4], [sflag:$0x1] =	stream.linear.gather [hbm4b:s15+s4], $0x50, $0x38;
	[tilespmem:$0x1B900] =	vst v63  }
0x9e: {  	s18 =	sld [smem:$0x7F9]  }
0x9f: {  	[tilespmem:s26], [sflag:$0x1] =	stream.linear.gather [hbm4b:s17+s4], $0x2800, $0x38;
	[tilespmem:$0x1B900] =	vst v63  }
0xa0: {  	_ = 	snop  }
0xa1: {  	[tilespmem:s28], [sflag:$0x2] =	stream.linear.gather [hbm4b:s18+s4], $0x50, $0x38;
	[tilespmem:$0x1B900] =	vst v63  }
0xa2: {  	s14 =	rddreg [dreg:$0xd]  }
0xa3: {  	[tilespmem:s29], [sflag:$0x2] =	stream.linear.gather [hbm4b:s14+s4], $0x2800, $0x38;
	[tilespmem:$0x1B900] =	vst v63  }
0xa4: {  	_ =	swait.ge [sflag:s30], $0x50  }
0xa5: {  	[sflag:s30] =	ssyncset.done $0x0  }
0xa6: {  	[sflag:s30] =	ssyncadd.s32 $0xFFFFFFB0  }
0xa7: {  	_ =	swait.ge [sflag:s30], $0x2800  }
0xa8: {  	[sflag:s30] =	ssyncset.done $0x0  }
0xa9: {  	[sflag:s30] =	ssyncadd.s32 $0xFFFFD800  }
0xaa: {  	[spmem:s21] =	stream.indirect.scatter.add.f32 [tilespmem:s26], [sflag:$0x3], $0x80, s0, s31, $0xb8;
	[tilespmem:$0x1B900] =	vst v63  }
0xab: {  	_ =	swait.ge [sflag:s20], $0x50  }
0xac: {  	[sflag:s20] =	ssyncset.done $0x0  }
0xad: {  	[sflag:s20] =	ssyncadd.s32 $0xFFFFFFB0  }
0xae: {  	_ =	swait.ge [sflag:s20], $0x2800  }
0xaf: {  	[sflag:s20] =	ssyncset.done $0x0  }
0xb0: {  	[sflag:s20] =	ssyncadd.s32 $0xFFFFD800  }
0xb1: {  	[spmem:s21] =	stream.indirect.scatter.add.f32 [tilespmem:s29], [sflag:$0x4], $0x80, s28, s31, $0xb8;
	[tilespmem:$0x1B900] =	vst v63  }
0xb2: {  	_ =	swait.ge [sflag:s1], $0x2800  }
0xb3: {  	[sflag:s1] =	ssyncset.done $0x0  }
0xb4: {  	s15 =	sadd.s32 $0x0, s8;
	[sflag:s1] =	ssyncadd.s32 $0xFFFFD800  }
0xb5: {  	[tilespmem:s0], [sflag:$0x1] =	stream.linear.gather [hbm4b:s15+s0], $0x50, $0x38;
	[tilespmem:$0x1B900] =	vst v63  }
0xb6: {  	s17 =	sadd.s32 $0xFFFFFB00, s7  }
0xb7: {  	[tilespmem:s26], [sflag:$0x1] =	stream.linear.gather [hbm4b:s17+s0], $0x2800, $0x38;
	[tilespmem:$0x1B900] =	vst v63  }
0xb8: {  	_ =	swait.ge [sflag:s19], $0x2800  }
0xb9: {  	s13 =	simm.s32 $0x14;
	s18 =	sadd.s32 $0x0, s6;
	[sflag:s19] =	ssyncset.done $0x0  }
0xba: {  	s4 =	sadd.s32 $0xA00, s7;
	s14 =	smov.u32 s7;
	[sflag:s19] =	ssyncadd.s32 $0xFFFFD800  }
0xbb: {  	[tilespmem:s28], [sflag:$0x2] =	stream.linear.gather [hbm4b:s18+s0], $0x50, $0x38;
	[tilespmem:$0x1B900] =	vst v63  }
.LBB2_4:
0xbc: {  	[tilespmem:s29], [sflag:$0x2] =	stream.linear.gather [hbm4b:s14+s0], $0x2800, $0x38;
	[tilespmem:$0x1B900] =	vst v63  }
0xbd: {  	s15 =	smov.u32 s13;
	s14 =	smov.u32 s4  }
0xbe: {  	p0 =	sne.s32 s13, $0xC8;
	s13 =	sadd.s32 $0x14, s13;
	_ =	swait.ge [sflag:s30], $0x50  }
0xbf: {  	[sflag:s30] =	ssyncset.done $0x0  }
0xc0: {  	[sflag:s30] =	ssyncadd.s32 $0xFFFFFFB0  }
0xc1: {  	_ =	swait.ge [sflag:s30], $0x2800  }
0xc2: {  	[sflag:s30] =	ssyncset.done $0x0  }
0xc3: {  	[sflag:s30] =	ssyncadd.s32 $0xFFFFD800  }
0xc4: {  	[spmem:s21] =	stream.indirect.scatter.add.f32 [tilespmem:s26], [sflag:$0x3], $0x80, s0, s31, $0xb8;
	[tilespmem:$0x1B900] =	vst v63  }
0xc5: {  	_ =	swait.ge [sflag:s20], $0x50  }
0xc6: {  	[sflag:s20] =	ssyncset.done $0x0  }
0xc7: {  	[sflag:s20] =	ssyncadd.s32 $0xFFFFFFB0  }
0xc8: {  	_ =	swait.ge [sflag:s20], $0x2800  }
0xc9: {  	[sflag:s20] =	ssyncset.done $0x0  }
0xca: {  	[sflag:s20] =	ssyncadd.s32 $0xFFFFD800  }
0xcb: {  	[spmem:s21] =	stream.indirect.scatter.add.f32 [tilespmem:s29], [sflag:$0x4], $0x80, s28, s31, $0xb8;
	[tilespmem:$0x1B900] =	vst v63  }
0xcc: {  	_ =	swait.ge [sflag:s1], $0x2800  }
0xcd: {  	[sflag:s1] =	ssyncset.done $0x0  }
0xce: {  	s17 =	sadd.s32 s15, s8;
	[sflag:s1] =	ssyncadd.s32 $0xFFFFD800  }
0xcf: {  	[tilespmem:s0], [sflag:$0x1] =	stream.linear.gather [hbm4b:s17+s0], $0x50, $0x38;
	[tilespmem:$0x1B900] =	vst v63  }
0xd0: {  	s17 =	sadd.s32 $0xFFFFFB00, s4  }
0xd1: {  	[tilespmem:s26], [sflag:$0x1] =	stream.linear.gather [hbm4b:s17+s0], $0x2800, $0x38;
	[tilespmem:$0x1B900] =	vst v63  }
.Ltmp1:
0xd2: {  	_ =	swait.ge [sflag:s19], $0x2800;
	(pc) =	sbr.rel @p0 .LBB2_4-.Ltmp1, $4  }
0xd3: {  	[sflag:s19] =	ssyncset.done $0x0  }
0xd4: {  	s15 =	sadd.s32 s15, s6;
	[sflag:s19] =	ssyncadd.s32 $0xFFFFD800  }
0xd5: {  	[tilespmem:s28], [sflag:$0x2] =	stream.linear.gather [hbm4b:s15+s0], $0x50, $0x38;
	[tilespmem:$0x1B900] =	vst v63  }
0xd6: {  	s4 =	sadd.s32 $0xA00, s4  }
0xd7: {  	[tilespmem:s29], [sflag:$0x2] =	stream.linear.gather [hbm4b:s14+s0], $0x2800, $0x38;
	[tilespmem:$0x1B900] =	vst v63  }
0xd8: {  	_ =	swait.ge [sflag:s30], $0x50  }
0xd9: {  	[sflag:s30] =	ssyncset.done $0x0  }
0xda: {  	[sflag:s30] =	ssyncadd.s32 $0xFFFFFFB0  }
0xdb: {  	_ =	swait.ge [sflag:s30], $0x2800  }
0xdc: {  	[sflag:s30] =	ssyncset.done $0x0  }
0xdd: {  	s4 =	simm.s32 $0x0;
	[sflag:s30] =	ssyncadd.s32 $0xFFFFD800  }
0xde: {  	[spmem:s21] =	stream.indirect.scatter.add.f32 [tilespmem:s26], [sflag:$0x3], $0x80, s4, s31, $0xb8;
	[tilespmem:$0x1B900] =	vst v63  }
0xdf: {  	_ =	swait.ge [sflag:s20], $0x50  }
0xe0: {  	[sflag:s20] =	ssyncset.done $0x0  }
0xe1: {  	[sflag:s20] =	ssyncadd.s32 $0xFFFFFFB0  }
0xe2: {  	_ =	swait.ge [sflag:s20], $0x2800  }
0xe3: {  	[sflag:s20] =	ssyncset.done $0x0  }
0xe4: {  	[sflag:s20] =	ssyncadd.s32 $0xFFFFD800  }
0xe5: {  	[spmem:s21] =	stream.indirect.scatter.add.f32 [tilespmem:s29], [sflag:$0x4], $0x80, s28, s31, $0xb8;
	[tilespmem:$0x1B900] =	vst v63  }
0xe6: {  	_ =	swait.ge [sflag:s1], $0x2800  }
0xe7: {  	s13 =	sld [smem:$0x7FC]  }
0xe8: {  	[sflag:s1] =	ssyncset.done $0x0  }
0xe9: {  	[sflag:s1] =	ssyncadd.s32 $0xFFFFD800  }
0xea: {  	[tilespmem:s4], [sflag:$0x1] =	stream.linear.gather [hbm4b:s13+s4], $0x50, $0x38;
	[tilespmem:$0x1B900] =	vst v63  }
0xeb: {  	s14 =	rddreg [dreg:$0x13]  }
0xec: {  	[tilespmem:s26], [sflag:$0x1] =	stream.linear.gather [hbm4b:s14+s4], $0x2800, $0x38;
	[tilespmem:$0x1B900] =	vst v63  }
0xed: {  	_ =	swait.ge [sflag:s19], $0x2800  }
0xee: {  	[sflag:s19] =	ssyncset.done $0x0  }
0xef: {  	[sflag:s19] =	ssyncadd.s32 $0xFFFFD800  }
0xf0: {  	_ =	swait.ge [sflag:s30], $0x50  }
0xf1: {  	[sflag:s30] =	ssyncset.done $0x0  }
0xf2: {  	[sflag:s30] =	ssyncadd.s32 $0xFFFFFFB0  }
0xf3: {  	_ =	swait.ge [sflag:s30], $0x2800  }
0xf4: {  	[sflag:s30] =	ssyncset.done $0x0  }
0xf5: {  	[sflag:s30] =	ssyncadd.s32 $0xFFFFD800  }
0xf6: {  	[spmem:s21] =	stream.indirect.scatter.add.f32 [tilespmem:s26], [sflag:$0x3], $0x80, s4, s31, $0xb8;
	[tilespmem:$0x1B900] =	vst v63  }
0xf7: {  	_ =	swait.ge [sflag:s1], $0x2800  }
0xf8: {  	s15 =	sld [smem:$0x7FA]  }
0xf9: {  	[sflag:s1] =	ssyncset.done $0x0  }
0xfa: {  	s17 =	rddreg [dreg:$0x12];
	[sflag:s1] =	ssyncadd.s32 $0xFFFFD800  }
0xfb: {  	[tilespmem:s4], [sflag:$0x1] =	stream.linear.gather [hbm4b:s15+s4], $0x50, $0x38;
	[tilespmem:$0x1B900] =	vst v63  }
0xfc: {  	s18 =	sld [smem:$0x7FB]  }
0xfd: {  	[tilespmem:s26], [sflag:$0x1] =	stream.linear.gather [hbm4b:s17+s4], $0x2800, $0x38;
	[tilespmem:$0x1B900] =	vst v63  }
0xfe: {  	_ = 	snop  }
0xff: {  	[tilespmem:s28], [sflag:$0x2] =	stream.linear.gather [hbm4b:s18+s4], $0x50, $0x38;
	[tilespmem:$0x1B900] =	vst v63  }
0x100: {  	s14 =	rddreg [dreg:$0xe]  }
0x101: {  	[tilespmem:s29], [sflag:$0x2] =	stream.linear.gather [hbm4b:s14+s4], $0x2800, $0x38;
	[tilespmem:$0x1B900] =	vst v63  }
0x102: {  	_ =	swait.ge [sflag:s30], $0x50  }
0x103: {  	[sflag:s30] =	ssyncset.done $0x0  }
0x104: {  	[sflag:s30] =	ssyncadd.s32 $0xFFFFFFB0  }
0x105: {  	_ =	swait.ge [sflag:s30], $0x2800  }
0x106: {  	[sflag:s30] =	ssyncset.done $0x0  }
0x107: {  	[sflag:s30] =	ssyncadd.s32 $0xFFFFD800  }
0x108: {  	[spmem:s21] =	stream.indirect.scatter.add.f32 [tilespmem:s26], [sflag:$0x3], $0x80, s0, s31, $0xb8;
	[tilespmem:$0x1B900] =	vst v63  }
0x109: {  	_ =	swait.ge [sflag:s20], $0x50  }
0x10a: {  	[sflag:s20] =	ssyncset.done $0x0  }
0x10b: {  	[sflag:s20] =	ssyncadd.s32 $0xFFFFFFB0  }
0x10c: {  	_ =	swait.ge [sflag:s20], $0x2800  }
0x10d: {  	[sflag:s20] =	ssyncset.done $0x0  }
0x10e: {  	[sflag:s20] =	ssyncadd.s32 $0xFFFFD800  }
0x10f: {  	[spmem:s21] =	stream.indirect.scatter.add.f32 [tilespmem:s29], [sflag:$0x4], $0x80, s28, s31, $0xb8;
	[tilespmem:$0x1B900] =	vst v63  }
0x110: {  	_ =	swait.ge [sflag:s1], $0x2800  }
0x111: {  	[sflag:s1] =	ssyncset.done $0x0  }
0x112: {  	s15 =	sadd.s32 $0x0, s12;
	[sflag:s1] =	ssyncadd.s32 $0xFFFFD800  }
0x113: {  	[tilespmem:s0], [sflag:$0x1] =	stream.linear.gather [hbm4b:s15+s0], $0x50, $0x38;
	[tilespmem:$0x1B900] =	vst v63  }
0x114: {  	s17 =	sadd.s32 $0xFFFFFB00, s11  }
0x115: {  	[tilespmem:s26], [sflag:$0x1] =	stream.linear.gather [hbm4b:s17+s0], $0x2800, $0x38;
	[tilespmem:$0x1B900] =	vst v63  }
0x116: {  	_ =	swait.ge [sflag:s19], $0x2800  }
0x117: {  	s13 =	simm.s32 $0x14;
	s18 =	sadd.s32 $0x0, s10;
	[sflag:s19] =	ssyncset.done $0x0  }
0x118: {  	s4 =	sadd.s32 $0xA00, s11;
	s14 =	smov.u32 s11;
	[sflag:s19] =	ssyncadd.s32 $0xFFFFD800  }
0x119: {  	[tilespmem:s28], [sflag:$0x2] =	stream.linear.gather [hbm4b:s18+s0], $0x50, $0x38;
	[tilespmem:$0x1B900] =	vst v63  }
.LBB2_6:
0x11a: {  	[tilespmem:s29], [sflag:$0x2] =	stream.linear.gather [hbm4b:s14+s0], $0x2800, $0x38;
	[tilespmem:$0x1B900] =	vst v63  }
0x11b: {  	s15 =	smov.u32 s13;
	s14 =	smov.u32 s4  }
0x11c: {  	p0 =	sne.s32 s13, $0xC8;
	s13 =	sadd.s32 $0x14, s13;
	_ =	swait.ge [sflag:s30], $0x50  }
0x11d: {  	[sflag:s30] =	ssyncset.done $0x0  }
0x11e: {  	[sflag:s30] =	ssyncadd.s32 $0xFFFFFFB0  }
0x11f: {  	_ =	swait.ge [sflag:s30], $0x2800  }
0x120: {  	[sflag:s30] =	ssyncset.done $0x0  }
0x121: {  	[sflag:s30] =	ssyncadd.s32 $0xFFFFD800  }
0x122: {  	[spmem:s21] =	stream.indirect.scatter.add.f32 [tilespmem:s26], [sflag:$0x3], $0x80, s0, s31, $0xb8;
	[tilespmem:$0x1B900] =	vst v63  }
0x123: {  	_ =	swait.ge [sflag:s20], $0x50  }
0x124: {  	[sflag:s20] =	ssyncset.done $0x0  }
0x125: {  	[sflag:s20] =	ssyncadd.s32 $0xFFFFFFB0  }
0x126: {  	_ =	swait.ge [sflag:s20], $0x2800  }
0x127: {  	[sflag:s20] =	ssyncset.done $0x0  }
0x128: {  	[sflag:s20] =	ssyncadd.s32 $0xFFFFD800  }
0x129: {  	[spmem:s21] =	stream.indirect.scatter.add.f32 [tilespmem:s29], [sflag:$0x4], $0x80, s28, s31, $0xb8;
	[tilespmem:$0x1B900] =	vst v63  }
0x12a: {  	_ =	swait.ge [sflag:s1], $0x2800  }
0x12b: {  	[sflag:s1] =	ssyncset.done $0x0  }
0x12c: {  	s17 =	sadd.s32 s15, s12;
	[sflag:s1] =	ssyncadd.s32 $0xFFFFD800  }
0x12d: {  	[tilespmem:s0], [sflag:$0x1] =	stream.linear.gather [hbm4b:s17+s0], $0x50, $0x38;
	[tilespmem:$0x1B900] =	vst v63  }
0x12e: {  	s17 =	sadd.s32 $0xFFFFFB00, s4  }
0x12f: {  	[tilespmem:s26], [sflag:$0x1] =	stream.linear.gather [hbm4b:s17+s0], $0x2800, $0x38;
	[tilespmem:$0x1B900] =	vst v63  }
.Ltmp2:
0x130: {  	_ =	swait.ge [sflag:s19], $0x2800;
	(pc) =	sbr.rel @p0 .LBB2_6-.Ltmp2, $4  }
0x131: {  	[sflag:s19] =	ssyncset.done $0x0  }
0x132: {  	s15 =	sadd.s32 s15, s10;
	[sflag:s19] =	ssyncadd.s32 $0xFFFFD800  }
0x133: {  	[tilespmem:s28], [sflag:$0x2] =	stream.linear.gather [hbm4b:s15+s0], $0x50, $0x38;
	[tilespmem:$0x1B900] =	vst v63  }
0x134: {  	s4 =	sadd.s32 $0xA00, s4  }
0x135: {  	[tilespmem:s29], [sflag:$0x2] =	stream.linear.gather [hbm4b:s14+s0], $0x2800, $0x38;
	[tilespmem:$0x1B900] =	vst v63  }
0x136: {  	_ =	swait.ge [sflag:s30], $0x50  }
0x137: {  	[sflag:s30] =	ssyncset.done $0x0  }
0x138: {  	[sflag:s30] =	ssyncadd.s32 $0xFFFFFFB0  }
0x139: {  	_ =	swait.ge [sflag:s30], $0x2800  }
0x13a: {  	[sflag:s30] =	ssyncset.done $0x0  }
0x13b: {  	[sflag:s30] =	ssyncadd.s32 $0xFFFFD800  }
0x13c: {  	[spmem:s21] =	stream.indirect.scatter.add.f32 [tilespmem:s26], [sflag:$0x3], $0x80, s0, s31, $0xb8;
	[tilespmem:$0x1B900] =	vst v63  }
0x13d: {  	_ =	swait.ge [sflag:s20], $0x50  }
0x13e: {  	[sflag:s20] =	ssyncset.done $0x0  }
0x13f: {  	[sflag:s20] =	ssyncadd.s32 $0xFFFFFFB0  }
0x140: {  	_ =	swait.ge [sflag:s20], $0x2800  }
0x141: {  	[sflag:s20] =	ssyncset.done $0x0  }
0x142: {  	[sflag:s20] =	ssyncadd.s32 $0xFFFFD800  }
0x143: {  	[spmem:s21] =	stream.indirect.scatter.add.f32 [tilespmem:s29], [sflag:$0x4], $0x80, s28, s31, $0xb8;
	[tilespmem:$0x1B900] =	vst v63  }
0x144: {  	_ =	swait.ge [sflag:s1], $0x2800  }
0x145: {  	s4 =	sld [smem:$0x7FD]  }
0x146: {  	[sflag:s1] =	ssyncset.done $0x0  }
0x147: {  	[sflag:s1] =	ssyncadd.s32 $0xFFFFD800  }
0x148: {  	[tilespmem:s0], [sflag:$0x1] =	stream.linear.gather [hbm4b:s4+s0], $0x50, $0x38;
	[tilespmem:$0x1B900] =	vst v63  }
0x149: {  	s17 =	rddreg [dreg:$0x14]  }
0x14a: {  	[tilespmem:s26], [sflag:$0x1] =	stream.linear.gather [hbm4b:s17+s0], $0x2800, $0x38;
	[tilespmem:$0x1B900] =	vst v63  }
0x14b: {  	_ =	swait.ge [sflag:s19], $0x2800  }
0x14c: {  	[sflag:s19] =	ssyncset.done $0x0  }
0x14d: {  	[sflag:s19] =	ssyncadd.s32 $0xFFFFD800  }
0x14e: {  	_ =	swait.ge [sflag:s30], $0x50  }
0x14f: {  	[sflag:s30] =	ssyncset.done $0x0  }
0x150: {  	[sflag:s30] =	ssyncadd.s32 $0xFFFFFFB0  }
0x151: {  	_ =	swait.ge [sflag:s30], $0x2800  }
0x152: {  	[sflag:s30] =	ssyncset.done $0x0  }
0x153: {  	[sflag:s30] =	ssyncadd.s32 $0xFFFFD800  }
0x154: {  	[spmem:s21] =	stream.indirect.scatter.add.f32 [tilespmem:s26], [sflag:$0x3], $0x80, s0, s31, $0xb8;
	[tilespmem:$0x1B900] =	vst v63  }
0x155: {  	_ =	swait.ge [sflag:s1], $0x2800  }
0x156: {  	[sflag:s1] =	ssyncset.done $0x0  }
0x157: {  	[sflag:s1] =	ssyncadd.s32 $0xFFFFD800  }
0x158: {  	[bflag:$0x0] =	sbarrier.arrive $0xFFFF  }
0x159: {  	[tilespmem:s2], [sflag:$0x5] =	stream.linear.gather [spmem:s23], $0x2800, $0x38;
	[tilespmem:$0x1B900] =	vst v63  }
0x15a: {  	_ =	swait.ge [sflag:s24], $0x2800  }
0x15b: {  	[sflag:s24] =	ssyncset.done $0x0  }
0x15c: {  	s18 =	rddreg [dreg:$0x4];
	[sflag:s24] =	ssyncadd.s32 $0xFFFFD800  }
0x15d: {  	[hbm4b:s18+s0] =	stream.linear.scatter [tilespmem:s2], [sflag:$0x5], $0x2800, $0x38;
	[tilespmem:$0x1B900] =	vst v63  }
0x15e: {  	_ =	swait.ge [sflag:s24], $0x2800  }
0x15f: {  	[sflag:s24] =	ssyncset.done $0x0  }
0x160: {  	s13 =	rddreg [dreg:$0x19];
	[sflag:s24] =	ssyncadd.s32 $0xFFFFD800  }
0x161: {  	[tilespmem:s2], [sflag:$0x5] =	stream.linear.gather [spmem:s13], $0x2800, $0x38;
	[tilespmem:$0x1B900] =	vst v63  }
0x162: {  	_ =	swait.ge [sflag:s24], $0x2800  }
0x163: {  	[sflag:s24] =	ssyncset.done $0x0  }
0x164: {  	s14 =	rddreg [dreg:$0x5];
	[sflag:s24] =	ssyncadd.s32 $0xFFFFD800  }
0x165: {  	[hbm4b:s14+s0] =	stream.linear.scatter [tilespmem:s2], [sflag:$0x5], $0x2800, $0x38;
	[tilespmem:$0x1B900] =	vst v63  }
0x166: {  	_ =	swait.ge [sflag:s24], $0x2800  }
0x167: {  	[sflag:s24] =	ssyncset.done $0x0  }
0x168: {  	s15 =	rddreg [dreg:$0x1a];
	[sflag:s24] =	ssyncadd.s32 $0xFFFFD800  }
0x169: {  	[tilespmem:s2], [sflag:$0x5] =	stream.linear.gather [spmem:s15], $0x2800, $0x38;
	[tilespmem:$0x1B900] =	vst v63  }
0x16a: {  	_ =	swait.ge [sflag:s24], $0x2800  }
0x16b: {  	[sflag:s24] =	ssyncset.done $0x0  }
0x16c: {  	s17 =	rddreg [dreg:$0x6];
	[sflag:s24] =	ssyncadd.s32 $0xFFFFD800  }
0x16d: {  	[hbm4b:s17+s0] =	stream.linear.scatter [tilespmem:s2], [sflag:$0x5], $0x2800, $0x38;
	[tilespmem:$0x1B900] =	vst v63  }
0x16e: {  	_ =	swait.ge [sflag:s24], $0x2800  }
0x16f: {  	[sflag:s24] =	ssyncset.done $0x0  }
0x170: {  	s18 =	rddreg [dreg:$0x1b];
	[sflag:s24] =	ssyncadd.s32 $0xFFFFD800  }
0x171: {  	[tilespmem:s2], [sflag:$0x5] =	stream.linear.gather [spmem:s18], $0x2800, $0x38;
	[tilespmem:$0x1B900] =	vst v63  }
0x172: {  	_ =	swait.ge [sflag:s24], $0x2800  }
0x173: {  	[sflag:s24] =	ssyncset.done $0x0  }
0x174: {  	s13 =	rddreg [dreg:$0x7];
	[sflag:s24] =	ssyncadd.s32 $0xFFFFD800  }
0x175: {  	[hbm4b:s13+s0] =	stream.linear.scatter [tilespmem:s2], [sflag:$0x5], $0x2800, $0x38;
	[tilespmem:$0x1B900] =	vst v63  }
0x176: {  	_ =	swait.ge [sflag:s24], $0x2800  }
0x177: {  	[sflag:s24] =	ssyncset.done $0x0  }
0x178: {  	s14 =	rddreg [dreg:$0x1c];
	[sflag:s24] =	ssyncadd.s32 $0xFFFFD800  }
0x179: {  	[tilespmem:s2], [sflag:$0x5] =	stream.linear.gather [spmem:s14], $0x2800, $0x38;
	[tilespmem:$0x1B900] =	vst v63  }
0x17a: {  	_ =	swait.ge [sflag:s24], $0x2800  }
0x17b: {  	[sflag:s24] =	ssyncset.done $0x0  }
0x17c: {  	s15 =	rddreg [dreg:$0x8];
	[sflag:s24] =	ssyncadd.s32 $0xFFFFD800  }
0x17d: {  	[hbm4b:s15+s0] =	stream.linear.scatter [tilespmem:s2], [sflag:$0x5], $0x2800, $0x38;
	[tilespmem:$0x1B900] =	vst v63  }
0x17e: {  	_ =	swait.ge [sflag:s24], $0x2800  }
0x17f: {  	[sflag:s24] =	ssyncset.done $0x0  }
0x180: {  	s17 =	rddreg [dreg:$0x1d];
	[sflag:s24] =	ssyncadd.s32 $0xFFFFD800  }
0x181: {  	[tilespmem:s2], [sflag:$0x5] =	stream.linear.gather [spmem:s17], $0x2800, $0x38;
	[tilespmem:$0x1B900] =	vst v63  }
0x182: {  	_ =	swait.ge [sflag:s24], $0x2800  }
0x183: {  	[sflag:s24] =	ssyncset.done $0x0  }
0x184: {  	s18 =	rddreg [dreg:$0x9];
	[sflag:s24] =	ssyncadd.s32 $0xFFFFD800  }
0x185: {  	[hbm4b:s18+s0] =	stream.linear.scatter [tilespmem:s2], [sflag:$0x5], $0x2800, $0x38;
	[tilespmem:$0x1B900] =	vst v63  }
0x186: {  	_ =	swait.ge [sflag:s24], $0x2800  }
0x187: {  	[sflag:s24] =	ssyncset.done $0x0  }
0x188: {  	s13 =	rddreg [dreg:$0x1e];
	[sflag:s24] =	ssyncadd.s32 $0xFFFFD800  }
0x189: {  	[tilespmem:s2], [sflag:$0x5] =	stream.linear.gather [spmem:s13], $0x2800, $0x38;
	[tilespmem:$0x1B900] =	vst v63  }
0x18a: {  	_ =	swait.ge [sflag:s24], $0x2800  }
0x18b: {  	[sflag:s24] =	ssyncset.done $0x0  }
0x18c: {  	s14 =	rddreg [dreg:$0xa];
	[sflag:s24] =	ssyncadd.s32 $0xFFFFD800  }
0x18d: {  	[hbm4b:s14+s0] =	stream.linear.scatter [tilespmem:s2], [sflag:$0x5], $0x2800, $0x38;
	[tilespmem:$0x1B900] =	vst v63  }
0x18e: {  	_ =	swait.ge [sflag:s24], $0x2800  }
0x18f: {  	[sflag:s24] =	ssyncset.done $0x0  }
0x190: {  	s15 =	rddreg [dreg:$0x1f];
	[sflag:s24] =	ssyncadd.s32 $0xFFFFD800  }
0x191: {  	[tilespmem:s2], [sflag:$0x5] =	stream.linear.gather [spmem:s15], $0x2800, $0x38;
	[tilespmem:$0x1B900] =	vst v63  }
0x192: {  	_ =	swait.ge [sflag:s24], $0x2800  }
0x193: {  	[sflag:s24] =	ssyncset.done $0x0  }
0x194: {  	s17 =	rddreg [dreg:$0xb];
	[sflag:s24] =	ssyncadd.s32 $0xFFFFD800  }
0x195: {  	[hbm4b:s17+s0] =	stream.linear.scatter [tilespmem:s2], [sflag:$0x5], $0x2800, $0x38;
	[tilespmem:$0x1B900] =	vst v63  }
0x196: {  	_ =	swait.ge [sflag:s24], $0x2800  }
0x197: {  	s3 =	sadd.s32 $0x1, s3;
	s18 =	rddreg [dreg:$0x17]  }
0x198: {  	p0 =	sne.s32 s3, s18  }
.Ltmp3:
0x199: {  	_ = 	snop;
	(pc) =	sbr.rel @p0 .LBB2_1-.Ltmp3, $3  }
0x19a: {  	_ =	sdelay $0x1  }
0x19b: {  	[sflag:s24] =	ssyncset.done $0x0  }
0x19c: {  	[sflag:s24] =	ssyncadd.s32 $0xFFFFD800  }
0x19d: {  	_ =	sfence.sel $0x180000  }
0x19e: {  	[bflag:$0x0] =	sbarrier.arrive $0xFFFF  }
0x19f: {  	_ =	strace $0x9000005C  }
0x1a0: {  	s0 =	stileid.u32;
	[bflag:$0x2] =	sbarrier.arrive $0xFFFF  }
0x1a1: {  	p0 =	sne.s32 s0, $0x0;
	s0 =	rddreg [dreg:$0x3]  }
0x1a2: {  	s0 =	sadd.s32 @!p0 $0x100000, s0  }
0x1a3: {  	[sflag:s0] =	ssyncadd.tile.s32 @!p0 $0x1;
	_ =	shalt  }
.Lfunc_end2:
_tile_overlayer_lowered:
.L_overlay_start_2:
0x1a4: {  	(tag) =	ssettag $0x2  }
0x1a5: {  	s0 =	rddreg [dreg:$0x0];
	s2 =	stileid.u32  }
0x1a6: {  	s1 =	rddreg [dreg:$0x1];
	p0 =	sne.s32 s2, $0x0  }
0x1a7: {  	s3 =	rddreg [dreg:$0x2];
	[bflag:$0x3] =	sbarrier.arrive $0xFFFF;
	s2 =	simm.s32 @!p0 $0x1C05  }
0x1a8: {  	[timem:s3], [sflag:s2] =	dma.local @!p0 [hbm:s0], s1  }
0x1a9: {  	s0 =	simm.s32 @!p0 $0x5  }
0x1aa: {  	_ =	swait.ge @!p0 [sflag:s0], s1  }
0x1ab: {  	s1 =	ssub.s32 @!p0 $0x0, s1;
	[sflag:s0] =	ssyncset.done @!p0 $0x0  }
0x1ac: {  	[sflag:s0] =	ssyncadd.s32 @!p0 s1  }
0x1ad: {  	[bflag:$0x3] =	sbarrier.arrive $0xFFFF  }
0x1ae: {  	_ =	shalt  }

// kernel: kernel.37.cloned.1.call-start
scs
__scs_entry_jumppad:
0x0: {  	(pc) =	sbr.rel $0x88, $3  }
0x1: {  	(tag) =	ssettag $0x0;
	lr =	simm.s32 $0x1  }
0x2: {  	[smem:$0x3F97] =	sst lr;
	_ =	strace $0xD0000000  }
0x3: {  	_ = 	snop  }
0x4: {  	_ = 	snop  }
0x5: {  	_ = 	snop  }
0x6: {  	_ = 	snop  }
0x7: {  	_ = 	snop  }
__scs_overlays_trampoline_lowered:
0x8: {  	[smem:$0x3FA6] =	sst s0  }
0x9: {  	[smem:$0x3FA7] =	sst s1  }
0xa: {  	[smem:$0x3FA8] =	sst s2  }
0xb: {  	[smem:$0x3FA9] =	sst s3  }
0xc: {  	[smem:$0x3FAA] =	sst s4  }
0xd: {  	[smem:$0x3FAB] =	sst s5  }
0xe: {  	[smem:$0x3FAC] =	sst s6  }
0xf: {  	[smem:$0x3FAD] =	sst s7  }
0x10: {  	[smem:$0x3FAE] =	sst s8  }
0x11: {  	[smem:$0x3FAF] =	sst s9;
	s0 =	simm.s32 @!p0 $0x0  }
0x12: {  	s1 =	sld [smem:$0x3F95];
	s0 =	simm.s32 @p0 $0x1  }
0x13: {  	[smem:$0x3FB0] =	sst s0;
	s0 =	simm.s32 @!p1 $0x0  }
0x14: {  	s2 =	sld [smem:$0x3F94];
	s0 =	simm.s32 @p1 $0x1  }
0x15: {  	[smem:$0x3FB1] =	sst s0;
	s0 =	simm.s32 @!p2 $0x0  }
0x16: {  	s3 =	sld [smem:$0x3FDB];
	s0 =	simm.s32 @p2 $0x1  }
0x17: {  	s4 =	simm.s32 $0x1BF5;
	[smem:$0x3FB3] =	sst s0  }
0x18: {  	s0 =	sld [smem:$0x3F96];
	_ =	swait.ge [sflag:s4], $0x0  }
0x19: {  	s7 =	sld [smem:$0x3F97]  }
0x1a: {  	s8 =	sadd.s32 $0xFFFFE003, lr  }
0x1b: {  	s9 =	sadd.s32 $0xFFFFFEF7, lr;
	s5 =	simm.s32 $0xFFFFFFFF;
	p2 =	slt.u32 s8, $0xFFFFF086  }
0x1c: {  	p1 =	slt.u32 s9, $0xF7A;
	s5 =	simm.s32 @!p2 $0x0  }
0x1d: {  	s5 =	simm.s32 @p1 $0x1;
	p0 =	seq.s32 s7, s2  }
0x1e: {  	s7 =	smul.u32 @!p0 $0xF7A, s2;
	p2 =	seq.s32 @!p0 s5, $0x0  }
0x1f: {  	s9 =	smul.u32 $0xF7A, s1;
	s8 =	simm.s32 @!p0 $0x1BF5;
	p2 =	por !p2, p0  }
0x20: {  	[sflag:s8] =	ssyncset.s32 @!p0 $0xFFFFF086;
	s6 =	sadd.s32 @!p0 s3, s7;
	s7 =	simm.s32 @!p0 $0x108  }
0x21: {  	s3 =	sadd.s32 s3, s9;
	s6 =	sadd.s32 @!p0 $0x88, s6;
	s7 =	simm.s32 @p2 $0x1082  }
0x22: {  	[simem:s7], [sflag:s8] =	dma.local @!p0 [hbm:s6], $0xF7A  }
0x23: {  	s9 =	sor.u32 $0xD0000000, s2;
	s6 =	simm.s32 $0x108;
	_ =	swait.ge @!p0 [sflag:s8], $0x0  }
0x24: {  	s3 =	sadd.s32 $0x88, s3;
	s6 =	simm.s32 @!p1 $0x1082;
	[sflag:s4] =	ssyncset.s32 $0xFFFFF086  }
0x25: {  	[simem:s6], [sflag:s4] =	dma.local [hbm:s3], $0xF7A  }
0x26: {  	[smem:$0x3F97] =	sst s1;
	(tag) =	ssettag s2;
	_ =	strace s9  }
0x27: {  	s1 =	sld [smem:$0x3FA7]  }
0x28: {  	s2 =	sld [smem:$0x3FA8]  }
0x29: {  	s4 =	sld [smem:$0x3FAA]  }
0x2a: {  	p0 =	seq.s32 s5, $0x0;
	s5 =	sld [smem:$0x3FAB]  }
0x2b: {  	s6 =	sld [smem:$0x3FAC]  }
0x2c: {  	s7 =	sld [smem:$0x3FAD]  }
0x2d: {  	s3 =	simm.s32 $0x108;
	s8 =	sld [smem:$0x3FAE]  }
0x2e: {  	s3 =	simm.s32 @!p0 $0x1082;
	s9 =	sld [smem:$0x3FAF]  }
0x2f: {  	lr =	sadd.s32 s0, s3;
	s0 =	sld [smem:$0x3FA6]  }
0x30: {  	s3 =	sld [smem:$0x3FA9]  }
0x31: {  	[smem:$0x3FB2] =	sst s10  }
0x32: {  	s10 =	sld [smem:$0x3FB0];
	_ =	sdelay $0x3  }
0x33: {  	p0 =	seq.s32 s10, $0x1;
	s10 =	sld [smem:$0x3FB2];
	_ =	sdelay $0x3  }
0x34: {  	[smem:$0x3FB2] =	sst s10  }
0x35: {  	s10 =	sld [smem:$0x3FB1];
	_ =	sdelay $0x3  }
0x36: {  	p1 =	seq.s32 s10, $0x1;
	s10 =	sld [smem:$0x3FB2];
	_ =	sdelay $0x3  }
0x37: {  	[smem:$0x3FB2] =	sst s10  }
0x38: {  	s10 =	sld [smem:$0x3FB3]  }
0x39: {  	_ = 	snop;
	(pc) =	sbr.ind lr, $3  }
0x3a: {  	_ = 	snop  }
0x3b: {  	_ = 	snop  }
0x3c: {  	p2 =	seq.s32 s10, $0x1;
	s10 =	sld [smem:$0x3FB2]  }
0x3d: {  	_ =	shalt  }
0x3e: {  	_ =	shalt  }
0x3f: {  	_ =	shalt  }
0x40: {  	_ =	shalt  }
0x41: {  	_ =	shalt  }
0x42: {  	_ =	shalt  }
0x43: {  	_ =	shalt  }
0x44: {  	_ =	shalt  }
0x45: {  	_ =	shalt  }
0x46: {  	_ =	shalt  }
0x47: {  	_ =	shalt  }
0x48: {  	_ =	shalt  }
0x49: {  	_ =	shalt  }
0x4a: {  	_ =	shalt  }
0x4b: {  	_ =	shalt  }
0x4c: {  	_ =	shalt  }
0x4d: {  	_ =	shalt  }
0x4e: {  	_ =	shalt  }
0x4f: {  	_ =	shalt  }
0x50: {  	_ =	shalt  }
0x51: {  	_ =	shalt  }
0x52: {  	_ =	shalt  }
0x53: {  	_ =	shalt  }
0x54: {  	_ =	shalt  }
0x55: {  	_ =	shalt  }
0x56: {  	_ =	shalt  }
0x57: {  	_ =	shalt  }
0x58: {  	_ =	shalt  }
0x59: {  	_ =	shalt  }
0x5a: {  	_ =	shalt  }
0x5b: {  	_ =	shalt  }
0x5c: {  	_ =	shalt  }
0x5d: {  	_ =	shalt  }
0x5e: {  	_ =	shalt  }
0x5f: {  	_ =	shalt  }
0x60: {  	_ =	shalt  }
0x61: {  	_ =	shalt  }
0x62: {  	_ =	shalt  }
0x63: {  	_ =	shalt  }
0x64: {  	_ =	shalt  }
0x65: {  	_ =	shalt  }
0x66: {  	_ =	shalt  }
0x67: {  	_ =	shalt  }
0x68: {  	_ =	shalt  }
0x69: {  	_ =	shalt  }
0x6a: {  	_ =	shalt  }
0x6b: {  	_ =	shalt  }
0x6c: {  	_ =	shalt  }
0x6d: {  	_ =	shalt  }
0x6e: {  	_ =	shalt  }
0x6f: {  	_ =	shalt  }
0x70: {  	_ =	shalt  }
0x71: {  	_ =	shalt  }
0x72: {  	_ =	shalt  }
0x73: {  	_ =	shalt  }
0x74: {  	_ =	shalt  }
0x75: {  	_ =	shalt  }
0x76: {  	_ =	shalt  }
0x77: {  	_ =	shalt  }
0x78: {  	_ =	shalt  }
0x79: {  	_ =	shalt  }
0x7a: {  	_ =	shalt  }
0x7b: {  	_ =	shalt  }
0x7c: {  	_ =	shalt  }
0x7d: {  	_ =	shalt  }
0x7e: {  	_ =	shalt  }
0x7f: {  	_ =	shalt  }
0x80: {  	_ =	shalt  }
0x81: {  	_ =	shalt  }
0x82: {  	_ =	shalt  }
0x83: {  	_ =	shalt  }
0x84: {  	_ =	shalt  }
0x85: {  	_ =	shalt  }
0x86: {  	_ =	shalt  }
0x87: {  	_ =	shalt  }
.Lfunc_end0:
.L_simem_size_0:
called_computation.7_lowered:
.L_overlay_start_0:
0x88: {  	s2 =	sld [smem:$0x3FD9]  }
0x89: {  	s3 =	sld [smem:$0x3FFE];
	_ =	sdelay $0x1  }
0x8a: {  	s1 =	srdreg.scid  }
0x8b: {  	s0 =	sand.u32 $0x1, s1  }
0x8c: {  	s15 =	sshll.u32 s0, $0xA;
	s2 =	sadd.s32 s3, s2  }
0x8d: {  	s2 =	sadd.s32 s2, s15  }
0x8e: {  	[smem:$0x3FBE] =	sst s2  }
0x8f: {  	_ = 	snop  }
0x90: {  	s2 =	sld [smem:$0x3FD0];
	_ =	sdelay $0x2  }
0x91: {  	s16 =	simm.s32 $0xF;
	s4 =	simm.s32 $0x10  }
0x92: {  	[smem:s4], [sflag:s16] =	dma.local [hbm:s2], $0x1  }
0x93: {  	_ =	swait.eq [sflag:s16], $0x1  }
0x94: {  	[sflag:s16] =	ssyncset.done $0x0  }
0x95: {  	[sflag:s16] =	ssyncadd.s32 $0xFFFFFFFF  }
0x96: {  	s17 =	sld [smem:$0x13];
	(tm) =	ssettm $0x1  }
0x97: {  	s18 =	sld [smem:$0x3FFB];
	_ =	sdelay $0x3  }
0x98: {  	_ =	strace s18  }
0x99: {  	s2 =	sld [smem:$0x3FFC];
	_ =	sdelay $0x3  }
0x9a: {  	_ =	strace s2  }
0x9b: {  	s2 =	sld [smem:$0x3FFD];
	_ =	sdelay $0x3  }
0x9c: {  	_ =	strace s2  }
0x9d: {  	_ =	strace $0x8FFFFFFF  }
0x9e: {  	s19 =	sld [smem:$0x3FDB];
	_ =	sdelay $0x1  }
0x9f: {  	s20 =	simm.s32 $_scs_section_size  }
0xa0: {  	s5 =	simm.s32 $_size__tile_overlayer_lowered;
	s6 =	simm.s32 $_tile_overlayer_lowered  }
0xa1: {  	s7 =	simm.s32 $0x1BFF;
	s21 =	sshll.u32 s6, $0x1;
	s4 =	sadd.s32 s20, s19  }
0xa2: {  	s22 =	simm.s32 $0x0;
	s5 =	sshll.u32 s5, $0x1;
	s6 =	sadd.s32 s21, s4  }
0xa3: {  	[timem:s22], [sflag:s7] =	dma.local [hbm:s6], s5  }
0xa4: {  	_ =	swait.ge [sflag:s7], s5  }
0xa5: {  	s5 =	ssub.s32 $0x0, s5;
	[sflag:s7] =	ssyncset.done $0x0  }
0xa6: {  	[sflag:s7] =	ssyncadd.s32 s5;
	_ =	sdelay $0x1  }
0xa7: {  	s23 =	simm.s32 $0x1B8B  }
0xa8: {  	_ =	swait.ge [sflag:s23], $0x1  }
0xa9: {  	[sflag:s23] =	ssyncset.done $0x0  }
0xaa: {  	[sflag:s23] =	ssyncadd.s32 $0xFFFFFFFF  }
0xab: {  	s5 =	sld [smem:$0x0]  }
0xac: {  	s6 =	sand.u32 $0xFFFFFFFE, s1  }
0xad: {  	p0 =	sne.s32 s1, s6  }
0xae: {  	s6 =	sshll.u32 @p0 s6, $0xE  }
0xaf: {  	s6 =	sadd.s32 @p0 $0x11B8D, s6;
	s7 =	sshll.u32 @p0 s5, $0x11  }
0xb0: {  	s6 =	sor.u32 @p0 s7, s6  }
0xb1: {  	[sflag:s6] =	ssyncadd.remote.s32 @p0 $0x1;
	_ =	sdelay $0x1  }
0xb2: {  	s6 =	simm.s32 @p0 $0x1B8D  }
0xb3: {  	_ =	swait.eq @p0 [sflag:s6], $0x1  }
0xb4: {  	[sflag:s6] =	ssyncadd.s32 @p0 $0xFFFFFFFF  }
0xb5: {  	s7 =	sshll.u32 @!p0 s1, $0xE  }
0xb6: {  	s7 =	sor.u32 @!p0 $0x4000, s7;
	s6 =	simm.s32 @!p0 $0x1B8D  }
0xb7: {  	s5 =	sshll.u32 @!p0 s5, $0x11;
	s7 =	sadd.s32 @!p0 $0x11B8D, s7;
	_ =	swait.eq @!p0 [sflag:s6], $0x1  }
0xb8: {  	s5 =	sor.u32 @!p0 s5, s7;
	[sflag:s6] =	ssyncadd.s32 @!p0 $0xFFFFFFFF  }
0xb9: {  	s25 =	simm.s32 $0x1B8E;
	s24 =	sld [smem:$0x3FFE];
	[sflag:s5] =	ssyncadd.remote.s32 @!p0 $0x1  }
0xba: {  	s26 =	simm.s32 $execute0_lowered;
	[smem:$0x3FD2] =	sst s25  }
0xbb: {  	s6 =	sshll.u32 s26, $0x1;
	_ =	strace $0x80000058;
	[dreg:$0x1] =	wrdreg $0xFFFFFFFF  }
0xbc: {  	s28 =	simm.s32 $_size_execute0_lowered;
	s4 =	sadd.s32 s4, s6;
	[dreg:$0x0] =	wrdreg $0x0  }
0xbd: {  	s6 =	sshll.u32 s28, $0x1;
	[dreg:$0x2] =	wrdreg s4  }
0xbe: {  	[dreg:$0x3] =	wrdreg s6  }
0xbf: {  	[dreg:$0x4] =	wrdreg $0xC0  }
0xc0: {  	_ =	task [dreg:s22], $0x5FFFF  }
0xc1: {  	[dreg:$0x1] =	wrdreg $0xFFFFFFFF  }
0xc2: {  	[dreg:$0x0] =	wrdreg $0x60  }
0xc3: {  	[dreg:$0x2] =	wrdreg s24  }
0xc4: {  	[dreg:$0x3] =	wrdreg s17  }
0xc5: {  	[dreg:$0x4] =	wrdreg $0x79000  }
0xc6: {  	[dreg:$0x5] =	wrdreg $0xD  }
0xc7: {  	_ =	task.clear_ibuf [dreg:s22], $0x6FFFF;
	_ =	strace $0x90000058  }
0xc8: {  	s29 =	simm.s32 $0xD;
	_ =	strace $0x8000005A  }
0xc9: {  	_ =	swait.ge [sflag:s29], $0x1  }
0xca: {  	[sflag:s29] =	ssyncadd.s32 $0xFFFFFFFF  }
0xcb: {  	_ =	strace $0x9000005A  }
0xcc: {  	_ =	sfence  }
0xcd: {  	s30 =	sld [smem:$0x0];
	_ =	sdelay $0x2  }
0xce: {  	s31 =	sshll.u32 s1, $0xD;
	s1 =	sshrl.u32 s1, $0x2  }
0xcf: {  	s4 =	sand.u32 $0x4000, s31;
	s1 =	sadd.s32 s1, s30  }
0xd0: {  	s0 =	sor.u32 s4, s0;
	s1 =	sshll.u32 s1, $0x11  }
0xd1: {  	s0 =	sor.u32 s1, s0  }
0xd2: {  	s0 =	sadd.s32 $0x8F2B, s0  }
0xd3: {  	[sflag:s0] =	ssyncadd.remote.s32 $0x1  }
0xd4: {  	_ =	sfence.sel $0xFFFF  }
0xd5: {  	[dreg:$0x0] =	wrdreg $0xFFFFFFFF;
	(pc) =	sbr.abs _section_cstart, $3  }
0xd6: {  	[dreg:$0x1] =	wrdreg $0xFFFFFFFF  }
0xd7: {  	_ =	task.clear_ibuf [dreg:s22], $0x2FFFF;
	_ =	strace $0x9FFFFFFF  }
0xd8: {  	(tm) =	ssettm $0x7FFFFFFF  }
0xd9: {  	_ =	shalt  }
tec
execute0_lowered:
.L_overlay_start_1:
0x0: {  	(tag) =	ssettag $0x1  }
0x1: {  	s6 =	rddreg [dreg:$0x0];
	s0 =	srdreg.scid  }
0x2: {  	s19 =	stileid.u32;
	s28 =	simm.s32 $0x0;
	s9 =	sadd.s32 $0x13FA400, s6  }
0x3: {  	s10 =	sand.u32 $0x1, s0;
	s8 =	smul.u32 $0x14000, s19;
	s13 =	sadd.s32 $0x1012400, s6  }
0x4: {  	s23 =	smul.u32 $0x7D0, s19;
	s24 =	sadd.s32 $0x21E00, s6;
	s1 =	sshll.u32 s10, $0x4  }
0x5: {  	s0 =	ssub.s32 $0x2, s10;
	s11 =	smul.u32 $0x140000, s10;
	s12 =	sor.u32 s19, s1  }
0x6: {  	s6 =	sadd.s32 $0xA000, s6;
	s2 =	sshrl.u32 s0, $0x1;
	s14 =	smul.u32 $0x7D00, s12  }
0x7: {  	s1 =	sadd.s32 $0x5000, s8;
	s2 =	ssub.s32 s0, s2;
	s15 =	smul.u32 $0x3E800, s12  }
0x8: {  	s16 =	sadd.s32 s11, s8;
	s0 =	sor.u32 $0x2800, s8;
	s18 =	sadd.s32 s11, s1  }
0x9: {  	s3 =	sshrl.u32 s16, $0x3;
	s4 =	sadd.s32 s11, s0;
	s2 =	smax.u32 s2, $0x1  }
0xa: {  	s3 =	sadd.s32 s13, s3;
	s17 =	sshrl.u32 s4, $0x3;
	s4 =	sshrl.u32 s18, $0x3  }
0xb: {  	s25 =	sshrl.u32 s15, $0x3;
	s26 =	sadd.s32 s9, s14;
	[dreg:$0x4] =	wrdreg s3  }
0xc: {  	s29 =	sadd.s32 s24, s14;
	s14 =	sadd.s32 $0x7800, s14;
	[dreg:$0xc] =	wrdreg s26  }
0xd: {  	s15 =	simm.s32 $0x0;
	s3 =	sadd.s32 s13, s17;
	[dreg:$0xd] =	wrdreg s29  }
0xe: {  	s4 =	sadd.s32 s13, s4;
	s17 =	smul.u32 $0x7D00, s10;
	[smem:$0x7FF] =	sst s15  }
0xf: {  	s10 =	smul.u32 $0x7D000, s10;
	[dreg:$0x5] =	wrdreg s3;
	s3 =	sadd.s32 $0x7800, s8  }
0x10: {  	[dreg:$0x6] =	wrdreg s4;
	s4 =	sadd.s32 $0xA000, s8;
	s5 =	sadd.s32 s11, s3  }
0x11: {  	s16 =	sadd.s32 s11, s4;
	s18 =	sadd.s32 s23, s17;
	s17 =	sadd.s32 s24, s14  }
0x12: {  	s7 =	sshrl.u32 s5, $0x3;
	s5 =	sadd.s32 $0xC800, s8;
	s20 =	sshrl.u32 s16, $0x3  }
0x13: {  	[dreg:$0x11] =	wrdreg s17;
	s23 =	sadd.s32 $0x2EEA0, s18;
	s7 =	sadd.s32 s13, s7  }
0x14: {  	s29 =	sadd.s32 $0x3E8A0, s18;
	s21 =	sadd.s32 s11, s5;
	[dreg:$0x7] =	wrdreg s7  }
0x15: {  	s7 =	sadd.s32 s13, s20;
	s16 =	sshrl.u32 s21, $0x3;
	s20 =	smul.u32 $0x7D00, s19  }
0x16: {  	s21 =	smul.u32 $0x7D0, s12;
	[dreg:$0x8] =	wrdreg s7;
	s7 =	sadd.s32 $0xF000, s8  }
0x17: {  	s16 =	sadd.s32 s13, s16;
	s8 =	sadd.s32 $0x11800, s8;
	s22 =	sadd.s32 s11, s7  }
0x18: {  	[dreg:$0x9] =	wrdreg s16;
	s11 =	sadd.s32 s11, s8;
	s16 =	sshrl.u32 s22, $0x3  }
0x19: {  	s11 =	sshrl.u32 s11, $0x3;
	s22 =	sadd.s32 $0x2EEF0, s18;
	s16 =	sadd.s32 s13, s16  }
0x1a: {  	s11 =	sadd.s32 s13, s11;
	s12 =	sshrl.u32 s22, $0x3;
	s22 =	rddreg [dreg:$0x2]  }
0x1b: {  	s13 =	sadd.s32 $0x500, s25;
	s25 =	sadd.s32 $0x3E8F0, s18;
	[dreg:$0xa] =	wrdreg s16  }
0x1c: {  	[dreg:$0xb] =	wrdreg s11;
	s30 =	sadd.s32 s9, s13;
	s13 =	sadd.s32 s24, s13  }
0x1d: {  	s16 =	sadd.s32 s9, s14;
	s9 =	sadd.s32 s10, s9;
	s10 =	sadd.s32 s10, s24  }
0x1e: {  	s11 =	sshrl.u32 s21, $0x3;
	s24 =	sshrl.u32 s23, $0x3;
	[dreg:$0xe] =	wrdreg s30  }
0x1f: {  	s26 =	sshrl.u32 s25, $0x3;
	s14 =	sshll.u32 s19, $0x6;
	[dreg:$0xf] =	wrdreg s13  }
0x20: {  	s0 =	sadd.s32 s0, s22;
	[dreg:$0x10] =	wrdreg s16;
	s9 =	sadd.s32 s20, s9  }
0x21: {  	s10 =	sadd.s32 s20, s10;
	s11 =	sadd.s32 s6, s11;
	s16 =	sadd.s32 s12, s6  }
0x22: {  	s17 =	sadd.s32 s24, s6;
	s13 =	sshrl.u32 s29, $0x3;
	s30 =	smul.u32 $0x50000, s19  }
0x23: {  	s20 =	sadd.s32 s26, s6;
	s18 =	sor.u32 $0x1C05, s14;
	s12 =	simm.s32 $0x1  }
0x24: {  	s14 =	simm.s32 $0x2;
	_ =	strace $0x80000059;
	[dreg:$0x12] =	wrdreg s18  }
0x25: {  	s21 =	sadd.s32 s13, s6;
	[dreg:$0x13] =	wrdreg s2;
	s19 =	sadd.s32 $0x5DC0, s11  }
0x26: {  	s24 =	sadd.s32 $0x5DCA, s11;
	s25 =	sadd.s32 $0x7D00, s11;
	[dreg:$0x1a] =	wrdreg s0  }
0x27: {  	s26 =	sadd.s32 $0x7D0A, s11;
	s29 =	sadd.s32 $0x5EB0, s11;
	[dreg:$0x14] =	wrdreg s19  }
0x28: {  	s2 =	sadd.s32 s4, s22;
	s4 =	sadd.s32 s7, s22;
	[dreg:$0x15] =	wrdreg s24  }
0x29: {  	s31 =	sadd.s32 $0xF00, s9;
	s7 =	sadd.s32 $0xF00, s10;
	[dreg:$0x16] =	wrdreg s25  }
0x2a: {  	s9 =	simm.s32 $0x100;
	s10 =	simm.s32 $0x80;
	[dreg:$0x17] =	wrdreg s26  }
0x2b: {  	s13 =	sshrl.u32 s30, $0x2;
	[dreg:$0x18] =	wrdreg s29;
	s30 =	sadd.s32 $0x7DF0, s11  }
0x2c: {  	s19 =	sadd.s32 s1, s22;
	s1 =	sadd.s32 s3, s22;
	s3 =	sadd.s32 s5, s22  }
0x2d: {  	s5 =	sadd.s32 s8, s22;
	s8 =	simm.s32 $0x5;
	s11 =	simm.s32 $0x2900  }
0x2e: {  	s24 =	simm.s32 $0x3;
	s25 =	simm.s32 $0x4;
	s26 =	simm.s32 $0x5100  }
0x2f: {  	s23 =	sadd.s32 s13, s22;
	[dreg:$0x19] =	wrdreg s30;
	s13 =	simm.s32 $0x50  }
.LBB2_1:
0x30: {  	s0 =	rddreg [dreg:$0x1]  }
0x31: {  	s6 =	sshrl.u32 s23, $0x3;
	s18 =	rddreg [dreg:$0x12]  }
0x32: {  	[spmem:s6], [sflag:s18] =	dma.local [hbm:s0], $0x2800  }
0x33: {  	_ =	swait.ge [sflag:s8], $0x2800  }
0x34: {  	[sflag:s8] =	ssyncset.done $0x0  }
0x35: {  	[sflag:s8] =	ssyncadd.s32 $0xFFFFD800  }
0x36: {  	[bflag:$0x0] =	sbarrier.arrive $0xFFFF  }
0x37: {  	s18 =	rddreg [dreg:$0x14]  }
0x38: {  	[tilespmem:s15], [sflag:$0x1] =	stream.linear.gather [hbm4b:s18+s15], $0x50, $0x38;
	[tilespmem:$0x1B900] =	vst v63  }
0x39: {  	s6 =	rddreg [dreg:$0xc]  }
0x3a: {  	[tilespmem:s9], [sflag:$0x1] =	stream.linear.gather [hbm4b:s6+s15], $0x2800, $0x38;
	[tilespmem:$0x1B900] =	vst v63  }
0x3b: {  	s18 =	rddreg [dreg:$0x15]  }
0x3c: {  	[tilespmem:s10], [sflag:$0x2] =	stream.linear.gather [hbm4b:s18+s15], $0x50, $0x38;
	[tilespmem:$0x1B900] =	vst v63  }
0x3d: {  	s6 =	rddreg [dreg:$0xe]  }
0x3e: {  	[tilespmem:s11], [sflag:$0x2] =	stream.linear.gather [hbm4b:s6+s15], $0x2800, $0x38;
	[tilespmem:$0x1B900] =	vst v63  }
0x3f: {  	_ =	swait.ge [sflag:s12], $0x50  }
0x40: {  	[sflag:s12] =	ssyncset.done $0x0  }
0x41: {  	[sflag:s12] =	ssyncadd.s32 $0xFFFFFFB0  }
0x42: {  	_ =	swait.ge [sflag:s12], $0x2800  }
0x43: {  	[sflag:s12] =	ssyncset.done $0x0  }
0x44: {  	[sflag:s12] =	ssyncadd.s32 $0xFFFFD800  }
0x45: {  	[spmem:s22] =	stream.indirect.scatter.add.f32 [tilespmem:s9], [sflag:$0x3], $0x80, s15, s13, $0xb8;
	[tilespmem:$0x1B900] =	vst v63  }
0x46: {  	_ =	swait.ge [sflag:s14], $0x50  }
0x47: {  	[sflag:s14] =	ssyncset.done $0x0  }
0x48: {  	[sflag:s14] =	ssyncadd.s32 $0xFFFFFFB0  }
0x49: {  	_ =	swait.ge [sflag:s14], $0x2800  }
0x4a: {  	[sflag:s14] =	ssyncset.done $0x0  }
0x4b: {  	[sflag:s14] =	ssyncadd.s32 $0xFFFFD800  }
0x4c: {  	[spmem:s22] =	stream.indirect.scatter.add.f32 [tilespmem:s11], [sflag:$0x4], $0x80, s10, s13, $0xb8;
	[tilespmem:$0x1B900] =	vst v63  }
0x4d: {  	_ =	swait.ge [sflag:s24], $0x2800  }
0x4e: {  	[sflag:s24] =	ssyncset.done $0x0  }
0x4f: {  	s18 =	sadd.s32 $0x0, s17;
	[sflag:s24] =	ssyncadd.s32 $0xFFFFD800  }
0x50: {  	[tilespmem:s15], [sflag:$0x1] =	stream.linear.gather [hbm4b:s18+s15], $0x50, $0x38;
	[tilespmem:$0x1B900] =	vst v63  }
0x51: {  	s0 =	sadd.s32 $0xFFFFFB00, s31  }
0x52: {  	[tilespmem:s9], [sflag:$0x1] =	stream.linear.gather [hbm4b:s0+s15], $0x2800, $0x38;
	[tilespmem:$0x1B900] =	vst v63  }
0x53: {  	_ =	swait.ge [sflag:s25], $0x2800  }
0x54: {  	s29 =	simm.s32 $0x14;
	s30 =	sadd.s32 $0xA00, s31;
	[sflag:s25] =	ssyncset.done $0x0  }
0x55: {  	s6 =	smov.u32 s31;
	s18 =	sadd.s32 $0x0, s16;
	[sflag:s25] =	ssyncadd.s32 $0xFFFFD800  }
0x56: {  	[tilespmem:s10], [sflag:$0x2] =	stream.linear.gather [hbm4b:s18+s15], $0x50, $0x38;
	[tilespmem:$0x1B900] =	vst v63  }
.LBB2_2:
0x57: {  	[tilespmem:s11], [sflag:$0x2] =	stream.linear.gather [hbm4b:s6+s15], $0x2800, $0x38;
	[tilespmem:$0x1B900] =	vst v63  }
0x58: {  	s18 =	smov.u32 s29;
	s6 =	smov.u32 s30  }
0x59: {  	p0 =	sne.s32 s29, $0xC8;
	s29 =	sadd.s32 $0x14, s29;
	_ =	swait.ge [sflag:s12], $0x50  }
0x5a: {  	[sflag:s12] =	ssyncset.done $0x0  }
0x5b: {  	[sflag:s12] =	ssyncadd.s32 $0xFFFFFFB0  }
0x5c: {  	_ =	swait.ge [sflag:s12], $0x2800  }
0x5d: {  	[sflag:s12] =	ssyncset.done $0x0  }
0x5e: {  	[sflag:s12] =	ssyncadd.s32 $0xFFFFD800  }
0x5f: {  	[spmem:s22] =	stream.indirect.scatter.add.f32 [tilespmem:s9], [sflag:$0x3], $0x80, s15, s13, $0xb8;
	[tilespmem:$0x1B900] =	vst v63  }
0x60: {  	_ =	swait.ge [sflag:s14], $0x50  }
0x61: {  	[sflag:s14] =	ssyncset.done $0x0  }
0x62: {  	[sflag:s14] =	ssyncadd.s32 $0xFFFFFFB0  }
0x63: {  	_ =	swait.ge [sflag:s14], $0x2800  }
0x64: {  	[sflag:s14] =	ssyncset.done $0x0  }
0x65: {  	[sflag:s14] =	ssyncadd.s32 $0xFFFFD800  }
0x66: {  	[spmem:s22] =	stream.indirect.scatter.add.f32 [tilespmem:s11], [sflag:$0x4], $0x80, s10, s13, $0xb8;
	[tilespmem:$0x1B900] =	vst v63  }
0x67: {  	_ =	swait.ge [sflag:s24], $0x2800  }
0x68: {  	[sflag:s24] =	ssyncset.done $0x0  }
0x69: {  	s0 =	sadd.s32 s18, s17;
	[sflag:s24] =	ssyncadd.s32 $0xFFFFD800  }
0x6a: {  	[tilespmem:s15], [sflag:$0x1] =	stream.linear.gather [hbm4b:s0+s15], $0x50, $0x38;
	[tilespmem:$0x1B900] =	vst v63  }
0x6b: {  	s0 =	sadd.s32 $0xFFFFFB00, s30  }
0x6c: {  	[tilespmem:s9], [sflag:$0x1] =	stream.linear.gather [hbm4b:s0+s15], $0x2800, $0x38;
	[tilespmem:$0x1B900] =	vst v63  }
.Ltmp0:
0x6d: {  	_ =	swait.ge [sflag:s25], $0x2800;
	(pc) =	sbr.rel @p0 .LBB2_2-.Ltmp0, $4  }
0x6e: {  	[sflag:s25] =	ssyncset.done $0x0  }
0x6f: {  	s0 =	sadd.s32 s18, s16;
	[sflag:s25] =	ssyncadd.s32 $0xFFFFD800  }
0x70: {  	[tilespmem:s10], [sflag:$0x2] =	stream.linear.gather [hbm4b:s0+s15], $0x50, $0x38;
	[tilespmem:$0x1B900] =	vst v63  }
0x71: {  	s30 =	sadd.s32 $0xA00, s30  }
0x72: {  	[tilespmem:s11], [sflag:$0x2] =	stream.linear.gather [hbm4b:s6+s15], $0x2800, $0x38;
	[tilespmem:$0x1B900] =	vst v63  }
0x73: {  	_ =	swait.ge [sflag:s12], $0x50  }
0x74: {  	[sflag:s12] =	ssyncset.done $0x0  }
0x75: {  	[sflag:s12] =	ssyncadd.s32 $0xFFFFFFB0  }
0x76: {  	_ =	swait.ge [sflag:s12], $0x2800  }
0x77: {  	[sflag:s12] =	ssyncset.done $0x0  }
0x78: {  	s0 =	simm.s32 $0x0;
	[sflag:s12] =	ssyncadd.s32 $0xFFFFD800  }
0x79: {  	[spmem:s22] =	stream.indirect.scatter.add.f32 [tilespmem:s9], [sflag:$0x3], $0x80, s0, s13, $0xb8;
	[tilespmem:$0x1B900] =	vst v63  }
0x7a: {  	_ =	swait.ge [sflag:s14], $0x50  }
0x7b: {  	[sflag:s14] =	ssyncset.done $0x0  }
0x7c: {  	[sflag:s14] =	ssyncadd.s32 $0xFFFFFFB0  }
0x7d: {  	_ =	swait.ge [sflag:s14], $0x2800  }
0x7e: {  	[sflag:s14] =	ssyncset.done $0x0  }
0x7f: {  	[sflag:s14] =	ssyncadd.s32 $0xFFFFD800  }
0x80: {  	[spmem:s22] =	stream.indirect.scatter.add.f32 [tilespmem:s11], [sflag:$0x4], $0x80, s10, s13, $0xb8;
	[tilespmem:$0x1B900] =	vst v63  }
0x81: {  	_ =	swait.ge [sflag:s24], $0x2800  }
0x82: {  	[sflag:s24] =	ssyncset.done $0x0  }
0x83: {  	s18 =	rddreg [dreg:$0x18];
	[sflag:s24] =	ssyncadd.s32 $0xFFFFD800  }
0x84: {  	[tilespmem:s0], [sflag:$0x1] =	stream.linear.gather [hbm4b:s18+s0], $0x50, $0x38;
	[tilespmem:$0x1B900] =	vst v63  }
0x85: {  	s18 =	rddreg [dreg:$0x10]  }
0x86: {  	[tilespmem:s9], [sflag:$0x1] =	stream.linear.gather [hbm4b:s18+s0], $0x2800, $0x38;
	[tilespmem:$0x1B900] =	vst v63  }
0x87: {  	_ =	swait.ge [sflag:s25], $0x2800  }
0x88: {  	[sflag:s25] =	ssyncset.done $0x0  }
0x89: {  	[sflag:s25] =	ssyncadd.s32 $0xFFFFD800  }
0x8a: {  	_ =	swait.ge [sflag:s12], $0x50  }
0x8b: {  	[sflag:s12] =	ssyncset.done $0x0  }
0x8c: {  	[sflag:s12] =	ssyncadd.s32 $0xFFFFFFB0  }
0x8d: {  	_ =	swait.ge [sflag:s12], $0x2800  }
0x8e: {  	[sflag:s12] =	ssyncset.done $0x0  }
0x8f: {  	[sflag:s12] =	ssyncadd.s32 $0xFFFFD800  }
0x90: {  	[spmem:s22] =	stream.indirect.scatter.add.f32 [tilespmem:s9], [sflag:$0x3], $0x80, s0, s13, $0xb8;
	[tilespmem:$0x1B900] =	vst v63  }
0x91: {  	_ =	swait.ge [sflag:s24], $0x2800  }
0x92: {  	[sflag:s24] =	ssyncset.done $0x0  }
0x93: {  	s18 =	rddreg [dreg:$0x16];
	[sflag:s24] =	ssyncadd.s32 $0xFFFFD800  }
0x94: {  	[tilespmem:s0], [sflag:$0x1] =	stream.linear.gather [hbm4b:s18+s0], $0x50, $0x38;
	[tilespmem:$0x1B900] =	vst v63  }
0x95: {  	s18 =	rddreg [dreg:$0xd]  }
0x96: {  	[tilespmem:s9], [sflag:$0x1] =	stream.linear.gather [hbm4b:s18+s0], $0x2800, $0x38;
	[tilespmem:$0x1B900] =	vst v63  }
0x97: {  	s18 =	rddreg [dreg:$0x17]  }
0x98: {  	[tilespmem:s10], [sflag:$0x2] =	stream.linear.gather [hbm4b:s18+s0], $0x50, $0x38;
	[tilespmem:$0x1B900] =	vst v63  }
0x99: {  	s18 =	rddreg [dreg:$0xf]  }
0x9a: {  	[tilespmem:s11], [sflag:$0x2] =	stream.linear.gather [hbm4b:s18+s0], $0x2800, $0x38;
	[tilespmem:$0x1B900] =	vst v63  }
0x9b: {  	_ =	swait.ge [sflag:s12], $0x50  }
0x9c: {  	[sflag:s12] =	ssyncset.done $0x0  }
0x9d: {  	[sflag:s12] =	ssyncadd.s32 $0xFFFFFFB0  }
0x9e: {  	_ =	swait.ge [sflag:s12], $0x2800  }
0x9f: {  	[sflag:s12] =	ssyncset.done $0x0  }
0xa0: {  	[sflag:s12] =	ssyncadd.s32 $0xFFFFD800  }
0xa1: {  	[spmem:s22] =	stream.indirect.scatter.add.f32 [tilespmem:s9], [sflag:$0x3], $0x80, s15, s13, $0xb8;
	[tilespmem:$0x1B900] =	vst v63  }
0xa2: {  	_ =	swait.ge [sflag:s14], $0x50  }
0xa3: {  	[sflag:s14] =	ssyncset.done $0x0  }
0xa4: {  	[sflag:s14] =	ssyncadd.s32 $0xFFFFFFB0  }
0xa5: {  	_ =	swait.ge [sflag:s14], $0x2800  }
0xa6: {  	[sflag:s14] =	ssyncset.done $0x0  }
0xa7: {  	[sflag:s14] =	ssyncadd.s32 $0xFFFFD800  }
0xa8: {  	[spmem:s22] =	stream.indirect.scatter.add.f32 [tilespmem:s11], [sflag:$0x4], $0x80, s10, s13, $0xb8;
	[tilespmem:$0x1B900] =	vst v63  }
0xa9: {  	_ =	swait.ge [sflag:s24], $0x2800  }
0xaa: {  	[sflag:s24] =	ssyncset.done $0x0  }
0xab: {  	s18 =	sadd.s32 $0x0, s21;
	[sflag:s24] =	ssyncadd.s32 $0xFFFFD800  }
0xac: {  	[tilespmem:s15], [sflag:$0x1] =	stream.linear.gather [hbm4b:s18+s15], $0x50, $0x38;
	[tilespmem:$0x1B900] =	vst v63  }
0xad: {  	s6 =	sadd.s32 $0xFFFFFB00, s7  }
0xae: {  	[tilespmem:s9], [sflag:$0x1] =	stream.linear.gather [hbm4b:s6+s15], $0x2800, $0x38;
	[tilespmem:$0x1B900] =	vst v63  }
0xaf: {  	_ =	swait.ge [sflag:s25], $0x2800  }
0xb0: {  	s29 =	simm.s32 $0x14;
	s30 =	sadd.s32 $0xA00, s7;
	[sflag:s25] =	ssyncset.done $0x0  }
0xb1: {  	s18 =	sadd.s32 $0x0, s20;
	s6 =	smov.u32 s7;
	[sflag:s25] =	ssyncadd.s32 $0xFFFFD800  }
0xb2: {  	[tilespmem:s10], [sflag:$0x2] =	stream.linear.gather [hbm4b:s18+s15], $0x50, $0x38;
	[tilespmem:$0x1B900] =	vst v63  }
.LBB2_4:
0xb3: {  	[tilespmem:s11], [sflag:$0x2] =	stream.linear.gather [hbm4b:s6+s15], $0x2800, $0x38;
	[tilespmem:$0x1B900] =	vst v63  }
0xb4: {  	s0 =	smov.u32 s29;
	s6 =	smov.u32 s30  }
0xb5: {  	p0 =	sne.s32 s29, $0xC8;
	s29 =	sadd.s32 $0x14, s29;
	_ =	swait.ge [sflag:s12], $0x50  }
0xb6: {  	[sflag:s12] =	ssyncset.done $0x0  }
0xb7: {  	[sflag:s12] =	ssyncadd.s32 $0xFFFFFFB0  }
0xb8: {  	_ =	swait.ge [sflag:s12], $0x2800  }
0xb9: {  	[sflag:s12] =	ssyncset.done $0x0  }
0xba: {  	[sflag:s12] =	ssyncadd.s32 $0xFFFFD800  }
0xbb: {  	[spmem:s22] =	stream.indirect.scatter.add.f32 [tilespmem:s9], [sflag:$0x3], $0x80, s15, s13, $0xb8;
	[tilespmem:$0x1B900] =	vst v63  }
0xbc: {  	_ =	swait.ge [sflag:s14], $0x50  }
0xbd: {  	[sflag:s14] =	ssyncset.done $0x0  }
0xbe: {  	[sflag:s14] =	ssyncadd.s32 $0xFFFFFFB0  }
0xbf: {  	_ =	swait.ge [sflag:s14], $0x2800  }
0xc0: {  	[sflag:s14] =	ssyncset.done $0x0  }
0xc1: {  	[sflag:s14] =	ssyncadd.s32 $0xFFFFD800  }
0xc2: {  	[spmem:s22] =	stream.indirect.scatter.add.f32 [tilespmem:s11], [sflag:$0x4], $0x80, s10, s13, $0xb8;
	[tilespmem:$0x1B900] =	vst v63  }
0xc3: {  	_ =	swait.ge [sflag:s24], $0x2800  }
0xc4: {  	[sflag:s24] =	ssyncset.done $0x0  }
0xc5: {  	s18 =	sadd.s32 s0, s21;
	[sflag:s24] =	ssyncadd.s32 $0xFFFFD800  }
0xc6: {  	[tilespmem:s15], [sflag:$0x1] =	stream.linear.gather [hbm4b:s18+s15], $0x50, $0x38;
	[tilespmem:$0x1B900] =	vst v63  }
0xc7: {  	s18 =	sadd.s32 $0xFFFFFB00, s30  }
0xc8: {  	[tilespmem:s9], [sflag:$0x1] =	stream.linear.gather [hbm4b:s18+s15], $0x2800, $0x38;
	[tilespmem:$0x1B900] =	vst v63  }
.Ltmp1:
0xc9: {  	_ =	swait.ge [sflag:s25], $0x2800;
	(pc) =	sbr.rel @p0 .LBB2_4-.Ltmp1, $4  }
0xca: {  	[sflag:s25] =	ssyncset.done $0x0  }
0xcb: {  	s0 =	sadd.s32 s0, s20;
	[sflag:s25] =	ssyncadd.s32 $0xFFFFD800  }
0xcc: {  	[tilespmem:s10], [sflag:$0x2] =	stream.linear.gather [hbm4b:s0+s15], $0x50, $0x38;
	[tilespmem:$0x1B900] =	vst v63  }
0xcd: {  	s30 =	sadd.s32 $0xA00, s30  }
0xce: {  	[tilespmem:s11], [sflag:$0x2] =	stream.linear.gather [hbm4b:s6+s15], $0x2800, $0x38;
	[tilespmem:$0x1B900] =	vst v63  }
0xcf: {  	_ =	swait.ge [sflag:s12], $0x50  }
0xd0: {  	[sflag:s12] =	ssyncset.done $0x0  }
0xd1: {  	[sflag:s12] =	ssyncadd.s32 $0xFFFFFFB0  }
0xd2: {  	_ =	swait.ge [sflag:s12], $0x2800  }
0xd3: {  	[sflag:s12] =	ssyncset.done $0x0  }
0xd4: {  	[sflag:s12] =	ssyncadd.s32 $0xFFFFD800  }
0xd5: {  	[spmem:s22] =	stream.indirect.scatter.add.f32 [tilespmem:s9], [sflag:$0x3], $0x80, s15, s13, $0xb8;
	[tilespmem:$0x1B900] =	vst v63  }
0xd6: {  	_ =	swait.ge [sflag:s14], $0x50  }
0xd7: {  	[sflag:s14] =	ssyncset.done $0x0  }
0xd8: {  	[sflag:s14] =	ssyncadd.s32 $0xFFFFFFB0  }
0xd9: {  	_ =	swait.ge [sflag:s14], $0x2800  }
0xda: {  	[sflag:s14] =	ssyncset.done $0x0  }
0xdb: {  	[sflag:s14] =	ssyncadd.s32 $0xFFFFD800  }
0xdc: {  	[spmem:s22] =	stream.indirect.scatter.add.f32 [tilespmem:s11], [sflag:$0x4], $0x80, s10, s13, $0xb8;
	[tilespmem:$0x1B900] =	vst v63  }
0xdd: {  	_ =	swait.ge [sflag:s24], $0x2800  }
0xde: {  	[sflag:s24] =	ssyncset.done $0x0  }
0xdf: {  	s0 =	rddreg [dreg:$0x19];
	[sflag:s24] =	ssyncadd.s32 $0xFFFFD800  }
0xe0: {  	[tilespmem:s15], [sflag:$0x1] =	stream.linear.gather [hbm4b:s0+s15], $0x50, $0x38;
	[tilespmem:$0x1B900] =	vst v63  }
0xe1: {  	s18 =	rddreg [dreg:$0x11]  }
0xe2: {  	[tilespmem:s9], [sflag:$0x1] =	stream.linear.gather [hbm4b:s18+s15], $0x2800, $0x38;
	[tilespmem:$0x1B900] =	vst v63  }
0xe3: {  	_ =	swait.ge [sflag:s25], $0x2800  }
0xe4: {  	[sflag:s25] =	ssyncset.done $0x0  }
0xe5: {  	[sflag:s25] =	ssyncadd.s32 $0xFFFFD800  }
0xe6: {  	_ =	swait.ge [sflag:s12], $0x50  }
0xe7: {  	[sflag:s12] =	ssyncset.done $0x0  }
0xe8: {  	[sflag:s12] =	ssyncadd.s32 $0xFFFFFFB0  }
0xe9: {  	_ =	swait.ge [sflag:s12], $0x2800  }
0xea: {  	[sflag:s12] =	ssyncset.done $0x0  }
0xeb: {  	[sflag:s12] =	ssyncadd.s32 $0xFFFFD800  }
0xec: {  	[spmem:s22] =	stream.indirect.scatter.add.f32 [tilespmem:s9], [sflag:$0x3], $0x80, s15, s13, $0xb8;
	[tilespmem:$0x1B900] =	vst v63  }
0xed: {  	_ =	swait.ge [sflag:s24], $0x2800  }
0xee: {  	[sflag:s24] =	ssyncset.done $0x0  }
0xef: {  	[sflag:s24] =	ssyncadd.s32 $0xFFFFD800  }
0xf0: {  	[bflag:$0x0] =	sbarrier.arrive $0xFFFF  }
0xf1: {  	[tilespmem:s26], [sflag:$0x5] =	stream.linear.gather [spmem:s23], $0x2800, $0x38;
	[tilespmem:$0x1B900] =	vst v63  }
0xf2: {  	_ =	swait.ge [sflag:s8], $0x2800  }
0xf3: {  	[sflag:s8] =	ssyncset.done $0x0  }
0xf4: {  	s29 =	rddreg [dreg:$0x4];
	[sflag:s8] =	ssyncadd.s32 $0xFFFFD800  }
0xf5: {  	[hbm4b:s29+s15] =	stream.linear.scatter [tilespmem:s26], [sflag:$0x5], $0x2800, $0x38;
	[tilespmem:$0x1B900] =	vst v63  }
0xf6: {  	_ =	swait.ge [sflag:s8], $0x2800  }
0xf7: {  	[sflag:s8] =	ssyncset.done $0x0  }
0xf8: {  	s30 =	rddreg [dreg:$0x1a];
	[sflag:s8] =	ssyncadd.s32 $0xFFFFD800  }
0xf9: {  	[tilespmem:s26], [sflag:$0x5] =	stream.linear.gather [spmem:s30], $0x2800, $0x38;
	[tilespmem:$0x1B900] =	vst v63  }
0xfa: {  	_ =	swait.ge [sflag:s8], $0x2800  }
0xfb: {  	[sflag:s8] =	ssyncset.done $0x0  }
0xfc: {  	s6 =	rddreg [dreg:$0x5];
	[sflag:s8] =	ssyncadd.s32 $0xFFFFD800  }
0xfd: {  	[hbm4b:s6+s15] =	stream.linear.scatter [tilespmem:s26], [sflag:$0x5], $0x2800, $0x38;
	[tilespmem:$0x1B900] =	vst v63  }
0xfe: {  	_ =	swait.ge [sflag:s8], $0x2800  }
0xff: {  	[sflag:s8] =	ssyncset.done $0x0  }
0x100: {  	[sflag:s8] =	ssyncadd.s32 $0xFFFFD800  }
0x101: {  	[tilespmem:s26], [sflag:$0x5] =	stream.linear.gather [spmem:s19], $0x2800, $0x38;
	[tilespmem:$0x1B900] =	vst v63  }
0x102: {  	_ =	swait.ge [sflag:s8], $0x2800  }
0x103: {  	[sflag:s8] =	ssyncset.done $0x0  }
0x104: {  	s18 =	rddreg [dreg:$0x6];
	[sflag:s8] =	ssyncadd.s32 $0xFFFFD800  }
0x105: {  	[hbm4b:s18+s15] =	stream.linear.scatter [tilespmem:s26], [sflag:$0x5], $0x2800, $0x38;
	[tilespmem:$0x1B900] =	vst v63  }
0x106: {  	_ =	swait.ge [sflag:s8], $0x2800  }
0x107: {  	[sflag:s8] =	ssyncset.done $0x0  }
0x108: {  	[sflag:s8] =	ssyncadd.s32 $0xFFFFD800  }
0x109: {  	[tilespmem:s26], [sflag:$0x5] =	stream.linear.gather [spmem:s1], $0x2800, $0x38;
	[tilespmem:$0x1B900] =	vst v63  }
0x10a: {  	_ =	swait.ge [sflag:s8], $0x2800  }
0x10b: {  	[sflag:s8] =	ssyncset.done $0x0  }
0x10c: {  	s29 =	rddreg [dreg:$0x7];
	[sflag:s8] =	ssyncadd.s32 $0xFFFFD800  }
0x10d: {  	[hbm4b:s29+s15] =	stream.linear.scatter [tilespmem:s26], [sflag:$0x5], $0x2800, $0x38;
	[tilespmem:$0x1B900] =	vst v63  }
0x10e: {  	_ =	swait.ge [sflag:s8], $0x2800  }
0x10f: {  	[sflag:s8] =	ssyncset.done $0x0  }
0x110: {  	[sflag:s8] =	ssyncadd.s32 $0xFFFFD800  }
0x111: {  	[tilespmem:s26], [sflag:$0x5] =	stream.linear.gather [spmem:s2], $0x2800, $0x38;
	[tilespmem:$0x1B900] =	vst v63  }
0x112: {  	_ =	swait.ge [sflag:s8], $0x2800  }
0x113: {  	[sflag:s8] =	ssyncset.done $0x0  }
0x114: {  	s30 =	rddreg [dreg:$0x8];
	[sflag:s8] =	ssyncadd.s32 $0xFFFFD800  }
0x115: {  	[hbm4b:s30+s15] =	stream.linear.scatter [tilespmem:s26], [sflag:$0x5], $0x2800, $0x38;
	[tilespmem:$0x1B900] =	vst v63  }
0x116: {  	_ =	swait.ge [sflag:s8], $0x2800  }
0x117: {  	[sflag:s8] =	ssyncset.done $0x0  }
0x118: {  	[sflag:s8] =	ssyncadd.s32 $0xFFFFD800  }
0x119: {  	[tilespmem:s26], [sflag:$0x5] =	stream.linear.gather [spmem:s3], $0x2800, $0x38;
	[tilespmem:$0x1B900] =	vst v63  }
0x11a: {  	_ =	swait.ge [sflag:s8], $0x2800  }
0x11b: {  	[sflag:s8] =	ssyncset.done $0x0  }
0x11c: {  	s6 =	rddreg [dreg:$0x9];
	[sflag:s8] =	ssyncadd.s32 $0xFFFFD800  }
0x11d: {  	[hbm4b:s6+s15] =	stream.linear.scatter [tilespmem:s26], [sflag:$0x5], $0x2800, $0x38;
	[tilespmem:$0x1B900] =	vst v63  }
0x11e: {  	_ =	swait.ge [sflag:s8], $0x2800  }
0x11f: {  	[sflag:s8] =	ssyncset.done $0x0  }
0x120: {  	[sflag:s8] =	ssyncadd.s32 $0xFFFFD800  }
0x121: {  	[tilespmem:s26], [sflag:$0x5] =	stream.linear.gather [spmem:s4], $0x2800, $0x38;
	[tilespmem:$0x1B900] =	vst v63  }
0x122: {  	_ =	swait.ge [sflag:s8], $0x2800  }
0x123: {  	[sflag:s8] =	ssyncset.done $0x0  }
0x124: {  	s18 =	rddreg [dreg:$0xa];
	[sflag:s8] =	ssyncadd.s32 $0xFFFFD800  }
0x125: {  	[hbm4b:s18+s15] =	stream.linear.scatter [tilespmem:s26], [sflag:$0x5], $0x2800, $0x38;
	[tilespmem:$0x1B900] =	vst v63  }
0x126: {  	_ =	swait.ge [sflag:s8], $0x2800  }
0x127: {  	[sflag:s8] =	ssyncset.done $0x0  }
0x128: {  	[sflag:s8] =	ssyncadd.s32 $0xFFFFD800  }
0x129: {  	[tilespmem:s26], [sflag:$0x5] =	stream.linear.gather [spmem:s5], $0x2800, $0x38;
	[tilespmem:$0x1B900] =	vst v63  }
0x12a: {  	_ =	swait.ge [sflag:s8], $0x2800  }
0x12b: {  	[sflag:s8] =	ssyncset.done $0x0  }
0x12c: {  	s29 =	rddreg [dreg:$0xb];
	[sflag:s8] =	ssyncadd.s32 $0xFFFFD800  }
0x12d: {  	[hbm4b:s29+s15] =	stream.linear.scatter [tilespmem:s26], [sflag:$0x5], $0x2800, $0x38;
	[tilespmem:$0x1B900] =	vst v63  }
0x12e: {  	_ =	swait.ge [sflag:s8], $0x2800  }
0x12f: {  	s28 =	sadd.s32 $0x1, s28;
	s30 =	rddreg [dreg:$0x13]  }
0x130: {  	p0 =	sne.s32 s28, s30  }
.Ltmp2:
0x131: {  	_ = 	snop;
	(pc) =	sbr.rel @p0 .LBB2_1-.Ltmp2, $3  }
0x132: {  	_ =	sdelay $0x1  }
0x133: {  	[sflag:s8] =	ssyncset.done $0x0  }
0x134: {  	[sflag:s8] =	ssyncadd.s32 $0xFFFFD800  }
0x135: {  	_ =	sfence.sel $0x180000  }
0x136: {  	[bflag:$0x0] =	sbarrier.arrive $0xFFFF  }
0x137: {  	_ =	strace $0x90000059  }
0x138: {  	s0 =	stileid.u32;
	[bflag:$0x2] =	sbarrier.arrive $0xFFFF  }
0x139: {  	p0 =	sne.s32 s0, $0x0;
	s0 =	rddreg [dreg:$0x3]  }
0x13a: {  	s0 =	sadd.s32 @!p0 $0x100000, s0  }
0x13b: {  	[sflag:s0] =	ssyncadd.tile.s32 @!p0 $0x1;
	_ =	shalt  }
.Lfunc_end2:
_tile_overlayer_lowered:
.L_overlay_start_2:
0x13c: {  	(tag) =	ssettag $0x2  }
0x13d: {  	s0 =	rddreg [dreg:$0x0];
	s2 =	stileid.u32  }
0x13e: {  	s1 =	rddreg [dreg:$0x1];
	p0 =	sne.s32 s2, $0x0  }
0x13f: {  	s3 =	rddreg [dreg:$0x2];
	[bflag:$0x3] =	sbarrier.arrive $0xFFFF;
	s2 =	simm.s32 @!p0 $0x1C05  }
0x140: {  	[timem:s3], [sflag:s2] =	dma.local @!p0 [hbm:s0], s1  }
0x141: {  	s0 =	simm.s32 @!p0 $0x5  }
0x142: {  	_ =	swait.ge @!p0 [sflag:s0], s1  }
0x143: {  	s1 =	ssub.s32 @!p0 $0x0, s1;
	[sflag:s0] =	ssyncset.done @!p0 $0x0  }
0x144: {  	[sflag:s0] =	ssyncadd.s32 @!p0 s1  }
0x145: {  	[bflag:$0x3] =	sbarrier.arrive $0xFFFF  }
0x146: {  	_ =	shalt  }

</sc_bundles>
